<compile_context>
chip_gen: v7x
topology: tpu7x:2x2x1
jax: 0.10.2.dev20260603
libtpu: 0.0.44.dev20260713+nightly
codegen_flags: <defaults>
</compile_context>

<pallas_src>
import functools

import jax
import jax.numpy as jnp
from jax import lax
from jax.experimental import pallas as pl
from jax.experimental.pallas import tpu as pltpu
from jax.experimental.pallas import tpu_sc as plsc

N = 10000
E = 320000
G = 64
Dm = 128
H = 128
C = 2
EPS = 1e-5

NC = 2
NS = 16
NW = NC * NS
LANES = 16

CH = 128
CHD = 125
NCHUNKS = 80
SPC = 120
NPAD = 10112
RPT = NPAD // NS

BR = 1000
NBLK = N // BR

_MESH = dict(core_axis_name="c", subcore_axis_name="s")


def _zero_fill(buf, rows, width):
    def fill(t, _):
        i = t // (width // LANES)
        k = t % (width // LANES)
        buf[i, pl.ds(k * LANES, LANES)] = jnp.zeros((LANES,), jnp.float32)
        return 0
    lax.fori_loop(0, rows * (width // LANES), fill, 0)


def _zero_stripe(buf, dst_at, rows):
    nfull = rows // SPC
    rem = rows - nfull * SPC

    def step(j, _):
        pltpu.sync_copy(buf.at[pl.ds(0, SPC)], dst_at(j * SPC, SPC))
        return 0
    lax.fori_loop(0, nfull, step, 0)
    if rem:
        pltpu.sync_copy(buf.at[pl.ds(0, rem)], dst_at(nfull * SPC, rem))


def _stripe_copy(src_at, dst_at, buf, rows):
    nfull = rows // SPC
    rem = rows - nfull * SPC

    def step(j, _):
        pltpu.sync_copy(src_at(j * SPC, SPC), buf.at[pl.ds(0, SPC)])
        pltpu.sync_copy(buf.at[pl.ds(0, SPC)], dst_at(j * SPC, SPC))
        return 0
    lax.fori_loop(0, nfull, step, 0)
    if rem:
        pltpu.sync_copy(src_at(nfull * SPC, rem), buf.at[pl.ds(0, rem)])
        pltpu.sync_copy(buf.at[pl.ds(0, rem)], dst_at(nfull * SPC, rem))


def _sc_degree(dst3):

    @functools.partial(
        pl.kernel,
        out_type=jax.ShapeDtypeStruct((NC, NPAD, LANES), jnp.float32),
        mesh=plsc.VectorSubcoreMesh(**_MESH),
        scratch_types=[
            pltpu.VMEM((NCHUNKS, CH), jnp.int32),
            pltpu.VMEM((CHD, LANES), jnp.float32),
            pltpu.VMEM((CHD, LANES), jnp.float32),
            pltpu.VMEM_SHARED((NPAD, LANES), jnp.float32),
        ],
    )
    def k(dst_hbm, out_hbm, idx_v, ones_v, buf_v, acc_sh):
        cid = lax.axis_index("c")
        sid = lax.axis_index("s")
        wid = cid * NS + sid

        def fill(i, _):
            ones_v[i, :] = jnp.ones((LANES,), jnp.float32)
            return 0
        lax.fori_loop(0, CHD, fill, 0)
        _zero_fill(buf_v, CHD, LANES)

        base = sid * RPT
        _zero_stripe(buf_v, lambda o, n: acc_sh.at[pl.ds(base + o, n)], RPT)
        plsc.subcore_barrier()

        pltpu.sync_copy(dst_hbm.at[wid], idx_v)

        def body(j, _):
            pltpu.sync_copy(ones_v,
                            acc_sh.at[idx_v.at[j].at[pl.ds(0, CHD)]],
                            add=True)
            return 0
        lax.fori_loop(0, NCHUNKS, body, 0)
        plsc.subcore_barrier()

        _stripe_copy(lambda o, n: acc_sh.at[pl.ds(base + o, n)],
                     lambda o, n: out_hbm.at[cid].at[pl.ds(base + o, n)],
                     buf_v, RPT)

    return k(dst3)


def _sc_propagate(y, src3, dst3):

    @functools.partial(
        pl.kernel,
        out_type=jax.ShapeDtypeStruct((NC, NPAD, Dm), jnp.float32),
        mesh=plsc.VectorSubcoreMesh(**_MESH),
        scratch_types=[
            pltpu.VMEM((NCHUNKS // 2, CH), jnp.int32),
            pltpu.VMEM((NCHUNKS // 2, CH), jnp.int32),
            pltpu.VMEM((CHD, Dm), jnp.float32),
            pltpu.VMEM((CHD, Dm), jnp.float32),
            pltpu.SemaphoreType.DMA,
            pltpu.SemaphoreType.DMA,
            pltpu.VMEM_SHARED((NPAD, Dm), jnp.float32),
        ],
    )
    def k(y_hbm, src_hbm, dst_hbm, out_hbm, si_v, di_v, rows0, rows1,
          sem0, sem1, acc_sh):
        cid = lax.axis_index("c")
        sid = lax.axis_index("s")
        wid = cid * NS + sid
        bufs = ((rows0, sem0), (rows1, sem1))
        half = NCHUNKS // 2

        _zero_fill(rows0, CHD, Dm)
        base = sid * RPT
        _zero_stripe(rows0, lambda o, n: acc_sh.at[pl.ds(base + o, n)], RPT)
        plsc.subcore_barrier()

        for h in range(2):
            pltpu.sync_copy(src_hbm.at[wid].at[pl.ds(h * half, half)], si_v)
            pltpu.sync_copy(dst_hbm.at[wid].at[pl.ds(h * half, half)], di_v)

            def body(j, _):
                pltpu.sync_copy(
                    y_hbm.at[si_v.at[j].at[pl.ds(0, CHD)]], rows0)
                pltpu.sync_copy(
                    rows0, acc_sh.at[di_v.at[j].at[pl.ds(0, CHD)]],
                    add=True)
                return 0
            lax.fori_loop(0, half, body, 0)
        plsc.subcore_barrier()

        _stripe_copy(lambda o, n: acc_sh.at[pl.ds(base + o, n)],
                     lambda o, n: out_hbm.at[cid].at[pl.ds(base + o, n)],
                     rows0, RPT)

    return k(y, src3, dst3)


def _tc_pre(x, W1, degA, degB):
    def body(x_ref, w_ref, da_ref, db_ref, p_ref, y_ref):
        d = da_ref[:, 0:1] + db_ref[:, 0:1] + 1.0
        dinv = lax.rsqrt(d)
        p = jnp.dot(x_ref[...], w_ref[...], preferred_element_type=jnp.float32)
        p_ref[...] = p
        y_ref[...] = p * dinv

    return pl.pallas_call(
        body,
        grid=(NBLK,),
        in_specs=[
            pl.BlockSpec((BR, Dm), lambda i: (i, 0)),
            pl.BlockSpec((Dm, H), lambda i: (0, 0)),
            pl.BlockSpec((BR, LANES), lambda i: (i, 0)),
            pl.BlockSpec((BR, LANES), lambda i: (i, 0)),
        ],
        out_specs=[pl.BlockSpec((BR, H), lambda i: (i, 0))] * 2,
        out_shape=[jax.ShapeDtypeStruct((N, H), jnp.float32)] * 2,
    )(x, W1, degA, degB)


def _tc_mid(Sa, Sb, p, degA, degB, b, g, bt, m, v, Wn):
    def body(sa, sb, pr, da, db, b_r, g_r, bt_r, m_r, v_r, w_r,
             pn_ref, yn_ref):
        d = da[:, 0:1] + db[:, 0:1] + 1.0
        dinv = lax.rsqrt(d)
        z = dinv * (sa[...] + sb[...]) + (dinv * dinv) * pr[...] + b_r[...]
        z = (z - m_r[...]) * (g_r[...] * lax.rsqrt(v_r[...] + EPS)) + bt_r[...]
        h = jnp.maximum(z, 0.0)
        pn = jnp.dot(h, w_r[...], preferred_element_type=jnp.float32)
        pn_ref[...] = pn
        yn_ref[...] = pn * dinv

    vec = pl.BlockSpec((1, H), lambda i: (0, 0))
    blk = pl.BlockSpec((BR, H), lambda i: (i, 0))
    deg = pl.BlockSpec((BR, LANES), lambda i: (i, 0))
    return pl.pallas_call(
        body,
        grid=(NBLK,),
        in_specs=[blk, blk, blk, deg, deg, vec, vec, vec, vec, vec,
                  pl.BlockSpec((H, H), lambda i: (0, 0))],
        out_specs=[blk, blk],
        out_shape=[jax.ShapeDtypeStruct((N, H), jnp.float32)] * 2,
    )(Sa, Sb, p, degA, degB, b, g, bt, m, v, Wn)


def _tc_final(Sa, Sb, p, degA, degB, b, g, bt, m, v, batch2,
              Wc1p, bc1p, Wc2p, bc2p):
    def body(sa, sb, pr, da, db, b_r, g_r, bt_r, m_r, v_r, bat_r,
             w1_r, b1_r, w2_r, b2_r, out_ref, seg_acc, cnt_acc):
        i = pl.program_id(0)
        d = da[:, 0:1] + db[:, 0:1] + 1.0
        dinv = lax.rsqrt(d)
        z = dinv * (sa[...] + sb[...]) + (dinv * dinv) * pr[...] + b_r[...]
        h = (z - m_r[...]) * (g_r[...] * lax.rsqrt(v_r[...] + EPS)) + bt_r[...]

        gid = lax.broadcasted_iota(jnp.int32, (G, BR), 0)
        onehot = (bat_r[0] == gid).astype(jnp.float32)

        @pl.when(i == 0)
        def _():
            seg_acc[...] = jnp.zeros_like(seg_acc)
            cnt_acc[...] = jnp.zeros_like(cnt_acc)

        seg_acc[...] += jnp.dot(onehot, h, preferred_element_type=jnp.float32)
        cnt_acc[...] += jnp.broadcast_to(
            jnp.sum(onehot, axis=1, keepdims=True), (G, H))

        @pl.when(i == NBLK - 1)
        def _():
            emb = seg_acc[...] / jnp.maximum(cnt_acc[...], 1.0)
            zz = jnp.maximum(
                jnp.dot(emb, w1_r[...], preferred_element_type=jnp.float32)
                + b1_r[...], 0.0)
            out_ref[...] = (
                jnp.dot(zz, w2_r[...], preferred_element_type=jnp.float32)
                + b2_r[...])

    vec = pl.BlockSpec((1, H), lambda i: (0, 0))
    blk = pl.BlockSpec((BR, H), lambda i: (i, 0))
    deg = pl.BlockSpec((BR, LANES), lambda i: (i, 0))
    return pl.pallas_call(
        body,
        grid=(NBLK,),
        in_specs=[blk, blk, blk, deg, deg, vec, vec, vec, vec, vec,
                  pl.BlockSpec((1, 1, BR), lambda i: (i, 0, 0)),
                  pl.BlockSpec((H, H), lambda i: (0, 0)), vec,
                  pl.BlockSpec((H, H), lambda i: (0, 0)), vec],
        out_specs=pl.BlockSpec((G, H), lambda i: (0, 0)),
        out_shape=jax.ShapeDtypeStruct((G, H), jnp.float32),
        scratch_shapes=[pltpu.VMEM((G, H), jnp.float32),
                        pltpu.VMEM((G, H), jnp.float32)],
    )(Sa, Sb, p, degA, degB, b, g, bt, m, v, batch2, Wc1p, bc1p, Wc2p, bc2p)


def kernel(x, edge_index, batch, W1, b1, W2, b2, W3, b3,
           g1, bt1, m1, v1, g2, bt2, m2, v2, g3, bt3, m3, v3,
           Wc1, bc1, Wc2, bc2):
    src = edge_index[0].astype(jnp.int32)
    dst = edge_index[1].astype(jnp.int32)
    src3 = jnp.pad(src.reshape(NW, NCHUNKS, CHD), ((0, 0), (0, 0), (0, CH - CHD)))
    dst3 = jnp.pad(dst.reshape(NW, NCHUNKS, CHD), ((0, 0), (0, 0), (0, CH - CHD)),
                   constant_values=N)

    degP = _sc_degree(dst3)
    degA = degP[0, :N, :]
    degB = degP[1, :N, :]

    b1r, b2r, b3r = (t.reshape(1, H) for t in (b1, b2, b3))
    g1r, g2r, g3r = (t.reshape(1, H) for t in (g1, g2, g3))
    t1r, t2r, t3r = (t.reshape(1, H) for t in (bt1, bt2, bt3))
    m1r, m2r, m3r = (t.reshape(1, H) for t in (m1, m2, m3))
    v1r, v2r, v3r = (t.reshape(1, H) for t in (v1, v2, v3))

    p1, y1 = _tc_pre(x, W1, degA, degB)
    S1 = _sc_propagate(y1, src3, dst3)
    p2, y2 = _tc_mid(S1[0, :N], S1[1, :N], p1, degA, degB,
                     b1r, g1r, t1r, m1r, v1r, W2)
    S2 = _sc_propagate(y2, src3, dst3)
    p3, y3 = _tc_mid(S2[0, :N], S2[1, :N], p2, degA, degB,
                     b2r, g2r, t2r, m2r, v2r, W3)
    S3 = _sc_propagate(y3, src3, dst3)

    batch2 = batch.astype(jnp.int32).reshape(NBLK, 1, BR)
    Wc1p = jnp.pad(Wc1, ((0, 0), (0, H - Wc1.shape[1])))
    bc1p = jnp.pad(bc1, (0, H - bc1.shape[0])).reshape(1, H)
    Wc2p = jnp.pad(Wc2, ((0, H - Wc2.shape[0]), (0, H - Wc2.shape[1])))
    bc2p = jnp.pad(bc2, (0, H - bc2.shape[0])).reshape(1, H)

    logits_pad = _tc_final(S3[0, :N], S3[1, :N], p3, degA, degB,
                           b3r, g3r, t3r, m3r, v3r, batch2,
                           Wc1p, bc1p, Wc2p, bc2p)
    return logits_pad[:, :C]

# --- scband reference (transcript-rebuilt; emitter-appended) ---
"""Pipeline reference for scband-gcnclassifier-79998060855858 (READ-ONLY COPY).

The authoritative reference and input builder live on the scoring server;
editing this copy changes nothing except your own understanding.
"""

import jax, jax.numpy as jnp
import numpy as np

N = 10000
E = 320000
G = 64
D = 128
H = 128
C = 2
EPS = 1e-5


def gcn_conv(x, edge_index, W, b, num_nodes):
    # x' = D^-1/2 (A + I) D^-1/2 (x W) + b   (PyG GCNConv, add_self_loops=True)
    x = x @ W
    src = edge_index[0]
    dst = edge_index[1]
    loop = jnp.arange(num_nodes, dtype=src.dtype)
    src = jnp.concatenate([src, loop])
    dst = jnp.concatenate([dst, loop])
    ones = jnp.ones(src.shape[0], dtype=x.dtype)
    deg = jax.ops.segment_sum(ones, dst, num_segments=num_nodes)
    dinv = jnp.where(deg > 0, 1.0 / jnp.sqrt(deg), 0.0)
    norm = dinv[src] * dinv[dst]
    msg = jnp.take(x, src, axis=0) * norm[:, None]
    out = jax.ops.segment_sum(msg, dst, num_segments=num_nodes)
    return out + b


def batch_norm_eval(x, gamma, beta, mean, var):
    return (x - mean) / jnp.sqrt(var + EPS) * gamma + beta


def setup_inputs(seed: int = 0):
    key = jax.random.key(seed)
    ks = jax.random.split(key, 16)
    inp = {}
    inp['x'] = jax.random.normal(ks[0], (N, D), dtype=jnp.float32)
    inp['edge_index'] = jax.random.randint(ks[1], (2, E), 0, N, dtype=jnp.int64)
    inp['batch'] = jnp.sort(jax.random.randint(ks[2], (N,), 0, G, dtype=jnp.int64))
    # GCN layer weights
    inp['W1'] = jax.random.normal(ks[3], (D, H), dtype=jnp.float32) * 0.05
    inp['b1'] = jnp.zeros((H,), dtype=jnp.float32)
    inp['W2'] = jax.random.normal(ks[4], (H, H), dtype=jnp.float32) * 0.05
    inp['b2'] = jnp.zeros((H,), dtype=jnp.float32)
    inp['W3'] = jax.random.normal(ks[5], (H, H), dtype=jnp.float32) * 0.05
    inp['b3'] = jnp.zeros((H,), dtype=jnp.float32)
    # BatchNorm params (eval mode: running stats)
    for i in (1, 2, 3):
        inp[f'g{i}'] = jnp.ones((H,), dtype=jnp.float32)
        inp[f'bt{i}'] = jnp.zeros((H,), dtype=jnp.float32)
        inp[f'm{i}'] = jnp.zeros((H,), dtype=jnp.float32)
        inp[f'v{i}'] = jnp.ones((H,), dtype=jnp.float32)
    # classifier head
    inp['Wc1'] = jax.random.normal(ks[6], (H, H // 2), dtype=jnp.float32) * 0.05
    inp['bc1'] = jnp.zeros((H // 2,), dtype=jnp.float32)
    inp['Wc2'] = jax.random.normal(ks[7], (H // 2, C), dtype=jnp.float32) * 0.05
    inp['bc2'] = jnp.zeros((C,), dtype=jnp.float32)
    return inp


def reference(x, edge_index, batch, W1, b1, W2, b2, W3, b3,
              g1, bt1, m1, v1, g2, bt2, m2, v2, g3, bt3, m3, v3,
              Wc1, bc1, Wc2, bc2):
    # GCN encoder (eval mode: dropout is identity, BN uses running stats)
    h = gcn_conv(x, edge_index, W1, b1, N)
    h = batch_norm_eval(h, g1, bt1, m1, v1)
    h = jax.nn.relu(h)
    h = gcn_conv(h, edge_index, W2, b2, N)
    h = batch_norm_eval(h, g2, bt2, m2, v2)
    h = jax.nn.relu(h)
    h = gcn_conv(h, edge_index, W3, b3, N)
    h = batch_norm_eval(h, g3, bt3, m3, v3)
    # global mean pool
    seg_sum = jax.ops.segment_sum(h, batch, num_segments=G)
    cnt = jax.ops.segment_sum(jnp.ones((N,), dtype=h.dtype), batch, num_segments=G)
    graph_emb = seg_sum / jnp.maximum(cnt, 1.0)[:, None]
    # classifier head
    z = jax.nn.relu(graph_emb @ Wc1 + bc1)
    logits = z @ Wc2 + bc2
    return logits

if __name__ == "__main__":
    import jax
    _d = setup_inputs()
    print(jax.jit(kernel)(*tuple(_d.values())))

</pallas_src>

<mosaic_0001>
#map = affine_map<(d0, d1) -> (0, 0, 0)>
module attributes {stable_mosaic.version = 14 : i64} {
  func.func @k(%arg0: i32, %arg1: i32, %arg2: memref<32x80x128xi32, #tpu.memory_space<hbm>>, %arg3: memref<2x10112x16xf32, #tpu.memory_space<hbm>>, %arg4: memref<80x128xi32, #tpu.memory_space<vmem>>, %arg5: memref<125x16xf32, #tpu.memory_space<vmem>>, %arg6: memref<125x16xf32, #tpu.memory_space<vmem>>, %arg7: memref<10112x16xf32, #tpu.memory_space<vmem_shared>>) attributes {dimension_semantics = [#tpu.dimension_semantics<core_parallel>, #tpu.dimension_semantics<subcore_parallel>], iteration_bounds = array<i64: 2, 16>, scalar_prefetch = 0 : i64, scratch_operands = 4 : i64, tpu.core_type = #tpu.core_type<sc_vector_subcore>, window_params = [{transform_indices = #map}, {transform_indices = #map}]} {
    %mul3A = arith.constant 16 : i32
    %mul3A_0 = arith.muli %arg0, %mul3A : i32
    %add3A = arith.addi %mul3A_0, %arg1 : i32
    %scan3A = arith.constant 0 : i32
    %scan3A_1 = arith.constant 0 : i32
    %scan3A_2 = arith.constant 125 : i32
    %scan3A_3 = arith.addi %scan3A_1, %scan3A_2 : i32
    %scan3A_4 = arith.constant 1 : i32
    %scan3A_5 = scf.for %scan3A_44 = %scan3A_1 to %scan3A_3 step %scan3A_4 iter_args(%scan3A_45 = %scan3A) -> (i32)  : i32 {
      %broadcast_in_dim3A = arith.constant 1.000000e+00 : f32
      %broadcast_in_dim3A_46 = vector.broadcast %broadcast_in_dim3A : f32 to vector<16xf32>
      %swap3A = arith.index_cast %scan3A_44 : i32 to index
      %swap3A_47 = arith.constant 0 : index
      %swap3A_48 = tpu.vector_load %arg5[%swap3A, %swap3A_47] {strides = array<i32>} : memref<125x16xf32, #tpu.memory_space<vmem>>, vector<1x16xf32>,
      %swap3A_49 = vector.shape_cast %swap3A_48 : vector<1x16xf32> to vector<16xf32>
      %swap3A_50 = vector.shape_cast %broadcast_in_dim3A_46 : vector<16xf32> to vector<1x16xf32>
      tpu.vector_store %arg5[%swap3A, %swap3A_47], %swap3A_50 {strides = array<i32>} : memref<125x16xf32, #tpu.memory_space<vmem>>, vector<1x16xf32>,
      %scan3A_51 = arith.constant 0 : i32
      scf.yield %scan3A_51 : i32
    }
    %scan3A_6 = arith.constant 125 : i32
    %scan3A_7 = arith.constant 0 : i32
    %scan3A_8 = arith.constant 0 : i32
    %scan3A_9 = arith.constant 125 : i32
    %scan3A_10 = arith.addi %scan3A_8, %scan3A_9 : i32
    %scan3A_11 = arith.constant 1 : i32
    %scan3A_12 = scf.for %scan3A_44 = %scan3A_8 to %scan3A_10 step %scan3A_11 iter_args(%scan3A_45 = %scan3A_7) -> (i32)  : i32 {
      %jit3A = arith.constant 1 : i32
      %div3A = arith.divsi %scan3A_44, %jit3A : i32
      %sign3A = arith.constant 0 : i32
      %sign3A_46 = arith.cmpi sgt, %scan3A_44, %sign3A : i32
      %sign3A_47 = arith.extui %sign3A_46 : i1 to i32
      %sign3A_48 = arith.constant 0 : i32
      %sign3A_49 = arith.cmpi slt, %scan3A_44, %sign3A_48 : i32
      %sign3A_50 = arith.extui %sign3A_49 : i1 to i32
      %sign3A_51 = arith.subi %sign3A_47, %sign3A_50 : i32
      %sign3A_52 = arith.constant 0 : i32
      %sign3A_53 = arith.cmpi sgt, %jit3A, %sign3A_52 : i32
      %sign3A_54 = arith.extui %sign3A_53 : i1 to i32
      %sign3A_55 = arith.constant 0 : i32
      %sign3A_56 = arith.cmpi slt, %jit3A, %sign3A_55 : i32
      %sign3A_57 = arith.extui %sign3A_56 : i1 to i32
      %sign3A_58 = arith.subi %sign3A_54, %sign3A_57 : i32
      %ne3A = arith.cmpi ne, %sign3A_51, %sign3A_58 : i32
      %rem3A = arith.remsi %scan3A_44, %jit3A : i32
      %ne3A_59 = arith.constant 0 : i32
      %ne3A_60 = arith.cmpi ne, %rem3A, %ne3A_59 : i32
      %and3A = arith.andi %ne3A, %ne3A_60 : i1
      %sub3A = arith.constant 1 : i32
      %sub3A_61 = arith.subi %div3A, %sub3A : i32
      %select_n3A = arith.select %and3A, %sub3A_61, %div3A : i32
      %jit3A_62 = arith.constant 1 : i32
      %eq3A = arith.constant 0 : i32
      %eq3A_63 = arith.cmpi eq, %jit3A_62, %eq3A : i32
      %jit3A_64 = arith.constant 1 : i32
      %select_n3A_65 = arith.select %eq3A_63, %jit3A_64, %jit3A_62 : i32
      %rem3A_66 = arith.remsi %scan3A_44, %select_n3A_65 : i32
      %ne3A_67 = arith.constant 0 : i32
      %ne3A_68 = arith.cmpi ne, %rem3A_66, %ne3A_67 : i32
      %lt3A = arith.constant 0 : i32
      %lt3A_69 = arith.cmpi slt, %rem3A_66, %lt3A : i32
      %lt3A_70 = arith.constant 0 : i32
      %lt3A_71 = arith.cmpi slt, %select_n3A_65, %lt3A_70 : i32
      %ne3A_72 = arith.xori %lt3A_69, %lt3A_71 : i1
      %and3A_73 = arith.andi %ne3A_72, %ne3A_68 : i1
      %add3A_74 = arith.addi %rem3A_66, %select_n3A_65 : i32
      %select_n3A_75 = arith.select %and3A_73, %add3A_74, %rem3A_66 : i32
      %broadcast_in_dim3A = arith.constant 0.000000e+00 : f32
      %broadcast_in_dim3A_76 = vector.broadcast %broadcast_in_dim3A : f32 to vector<16xf32>
      %mul3A_77 = arith.constant 16 : i32
      %mul3A_78 = arith.muli %select_n3A_75, %mul3A_77 : i32
      %swap3A = arith.index_cast %select_n3A : i32 to index
      %swap3A_79 = arith.index_cast %mul3A_78 : i32 to index
      %swap3A_80 = tpu.vector_load %arg6[%swap3A, %swap3A_79] {strides = array<i32>} : memref<125x16xf32, #tpu.memory_space<vmem>>, vector<1x16xf32>,
      %swap3A_81 = vector.shape_cast %swap3A_80 : vector<1x16xf32> to vector<16xf32>
      %swap3A_82 = vector.shape_cast %broadcast_in_dim3A_76 : vector<16xf32> to vector<1x16xf32>
      tpu.vector_store %arg6[%swap3A, %swap3A_79], %swap3A_82 {strides = array<i32>} : memref<125x16xf32, #tpu.memory_space<vmem>>, vector<1x16xf32>,
      %scan3A_83 = arith.constant 0 : i32
      scf.yield %scan3A_83 : i32
    }
    %scan3A_13 = arith.constant 125 : i32
    %mul3A_14 = arith.constant 632 : i32
    %mul3A_15 = arith.muli %arg1, %mul3A_14 : i32
    %scan3A_16 = arith.constant 0 : i32
    %scan3A_17 = arith.constant 0 : i32
    %scan3A_18 = arith.constant 5 : i32
    %scan3A_19 = arith.addi %scan3A_17, %scan3A_18 : i32
    %scan3A_20 = arith.constant 1 : i32
    %scan3A_21 = scf.for %scan3A_44 = %scan3A_17 to %scan3A_19 step %scan3A_20 iter_args(%scan3A_45 = %scan3A_16) -> (i32)  : i32 {
      %mul3A_46 = arith.constant 120 : i32
      %mul3A_47 = arith.muli %scan3A_44, %mul3A_46 : i32
      %add3A_48 = arith.addi %mul3A_15, %mul3A_47 : i32
      "tpu.region"() ({
        %run_scoped3A = tpu.sem_alloc : memref<!tpu.dma_semaphore, #tpu.memory_space<semaphore_mem>>
        %dma_start3A = arith.constant 0 : i32
        %dma_start3A_50 = arith.constant 0 : i32
        %dma_start3A_51 = tpu.memref_slice %arg6[%dma_start3A, %dma_start3A_50] : memref<125x16xf32, #tpu.memory_space<vmem>> -> memref<120x16xf32, #tpu.memory_space<vmem>>
        %dma_start3A_52 = arith.constant 0 : i32
        %dma_start3A_53 = tpu.memref_slice %arg7[%add3A_48, %dma_start3A_52] : memref<10112x16xf32, #tpu.memory_space<vmem_shared>> -> memref<120x16xf32, #tpu.memory_space<vmem_shared>>
        %dma_start3A_54 = arith.constant 0 : i32
        %dma_start3A_55 = tpu.memref_slice %arg7[%add3A_48, %dma_start3A_54] : memref<10112x16xf32, #tpu.memory_space<vmem_shared>> -> memref<120x16xf32, #tpu.memory_space<vmem_shared>>
        %dma_start3A_56 = arith.constant 0 : i32
        %dma_start3A_57 = arith.constant 0 : i32
        %dma_start3A_58 = tpu.memref_slice %arg6[%dma_start3A_56, %dma_start3A_57] : memref<125x16xf32, #tpu.memory_space<vmem>> -> memref<120x16xf32, #tpu.memory_space<vmem>>
        tpu.enqueue_dma source(%dma_start3A_58 : memref<120x16xf32, #tpu.memory_space<vmem>>) target(%dma_start3A_55 : memref<120x16xf32, #tpu.memory_space<vmem_shared>>) target_semaphore(%run_scoped3A : memref<!tpu.dma_semaphore, #tpu.memory_space<semaphore_mem>>)
        %dma_wait3A = arith.constant 0 : i32
        %dma_wait3A_59 = arith.constant 0 : i32
        %dma_wait3A_60 = tpu.memref_slice %arg6[%dma_wait3A, %dma_wait3A_59] : memref<125x16xf32, #tpu.memory_space<vmem>> -> memref<120x16xf32, #tpu.memory_space<vmem>>
        %dma_wait3A_61 = arith.constant 0 : i32
        %dma_wait3A_62 = tpu.memref_slice %arg7[%add3A_48, %dma_wait3A_61] : memref<10112x16xf32, #tpu.memory_space<vmem_shared>> -> memref<120x16xf32, #tpu.memory_space<vmem_shared>>
        %dma_wait3A_63 = arith.constant 0 : i32
        %dma_wait3A_64 = tpu.memref_slice %arg7[%add3A_48, %dma_wait3A_63] : memref<10112x16xf32, #tpu.memory_space<vmem_shared>> -> memref<120x16xf32, #tpu.memory_space<vmem_shared>>
        %dma_wait3A_65 = arith.constant 0 : i32
        %dma_wait3A_66 = arith.constant 0 : i32
        %dma_wait3A_67 = tpu.memref_slice %arg6[%dma_wait3A_65, %dma_wait3A_66] : memref<125x16xf32, #tpu.memory_space<vmem>> -> memref<120x16xf32, #tpu.memory_space<vmem>>
        tpu.wait_dma2 semaphore(%run_scoped3A : memref<!tpu.dma_semaphore, #tpu.memory_space<semaphore_mem>>) src(%dma_wait3A_67 : memref<120x16xf32, #tpu.memory_space<vmem>>) dst(%dma_wait3A_64 : memref<120x16xf32, #tpu.memory_space<vmem_shared>>)
        tpu.yield
      }) : () -> ()
      %scan3A_49 = arith.constant 0 : i32
      scf.yield %scan3A_49 : i32
    }
    %scan3A_22 = arith.constant 5 : i32
    %add3A_23 = arith.constant 600 : i32
    %add3A_24 = arith.addi %mul3A_15, %add3A_23 : i32
    "tpu.region"() ({
      %run_scoped3A = tpu.sem_alloc : memref<!tpu.dma_semaphore, #tpu.memory_space<semaphore_mem>>
      %dma_start3A = arith.constant 0 : i32
      %dma_start3A_44 = arith.constant 0 : i32
      %dma_start3A_45 = tpu.memref_slice %arg6[%dma_start3A, %dma_start3A_44] : memref<125x16xf32, #tpu.memory_space<vmem>> -> memref<32x16xf32, #tpu.memory_space<vmem>>
      %dma_start3A_46 = arith.constant 0 : i32
      %dma_start3A_47 = tpu.memref_slice %arg7[%add3A_24, %dma_start3A_46] : memref<10112x16xf32, #tpu.memory_space<vmem_shared>> -> memref<32x16xf32, #tpu.memory_space<vmem_shared>>
      %dma_start3A_48 = arith.constant 0 : i32
      %dma_start3A_49 = tpu.memref_slice %arg7[%add3A_24, %dma_start3A_48] : memref<10112x16xf32, #tpu.memory_space<vmem_shared>> -> memref<32x16xf32, #tpu.memory_space<vmem_shared>>
      %dma_start3A_50 = arith.constant 0 : i32
      %dma_start3A_51 = arith.constant 0 : i32
      %dma_start3A_52 = tpu.memref_slice %arg6[%dma_start3A_50, %dma_start3A_51] : memref<125x16xf32, #tpu.memory_space<vmem>> -> memref<32x16xf32, #tpu.memory_space<vmem>>
      tpu.enqueue_dma source(%dma_start3A_52 : memref<32x16xf32, #tpu.memory_space<vmem>>) target(%dma_start3A_49 : memref<32x16xf32, #tpu.memory_space<vmem_shared>>) target_semaphore(%run_scoped3A : memref<!tpu.dma_semaphore, #tpu.memory_space<semaphore_mem>>)
      %dma_wait3A = arith.constant 0 : i32
      %dma_wait3A_53 = arith.constant 0 : i32
      %dma_wait3A_54 = tpu.memref_slice %arg6[%dma_wait3A, %dma_wait3A_53] : memref<125x16xf32, #tpu.memory_space<vmem>> -> memref<32x16xf32, #tpu.memory_space<vmem>>
      %dma_wait3A_55 = arith.constant 0 : i32
      %dma_wait3A_56 = tpu.memref_slice %arg7[%add3A_24, %dma_wait3A_55] : memref<10112x16xf32, #tpu.memory_space<vmem_shared>> -> memref<32x16xf32, #tpu.memory_space<vmem_shared>>
      %dma_wait3A_57 = arith.constant 0 : i32
      %dma_wait3A_58 = tpu.memref_slice %arg7[%add3A_24, %dma_wait3A_57] : memref<10112x16xf32, #tpu.memory_space<vmem_shared>> -> memref<32x16xf32, #tpu.memory_space<vmem_shared>>
      %dma_wait3A_59 = arith.constant 0 : i32
      %dma_wait3A_60 = arith.constant 0 : i32
      %dma_wait3A_61 = tpu.memref_slice %arg6[%dma_wait3A_59, %dma_wait3A_60] : memref<125x16xf32, #tpu.memory_space<vmem>> -> memref<32x16xf32, #tpu.memory_space<vmem>>
      tpu.wait_dma2 semaphore(%run_scoped3A : memref<!tpu.dma_semaphore, #tpu.memory_space<semaphore_mem>>) src(%dma_wait3A_61 : memref<32x16xf32, #tpu.memory_space<vmem>>) dst(%dma_wait3A_58 : memref<32x16xf32, #tpu.memory_space<vmem_shared>>)
      tpu.yield
    }) : () -> ()
    %barrier3A = arith.constant 0 : index
    tpu.barrier barrier_id(%barrier3A)
    "tpu.region"() ({
      %run_scoped3A = tpu.sem_alloc : memref<!tpu.dma_semaphore, #tpu.memory_space<semaphore_mem>>
      %dma_start3A = arith.constant 0 : i32
      %dma_start3A_44 = arith.constant 0 : i32
      %dma_start3A_45 = tpu.memref_slice %arg2[%add3A, %dma_start3A, %dma_start3A_44] : memref<32x80x128xi32, #tpu.memory_space<hbm>> -> memref<1x80x128xi32, #tpu.memory_space<hbm>>
      %dma_start3A_46 = tpu.memref_squeeze %dma_start3A_45 : memref<1x80x128xi32, #tpu.memory_space<hbm>> -> memref<80x128xi32, #tpu.memory_space<hbm>>
      %dma_start3A_47 = arith.constant 0 : i32
      %dma_start3A_48 = arith.constant 0 : i32
      %dma_start3A_49 = tpu.memref_slice %arg2[%add3A, %dma_start3A_47, %dma_start3A_48] : memref<32x80x128xi32, #tpu.memory_space<hbm>> -> memref<1x80x128xi32, #tpu.memory_space<hbm>>
      %dma_start3A_50 = tpu.memref_squeeze %dma_start3A_49 : memref<1x80x128xi32, #tpu.memory_space<hbm>> -> memref<80x128xi32, #tpu.memory_space<hbm>>
      tpu.enqueue_dma source(%dma_start3A_50 : memref<80x128xi32, #tpu.memory_space<hbm>>) target(%arg4 : memref<80x128xi32, #tpu.memory_space<vmem>>) target_semaphore(%run_scoped3A : memref<!tpu.dma_semaphore, #tpu.memory_space<semaphore_mem>>)
      %dma_wait3A = arith.constant 0 : i32
      %dma_wait3A_51 = arith.constant 0 : i32
      %dma_wait3A_52 = tpu.memref_slice %arg2[%add3A, %dma_wait3A, %dma_wait3A_51] : memref<32x80x128xi32, #tpu.memory_space<hbm>> -> memref<1x80x128xi32, #tpu.memory_space<hbm>>
      %dma_wait3A_53 = tpu.memref_squeeze %dma_wait3A_52 : memref<1x80x128xi32, #tpu.memory_space<hbm>> -> memref<80x128xi32, #tpu.memory_space<hbm>>
      %dma_wait3A_54 = arith.constant 0 : i32
      %dma_wait3A_55 = arith.constant 0 : i32
      %dma_wait3A_56 = tpu.memref_slice %arg2[%add3A, %dma_wait3A_54, %dma_wait3A_55] : memref<32x80x128xi32, #tpu.memory_space<hbm>> -> memref<1x80x128xi32, #tpu.memory_space<hbm>>
      %dma_wait3A_57 = tpu.memref_squeeze %dma_wait3A_56 : memref<1x80x128xi32, #tpu.memory_space<hbm>> -> memref<80x128xi32, #tpu.memory_space<hbm>>
      tpu.wait_dma2 semaphore(%run_scoped3A : memref<!tpu.dma_semaphore, #tpu.memory_space<semaphore_mem>>) src(%dma_wait3A_57 : memref<80x128xi32, #tpu.memory_space<hbm>>) dst(%arg4 : memref<80x128xi32, #tpu.memory_space<vmem>>)
      tpu.yield
    }) : () -> ()
    %scan3A_25 = arith.constant 0 : i32
    %scan3A_26 = arith.constant 0 : i32
    %scan3A_27 = arith.constant 80 : i32
    %scan3A_28 = arith.addi %scan3A_26, %scan3A_27 : i32
    %scan3A_29 = arith.constant 1 : i32
    %scan3A_30 = scf.for %scan3A_44 = %scan3A_26 to %scan3A_28 step %scan3A_29 iter_args(%scan3A_45 = %scan3A_25) -> (i32)  : i32 {
      "tpu.region"() ({
        %run_scoped3A = tpu.sem_alloc : memref<!tpu.dma_semaphore, #tpu.memory_space<semaphore_mem>>
        %dma_start3A = arith.constant 0 : i32
        %dma_start3A_47 = tpu.memref_slice %arg4[%scan3A_44, %dma_start3A] : memref<80x128xi32, #tpu.memory_space<vmem>> -> memref<1x128xi32, #tpu.memory_space<vmem>>
        %dma_start3A_48 = tpu.memref_squeeze %dma_start3A_47 : memref<1x128xi32, #tpu.memory_space<vmem>> -> memref<128xi32, #tpu.memory_space<vmem>>
        %dma_start3A_49 = arith.constant 0 : i32
        %dma_start3A_50 = tpu.memref_slice %dma_start3A_48[%dma_start3A_49] : memref<128xi32, #tpu.memory_space<vmem>> -> memref<125xi32, #tpu.memory_space<vmem>>
        %dma_start3A_51 = arith.constant 0 : i32
        %dma_start3A_52 = arith.constant 0 : i32
        %dma_start3A_53 = tpu.memref_slice %arg7[%dma_start3A_51, %dma_start3A_52] : memref<10112x16xf32, #tpu.memory_space<vmem_shared>> -> memref<10112x16xf32, #tpu.memory_space<vmem_shared>>
        tpu.enqueue_indirect_dma source(%arg5 : memref<125x16xf32, #tpu.memory_space<vmem>>) target(%dma_start3A_53 : memref<10112x16xf32, #tpu.memory_space<vmem_shared>>) offsets(%dma_start3A_50 : memref<125xi32, #tpu.memory_space<vmem>>) semaphore(%run_scoped3A : memref<!tpu.dma_semaphore, #tpu.memory_space<semaphore_mem>>) {add = true}
        %dma_wait3A = arith.constant 0 : i32
        %dma_wait3A_54 = tpu.memref_slice %arg4[%scan3A_44, %dma_wait3A] : memref<80x128xi32, #tpu.memory_space<vmem>> -> memref<1x128xi32, #tpu.memory_space<vmem>>
        %dma_wait3A_55 = tpu.memref_squeeze %dma_wait3A_54 : memref<1x128xi32, #tpu.memory_space<vmem>> -> memref<128xi32, #tpu.memory_space<vmem>>
        %dma_wait3A_56 = arith.constant 0 : i32
        %dma_wait3A_57 = tpu.memref_slice %dma_wait3A_55[%dma_wait3A_56] : memref<128xi32, #tpu.memory_space<vmem>> -> memref<125xi32, #tpu.memory_space<vmem>>
        %dma_wait3A_58 = arith.constant 0 : i32
        %dma_wait3A_59 = arith.constant 0 : i32
        %dma_wait3A_60 = tpu.memref_slice %arg7[%dma_wait3A_58, %dma_wait3A_59] : memref<10112x16xf32, #tpu.memory_space<vmem_shared>> -> memref<10112x16xf32, #tpu.memory_space<vmem_shared>>
        tpu.wait_indirect_dma semaphore(%run_scoped3A : memref<!tpu.dma_semaphore, #tpu.memory_space<semaphore_mem>>) src(%arg5 : memref<125x16xf32, #tpu.memory_space<vmem>>) dst(%dma_wait3A_60 : memref<10112x16xf32, #tpu.memory_space<vmem_shared>>)
        tpu.yield
      }) : () -> ()
      %scan3A_46 = arith.constant 0 : i32
      scf.yield %scan3A_46 : i32
    }
    %scan3A_31 = arith.constant 80 : i32
    %barrier3A_32 = arith.constant 0 : index
    tpu.barrier barrier_id(%barrier3A_32)
    %scan3A_33 = arith.constant 0 : i32
    %scan3A_34 = arith.constant 0 : i32
    %scan3A_35 = arith.constant 5 : i32
    %scan3A_36 = arith.addi %scan3A_34, %scan3A_35 : i32
    %scan3A_37 = arith.constant 1 : i32
    %scan3A_38 = scf.for %scan3A_44 = %scan3A_34 to %scan3A_36 step %scan3A_37 iter_args(%scan3A_45 = %scan3A_33) -> (i32)  : i32 {
      %mul3A_46 = arith.constant 120 : i32
      %mul3A_47 = arith.muli %scan3A_44, %mul3A_46 : i32
      %add3A_48 = arith.addi %mul3A_15, %mul3A_47 : i32
      "tpu.region"() ({
        %run_scoped3A = tpu.sem_alloc : memref<!tpu.dma_semaphore, #tpu.memory_space<semaphore_mem>>
        %dma_start3A = arith.constant 0 : i32
        %dma_start3A_53 = arith.constant 0 : i32
        %dma_start3A_54 = tpu.memref_slice %arg6[%dma_start3A, %dma_start3A_53] : memref<125x16xf32, #tpu.memory_space<vmem>> -> memref<120x16xf32, #tpu.memory_space<vmem>>
        %dma_start3A_55 = arith.constant 0 : i32
        %dma_start3A_56 = tpu.memref_slice %arg7[%add3A_48, %dma_start3A_55] : memref<10112x16xf32, #tpu.memory_space<vmem_shared>> -> memref<120x16xf32, #tpu.memory_space<vmem_shared>>
        %dma_start3A_57 = arith.constant 0 : i32
        %dma_start3A_58 = arith.constant 0 : i32
        %dma_start3A_59 = tpu.memref_slice %arg6[%dma_start3A_57, %dma_start3A_58] : memref<125x16xf32, #tpu.memory_space<vmem>> -> memref<120x16xf32, #tpu.memory_space<vmem>>
        %dma_start3A_60 = arith.constant 0 : i32
        %dma_start3A_61 = tpu.memref_slice %arg7[%add3A_48, %dma_start3A_60] : memref<10112x16xf32, #tpu.memory_space<vmem_shared>> -> memref<120x16xf32, #tpu.memory_space<vmem_shared>>
        tpu.enqueue_dma source(%dma_start3A_61 : memref<120x16xf32, #tpu.memory_space<vmem_shared>>) target(%dma_start3A_59 : memref<120x16xf32, #tpu.memory_space<vmem>>) target_semaphore(%run_scoped3A : memref<!tpu.dma_semaphore, #tpu.memory_space<semaphore_mem>>)
        %dma_wait3A = arith.constant 0 : i32
        %dma_wait3A_62 = arith.constant 0 : i32
        %dma_wait3A_63 = tpu.memref_slice %arg6[%dma_wait3A, %dma_wait3A_62] : memref<125x16xf32, #tpu.memory_space<vmem>> -> memref<120x16xf32, #tpu.memory_space<vmem>>
        %dma_wait3A_64 = arith.constant 0 : i32
        %dma_wait3A_65 = tpu.memref_slice %arg7[%add3A_48, %dma_wait3A_64] : memref<10112x16xf32, #tpu.memory_space<vmem_shared>> -> memref<120x16xf32, #tpu.memory_space<vmem_shared>>
        %dma_wait3A_66 = arith.constant 0 : i32
        %dma_wait3A_67 = arith.constant 0 : i32
        %dma_wait3A_68 = tpu.memref_slice %arg6[%dma_wait3A_66, %dma_wait3A_67] : memref<125x16xf32, #tpu.memory_space<vmem>> -> memref<120x16xf32, #tpu.memory_space<vmem>>
        %dma_wait3A_69 = arith.constant 0 : i32
        %dma_wait3A_70 = tpu.memref_slice %arg7[%add3A_48, %dma_wait3A_69] : memref<10112x16xf32, #tpu.memory_space<vmem_shared>> -> memref<120x16xf32, #tpu.memory_space<vmem_shared>>
        tpu.wait_dma2 semaphore(%run_scoped3A : memref<!tpu.dma_semaphore, #tpu.memory_space<semaphore_mem>>) src(%dma_wait3A_70 : memref<120x16xf32, #tpu.memory_space<vmem_shared>>) dst(%dma_wait3A_68 : memref<120x16xf32, #tpu.memory_space<vmem>>)
        tpu.yield
      }) : () -> ()
      %mul3A_49 = arith.constant 120 : i32
      %mul3A_50 = arith.muli %scan3A_44, %mul3A_49 : i32
      %add3A_51 = arith.addi %mul3A_15, %mul3A_50 : i32
      "tpu.region"() ({
        %run_scoped3A = tpu.sem_alloc : memref<!tpu.dma_semaphore, #tpu.memory_space<semaphore_mem>>
        %dma_start3A = arith.constant 0 : i32
        %dma_start3A_53 = arith.constant 0 : i32
        %dma_start3A_54 = tpu.memref_slice %arg6[%dma_start3A, %dma_start3A_53] : memref<125x16xf32, #tpu.memory_space<vmem>> -> memref<120x16xf32, #tpu.memory_space<vmem>>
        %dma_start3A_55 = arith.constant 0 : i32
        %dma_start3A_56 = arith.constant 0 : i32
        %dma_start3A_57 = tpu.memref_slice %arg3[%arg0, %dma_start3A_55, %dma_start3A_56] : memref<2x10112x16xf32, #tpu.memory_space<hbm>> -> memref<1x10112x16xf32, #tpu.memory_space<hbm>>
        %dma_start3A_58 = tpu.memref_squeeze %dma_start3A_57 : memref<1x10112x16xf32, #tpu.memory_space<hbm>> -> memref<10112x16xf32, #tpu.memory_space<hbm>>
        %dma_start3A_59 = arith.constant 0 : i32
        %dma_start3A_60 = tpu.memref_slice %dma_start3A_58[%add3A_51, %dma_start3A_59] : memref<10112x16xf32, #tpu.memory_space<hbm>> -> memref<120x16xf32, #tpu.memory_space<hbm>>
        %dma_start3A_61 = arith.constant 0 : i32
        %dma_start3A_62 = arith.constant 0 : i32
        %dma_start3A_63 = tpu.memref_slice %arg3[%arg0, %dma_start3A_61, %dma_start3A_62] : memref<2x10112x16xf32, #tpu.memory_space<hbm>> -> memref<1x10112x16xf32, #tpu.memory_space<hbm>>
        %dma_start3A_64 = tpu.memref_squeeze %dma_start3A_63 : memref<1x10112x16xf32, #tpu.memory_space<hbm>> -> memref<10112x16xf32, #tpu.memory_space<hbm>>
        %dma_start3A_65 = arith.constant 0 : i32
        %dma_start3A_66 = tpu.memref_slice %dma_start3A_64[%add3A_51, %dma_start3A_65] : memref<10112x16xf32, #tpu.memory_space<hbm>> -> memref<120x16xf32, #tpu.memory_space<hbm>>
        %dma_start3A_67 = arith.constant 0 : i32
        %dma_start3A_68 = arith.constant 0 : i32
        %dma_start3A_69 = tpu.memref_slice %arg6[%dma_start3A_67, %dma_start3A_68] : memref<125x16xf32, #tpu.memory_space<vmem>> -> memref<120x16xf32, #tpu.memory_space<vmem>>
        tpu.enqueue_dma source(%dma_start3A_69 : memref<120x16xf32, #tpu.memory_space<vmem>>) target(%dma_start3A_66 : memref<120x16xf32, #tpu.memory_space<hbm>>) target_semaphore(%run_scoped3A : memref<!tpu.dma_semaphore, #tpu.memory_space<semaphore_mem>>)
        %dma_wait3A = arith.constant 0 : i32
        %dma_wait3A_70 = arith.constant 0 : i32
        %dma_wait3A_71 = tpu.memref_slice %arg6[%dma_wait3A, %dma_wait3A_70] : memref<125x16xf32, #tpu.memory_space<vmem>> -> memref<120x16xf32, #tpu.memory_space<vmem>>
        %dma_wait3A_72 = arith.constant 0 : i32
        %dma_wait3A_73 = arith.constant 0 : i32
        %dma_wait3A_74 = tpu.memref_slice %arg3[%arg0, %dma_wait3A_72, %dma_wait3A_73] : memref<2x10112x16xf32, #tpu.memory_space<hbm>> -> memref<1x10112x16xf32, #tpu.memory_space<hbm>>
        %dma_wait3A_75 = tpu.memref_squeeze %dma_wait3A_74 : memref<1x10112x16xf32, #tpu.memory_space<hbm>> -> memref<10112x16xf32, #tpu.memory_space<hbm>>
        %dma_wait3A_76 = arith.constant 0 : i32
        %dma_wait3A_77 = tpu.memref_slice %dma_wait3A_75[%add3A_51, %dma_wait3A_76] : memref<10112x16xf32, #tpu.memory_space<hbm>> -> memref<120x16xf32, #tpu.memory_space<hbm>>
        %dma_wait3A_78 = arith.constant 0 : i32
        %dma_wait3A_79 = arith.constant 0 : i32
        %dma_wait3A_80 = tpu.memref_slice %arg3[%arg0, %dma_wait3A_78, %dma_wait3A_79] : memref<2x10112x16xf32, #tpu.memory_space<hbm>> -> memref<1x10112x16xf32, #tpu.memory_space<hbm>>
        %dma_wait3A_81 = tpu.memref_squeeze %dma_wait3A_80 : memref<1x10112x16xf32, #tpu.memory_space<hbm>> -> memref<10112x16xf32, #tpu.memory_space<hbm>>
        %dma_wait3A_82 = arith.constant 0 : i32
        %dma_wait3A_83 = tpu.memref_slice %dma_wait3A_81[%add3A_51, %dma_wait3A_82] : memref<10112x16xf32, #tpu.memory_space<hbm>> -> memref<120x16xf32, #tpu.memory_space<hbm>>
        %dma_wait3A_84 = arith.constant 0 : i32
        %dma_wait3A_85 = arith.constant 0 : i32
        %dma_wait3A_86 = tpu.memref_slice %arg6[%dma_wait3A_84, %dma_wait3A_85] : memref<125x16xf32, #tpu.memory_space<vmem>> -> memref<120x16xf32, #tpu.memory_space<vmem>>
        tpu.wait_dma2 semaphore(%run_scoped3A : memref<!tpu.dma_semaphore, #tpu.memory_space<semaphore_mem>>) src(%dma_wait3A_86 : memref<120x16xf32, #tpu.memory_space<vmem>>) dst(%dma_wait3A_83 : memref<120x16xf32, #tpu.memory_space<hbm>>)
        tpu.yield
      }) : () -> ()
      %scan3A_52 = arith.constant 0 : i32
      scf.yield %scan3A_52 : i32
    }
    %scan3A_39 = arith.constant 5 : i32
    %add3A_40 = arith.constant 600 : i32
    %add3A_41 = arith.addi %mul3A_15, %add3A_40 : i32
    "tpu.region"() ({
      %run_scoped3A = tpu.sem_alloc : memref<!tpu.dma_semaphore, #tpu.memory_space<semaphore_mem>>
      %dma_start3A = arith.constant 0 : i32
      %dma_start3A_44 = arith.constant 0 : i32
      %dma_start3A_45 = tpu.memref_slice %arg6[%dma_start3A, %dma_start3A_44] : memref<125x16xf32, #tpu.memory_space<vmem>> -> memref<32x16xf32, #tpu.memory_space<vmem>>
      %dma_start3A_46 = arith.constant 0 : i32
      %dma_start3A_47 = tpu.memref_slice %arg7[%add3A_41, %dma_start3A_46] : memref<10112x16xf32, #tpu.memory_space<vmem_shared>> -> memref<32x16xf32, #tpu.memory_space<vmem_shared>>
      %dma_start3A_48 = arith.constant 0 : i32
      %dma_start3A_49 = arith.constant 0 : i32
      %dma_start3A_50 = tpu.memref_slice %arg6[%dma_start3A_48, %dma_start3A_49] : memref<125x16xf32, #tpu.memory_space<vmem>> -> memref<32x16xf32, #tpu.memory_space<vmem>>
      %dma_start3A_51 = arith.constant 0 : i32
      %dma_start3A_52 = tpu.memref_slice %arg7[%add3A_41, %dma_start3A_51] : memref<10112x16xf32, #tpu.memory_space<vmem_shared>> -> memref<32x16xf32, #tpu.memory_space<vmem_shared>>
      tpu.enqueue_dma source(%dma_start3A_52 : memref<32x16xf32, #tpu.memory_space<vmem_shared>>) target(%dma_start3A_50 : memref<32x16xf32, #tpu.memory_space<vmem>>) target_semaphore(%run_scoped3A : memref<!tpu.dma_semaphore, #tpu.memory_space<semaphore_mem>>)
      %dma_wait3A = arith.constant 0 : i32
      %dma_wait3A_53 = arith.constant 0 : i32
      %dma_wait3A_54 = tpu.memref_slice %arg6[%dma_wait3A, %dma_wait3A_53] : memref<125x16xf32, #tpu.memory_space<vmem>> -> memref<32x16xf32, #tpu.memory_space<vmem>>
      %dma_wait3A_55 = arith.constant 0 : i32
      %dma_wait3A_56 = tpu.memref_slice %arg7[%add3A_41, %dma_wait3A_55] : memref<10112x16xf32, #tpu.memory_space<vmem_shared>> -> memref<32x16xf32, #tpu.memory_space<vmem_shared>>
      %dma_wait3A_57 = arith.constant 0 : i32
      %dma_wait3A_58 = arith.constant 0 : i32
      %dma_wait3A_59 = tpu.memref_slice %arg6[%dma_wait3A_57, %dma_wait3A_58] : memref<125x16xf32, #tpu.memory_space<vmem>> -> memref<32x16xf32, #tpu.memory_space<vmem>>
      %dma_wait3A_60 = arith.constant 0 : i32
      %dma_wait3A_61 = tpu.memref_slice %arg7[%add3A_41, %dma_wait3A_60] : memref<10112x16xf32, #tpu.memory_space<vmem_shared>> -> memref<32x16xf32, #tpu.memory_space<vmem_shared>>
      tpu.wait_dma2 semaphore(%run_scoped3A : memref<!tpu.dma_semaphore, #tpu.memory_space<semaphore_mem>>) src(%dma_wait3A_61 : memref<32x16xf32, #tpu.memory_space<vmem_shared>>) dst(%dma_wait3A_59 : memref<32x16xf32, #tpu.memory_space<vmem>>)
      tpu.yield
    }) : () -> ()
    %add3A_42 = arith.constant 600 : i32
    %add3A_43 = arith.addi %mul3A_15, %add3A_42 : i32
    "tpu.region"() ({
      %run_scoped3A = tpu.sem_alloc : memref<!tpu.dma_semaphore, #tpu.memory_space<semaphore_mem>>
      %dma_start3A = arith.constant 0 : i32
      %dma_start3A_44 = arith.constant 0 : i32
      %dma_start3A_45 = tpu.memref_slice %arg6[%dma_start3A, %dma_start3A_44] : memref<125x16xf32, #tpu.memory_space<vmem>> -> memref<32x16xf32, #tpu.memory_space<vmem>>
      %dma_start3A_46 = arith.constant 0 : i32
      %dma_start3A_47 = arith.constant 0 : i32
      %dma_start3A_48 = tpu.memref_slice %arg3[%arg0, %dma_start3A_46, %dma_start3A_47] : memref<2x10112x16xf32, #tpu.memory_space<hbm>> -> memref<1x10112x16xf32, #tpu.memory_space<hbm>>
      %dma_start3A_49 = tpu.memref_squeeze %dma_start3A_48 : memref<1x10112x16xf32, #tpu.memory_space<hbm>> -> memref<10112x16xf32, #tpu.memory_space<hbm>>
      %dma_start3A_50 = arith.constant 0 : i32
      %dma_start3A_51 = tpu.memref_slice %dma_start3A_49[%add3A_43, %dma_start3A_50] : memref<10112x16xf32, #tpu.memory_space<hbm>> -> memref<32x16xf32, #tpu.memory_space<hbm>>
      %dma_start3A_52 = arith.constant 0 : i32
      %dma_start3A_53 = arith.constant 0 : i32
      %dma_start3A_54 = tpu.memref_slice %arg3[%arg0, %dma_start3A_52, %dma_start3A_53] : memref<2x10112x16xf32, #tpu.memory_space<hbm>> -> memref<1x10112x16xf32, #tpu.memory_space<hbm>>
      %dma_start3A_55 = tpu.memref_squeeze %dma_start3A_54 : memref<1x10112x16xf32, #tpu.memory_space<hbm>> -> memref<10112x16xf32, #tpu.memory_space<hbm>>
      %dma_start3A_56 = arith.constant 0 : i32
      %dma_start3A_57 = tpu.memref_slice %dma_start3A_55[%add3A_43, %dma_start3A_56] : memref<10112x16xf32, #tpu.memory_space<hbm>> -> memref<32x16xf32, #tpu.memory_space<hbm>>
      %dma_start3A_58 = arith.constant 0 : i32
      %dma_start3A_59 = arith.constant 0 : i32
      %dma_start3A_60 = tpu.memref_slice %arg6[%dma_start3A_58, %dma_start3A_59] : memref<125x16xf32, #tpu.memory_space<vmem>> -> memref<32x16xf32, #tpu.memory_space<vmem>>
      tpu.enqueue_dma source(%dma_start3A_60 : memref<32x16xf32, #tpu.memory_space<vmem>>) target(%dma_start3A_57 : memref<32x16xf32, #tpu.memory_space<hbm>>) target_semaphore(%run_scoped3A : memref<!tpu.dma_semaphore, #tpu.memory_space<semaphore_mem>>)
      %dma_wait3A = arith.constant 0 : i32
      %dma_wait3A_61 = arith.constant 0 : i32
      %dma_wait3A_62 = tpu.memref_slice %arg6[%dma_wait3A, %dma_wait3A_61] : memref<125x16xf32, #tpu.memory_space<vmem>> -> memref<32x16xf32, #tpu.memory_space<vmem>>
      %dma_wait3A_63 = arith.constant 0 : i32
      %dma_wait3A_64 = arith.constant 0 : i32
      %dma_wait3A_65 = tpu.memref_slice %arg3[%arg0, %dma_wait3A_63, %dma_wait3A_64] : memref<2x10112x16xf32, #tpu.memory_space<hbm>> -> memref<1x10112x16xf32, #tpu.memory_space<hbm>>
      %dma_wait3A_66 = tpu.memref_squeeze %dma_wait3A_65 : memref<1x10112x16xf32, #tpu.memory_space<hbm>> -> memref<10112x16xf32, #tpu.memory_space<hbm>>
      %dma_wait3A_67 = arith.constant 0 : i32
      %dma_wait3A_68 = tpu.memref_slice %dma_wait3A_66[%add3A_43, %dma_wait3A_67] : memref<10112x16xf32, #tpu.memory_space<hbm>> -> memref<32x16xf32, #tpu.memory_space<hbm>>
      %dma_wait3A_69 = arith.constant 0 : i32
      %dma_wait3A_70 = arith.constant 0 : i32
      %dma_wait3A_71 = tpu.memref_slice %arg3[%arg0, %dma_wait3A_69, %dma_wait3A_70] : memref<2x10112x16xf32, #tpu.memory_space<hbm>> -> memref<1x10112x16xf32, #tpu.memory_space<hbm>>
      %dma_wait3A_72 = tpu.memref_squeeze %dma_wait3A_71 : memref<1x10112x16xf32, #tpu.memory_space<hbm>> -> memref<10112x16xf32, #tpu.memory_space<hbm>>
      %dma_wait3A_73 = arith.constant 0 : i32
      %dma_wait3A_74 = tpu.memref_slice %dma_wait3A_72[%add3A_43, %dma_wait3A_73] : memref<10112x16xf32, #tpu.memory_space<hbm>> -> memref<32x16xf32, #tpu.memory_space<hbm>>
      %dma_wait3A_75 = arith.constant 0 : i32
      %dma_wait3A_76 = arith.constant 0 : i32
      %dma_wait3A_77 = tpu.memref_slice %arg6[%dma_wait3A_75, %dma_wait3A_76] : memref<125x16xf32, #tpu.memory_space<vmem>> -> memref<32x16xf32, #tpu.memory_space<vmem>>
      tpu.wait_dma2 semaphore(%run_scoped3A : memref<!tpu.dma_semaphore, #tpu.memory_space<semaphore_mem>>) src(%dma_wait3A_77 : memref<32x16xf32, #tpu.memory_space<vmem>>) dst(%dma_wait3A_74 : memref<32x16xf32, #tpu.memory_space<hbm>>)
      tpu.yield
    }) : () -> ()
    return
  }
}

#map = affine_map<(d0, d1) -> (0, 0)>
#map1 = affine_map<(d0, d1) -> (0, 0, 0)>
module attributes {stable_mosaic.version = 14 : i64} {
  func.func @k(%arg0: i32, %arg1: i32, %arg2: memref<10000x128xf32, #tpu.memory_space<hbm>>, %arg3: memref<32x80x128xi32, #tpu.memory_space<hbm>>, %arg4: memref<32x80x128xi32, #tpu.memory_space<hbm>>, %arg5: memref<2x10112x128xf32, #tpu.memory_space<hbm>>, %arg6: memref<40x128xi32, #tpu.memory_space<vmem>>, %arg7: memref<40x128xi32, #tpu.memory_space<vmem>>, %arg8: memref<125x128xf32, #tpu.memory_space<vmem>>, %arg9: memref<125x128xf32, #tpu.memory_space<vmem>>, %arg10: memref<!tpu.dma_semaphore, #tpu.memory_space<semaphore_mem>>, %arg11: memref<!tpu.dma_semaphore, #tpu.memory_space<semaphore_mem>>, %arg12: memref<10112x128xf32, #tpu.memory_space<vmem_shared>>) attributes {dimension_semantics = [#tpu.dimension_semantics<core_parallel>, #tpu.dimension_semantics<subcore_parallel>], iteration_bounds = array<i64: 2, 16>, scalar_prefetch = 0 : i64, scratch_operands = 7 : i64, tpu.core_type = #tpu.core_type<sc_vector_subcore>, window_params = [{transform_indices = #map}, {transform_indices = #map1}, {transform_indices = #map1}, {transform_indices = #map1}]} {
    %mul3A = arith.constant 16 : i32
    %mul3A_0 = arith.muli %arg0, %mul3A : i32
    %add3A = arith.addi %mul3A_0, %arg1 : i32
    %scan3A = arith.constant 0 : i32
    %scan3A_1 = arith.constant 0 : i32
    %scan3A_2 = arith.constant 1000 : i32
    %scan3A_3 = arith.addi %scan3A_1, %scan3A_2 : i32
    %scan3A_4 = arith.constant 1 : i32
    %scan3A_5 = scf.for %scan3A_44 = %scan3A_1 to %scan3A_3 step %scan3A_4 iter_args(%scan3A_45 = %scan3A) -> (i32)  : i32 {
      %jit3A = arith.constant 8 : i32
      %div3A = arith.divsi %scan3A_44, %jit3A : i32
      %sign3A = arith.constant 0 : i32
      %sign3A_46 = arith.cmpi sgt, %scan3A_44, %sign3A : i32
      %sign3A_47 = arith.extui %sign3A_46 : i1 to i32
      %sign3A_48 = arith.constant 0 : i32
      %sign3A_49 = arith.cmpi slt, %scan3A_44, %sign3A_48 : i32
      %sign3A_50 = arith.extui %sign3A_49 : i1 to i32
      %sign3A_51 = arith.subi %sign3A_47, %sign3A_50 : i32
      %sign3A_52 = arith.constant 0 : i32
      %sign3A_53 = arith.cmpi sgt, %jit3A, %sign3A_52 : i32
      %sign3A_54 = arith.extui %sign3A_53 : i1 to i32
      %sign3A_55 = arith.constant 0 : i32
      %sign3A_56 = arith.cmpi slt, %jit3A, %sign3A_55 : i32
      %sign3A_57 = arith.extui %sign3A_56 : i1 to i32
      %sign3A_58 = arith.subi %sign3A_54, %sign3A_57 : i32
      %ne3A = arith.cmpi ne, %sign3A_51, %sign3A_58 : i32
      %rem3A = arith.remsi %scan3A_44, %jit3A : i32
      %ne3A_59 = arith.constant 0 : i32
      %ne3A_60 = arith.cmpi ne, %rem3A, %ne3A_59 : i32
      %and3A = arith.andi %ne3A, %ne3A_60 : i1
      %sub3A = arith.constant 1 : i32
      %sub3A_61 = arith.subi %div3A, %sub3A : i32
      %select_n3A = arith.select %and3A, %sub3A_61, %div3A : i32
      %jit3A_62 = arith.constant 8 : i32
      %eq3A = arith.constant 0 : i32
      %eq3A_63 = arith.cmpi eq, %jit3A_62, %eq3A : i32
      %jit3A_64 = arith.constant 1 : i32
      %select_n3A_65 = arith.select %eq3A_63, %jit3A_64, %jit3A_62 : i32
      %rem3A_66 = arith.remsi %scan3A_44, %select_n3A_65 : i32
      %ne3A_67 = arith.constant 0 : i32
      %ne3A_68 = arith.cmpi ne, %rem3A_66, %ne3A_67 : i32
      %lt3A = arith.constant 0 : i32
      %lt3A_69 = arith.cmpi slt, %rem3A_66, %lt3A : i32
      %lt3A_70 = arith.constant 0 : i32
      %lt3A_71 = arith.cmpi slt, %select_n3A_65, %lt3A_70 : i32
      %ne3A_72 = arith.xori %lt3A_69, %lt3A_71 : i1
      %and3A_73 = arith.andi %ne3A_72, %ne3A_68 : i1
      %add3A_74 = arith.addi %rem3A_66, %select_n3A_65 : i32
      %select_n3A_75 = arith.select %and3A_73, %add3A_74, %rem3A_66 : i32
      %broadcast_in_dim3A = arith.constant 0.000000e+00 : f32
      %broadcast_in_dim3A_76 = vector.broadcast %broadcast_in_dim3A : f32 to vector<16xf32>
      %mul3A_77 = arith.constant 16 : i32
      %mul3A_78 = arith.muli %select_n3A_75, %mul3A_77 : i32
      %swap3A = arith.index_cast %select_n3A : i32 to index
      %swap3A_79 = arith.index_cast %mul3A_78 : i32 to index
      %swap3A_80 = tpu.vector_load %arg8[%swap3A, %swap3A_79] {strides = array<i32>} : memref<125x128xf32, #tpu.memory_space<vmem>>, vector<1x16xf32>,
      %swap3A_81 = vector.shape_cast %swap3A_80 : vector<1x16xf32> to vector<16xf32>
      %swap3A_82 = vector.shape_cast %broadcast_in_dim3A_76 : vector<16xf32> to vector<1x16xf32>
      tpu.vector_store %arg8[%swap3A, %swap3A_79], %swap3A_82 {strides = array<i32>} : memref<125x128xf32, #tpu.memory_space<vmem>>, vector<1x16xf32>,
      %scan3A_83 = arith.constant 0 : i32
      scf.yield %scan3A_83 : i32
    }
    %scan3A_6 = arith.constant 1000 : i32
    %mul3A_7 = arith.constant 632 : i32
    %mul3A_8 = arith.muli %arg1, %mul3A_7 : i32
    %scan3A_9 = arith.constant 0 : i32
    %scan3A_10 = arith.constant 0 : i32
    %scan3A_11 = arith.constant 5 : i32
    %scan3A_12 = arith.addi %scan3A_10, %scan3A_11 : i32
    %scan3A_13 = arith.constant 1 : i32
    %scan3A_14 = scf.for %scan3A_44 = %scan3A_10 to %scan3A_12 step %scan3A_13 iter_args(%scan3A_45 = %scan3A_9) -> (i32)  : i32 {
      %mul3A_46 = arith.constant 120 : i32
      %mul3A_47 = arith.muli %scan3A_44, %mul3A_46 : i32
      %add3A_48 = arith.addi %mul3A_8, %mul3A_47 : i32
      "tpu.region"() ({
        %run_scoped3A = tpu.sem_alloc : memref<!tpu.dma_semaphore, #tpu.memory_space<semaphore_mem>>
        %dma_start3A = arith.constant 0 : i32
        %dma_start3A_50 = arith.constant 0 : i32
        %dma_start3A_51 = tpu.memref_slice %arg8[%dma_start3A, %dma_start3A_50] : memref<125x128xf32, #tpu.memory_space<vmem>> -> memref<120x128xf32, #tpu.memory_space<vmem>>
        %dma_start3A_52 = arith.constant 0 : i32
        %dma_start3A_53 = tpu.memref_slice %arg12[%add3A_48, %dma_start3A_52] : memref<10112x128xf32, #tpu.memory_space<vmem_shared>> -> memref<120x128xf32, #tpu.memory_space<vmem_shared>>
        %dma_start3A_54 = arith.constant 0 : i32
        %dma_start3A_55 = tpu.memref_slice %arg12[%add3A_48, %dma_start3A_54] : memref<10112x128xf32, #tpu.memory_space<vmem_shared>> -> memref<120x128xf32, #tpu.memory_space<vmem_shared>>
        %dma_start3A_56 = arith.constant 0 : i32
        %dma_start3A_57 = arith.constant 0 : i32
        %dma_start3A_58 = tpu.memref_slice %arg8[%dma_start3A_56, %dma_start3A_57] : memref<125x128xf32, #tpu.memory_space<vmem>> -> memref<120x128xf32, #tpu.memory_space<vmem>>
        tpu.enqueue_dma source(%dma_start3A_58 : memref<120x128xf32, #tpu.memory_space<vmem>>) target(%dma_start3A_55 : memref<120x128xf32, #tpu.memory_space<vmem_shared>>) target_semaphore(%run_scoped3A : memref<!tpu.dma_semaphore, #tpu.memory_space<semaphore_mem>>)
        %dma_wait3A = arith.constant 0 : i32
        %dma_wait3A_59 = arith.constant 0 : i32
        %dma_wait3A_60 = tpu.memref_slice %arg8[%dma_wait3A, %dma_wait3A_59] : memref<125x128xf32, #tpu.memory_space<vmem>> -> memref<120x128xf32, #tpu.memory_space<vmem>>
        %dma_wait3A_61 = arith.constant 0 : i32
        %dma_wait3A_62 = tpu.memref_slice %arg12[%add3A_48, %dma_wait3A_61] : memref<10112x128xf32, #tpu.memory_space<vmem_shared>> -> memref<120x128xf32, #tpu.memory_space<vmem_shared>>
        %dma_wait3A_63 = arith.constant 0 : i32
        %dma_wait3A_64 = tpu.memref_slice %arg12[%add3A_48, %dma_wait3A_63] : memref<10112x128xf32, #tpu.memory_space<vmem_shared>> -> memref<120x128xf32, #tpu.memory_space<vmem_shared>>
        %dma_wait3A_65 = arith.constant 0 : i32
        %dma_wait3A_66 = arith.constant 0 : i32
        %dma_wait3A_67 = tpu.memref_slice %arg8[%dma_wait3A_65, %dma_wait3A_66] : memref<125x128xf32, #tpu.memory_space<vmem>> -> memref<120x128xf32, #tpu.memory_space<vmem>>
        tpu.wait_dma2 semaphore(%run_scoped3A : memref<!tpu.dma_semaphore, #tpu.memory_space<semaphore_mem>>) src(%dma_wait3A_67 : memref<120x128xf32, #tpu.memory_space<vmem>>) dst(%dma_wait3A_64 : memref<120x128xf32, #tpu.memory_space<vmem_shared>>)
        tpu.yield
      }) : () -> ()
      %scan3A_49 = arith.constant 0 : i32
      scf.yield %scan3A_49 : i32
    }
    %scan3A_15 = arith.constant 5 : i32
    %add3A_16 = arith.constant 600 : i32
    %add3A_17 = arith.addi %mul3A_8, %add3A_16 : i32
    "tpu.region"() ({
      %run_scoped3A = tpu.sem_alloc : memref<!tpu.dma_semaphore, #tpu.memory_space<semaphore_mem>>
      %dma_start3A = arith.constant 0 : i32
      %dma_start3A_44 = arith.constant 0 : i32
      %dma_start3A_45 = tpu.memref_slice %arg8[%dma_start3A, %dma_start3A_44] : memref<125x128xf32, #tpu.memory_space<vmem>> -> memref<32x128xf32, #tpu.memory_space<vmem>>
      %dma_start3A_46 = arith.constant 0 : i32
      %dma_start3A_47 = tpu.memref_slice %arg12[%add3A_17, %dma_start3A_46] : memref<10112x128xf32, #tpu.memory_space<vmem_shared>> -> memref<32x128xf32, #tpu.memory_space<vmem_shared>>
      %dma_start3A_48 = arith.constant 0 : i32
      %dma_start3A_49 = tpu.memref_slice %arg12[%add3A_17, %dma_start3A_48] : memref<10112x128xf32, #tpu.memory_space<vmem_shared>> -> memref<32x128xf32, #tpu.memory_space<vmem_shared>>
      %dma_start3A_50 = arith.constant 0 : i32
      %dma_start3A_51 = arith.constant 0 : i32
      %dma_start3A_52 = tpu.memref_slice %arg8[%dma_start3A_50, %dma_start3A_51] : memref<125x128xf32, #tpu.memory_space<vmem>> -> memref<32x128xf32, #tpu.memory_space<vmem>>
      tpu.enqueue_dma source(%dma_start3A_52 : memref<32x128xf32, #tpu.memory_space<vmem>>) target(%dma_start3A_49 : memref<32x128xf32, #tpu.memory_space<vmem_shared>>) target_semaphore(%run_scoped3A : memref<!tpu.dma_semaphore, #tpu.memory_space<semaphore_mem>>)
      %dma_wait3A = arith.constant 0 : i32
      %dma_wait3A_53 = arith.constant 0 : i32
      %dma_wait3A_54 = tpu.memref_slice %arg8[%dma_wait3A, %dma_wait3A_53] : memref<125x128xf32, #tpu.memory_space<vmem>> -> memref<32x128xf32, #tpu.memory_space<vmem>>
      %dma_wait3A_55 = arith.constant 0 : i32
      %dma_wait3A_56 = tpu.memref_slice %arg12[%add3A_17, %dma_wait3A_55] : memref<10112x128xf32, #tpu.memory_space<vmem_shared>> -> memref<32x128xf32, #tpu.memory_space<vmem_shared>>
      %dma_wait3A_57 = arith.constant 0 : i32
      %dma_wait3A_58 = tpu.memref_slice %arg12[%add3A_17, %dma_wait3A_57] : memref<10112x128xf32, #tpu.memory_space<vmem_shared>> -> memref<32x128xf32, #tpu.memory_space<vmem_shared>>
      %dma_wait3A_59 = arith.constant 0 : i32
      %dma_wait3A_60 = arith.constant 0 : i32
      %dma_wait3A_61 = tpu.memref_slice %arg8[%dma_wait3A_59, %dma_wait3A_60] : memref<125x128xf32, #tpu.memory_space<vmem>> -> memref<32x128xf32, #tpu.memory_space<vmem>>
      tpu.wait_dma2 semaphore(%run_scoped3A : memref<!tpu.dma_semaphore, #tpu.memory_space<semaphore_mem>>) src(%dma_wait3A_61 : memref<32x128xf32, #tpu.memory_space<vmem>>) dst(%dma_wait3A_58 : memref<32x128xf32, #tpu.memory_space<vmem_shared>>)
      tpu.yield
    }) : () -> ()
    %barrier3A = arith.constant 0 : index
    tpu.barrier barrier_id(%barrier3A)
    "tpu.region"() ({
      %run_scoped3A = tpu.sem_alloc : memref<!tpu.dma_semaphore, #tpu.memory_space<semaphore_mem>>
      %dma_start3A = arith.constant 0 : i32
      %dma_start3A_44 = arith.constant 0 : i32
      %dma_start3A_45 = tpu.memref_slice %arg3[%add3A, %dma_start3A, %dma_start3A_44] : memref<32x80x128xi32, #tpu.memory_space<hbm>> -> memref<1x80x128xi32, #tpu.memory_space<hbm>>
      %dma_start3A_46 = tpu.memref_squeeze %dma_start3A_45 : memref<1x80x128xi32, #tpu.memory_space<hbm>> -> memref<80x128xi32, #tpu.memory_space<hbm>>
      %dma_start3A_47 = arith.constant 0 : i32
      %dma_start3A_48 = arith.constant 0 : i32
      %dma_start3A_49 = tpu.memref_slice %dma_start3A_46[%dma_start3A_47, %dma_start3A_48] : memref<80x128xi32, #tpu.memory_space<hbm>> -> memref<40x128xi32, #tpu.memory_space<hbm>>
      %dma_start3A_50 = arith.constant 0 : i32
      %dma_start3A_51 = arith.constant 0 : i32
      %dma_start3A_52 = tpu.memref_slice %arg3[%add3A, %dma_start3A_50, %dma_start3A_51] : memref<32x80x128xi32, #tpu.memory_space<hbm>> -> memref<1x80x128xi32, #tpu.memory_space<hbm>>
      %dma_start3A_53 = tpu.memref_squeeze %dma_start3A_52 : memref<1x80x128xi32, #tpu.memory_space<hbm>> -> memref<80x128xi32, #tpu.memory_space<hbm>>
      %dma_start3A_54 = arith.constant 0 : i32
      %dma_start3A_55 = arith.constant 0 : i32
      %dma_start3A_56 = tpu.memref_slice %dma_start3A_53[%dma_start3A_54, %dma_start3A_55] : memref<80x128xi32, #tpu.memory_space<hbm>> -> memref<40x128xi32, #tpu.memory_space<hbm>>
      tpu.enqueue_dma source(%dma_start3A_56 : memref<40x128xi32, #tpu.memory_space<hbm>>) target(%arg6 : memref<40x128xi32, #tpu.memory_space<vmem>>) target_semaphore(%run_scoped3A : memref<!tpu.dma_semaphore, #tpu.memory_space<semaphore_mem>>)
      %dma_wait3A = arith.constant 0 : i32
      %dma_wait3A_57 = arith.constant 0 : i32
      %dma_wait3A_58 = tpu.memref_slice %arg3[%add3A, %dma_wait3A, %dma_wait3A_57] : memref<32x80x128xi32, #tpu.memory_space<hbm>> -> memref<1x80x128xi32, #tpu.memory_space<hbm>>
      %dma_wait3A_59 = tpu.memref_squeeze %dma_wait3A_58 : memref<1x80x128xi32, #tpu.memory_space<hbm>> -> memref<80x128xi32, #tpu.memory_space<hbm>>
      %dma_wait3A_60 = arith.constant 0 : i32
      %dma_wait3A_61 = arith.constant 0 : i32
      %dma_wait3A_62 = tpu.memref_slice %dma_wait3A_59[%dma_wait3A_60, %dma_wait3A_61] : memref<80x128xi32, #tpu.memory_space<hbm>> -> memref<40x128xi32, #tpu.memory_space<hbm>>
      %dma_wait3A_63 = arith.constant 0 : i32
      %dma_wait3A_64 = arith.constant 0 : i32
      %dma_wait3A_65 = tpu.memref_slice %arg3[%add3A, %dma_wait3A_63, %dma_wait3A_64] : memref<32x80x128xi32, #tpu.memory_space<hbm>> -> memref<1x80x128xi32, #tpu.memory_space<hbm>>
      %dma_wait3A_66 = tpu.memref_squeeze %dma_wait3A_65 : memref<1x80x128xi32, #tpu.memory_space<hbm>> -> memref<80x128xi32, #tpu.memory_space<hbm>>
      %dma_wait3A_67 = arith.constant 0 : i32
      %dma_wait3A_68 = arith.constant 0 : i32
      %dma_wait3A_69 = tpu.memref_slice %dma_wait3A_66[%dma_wait3A_67, %dma_wait3A_68] : memref<80x128xi32, #tpu.memory_space<hbm>> -> memref<40x128xi32, #tpu.memory_space<hbm>>
      tpu.wait_dma2 semaphore(%run_scoped3A : memref<!tpu.dma_semaphore, #tpu.memory_space<semaphore_mem>>) src(%dma_wait3A_69 : memref<40x128xi32, #tpu.memory_space<hbm>>) dst(%arg6 : memref<40x128xi32, #tpu.memory_space<vmem>>)
      tpu.yield
    }) : () -> ()
    "tpu.region"() ({
      %run_scoped3A = tpu.sem_alloc : memref<!tpu.dma_semaphore, #tpu.memory_space<semaphore_mem>>
      %dma_start3A = arith.constant 0 : i32
      %dma_start3A_44 = arith.constant 0 : i32
      %dma_start3A_45 = tpu.memref_slice %arg4[%add3A, %dma_start3A, %dma_start3A_44] : memref<32x80x128xi32, #tpu.memory_space<hbm>> -> memref<1x80x128xi32, #tpu.memory_space<hbm>>
      %dma_start3A_46 = tpu.memref_squeeze %dma_start3A_45 : memref<1x80x128xi32, #tpu.memory_space<hbm>> -> memref<80x128xi32, #tpu.memory_space<hbm>>
      %dma_start3A_47 = arith.constant 0 : i32
      %dma_start3A_48 = arith.constant 0 : i32
      %dma_start3A_49 = tpu.memref_slice %dma_start3A_46[%dma_start3A_47, %dma_start3A_48] : memref<80x128xi32, #tpu.memory_space<hbm>> -> memref<40x128xi32, #tpu.memory_space<hbm>>
      %dma_start3A_50 = arith.constant 0 : i32
      %dma_start3A_51 = arith.constant 0 : i32
      %dma_start3A_52 = tpu.memref_slice %arg4[%add3A, %dma_start3A_50, %dma_start3A_51] : memref<32x80x128xi32, #tpu.memory_space<hbm>> -> memref<1x80x128xi32, #tpu.memory_space<hbm>>
      %dma_start3A_53 = tpu.memref_squeeze %dma_start3A_52 : memref<1x80x128xi32, #tpu.memory_space<hbm>> -> memref<80x128xi32, #tpu.memory_space<hbm>>
      %dma_start3A_54 = arith.constant 0 : i32
      %dma_start3A_55 = arith.constant 0 : i32
      %dma_start3A_56 = tpu.memref_slice %dma_start3A_53[%dma_start3A_54, %dma_start3A_55] : memref<80x128xi32, #tpu.memory_space<hbm>> -> memref<40x128xi32, #tpu.memory_space<hbm>>
      tpu.enqueue_dma source(%dma_start3A_56 : memref<40x128xi32, #tpu.memory_space<hbm>>) target(%arg7 : memref<40x128xi32, #tpu.memory_space<vmem>>) target_semaphore(%run_scoped3A : memref<!tpu.dma_semaphore, #tpu.memory_space<semaphore_mem>>)
      %dma_wait3A = arith.constant 0 : i32
      %dma_wait3A_57 = arith.constant 0 : i32
      %dma_wait3A_58 = tpu.memref_slice %arg4[%add3A, %dma_wait3A, %dma_wait3A_57] : memref<32x80x128xi32, #tpu.memory_space<hbm>> -> memref<1x80x128xi32, #tpu.memory_space<hbm>>
      %dma_wait3A_59 = tpu.memref_squeeze %dma_wait3A_58 : memref<1x80x128xi32, #tpu.memory_space<hbm>> -> memref<80x128xi32, #tpu.memory_space<hbm>>
      %dma_wait3A_60 = arith.constant 0 : i32
      %dma_wait3A_61 = arith.constant 0 : i32
      %dma_wait3A_62 = tpu.memref_slice %dma_wait3A_59[%dma_wait3A_60, %dma_wait3A_61] : memref<80x128xi32, #tpu.memory_space<hbm>> -> memref<40x128xi32, #tpu.memory_space<hbm>>
      %dma_wait3A_63 = arith.constant 0 : i32
      %dma_wait3A_64 = arith.constant 0 : i32
      %dma_wait3A_65 = tpu.memref_slice %arg4[%add3A, %dma_wait3A_63, %dma_wait3A_64] : memref<32x80x128xi32, #tpu.memory_space<hbm>> -> memref<1x80x128xi32, #tpu.memory_space<hbm>>
      %dma_wait3A_66 = tpu.memref_squeeze %dma_wait3A_65 : memref<1x80x128xi32, #tpu.memory_space<hbm>> -> memref<80x128xi32, #tpu.memory_space<hbm>>
      %dma_wait3A_67 = arith.constant 0 : i32
      %dma_wait3A_68 = arith.constant 0 : i32
      %dma_wait3A_69 = tpu.memref_slice %dma_wait3A_66[%dma_wait3A_67, %dma_wait3A_68] : memref<80x128xi32, #tpu.memory_space<hbm>> -> memref<40x128xi32, #tpu.memory_space<hbm>>
      tpu.wait_dma2 semaphore(%run_scoped3A : memref<!tpu.dma_semaphore, #tpu.memory_space<semaphore_mem>>) src(%dma_wait3A_69 : memref<40x128xi32, #tpu.memory_space<hbm>>) dst(%arg7 : memref<40x128xi32, #tpu.memory_space<vmem>>)
      tpu.yield
    }) : () -> ()
    %scan3A_18 = arith.constant 0 : i32
    %scan3A_19 = arith.constant 0 : i32
    %scan3A_20 = arith.constant 40 : i32
    %scan3A_21 = arith.addi %scan3A_19, %scan3A_20 : i32
    %scan3A_22 = arith.constant 1 : i32
    %scan3A_23 = scf.for %scan3A_44 = %scan3A_19 to %scan3A_21 step %scan3A_22 iter_args(%scan3A_45 = %scan3A_18) -> (i32)  : i32 {
      "tpu.region"() ({
        %run_scoped3A = tpu.sem_alloc : memref<!tpu.dma_semaphore, #tpu.memory_space<semaphore_mem>>
        %dma_start3A = arith.constant 0 : i32
        %dma_start3A_47 = tpu.memref_slice %arg6[%scan3A_44, %dma_start3A] : memref<40x128xi32, #tpu.memory_space<vmem>> -> memref<1x128xi32, #tpu.memory_space<vmem>>
        %dma_start3A_48 = tpu.memref_squeeze %dma_start3A_47 : memref<1x128xi32, #tpu.memory_space<vmem>> -> memref<128xi32, #tpu.memory_space<vmem>>
        %dma_start3A_49 = arith.constant 0 : i32
        %dma_start3A_50 = tpu.memref_slice %dma_start3A_48[%dma_start3A_49] : memref<128xi32, #tpu.memory_space<vmem>> -> memref<125xi32, #tpu.memory_space<vmem>>
        %dma_start3A_51 = arith.constant 0 : i32
        %dma_start3A_52 = arith.constant 0 : i32
        %dma_start3A_53 = tpu.memref_slice %arg2[%dma_start3A_51, %dma_start3A_52] : memref<10000x128xf32, #tpu.memory_space<hbm>> -> memref<10000x128xf32, #tpu.memory_space<hbm>>
        tpu.enqueue_indirect_dma source(%dma_start3A_53 : memref<10000x128xf32, #tpu.memory_space<hbm>>) target(%arg8 : memref<125x128xf32, #tpu.memory_space<vmem>>) offsets(%dma_start3A_50 : memref<125xi32, #tpu.memory_space<vmem>>) semaphore(%run_scoped3A : memref<!tpu.dma_semaphore, #tpu.memory_space<semaphore_mem>>)
        %dma_wait3A = arith.constant 0 : i32
        %dma_wait3A_54 = tpu.memref_slice %arg6[%scan3A_44, %dma_wait3A] : memref<40x128xi32, #tpu.memory_space<vmem>> -> memref<1x128xi32, #tpu.memory_space<vmem>>
        %dma_wait3A_55 = tpu.memref_squeeze %dma_wait3A_54 : memref<1x128xi32, #tpu.memory_space<vmem>> -> memref<128xi32, #tpu.memory_space<vmem>>
        %dma_wait3A_56 = arith.constant 0 : i32
        %dma_wait3A_57 = tpu.memref_slice %dma_wait3A_55[%dma_wait3A_56] : memref<128xi32, #tpu.memory_space<vmem>> -> memref<125xi32, #tpu.memory_space<vmem>>
        %dma_wait3A_58 = arith.constant 0 : i32
        %dma_wait3A_59 = arith.constant 0 : i32
        %dma_wait3A_60 = tpu.memref_slice %arg2[%dma_wait3A_58, %dma_wait3A_59] : memref<10000x128xf32, #tpu.memory_space<hbm>> -> memref<10000x128xf32, #tpu.memory_space<hbm>>
        tpu.wait_indirect_dma semaphore(%run_scoped3A : memref<!tpu.dma_semaphore, #tpu.memory_space<semaphore_mem>>) src(%dma_wait3A_60 : memref<10000x128xf32, #tpu.memory_space<hbm>>) dst(%arg8 : memref<125x128xf32, #tpu.memory_space<vmem>>)
        tpu.yield
      }) : () -> ()
      "tpu.region"() ({
        %run_scoped3A = tpu.sem_alloc : memref<!tpu.dma_semaphore, #tpu.memory_space<semaphore_mem>>
        %dma_start3A = arith.constant 0 : i32
        %dma_start3A_47 = tpu.memref_slice %arg7[%scan3A_44, %dma_start3A] : memref<40x128xi32, #tpu.memory_space<vmem>> -> memref<1x128xi32, #tpu.memory_space<vmem>>
        %dma_start3A_48 = tpu.memref_squeeze %dma_start3A_47 : memref<1x128xi32, #tpu.memory_space<vmem>> -> memref<128xi32, #tpu.memory_space<vmem>>
        %dma_start3A_49 = arith.constant 0 : i32
        %dma_start3A_50 = tpu.memref_slice %dma_start3A_48[%dma_start3A_49] : memref<128xi32, #tpu.memory_space<vmem>> -> memref<125xi32, #tpu.memory_space<vmem>>
        %dma_start3A_51 = arith.constant 0 : i32
        %dma_start3A_52 = arith.constant 0 : i32
        %dma_start3A_53 = tpu.memref_slice %arg12[%dma_start3A_51, %dma_start3A_52] : memref<10112x128xf32, #tpu.memory_space<vmem_shared>> -> memref<10112x128xf32, #tpu.memory_space<vmem_shared>>
        tpu.enqueue_indirect_dma source(%arg8 : memref<125x128xf32, #tpu.memory_space<vmem>>) target(%dma_start3A_53 : memref<10112x128xf32, #tpu.memory_space<vmem_shared>>) offsets(%dma_start3A_50 : memref<125xi32, #tpu.memory_space<vmem>>) semaphore(%run_scoped3A : memref<!tpu.dma_semaphore, #tpu.memory_space<semaphore_mem>>) {add = true}
        %dma_wait3A = arith.constant 0 : i32
        %dma_wait3A_54 = tpu.memref_slice %arg7[%scan3A_44, %dma_wait3A] : memref<40x128xi32, #tpu.memory_space<vmem>> -> memref<1x128xi32, #tpu.memory_space<vmem>>
        %dma_wait3A_55 = tpu.memref_squeeze %dma_wait3A_54 : memref<1x128xi32, #tpu.memory_space<vmem>> -> memref<128xi32, #tpu.memory_space<vmem>>
        %dma_wait3A_56 = arith.constant 0 : i32
        %dma_wait3A_57 = tpu.memref_slice %dma_wait3A_55[%dma_wait3A_56] : memref<128xi32, #tpu.memory_space<vmem>> -> memref<125xi32, #tpu.memory_space<vmem>>
        %dma_wait3A_58 = arith.constant 0 : i32
        %dma_wait3A_59 = arith.constant 0 : i32
        %dma_wait3A_60 = tpu.memref_slice %arg12[%dma_wait3A_58, %dma_wait3A_59] : memref<10112x128xf32, #tpu.memory_space<vmem_shared>> -> memref<10112x128xf32, #tpu.memory_space<vmem_shared>>
        tpu.wait_indirect_dma semaphore(%run_scoped3A : memref<!tpu.dma_semaphore, #tpu.memory_space<semaphore_mem>>) src(%arg8 : memref<125x128xf32, #tpu.memory_space<vmem>>) dst(%dma_wait3A_60 : memref<10112x128xf32, #tpu.memory_space<vmem_shared>>)
        tpu.yield
      }) : () -> ()
      %scan3A_46 = arith.constant 0 : i32
      scf.yield %scan3A_46 : i32
    }
    %scan3A_24 = arith.constant 40 : i32
    "tpu.region"() ({
      %run_scoped3A = tpu.sem_alloc : memref<!tpu.dma_semaphore, #tpu.memory_space<semaphore_mem>>
      %dma_start3A = arith.constant 0 : i32
      %dma_start3A_44 = arith.constant 0 : i32
      %dma_start3A_45 = tpu.memref_slice %arg3[%add3A, %dma_start3A, %dma_start3A_44] : memref<32x80x128xi32, #tpu.memory_space<hbm>> -> memref<1x80x128xi32, #tpu.memory_space<hbm>>
      %dma_start3A_46 = tpu.memref_squeeze %dma_start3A_45 : memref<1x80x128xi32, #tpu.memory_space<hbm>> -> memref<80x128xi32, #tpu.memory_space<hbm>>
      %dma_start3A_47 = arith.constant 40 : i32
      %dma_start3A_48 = arith.constant 0 : i32
      %dma_start3A_49 = tpu.memref_slice %dma_start3A_46[%dma_start3A_47, %dma_start3A_48] : memref<80x128xi32, #tpu.memory_space<hbm>> -> memref<40x128xi32, #tpu.memory_space<hbm>>
      %dma_start3A_50 = arith.constant 0 : i32
      %dma_start3A_51 = arith.constant 0 : i32
      %dma_start3A_52 = tpu.memref_slice %arg3[%add3A, %dma_start3A_50, %dma_start3A_51] : memref<32x80x128xi32, #tpu.memory_space<hbm>> -> memref<1x80x128xi32, #tpu.memory_space<hbm>>
      %dma_start3A_53 = tpu.memref_squeeze %dma_start3A_52 : memref<1x80x128xi32, #tpu.memory_space<hbm>> -> memref<80x128xi32, #tpu.memory_space<hbm>>
      %dma_start3A_54 = arith.constant 40 : i32
      %dma_start3A_55 = arith.constant 0 : i32
      %dma_start3A_56 = tpu.memref_slice %dma_start3A_53[%dma_start3A_54, %dma_start3A_55] : memref<80x128xi32, #tpu.memory_space<hbm>> -> memref<40x128xi32, #tpu.memory_space<hbm>>
      tpu.enqueue_dma source(%dma_start3A_56 : memref<40x128xi32, #tpu.memory_space<hbm>>) target(%arg6 : memref<40x128xi32, #tpu.memory_space<vmem>>) target_semaphore(%run_scoped3A : memref<!tpu.dma_semaphore, #tpu.memory_space<semaphore_mem>>)
      %dma_wait3A = arith.constant 0 : i32
      %dma_wait3A_57 = arith.constant 0 : i32
      %dma_wait3A_58 = tpu.memref_slice %arg3[%add3A, %dma_wait3A, %dma_wait3A_57] : memref<32x80x128xi32, #tpu.memory_space<hbm>> -> memref<1x80x128xi32, #tpu.memory_space<hbm>>
      %dma_wait3A_59 = tpu.memref_squeeze %dma_wait3A_58 : memref<1x80x128xi32, #tpu.memory_space<hbm>> -> memref<80x128xi32, #tpu.memory_space<hbm>>
      %dma_wait3A_60 = arith.constant 40 : i32
      %dma_wait3A_61 = arith.constant 0 : i32
      %dma_wait3A_62 = tpu.memref_slice %dma_wait3A_59[%dma_wait3A_60, %dma_wait3A_61] : memref<80x128xi32, #tpu.memory_space<hbm>> -> memref<40x128xi32, #tpu.memory_space<hbm>>
      %dma_wait3A_63 = arith.constant 0 : i32
      %dma_wait3A_64 = arith.constant 0 : i32
      %dma_wait3A_65 = tpu.memref_slice %arg3[%add3A, %dma_wait3A_63, %dma_wait3A_64] : memref<32x80x128xi32, #tpu.memory_space<hbm>> -> memref<1x80x128xi32, #tpu.memory_space<hbm>>
      %dma_wait3A_66 = tpu.memref_squeeze %dma_wait3A_65 : memref<1x80x128xi32, #tpu.memory_space<hbm>> -> memref<80x128xi32, #tpu.memory_space<hbm>>
      %dma_wait3A_67 = arith.constant 40 : i32
      %dma_wait3A_68 = arith.constant 0 : i32
      %dma_wait3A_69 = tpu.memref_slice %dma_wait3A_66[%dma_wait3A_67, %dma_wait3A_68] : memref<80x128xi32, #tpu.memory_space<hbm>> -> memref<40x128xi32, #tpu.memory_space<hbm>>
      tpu.wait_dma2 semaphore(%run_scoped3A : memref<!tpu.dma_semaphore, #tpu.memory_space<semaphore_mem>>) src(%dma_wait3A_69 : memref<40x128xi32, #tpu.memory_space<hbm>>) dst(%arg6 : memref<40x128xi32, #tpu.memory_space<vmem>>)
      tpu.yield
    }) : () -> ()
    "tpu.region"() ({
      %run_scoped3A = tpu.sem_alloc : memref<!tpu.dma_semaphore, #tpu.memory_space<semaphore_mem>>
      %dma_start3A = arith.constant 0 : i32
      %dma_start3A_44 = arith.constant 0 : i32
      %dma_start3A_45 = tpu.memref_slice %arg4[%add3A, %dma_start3A, %dma_start3A_44] : memref<32x80x128xi32, #tpu.memory_space<hbm>> -> memref<1x80x128xi32, #tpu.memory_space<hbm>>
      %dma_start3A_46 = tpu.memref_squeeze %dma_start3A_45 : memref<1x80x128xi32, #tpu.memory_space<hbm>> -> memref<80x128xi32, #tpu.memory_space<hbm>>
      %dma_start3A_47 = arith.constant 40 : i32
      %dma_start3A_48 = arith.constant 0 : i32
      %dma_start3A_49 = tpu.memref_slice %dma_start3A_46[%dma_start3A_47, %dma_start3A_48] : memref<80x128xi32, #tpu.memory_space<hbm>> -> memref<40x128xi32, #tpu.memory_space<hbm>>
      %dma_start3A_50 = arith.constant 0 : i32
      %dma_start3A_51 = arith.constant 0 : i32
      %dma_start3A_52 = tpu.memref_slice %arg4[%add3A, %dma_start3A_50, %dma_start3A_51] : memref<32x80x128xi32, #tpu.memory_space<hbm>> -> memref<1x80x128xi32, #tpu.memory_space<hbm>>
      %dma_start3A_53 = tpu.memref_squeeze %dma_start3A_52 : memref<1x80x128xi32, #tpu.memory_space<hbm>> -> memref<80x128xi32, #tpu.memory_space<hbm>>
      %dma_start3A_54 = arith.constant 40 : i32
      %dma_start3A_55 = arith.constant 0 : i32
      %dma_start3A_56 = tpu.memref_slice %dma_start3A_53[%dma_start3A_54, %dma_start3A_55] : memref<80x128xi32, #tpu.memory_space<hbm>> -> memref<40x128xi32, #tpu.memory_space<hbm>>
      tpu.enqueue_dma source(%dma_start3A_56 : memref<40x128xi32, #tpu.memory_space<hbm>>) target(%arg7 : memref<40x128xi32, #tpu.memory_space<vmem>>) target_semaphore(%run_scoped3A : memref<!tpu.dma_semaphore, #tpu.memory_space<semaphore_mem>>)
      %dma_wait3A = arith.constant 0 : i32
      %dma_wait3A_57 = arith.constant 0 : i32
      %dma_wait3A_58 = tpu.memref_slice %arg4[%add3A, %dma_wait3A, %dma_wait3A_57] : memref<32x80x128xi32, #tpu.memory_space<hbm>> -> memref<1x80x128xi32, #tpu.memory_space<hbm>>
      %dma_wait3A_59 = tpu.memref_squeeze %dma_wait3A_58 : memref<1x80x128xi32, #tpu.memory_space<hbm>> -> memref<80x128xi32, #tpu.memory_space<hbm>>
      %dma_wait3A_60 = arith.constant 40 : i32
      %dma_wait3A_61 = arith.constant 0 : i32
      %dma_wait3A_62 = tpu.memref_slice %dma_wait3A_59[%dma_wait3A_60, %dma_wait3A_61] : memref<80x128xi32, #tpu.memory_space<hbm>> -> memref<40x128xi32, #tpu.memory_space<hbm>>
      %dma_wait3A_63 = arith.constant 0 : i32
      %dma_wait3A_64 = arith.constant 0 : i32
      %dma_wait3A_65 = tpu.memref_slice %arg4[%add3A, %dma_wait3A_63, %dma_wait3A_64] : memref<32x80x128xi32, #tpu.memory_space<hbm>> -> memref<1x80x128xi32, #tpu.memory_space<hbm>>
      %dma_wait3A_66 = tpu.memref_squeeze %dma_wait3A_65 : memref<1x80x128xi32, #tpu.memory_space<hbm>> -> memref<80x128xi32, #tpu.memory_space<hbm>>
      %dma_wait3A_67 = arith.constant 40 : i32
      %dma_wait3A_68 = arith.constant 0 : i32
      %dma_wait3A_69 = tpu.memref_slice %dma_wait3A_66[%dma_wait3A_67, %dma_wait3A_68] : memref<80x128xi32, #tpu.memory_space<hbm>> -> memref<40x128xi32, #tpu.memory_space<hbm>>
      tpu.wait_dma2 semaphore(%run_scoped3A : memref<!tpu.dma_semaphore, #tpu.memory_space<semaphore_mem>>) src(%dma_wait3A_69 : memref<40x128xi32, #tpu.memory_space<hbm>>) dst(%arg7 : memref<40x128xi32, #tpu.memory_space<vmem>>)
      tpu.yield
    }) : () -> ()
    %scan3A_25 = arith.constant 0 : i32
    %scan3A_26 = arith.constant 0 : i32
    %scan3A_27 = arith.constant 40 : i32
    %scan3A_28 = arith.addi %scan3A_26, %scan3A_27 : i32
    %scan3A_29 = arith.constant 1 : i32
    %scan3A_30 = scf.for %scan3A_44 = %scan3A_26 to %scan3A_28 step %scan3A_29 iter_args(%scan3A_45 = %scan3A_25) -> (i32)  : i32 {
      "tpu.region"() ({
        %run_scoped3A = tpu.sem_alloc : memref<!tpu.dma_semaphore, #tpu.memory_space<semaphore_mem>>
        %dma_start3A = arith.constant 0 : i32
        %dma_start3A_47 = tpu.memref_slice %arg6[%scan3A_44, %dma_start3A] : memref<40x128xi32, #tpu.memory_space<vmem>> -> memref<1x128xi32, #tpu.memory_space<vmem>>
        %dma_start3A_48 = tpu.memref_squeeze %dma_start3A_47 : memref<1x128xi32, #tpu.memory_space<vmem>> -> memref<128xi32, #tpu.memory_space<vmem>>
        %dma_start3A_49 = arith.constant 0 : i32
        %dma_start3A_50 = tpu.memref_slice %dma_start3A_48[%dma_start3A_49] : memref<128xi32, #tpu.memory_space<vmem>> -> memref<125xi32, #tpu.memory_space<vmem>>
        %dma_start3A_51 = arith.constant 0 : i32
        %dma_start3A_52 = arith.constant 0 : i32
        %dma_start3A_53 = tpu.memref_slice %arg2[%dma_start3A_51, %dma_start3A_52] : memref<10000x128xf32, #tpu.memory_space<hbm>> -> memref<10000x128xf32, #tpu.memory_space<hbm>>
        tpu.enqueue_indirect_dma source(%dma_start3A_53 : memref<10000x128xf32, #tpu.memory_space<hbm>>) target(%arg8 : memref<125x128xf32, #tpu.memory_space<vmem>>) offsets(%dma_start3A_50 : memref<125xi32, #tpu.memory_space<vmem>>) semaphore(%run_scoped3A : memref<!tpu.dma_semaphore, #tpu.memory_space<semaphore_mem>>)
        %dma_wait3A = arith.constant 0 : i32
        %dma_wait3A_54 = tpu.memref_slice %arg6[%scan3A_44, %dma_wait3A] : memref<40x128xi32, #tpu.memory_space<vmem>> -> memref<1x128xi32, #tpu.memory_space<vmem>>
        %dma_wait3A_55 = tpu.memref_squeeze %dma_wait3A_54 : memref<1x128xi32, #tpu.memory_space<vmem>> -> memref<128xi32, #tpu.memory_space<vmem>>
        %dma_wait3A_56 = arith.constant 0 : i32
        %dma_wait3A_57 = tpu.memref_slice %dma_wait3A_55[%dma_wait3A_56] : memref<128xi32, #tpu.memory_space<vmem>> -> memref<125xi32, #tpu.memory_space<vmem>>
        %dma_wait3A_58 = arith.constant 0 : i32
        %dma_wait3A_59 = arith.constant 0 : i32
        %dma_wait3A_60 = tpu.memref_slice %arg2[%dma_wait3A_58, %dma_wait3A_59] : memref<10000x128xf32, #tpu.memory_space<hbm>> -> memref<10000x128xf32, #tpu.memory_space<hbm>>
        tpu.wait_indirect_dma semaphore(%run_scoped3A : memref<!tpu.dma_semaphore, #tpu.memory_space<semaphore_mem>>) src(%dma_wait3A_60 : memref<10000x128xf32, #tpu.memory_space<hbm>>) dst(%arg8 : memref<125x128xf32, #tpu.memory_space<vmem>>)
        tpu.yield
      }) : () -> ()
      "tpu.region"() ({
        %run_scoped3A = tpu.sem_alloc : memref<!tpu.dma_semaphore, #tpu.memory_space<semaphore_mem>>
        %dma_start3A = arith.constant 0 : i32
        %dma_start3A_47 = tpu.memref_slice %arg7[%scan3A_44, %dma_start3A] : memref<40x128xi32, #tpu.memory_space<vmem>> -> memref<1x128xi32, #tpu.memory_space<vmem>>
        %dma_start3A_48 = tpu.memref_squeeze %dma_start3A_47 : memref<1x128xi32, #tpu.memory_space<vmem>> -> memref<128xi32, #tpu.memory_space<vmem>>
        %dma_start3A_49 = arith.constant 0 : i32
        %dma_start3A_50 = tpu.memref_slice %dma_start3A_48[%dma_start3A_49] : memref<128xi32, #tpu.memory_space<vmem>> -> memref<125xi32, #tpu.memory_space<vmem>>
        %dma_start3A_51 = arith.constant 0 : i32
        %dma_start3A_52 = arith.constant 0 : i32
        %dma_start3A_53 = tpu.memref_slice %arg12[%dma_start3A_51, %dma_start3A_52] : memref<10112x128xf32, #tpu.memory_space<vmem_shared>> -> memref<10112x128xf32, #tpu.memory_space<vmem_shared>>
        tpu.enqueue_indirect_dma source(%arg8 : memref<125x128xf32, #tpu.memory_space<vmem>>) target(%dma_start3A_53 : memref<10112x128xf32, #tpu.memory_space<vmem_shared>>) offsets(%dma_start3A_50 : memref<125xi32, #tpu.memory_space<vmem>>) semaphore(%run_scoped3A : memref<!tpu.dma_semaphore, #tpu.memory_space<semaphore_mem>>) {add = true}
        %dma_wait3A = arith.constant 0 : i32
        %dma_wait3A_54 = tpu.memref_slice %arg7[%scan3A_44, %dma_wait3A] : memref<40x128xi32, #tpu.memory_space<vmem>> -> memref<1x128xi32, #tpu.memory_space<vmem>>
        %dma_wait3A_55 = tpu.memref_squeeze %dma_wait3A_54 : memref<1x128xi32, #tpu.memory_space<vmem>> -> memref<128xi32, #tpu.memory_space<vmem>>
        %dma_wait3A_56 = arith.constant 0 : i32
        %dma_wait3A_57 = tpu.memref_slice %dma_wait3A_55[%dma_wait3A_56] : memref<128xi32, #tpu.memory_space<vmem>> -> memref<125xi32, #tpu.memory_space<vmem>>
        %dma_wait3A_58 = arith.constant 0 : i32
        %dma_wait3A_59 = arith.constant 0 : i32
        %dma_wait3A_60 = tpu.memref_slice %arg12[%dma_wait3A_58, %dma_wait3A_59] : memref<10112x128xf32, #tpu.memory_space<vmem_shared>> -> memref<10112x128xf32, #tpu.memory_space<vmem_shared>>
        tpu.wait_indirect_dma semaphore(%run_scoped3A : memref<!tpu.dma_semaphore, #tpu.memory_space<semaphore_mem>>) src(%arg8 : memref<125x128xf32, #tpu.memory_space<vmem>>) dst(%dma_wait3A_60 : memref<10112x128xf32, #tpu.memory_space<vmem_shared>>)
        tpu.yield
      }) : () -> ()
      %scan3A_46 = arith.constant 0 : i32
      scf.yield %scan3A_46 : i32
    }
    %scan3A_31 = arith.constant 40 : i32
    %barrier3A_32 = arith.constant 0 : index
    tpu.barrier barrier_id(%barrier3A_32)
    %scan3A_33 = arith.constant 0 : i32
    %scan3A_34 = arith.constant 0 : i32
    %scan3A_35 = arith.constant 5 : i32
    %scan3A_36 = arith.addi %scan3A_34, %scan3A_35 : i32
    %scan3A_37 = arith.constant 1 : i32
    %scan3A_38 = scf.for %scan3A_44 = %scan3A_34 to %scan3A_36 step %scan3A_37 iter_args(%scan3A_45 = %scan3A_33) -> (i32)  : i32 {
      %mul3A_46 = arith.constant 120 : i32
      %mul3A_47 = arith.muli %scan3A_44, %mul3A_46 : i32
      %add3A_48 = arith.addi %mul3A_8, %mul3A_47 : i32
      "tpu.region"() ({
        %run_scoped3A = tpu.sem_alloc : memref<!tpu.dma_semaphore, #tpu.memory_space<semaphore_mem>>
        %dma_start3A = arith.constant 0 : i32
        %dma_start3A_53 = arith.constant 0 : i32
        %dma_start3A_54 = tpu.memref_slice %arg8[%dma_start3A, %dma_start3A_53] : memref<125x128xf32, #tpu.memory_space<vmem>> -> memref<120x128xf32, #tpu.memory_space<vmem>>
        %dma_start3A_55 = arith.constant 0 : i32
        %dma_start3A_56 = tpu.memref_slice %arg12[%add3A_48, %dma_start3A_55] : memref<10112x128xf32, #tpu.memory_space<vmem_shared>> -> memref<120x128xf32, #tpu.memory_space<vmem_shared>>
        %dma_start3A_57 = arith.constant 0 : i32
        %dma_start3A_58 = arith.constant 0 : i32
        %dma_start3A_59 = tpu.memref_slice %arg8[%dma_start3A_57, %dma_start3A_58] : memref<125x128xf32, #tpu.memory_space<vmem>> -> memref<120x128xf32, #tpu.memory_space<vmem>>
        %dma_start3A_60 = arith.constant 0 : i32
        %dma_start3A_61 = tpu.memref_slice %arg12[%add3A_48, %dma_start3A_60] : memref<10112x128xf32, #tpu.memory_space<vmem_shared>> -> memref<120x128xf32, #tpu.memory_space<vmem_shared>>
        tpu.enqueue_dma source(%dma_start3A_61 : memref<120x128xf32, #tpu.memory_space<vmem_shared>>) target(%dma_start3A_59 : memref<120x128xf32, #tpu.memory_space<vmem>>) target_semaphore(%run_scoped3A : memref<!tpu.dma_semaphore, #tpu.memory_space<semaphore_mem>>)
        %dma_wait3A = arith.constant 0 : i32
        %dma_wait3A_62 = arith.constant 0 : i32
        %dma_wait3A_63 = tpu.memref_slice %arg8[%dma_wait3A, %dma_wait3A_62] : memref<125x128xf32, #tpu.memory_space<vmem>> -> memref<120x128xf32, #tpu.memory_space<vmem>>
        %dma_wait3A_64 = arith.constant 0 : i32
        %dma_wait3A_65 = tpu.memref_slice %arg12[%add3A_48, %dma_wait3A_64] : memref<10112x128xf32, #tpu.memory_space<vmem_shared>> -> memref<120x128xf32, #tpu.memory_space<vmem_shared>>
        %dma_wait3A_66 = arith.constant 0 : i32
        %dma_wait3A_67 = arith.constant 0 : i32
        %dma_wait3A_68 = tpu.memref_slice %arg8[%dma_wait3A_66, %dma_wait3A_67] : memref<125x128xf32, #tpu.memory_space<vmem>> -> memref<120x128xf32, #tpu.memory_space<vmem>>
        %dma_wait3A_69 = arith.constant 0 : i32
        %dma_wait3A_70 = tpu.memref_slice %arg12[%add3A_48, %dma_wait3A_69] : memref<10112x128xf32, #tpu.memory_space<vmem_shared>> -> memref<120x128xf32, #tpu.memory_space<vmem_shared>>
        tpu.wait_dma2 semaphore(%run_scoped3A : memref<!tpu.dma_semaphore, #tpu.memory_space<semaphore_mem>>) src(%dma_wait3A_70 : memref<120x128xf32, #tpu.memory_space<vmem_shared>>) dst(%dma_wait3A_68 : memref<120x128xf32, #tpu.memory_space<vmem>>)
        tpu.yield
      }) : () -> ()
      %mul3A_49 = arith.constant 120 : i32
      %mul3A_50 = arith.muli %scan3A_44, %mul3A_49 : i32
      %add3A_51 = arith.addi %mul3A_8, %mul3A_50 : i32
      "tpu.region"() ({
        %run_scoped3A = tpu.sem_alloc : memref<!tpu.dma_semaphore, #tpu.memory_space<semaphore_mem>>
        %dma_start3A = arith.constant 0 : i32
        %dma_start3A_53 = arith.constant 0 : i32
        %dma_start3A_54 = tpu.memref_slice %arg8[%dma_start3A, %dma_start3A_53] : memref<125x128xf32, #tpu.memory_space<vmem>> -> memref<120x128xf32, #tpu.memory_space<vmem>>
        %dma_start3A_55 = arith.constant 0 : i32
        %dma_start3A_56 = arith.constant 0 : i32
        %dma_start3A_57 = tpu.memref_slice %arg5[%arg0, %dma_start3A_55, %dma_start3A_56] : memref<2x10112x128xf32, #tpu.memory_space<hbm>> -> memref<1x10112x128xf32, #tpu.memory_space<hbm>>
        %dma_start3A_58 = tpu.memref_squeeze %dma_start3A_57 : memref<1x10112x128xf32, #tpu.memory_space<hbm>> -> memref<10112x128xf32, #tpu.memory_space<hbm>>
        %dma_start3A_59 = arith.constant 0 : i32
        %dma_start3A_60 = tpu.memref_slice %dma_start3A_58[%add3A_51, %dma_start3A_59] : memref<10112x128xf32, #tpu.memory_space<hbm>> -> memref<120x128xf32, #tpu.memory_space<hbm>>
        %dma_start3A_61 = arith.constant 0 : i32
        %dma_start3A_62 = arith.constant 0 : i32
        %dma_start3A_63 = tpu.memref_slice %arg5[%arg0, %dma_start3A_61, %dma_start3A_62] : memref<2x10112x128xf32, #tpu.memory_space<hbm>> -> memref<1x10112x128xf32, #tpu.memory_space<hbm>>
        %dma_start3A_64 = tpu.memref_squeeze %dma_start3A_63 : memref<1x10112x128xf32, #tpu.memory_space<hbm>> -> memref<10112x128xf32, #tpu.memory_space<hbm>>
        %dma_start3A_65 = arith.constant 0 : i32
        %dma_start3A_66 = tpu.memref_slice %dma_start3A_64[%add3A_51, %dma_start3A_65] : memref<10112x128xf32, #tpu.memory_space<hbm>> -> memref<120x128xf32, #tpu.memory_space<hbm>>
        %dma_start3A_67 = arith.constant 0 : i32
        %dma_start3A_68 = arith.constant 0 : i32
        %dma_start3A_69 = tpu.memref_slice %arg8[%dma_start3A_67, %dma_start3A_68] : memref<125x128xf32, #tpu.memory_space<vmem>> -> memref<120x128xf32, #tpu.memory_space<vmem>>
        tpu.enqueue_dma source(%dma_start3A_69 : memref<120x128xf32, #tpu.memory_space<vmem>>) target(%dma_start3A_66 : memref<120x128xf32, #tpu.memory_space<hbm>>) target_semaphore(%run_scoped3A : memref<!tpu.dma_semaphore, #tpu.memory_space<semaphore_mem>>)
        %dma_wait3A = arith.constant 0 : i32
        %dma_wait3A_70 = arith.constant 0 : i32
        %dma_wait3A_71 = tpu.memref_slice %arg8[%dma_wait3A, %dma_wait3A_70] : memref<125x128xf32, #tpu.memory_space<vmem>> -> memref<120x128xf32, #tpu.memory_space<vmem>>
        %dma_wait3A_72 = arith.constant 0 : i32
        %dma_wait3A_73 = arith.constant 0 : i32
        %dma_wait3A_74 = tpu.memref_slice %arg5[%arg0, %dma_wait3A_72, %dma_wait3A_73] : memref<2x10112x128xf32, #tpu.memory_space<hbm>> -> memref<1x10112x128xf32, #tpu.memory_space<hbm>>
        %dma_wait3A_75 = tpu.memref_squeeze %dma_wait3A_74 : memref<1x10112x128xf32, #tpu.memory_space<hbm>> -> memref<10112x128xf32, #tpu.memory_space<hbm>>
        %dma_wait3A_76 = arith.constant 0 : i32
        %dma_wait3A_77 = tpu.memref_slice %dma_wait3A_75[%add3A_51, %dma_wait3A_76] : memref<10112x128xf32, #tpu.memory_space<hbm>> -> memref<120x128xf32, #tpu.memory_space<hbm>>
        %dma_wait3A_78 = arith.constant 0 : i32
        %dma_wait3A_79 = arith.constant 0 : i32
        %dma_wait3A_80 = tpu.memref_slice %arg5[%arg0, %dma_wait3A_78, %dma_wait3A_79] : memref<2x10112x128xf32, #tpu.memory_space<hbm>> -> memref<1x10112x128xf32, #tpu.memory_space<hbm>>
        %dma_wait3A_81 = tpu.memref_squeeze %dma_wait3A_80 : memref<1x10112x128xf32, #tpu.memory_space<hbm>> -> memref<10112x128xf32, #tpu.memory_space<hbm>>
        %dma_wait3A_82 = arith.constant 0 : i32
        %dma_wait3A_83 = tpu.memref_slice %dma_wait3A_81[%add3A_51, %dma_wait3A_82] : memref<10112x128xf32, #tpu.memory_space<hbm>> -> memref<120x128xf32, #tpu.memory_space<hbm>>
        %dma_wait3A_84 = arith.constant 0 : i32
        %dma_wait3A_85 = arith.constant 0 : i32
        %dma_wait3A_86 = tpu.memref_slice %arg8[%dma_wait3A_84, %dma_wait3A_85] : memref<125x128xf32, #tpu.memory_space<vmem>> -> memref<120x128xf32, #tpu.memory_space<vmem>>
        tpu.wait_dma2 semaphore(%run_scoped3A : memref<!tpu.dma_semaphore, #tpu.memory_space<semaphore_mem>>) src(%dma_wait3A_86 : memref<120x128xf32, #tpu.memory_space<vmem>>) dst(%dma_wait3A_83 : memref<120x128xf32, #tpu.memory_space<hbm>>)
        tpu.yield
      }) : () -> ()
      %scan3A_52 = arith.constant 0 : i32
      scf.yield %scan3A_52 : i32
    }
    %scan3A_39 = arith.constant 5 : i32
    %add3A_40 = arith.constant 600 : i32
    %add3A_41 = arith.addi %mul3A_8, %add3A_40 : i32
    "tpu.region"() ({
      %run_scoped3A = tpu.sem_alloc : memref<!tpu.dma_semaphore, #tpu.memory_space<semaphore_mem>>
      %dma_start3A = arith.constant 0 : i32
      %dma_start3A_44 = arith.constant 0 : i32
      %dma_start3A_45 = tpu.memref_slice %arg8[%dma_start3A, %dma_start3A_44] : memref<125x128xf32, #tpu.memory_space<vmem>> -> memref<32x128xf32, #tpu.memory_space<vmem>>
      %dma_start3A_46 = arith.constant 0 : i32
      %dma_start3A_47 = tpu.memref_slice %arg12[%add3A_41, %dma_start3A_46] : memref<10112x128xf32, #tpu.memory_space<vmem_shared>> -> memref<32x128xf32, #tpu.memory_space<vmem_shared>>
      %dma_start3A_48 = arith.constant 0 : i32
      %dma_start3A_49 = arith.constant 0 : i32
      %dma_start3A_50 = tpu.memref_slice %arg8[%dma_start3A_48, %dma_start3A_49] : memref<125x128xf32, #tpu.memory_space<vmem>> -> memref<32x128xf32, #tpu.memory_space<vmem>>
      %dma_start3A_51 = arith.constant 0 : i32
      %dma_start3A_52 = tpu.memref_slice %arg12[%add3A_41, %dma_start3A_51] : memref<10112x128xf32, #tpu.memory_space<vmem_shared>> -> memref<32x128xf32, #tpu.memory_space<vmem_shared>>
      tpu.enqueue_dma source(%dma_start3A_52 : memref<32x128xf32, #tpu.memory_space<vmem_shared>>) target(%dma_start3A_50 : memref<32x128xf32, #tpu.memory_space<vmem>>) target_semaphore(%run_scoped3A : memref<!tpu.dma_semaphore, #tpu.memory_space<semaphore_mem>>)
      %dma_wait3A = arith.constant 0 : i32
      %dma_wait3A_53 = arith.constant 0 : i32
      %dma_wait3A_54 = tpu.memref_slice %arg8[%dma_wait3A, %dma_wait3A_53] : memref<125x128xf32, #tpu.memory_space<vmem>> -> memref<32x128xf32, #tpu.memory_space<vmem>>
      %dma_wait3A_55 = arith.constant 0 : i32
      %dma_wait3A_56 = tpu.memref_slice %arg12[%add3A_41, %dma_wait3A_55] : memref<10112x128xf32, #tpu.memory_space<vmem_shared>> -> memref<32x128xf32, #tpu.memory_space<vmem_shared>>
      %dma_wait3A_57 = arith.constant 0 : i32
      %dma_wait3A_58 = arith.constant 0 : i32
      %dma_wait3A_59 = tpu.memref_slice %arg8[%dma_wait3A_57, %dma_wait3A_58] : memref<125x128xf32, #tpu.memory_space<vmem>> -> memref<32x128xf32, #tpu.memory_space<vmem>>
      %dma_wait3A_60 = arith.constant 0 : i32
      %dma_wait3A_61 = tpu.memref_slice %arg12[%add3A_41, %dma_wait3A_60] : memref<10112x128xf32, #tpu.memory_space<vmem_shared>> -> memref<32x128xf32, #tpu.memory_space<vmem_shared>>
      tpu.wait_dma2 semaphore(%run_scoped3A : memref<!tpu.dma_semaphore, #tpu.memory_space<semaphore_mem>>) src(%dma_wait3A_61 : memref<32x128xf32, #tpu.memory_space<vmem_shared>>) dst(%dma_wait3A_59 : memref<32x128xf32, #tpu.memory_space<vmem>>)
      tpu.yield
    }) : () -> ()
    %add3A_42 = arith.constant 600 : i32
    %add3A_43 = arith.addi %mul3A_8, %add3A_42 : i32
    "tpu.region"() ({
      %run_scoped3A = tpu.sem_alloc : memref<!tpu.dma_semaphore, #tpu.memory_space<semaphore_mem>>
      %dma_start3A = arith.constant 0 : i32
      %dma_start3A_44 = arith.constant 0 : i32
      %dma_start3A_45 = tpu.memref_slice %arg8[%dma_start3A, %dma_start3A_44] : memref<125x128xf32, #tpu.memory_space<vmem>> -> memref<32x128xf32, #tpu.memory_space<vmem>>
      %dma_start3A_46 = arith.constant 0 : i32
      %dma_start3A_47 = arith.constant 0 : i32
      %dma_start3A_48 = tpu.memref_slice %arg5[%arg0, %dma_start3A_46, %dma_start3A_47] : memref<2x10112x128xf32, #tpu.memory_space<hbm>> -> memref<1x10112x128xf32, #tpu.memory_space<hbm>>
      %dma_start3A_49 = tpu.memref_squeeze %dma_start3A_48 : memref<1x10112x128xf32, #tpu.memory_space<hbm>> -> memref<10112x128xf32, #tpu.memory_space<hbm>>
      %dma_start3A_50 = arith.constant 0 : i32
      %dma_start3A_51 = tpu.memref_slice %dma_start3A_49[%add3A_43, %dma_start3A_50] : memref<10112x128xf32, #tpu.memory_space<hbm>> -> memref<32x128xf32, #tpu.memory_space<hbm>>
      %dma_start3A_52 = arith.constant 0 : i32
      %dma_start3A_53 = arith.constant 0 : i32
      %dma_start3A_54 = tpu.memref_slice %arg5[%arg0, %dma_start3A_52, %dma_start3A_53] : memref<2x10112x128xf32, #tpu.memory_space<hbm>> -> memref<1x10112x128xf32, #tpu.memory_space<hbm>>
      %dma_start3A_55 = tpu.memref_squeeze %dma_start3A_54 : memref<1x10112x128xf32, #tpu.memory_space<hbm>> -> memref<10112x128xf32, #tpu.memory_space<hbm>>
      %dma_start3A_56 = arith.constant 0 : i32
      %dma_start3A_57 = tpu.memref_slice %dma_start3A_55[%add3A_43, %dma_start3A_56] : memref<10112x128xf32, #tpu.memory_space<hbm>> -> memref<32x128xf32, #tpu.memory_space<hbm>>
      %dma_start3A_58 = arith.constant 0 : i32
      %dma_start3A_59 = arith.constant 0 : i32
      %dma_start3A_60 = tpu.memref_slice %arg8[%dma_start3A_58, %dma_start3A_59] : memref<125x128xf32, #tpu.memory_space<vmem>> -> memref<32x128xf32, #tpu.memory_space<vmem>>
      tpu.enqueue_dma source(%dma_start3A_60 : memref<32x128xf32, #tpu.memory_space<vmem>>) target(%dma_start3A_57 : memref<32x128xf32, #tpu.memory_space<hbm>>) target_semaphore(%run_scoped3A : memref<!tpu.dma_semaphore, #tpu.memory_space<semaphore_mem>>)
      %dma_wait3A = arith.constant 0 : i32
      %dma_wait3A_61 = arith.constant 0 : i32
      %dma_wait3A_62 = tpu.memref_slice %arg8[%dma_wait3A, %dma_wait3A_61] : memref<125x128xf32, #tpu.memory_space<vmem>> -> memref<32x128xf32, #tpu.memory_space<vmem>>
      %dma_wait3A_63 = arith.constant 0 : i32
      %dma_wait3A_64 = arith.constant 0 : i32
      %dma_wait3A_65 = tpu.memref_slice %arg5[%arg0, %dma_wait3A_63, %dma_wait3A_64] : memref<2x10112x128xf32, #tpu.memory_space<hbm>> -> memref<1x10112x128xf32, #tpu.memory_space<hbm>>
      %dma_wait3A_66 = tpu.memref_squeeze %dma_wait3A_65 : memref<1x10112x128xf32, #tpu.memory_space<hbm>> -> memref<10112x128xf32, #tpu.memory_space<hbm>>
      %dma_wait3A_67 = arith.constant 0 : i32
      %dma_wait3A_68 = tpu.memref_slice %dma_wait3A_66[%add3A_43, %dma_wait3A_67] : memref<10112x128xf32, #tpu.memory_space<hbm>> -> memref<32x128xf32, #tpu.memory_space<hbm>>
      %dma_wait3A_69 = arith.constant 0 : i32
      %dma_wait3A_70 = arith.constant 0 : i32
      %dma_wait3A_71 = tpu.memref_slice %arg5[%arg0, %dma_wait3A_69, %dma_wait3A_70] : memref<2x10112x128xf32, #tpu.memory_space<hbm>> -> memref<1x10112x128xf32, #tpu.memory_space<hbm>>
      %dma_wait3A_72 = tpu.memref_squeeze %dma_wait3A_71 : memref<1x10112x128xf32, #tpu.memory_space<hbm>> -> memref<10112x128xf32, #tpu.memory_space<hbm>>
      %dma_wait3A_73 = arith.constant 0 : i32
      %dma_wait3A_74 = tpu.memref_slice %dma_wait3A_72[%add3A_43, %dma_wait3A_73] : memref<10112x128xf32, #tpu.memory_space<hbm>> -> memref<32x128xf32, #tpu.memory_space<hbm>>
      %dma_wait3A_75 = arith.constant 0 : i32
      %dma_wait3A_76 = arith.constant 0 : i32
      %dma_wait3A_77 = tpu.memref_slice %arg8[%dma_wait3A_75, %dma_wait3A_76] : memref<125x128xf32, #tpu.memory_space<vmem>> -> memref<32x128xf32, #tpu.memory_space<vmem>>
      tpu.wait_dma2 semaphore(%run_scoped3A : memref<!tpu.dma_semaphore, #tpu.memory_space<semaphore_mem>>) src(%dma_wait3A_77 : memref<32x128xf32, #tpu.memory_space<vmem>>) dst(%dma_wait3A_74 : memref<32x128xf32, #tpu.memory_space<hbm>>)
      tpu.yield
    }) : () -> ()
    return
  }
}

#map = affine_map<(d0, d1) -> (0, 0)>
#map1 = affine_map<(d0, d1) -> (0, 0, 0)>
module attributes {stable_mosaic.version = 14 : i64} {
  func.func @k(%arg0: i32, %arg1: i32, %arg2: memref<10000x128xf32, #tpu.memory_space<hbm>>, %arg3: memref<32x80x128xi32, #tpu.memory_space<hbm>>, %arg4: memref<32x80x128xi32, #tpu.memory_space<hbm>>, %arg5: memref<2x10112x128xf32, #tpu.memory_space<hbm>>, %arg6: memref<40x128xi32, #tpu.memory_space<vmem>>, %arg7: memref<40x128xi32, #tpu.memory_space<vmem>>, %arg8: memref<125x128xf32, #tpu.memory_space<vmem>>, %arg9: memref<125x128xf32, #tpu.memory_space<vmem>>, %arg10: memref<!tpu.dma_semaphore, #tpu.memory_space<semaphore_mem>>, %arg11: memref<!tpu.dma_semaphore, #tpu.memory_space<semaphore_mem>>, %arg12: memref<10112x128xf32, #tpu.memory_space<vmem_shared>>) attributes {dimension_semantics = [#tpu.dimension_semantics<core_parallel>, #tpu.dimension_semantics<subcore_parallel>], iteration_bounds = array<i64: 2, 16>, scalar_prefetch = 0 : i64, scratch_operands = 7 : i64, tpu.core_type = #tpu.core_type<sc_vector_subcore>, window_params = [{transform_indices = #map}, {transform_indices = #map1}, {transform_indices = #map1}, {transform_indices = #map1}]} {
    %mul3A = arith.constant 16 : i32
    %mul3A_0 = arith.muli %arg0, %mul3A : i32
    %add3A = arith.addi %mul3A_0, %arg1 : i32
    %scan3A = arith.constant 0 : i32
    %scan3A_1 = arith.constant 0 : i32
    %scan3A_2 = arith.constant 1000 : i32
    %scan3A_3 = arith.addi %scan3A_1, %scan3A_2 : i32
    %scan3A_4 = arith.constant 1 : i32
    %scan3A_5 = scf.for %scan3A_44 = %scan3A_1 to %scan3A_3 step %scan3A_4 iter_args(%scan3A_45 = %scan3A) -> (i32)  : i32 {
      %jit3A = arith.constant 8 : i32
      %div3A = arith.divsi %scan3A_44, %jit3A : i32
      %sign3A = arith.constant 0 : i32
      %sign3A_46 = arith.cmpi sgt, %scan3A_44, %sign3A : i32
      %sign3A_47 = arith.extui %sign3A_46 : i1 to i32
      %sign3A_48 = arith.constant 0 : i32
      %sign3A_49 = arith.cmpi slt, %scan3A_44, %sign3A_48 : i32
      %sign3A_50 = arith.extui %sign3A_49 : i1 to i32
      %sign3A_51 = arith.subi %sign3A_47, %sign3A_50 : i32
      %sign3A_52 = arith.constant 0 : i32
      %sign3A_53 = arith.cmpi sgt, %jit3A, %sign3A_52 : i32
      %sign3A_54 = arith.extui %sign3A_53 : i1 to i32
      %sign3A_55 = arith.constant 0 : i32
      %sign3A_56 = arith.cmpi slt, %jit3A, %sign3A_55 : i32
      %sign3A_57 = arith.extui %sign3A_56 : i1 to i32
      %sign3A_58 = arith.subi %sign3A_54, %sign3A_57 : i32
      %ne3A = arith.cmpi ne, %sign3A_51, %sign3A_58 : i32
      %rem3A = arith.remsi %scan3A_44, %jit3A : i32
      %ne3A_59 = arith.constant 0 : i32
      %ne3A_60 = arith.cmpi ne, %rem3A, %ne3A_59 : i32
      %and3A = arith.andi %ne3A, %ne3A_60 : i1
      %sub3A = arith.constant 1 : i32
      %sub3A_61 = arith.subi %div3A, %sub3A : i32
      %select_n3A = arith.select %and3A, %sub3A_61, %div3A : i32
      %jit3A_62 = arith.constant 8 : i32
      %eq3A = arith.constant 0 : i32
      %eq3A_63 = arith.cmpi eq, %jit3A_62, %eq3A : i32
      %jit3A_64 = arith.constant 1 : i32
      %select_n3A_65 = arith.select %eq3A_63, %jit3A_64, %jit3A_62 : i32
      %rem3A_66 = arith.remsi %scan3A_44, %select_n3A_65 : i32
      %ne3A_67 = arith.constant 0 : i32
      %ne3A_68 = arith.cmpi ne, %rem3A_66, %ne3A_67 : i32
      %lt3A = arith.constant 0 : i32
      %lt3A_69 = arith.cmpi slt, %rem3A_66, %lt3A : i32
      %lt3A_70 = arith.constant 0 : i32
      %lt3A_71 = arith.cmpi slt, %select_n3A_65, %lt3A_70 : i32
      %ne3A_72 = arith.xori %lt3A_69, %lt3A_71 : i1
      %and3A_73 = arith.andi %ne3A_72, %ne3A_68 : i1
      %add3A_74 = arith.addi %rem3A_66, %select_n3A_65 : i32
      %select_n3A_75 = arith.select %and3A_73, %add3A_74, %rem3A_66 : i32
      %broadcast_in_dim3A = arith.constant 0.000000e+00 : f32
      %broadcast_in_dim3A_76 = vector.broadcast %broadcast_in_dim3A : f32 to vector<16xf32>
      %mul3A_77 = arith.constant 16 : i32
      %mul3A_78 = arith.muli %select_n3A_75, %mul3A_77 : i32
      %swap3A = arith.index_cast %select_n3A : i32 to index
      %swap3A_79 = arith.index_cast %mul3A_78 : i32 to index
      %swap3A_80 = tpu.vector_load %arg8[%swap3A, %swap3A_79] {strides = array<i32>} : memref<125x128xf32, #tpu.memory_space<vmem>>, vector<1x16xf32>,
      %swap3A_81 = vector.shape_cast %swap3A_80 : vector<1x16xf32> to vector<16xf32>
      %swap3A_82 = vector.shape_cast %broadcast_in_dim3A_76 : vector<16xf32> to vector<1x16xf32>
      tpu.vector_store %arg8[%swap3A, %swap3A_79], %swap3A_82 {strides = array<i32>} : memref<125x128xf32, #tpu.memory_space<vmem>>, vector<1x16xf32>,
      %scan3A_83 = arith.constant 0 : i32
      scf.yield %scan3A_83 : i32
    }
    %scan3A_6 = arith.constant 1000 : i32
    %mul3A_7 = arith.constant 632 : i32
    %mul3A_8 = arith.muli %arg1, %mul3A_7 : i32
    %scan3A_9 = arith.constant 0 : i32
    %scan3A_10 = arith.constant 0 : i32
    %scan3A_11 = arith.constant 5 : i32
    %scan3A_12 = arith.addi %scan3A_10, %scan3A_11 : i32
    %scan3A_13 = arith.constant 1 : i32
    %scan3A_14 = scf.for %scan3A_44 = %scan3A_10 to %scan3A_12 step %scan3A_13 iter_args(%scan3A_45 = %scan3A_9) -> (i32)  : i32 {
      %mul3A_46 = arith.constant 120 : i32
      %mul3A_47 = arith.muli %scan3A_44, %mul3A_46 : i32
      %add3A_48 = arith.addi %mul3A_8, %mul3A_47 : i32
      "tpu.region"() ({
        %run_scoped3A = tpu.sem_alloc : memref<!tpu.dma_semaphore, #tpu.memory_space<semaphore_mem>>
        %dma_start3A = arith.constant 0 : i32
        %dma_start3A_50 = arith.constant 0 : i32
        %dma_start3A_51 = tpu.memref_slice %arg8[%dma_start3A, %dma_start3A_50] : memref<125x128xf32, #tpu.memory_space<vmem>> -> memref<120x128xf32, #tpu.memory_space<vmem>>
        %dma_start3A_52 = arith.constant 0 : i32
        %dma_start3A_53 = tpu.memref_slice %arg12[%add3A_48, %dma_start3A_52] : memref<10112x128xf32, #tpu.memory_space<vmem_shared>> -> memref<120x128xf32, #tpu.memory_space<vmem_shared>>
        %dma_start3A_54 = arith.constant 0 : i32
        %dma_start3A_55 = tpu.memref_slice %arg12[%add3A_48, %dma_start3A_54] : memref<10112x128xf32, #tpu.memory_space<vmem_shared>> -> memref<120x128xf32, #tpu.memory_space<vmem_shared>>
        %dma_start3A_56 = arith.constant 0 : i32
        %dma_start3A_57 = arith.constant 0 : i32
        %dma_start3A_58 = tpu.memref_slice %arg8[%dma_start3A_56, %dma_start3A_57] : memref<125x128xf32, #tpu.memory_space<vmem>> -> memref<120x128xf32, #tpu.memory_space<vmem>>
        tpu.enqueue_dma source(%dma_start3A_58 : memref<120x128xf32, #tpu.memory_space<vmem>>) target(%dma_start3A_55 : memref<120x128xf32, #tpu.memory_space<vmem_shared>>) target_semaphore(%run_scoped3A : memref<!tpu.dma_semaphore, #tpu.memory_space<semaphore_mem>>)
        %dma_wait3A = arith.constant 0 : i32
        %dma_wait3A_59 = arith.constant 0 : i32
        %dma_wait3A_60 = tpu.memref_slice %arg8[%dma_wait3A, %dma_wait3A_59] : memref<125x128xf32, #tpu.memory_space<vmem>> -> memref<120x128xf32, #tpu.memory_space<vmem>>
        %dma_wait3A_61 = arith.constant 0 : i32
        %dma_wait3A_62 = tpu.memref_slice %arg12[%add3A_48, %dma_wait3A_61] : memref<10112x128xf32, #tpu.memory_space<vmem_shared>> -> memref<120x128xf32, #tpu.memory_space<vmem_shared>>
        %dma_wait3A_63 = arith.constant 0 : i32
        %dma_wait3A_64 = tpu.memref_slice %arg12[%add3A_48, %dma_wait3A_63] : memref<10112x128xf32, #tpu.memory_space<vmem_shared>> -> memref<120x128xf32, #tpu.memory_space<vmem_shared>>
        %dma_wait3A_65 = arith.constant 0 : i32
        %dma_wait3A_66 = arith.constant 0 : i32
        %dma_wait3A_67 = tpu.memref_slice %arg8[%dma_wait3A_65, %dma_wait3A_66] : memref<125x128xf32, #tpu.memory_space<vmem>> -> memref<120x128xf32, #tpu.memory_space<vmem>>
        tpu.wait_dma2 semaphore(%run_scoped3A : memref<!tpu.dma_semaphore, #tpu.memory_space<semaphore_mem>>) src(%dma_wait3A_67 : memref<120x128xf32, #tpu.memory_space<vmem>>) dst(%dma_wait3A_64 : memref<120x128xf32, #tpu.memory_space<vmem_shared>>)
        tpu.yield
      }) : () -> ()
      %scan3A_49 = arith.constant 0 : i32
      scf.yield %scan3A_49 : i32
    }
    %scan3A_15 = arith.constant 5 : i32
    %add3A_16 = arith.constant 600 : i32
    %add3A_17 = arith.addi %mul3A_8, %add3A_16 : i32
    "tpu.region"() ({
      %run_scoped3A = tpu.sem_alloc : memref<!tpu.dma_semaphore, #tpu.memory_space<semaphore_mem>>
      %dma_start3A = arith.constant 0 : i32
      %dma_start3A_44 = arith.constant 0 : i32
      %dma_start3A_45 = tpu.memref_slice %arg8[%dma_start3A, %dma_start3A_44] : memref<125x128xf32, #tpu.memory_space<vmem>> -> memref<32x128xf32, #tpu.memory_space<vmem>>
      %dma_start3A_46 = arith.constant 0 : i32
      %dma_start3A_47 = tpu.memref_slice %arg12[%add3A_17, %dma_start3A_46] : memref<10112x128xf32, #tpu.memory_space<vmem_shared>> -> memref<32x128xf32, #tpu.memory_space<vmem_shared>>
      %dma_start3A_48 = arith.constant 0 : i32
      %dma_start3A_49 = tpu.memref_slice %arg12[%add3A_17, %dma_start3A_48] : memref<10112x128xf32, #tpu.memory_space<vmem_shared>> -> memref<32x128xf32, #tpu.memory_space<vmem_shared>>
      %dma_start3A_50 = arith.constant 0 : i32
      %dma_start3A_51 = arith.constant 0 : i32
      %dma_start3A_52 = tpu.memref_slice %arg8[%dma_start3A_50, %dma_start3A_51] : memref<125x128xf32, #tpu.memory_space<vmem>> -> memref<32x128xf32, #tpu.memory_space<vmem>>
      tpu.enqueue_dma source(%dma_start3A_52 : memref<32x128xf32, #tpu.memory_space<vmem>>) target(%dma_start3A_49 : memref<32x128xf32, #tpu.memory_space<vmem_shared>>) target_semaphore(%run_scoped3A : memref<!tpu.dma_semaphore, #tpu.memory_space<semaphore_mem>>)
      %dma_wait3A = arith.constant 0 : i32
      %dma_wait3A_53 = arith.constant 0 : i32
      %dma_wait3A_54 = tpu.memref_slice %arg8[%dma_wait3A, %dma_wait3A_53] : memref<125x128xf32, #tpu.memory_space<vmem>> -> memref<32x128xf32, #tpu.memory_space<vmem>>
      %dma_wait3A_55 = arith.constant 0 : i32
      %dma_wait3A_56 = tpu.memref_slice %arg12[%add3A_17, %dma_wait3A_55] : memref<10112x128xf32, #tpu.memory_space<vmem_shared>> -> memref<32x128xf32, #tpu.memory_space<vmem_shared>>
      %dma_wait3A_57 = arith.constant 0 : i32
      %dma_wait3A_58 = tpu.memref_slice %arg12[%add3A_17, %dma_wait3A_57] : memref<10112x128xf32, #tpu.memory_space<vmem_shared>> -> memref<32x128xf32, #tpu.memory_space<vmem_shared>>
      %dma_wait3A_59 = arith.constant 0 : i32
      %dma_wait3A_60 = arith.constant 0 : i32
      %dma_wait3A_61 = tpu.memref_slice %arg8[%dma_wait3A_59, %dma_wait3A_60] : memref<125x128xf32, #tpu.memory_space<vmem>> -> memref<32x128xf32, #tpu.memory_space<vmem>>
      tpu.wait_dma2 semaphore(%run_scoped3A : memref<!tpu.dma_semaphore, #tpu.memory_space<semaphore_mem>>) src(%dma_wait3A_61 : memref<32x128xf32, #tpu.memory_space<vmem>>) dst(%dma_wait3A_58 : memref<32x128xf32, #tpu.memory_space<vmem_shared>>)
      tpu.yield
    }) : () -> ()
    %barrier3A = arith.constant 0 : index
    tpu.barrier barrier_id(%barrier3A)
    "tpu.region"() ({
      %run_scoped3A = tpu.sem_alloc : memref<!tpu.dma_semaphore, #tpu.memory_space<semaphore_mem>>
      %dma_start3A = arith.constant 0 : i32
      %dma_start3A_44 = arith.constant 0 : i32
      %dma_start3A_45 = tpu.memref_slice %arg3[%add3A, %dma_start3A, %dma_start3A_44] : memref<32x80x128xi32, #tpu.memory_space<hbm>> -> memref<1x80x128xi32, #tpu.memory_space<hbm>>
      %dma_start3A_46 = tpu.memref_squeeze %dma_start3A_45 : memref<1x80x128xi32, #tpu.memory_space<hbm>> -> memref<80x128xi32, #tpu.memory_space<hbm>>
      %dma_start3A_47 = arith.constant 0 : i32
      %dma_start3A_48 = arith.constant 0 : i32
      %dma_start3A_49 = tpu.memref_slice %dma_start3A_46[%dma_start3A_47, %dma_start3A_48] : memref<80x128xi32, #tpu.memory_space<hbm>> -> memref<40x128xi32, #tpu.memory_space<hbm>>
      %dma_start3A_50 = arith.constant 0 : i32
      %dma_start3A_51 = arith.constant 0 : i32
      %dma_start3A_52 = tpu.memref_slice %arg3[%add3A, %dma_start3A_50, %dma_start3A_51] : memref<32x80x128xi32, #tpu.memory_space<hbm>> -> memref<1x80x128xi32, #tpu.memory_space<hbm>>
      %dma_start3A_53 = tpu.memref_squeeze %dma_start3A_52 : memref<1x80x128xi32, #tpu.memory_space<hbm>> -> memref<80x128xi32, #tpu.memory_space<hbm>>
      %dma_start3A_54 = arith.constant 0 : i32
      %dma_start3A_55 = arith.constant 0 : i32
      %dma_start3A_56 = tpu.memref_slice %dma_start3A_53[%dma_start3A_54, %dma_start3A_55] : memref<80x128xi32, #tpu.memory_space<hbm>> -> memref<40x128xi32, #tpu.memory_space<hbm>>
      tpu.enqueue_dma source(%dma_start3A_56 : memref<40x128xi32, #tpu.memory_space<hbm>>) target(%arg6 : memref<40x128xi32, #tpu.memory_space<vmem>>) target_semaphore(%run_scoped3A : memref<!tpu.dma_semaphore, #tpu.memory_space<semaphore_mem>>)
      %dma_wait3A = arith.constant 0 : i32
      %dma_wait3A_57 = arith.constant 0 : i32
      %dma_wait3A_58 = tpu.memref_slice %arg3[%add3A, %dma_wait3A, %dma_wait3A_57] : memref<32x80x128xi32, #tpu.memory_space<hbm>> -> memref<1x80x128xi32, #tpu.memory_space<hbm>>
      %dma_wait3A_59 = tpu.memref_squeeze %dma_wait3A_58 : memref<1x80x128xi32, #tpu.memory_space<hbm>> -> memref<80x128xi32, #tpu.memory_space<hbm>>
      %dma_wait3A_60 = arith.constant 0 : i32
      %dma_wait3A_61 = arith.constant 0 : i32
      %dma_wait3A_62 = tpu.memref_slice %dma_wait3A_59[%dma_wait3A_60, %dma_wait3A_61] : memref<80x128xi32, #tpu.memory_space<hbm>> -> memref<40x128xi32, #tpu.memory_space<hbm>>
      %dma_wait3A_63 = arith.constant 0 : i32
      %dma_wait3A_64 = arith.constant 0 : i32
      %dma_wait3A_65 = tpu.memref_slice %arg3[%add3A, %dma_wait3A_63, %dma_wait3A_64] : memref<32x80x128xi32, #tpu.memory_space<hbm>> -> memref<1x80x128xi32, #tpu.memory_space<hbm>>
      %dma_wait3A_66 = tpu.memref_squeeze %dma_wait3A_65 : memref<1x80x128xi32, #tpu.memory_space<hbm>> -> memref<80x128xi32, #tpu.memory_space<hbm>>
      %dma_wait3A_67 = arith.constant 0 : i32
      %dma_wait3A_68 = arith.constant 0 : i32
      %dma_wait3A_69 = tpu.memref_slice %dma_wait3A_66[%dma_wait3A_67, %dma_wait3A_68] : memref<80x128xi32, #tpu.memory_space<hbm>> -> memref<40x128xi32, #tpu.memory_space<hbm>>
      tpu.wait_dma2 semaphore(%run_scoped3A : memref<!tpu.dma_semaphore, #tpu.memory_space<semaphore_mem>>) src(%dma_wait3A_69 : memref<40x128xi32, #tpu.memory_space<hbm>>) dst(%arg6 : memref<40x128xi32, #tpu.memory_space<vmem>>)
      tpu.yield
    }) : () -> ()
    "tpu.region"() ({
      %run_scoped3A = tpu.sem_alloc : memref<!tpu.dma_semaphore, #tpu.memory_space<semaphore_mem>>
      %dma_start3A = arith.constant 0 : i32
      %dma_start3A_44 = arith.constant 0 : i32
      %dma_start3A_45 = tpu.memref_slice %arg4[%add3A, %dma_start3A, %dma_start3A_44] : memref<32x80x128xi32, #tpu.memory_space<hbm>> -> memref<1x80x128xi32, #tpu.memory_space<hbm>>
      %dma_start3A_46 = tpu.memref_squeeze %dma_start3A_45 : memref<1x80x128xi32, #tpu.memory_space<hbm>> -> memref<80x128xi32, #tpu.memory_space<hbm>>
      %dma_start3A_47 = arith.constant 0 : i32
      %dma_start3A_48 = arith.constant 0 : i32
      %dma_start3A_49 = tpu.memref_slice %dma_start3A_46[%dma_start3A_47, %dma_start3A_48] : memref<80x128xi32, #tpu.memory_space<hbm>> -> memref<40x128xi32, #tpu.memory_space<hbm>>
      %dma_start3A_50 = arith.constant 0 : i32
      %dma_start3A_51 = arith.constant 0 : i32
      %dma_start3A_52 = tpu.memref_slice %arg4[%add3A, %dma_start3A_50, %dma_start3A_51] : memref<32x80x128xi32, #tpu.memory_space<hbm>> -> memref<1x80x128xi32, #tpu.memory_space<hbm>>
      %dma_start3A_53 = tpu.memref_squeeze %dma_start3A_52 : memref<1x80x128xi32, #tpu.memory_space<hbm>> -> memref<80x128xi32, #tpu.memory_space<hbm>>
      %dma_start3A_54 = arith.constant 0 : i32
      %dma_start3A_55 = arith.constant 0 : i32
      %dma_start3A_56 = tpu.memref_slice %dma_start3A_53[%dma_start3A_54, %dma_start3A_55] : memref<80x128xi32, #tpu.memory_space<hbm>> -> memref<40x128xi32, #tpu.memory_space<hbm>>
      tpu.enqueue_dma source(%dma_start3A_56 : memref<40x128xi32, #tpu.memory_space<hbm>>) target(%arg7 : memref<40x128xi32, #tpu.memory_space<vmem>>) target_semaphore(%run_scoped3A : memref<!tpu.dma_semaphore, #tpu.memory_space<semaphore_mem>>)
      %dma_wait3A = arith.constant 0 : i32
      %dma_wait3A_57 = arith.constant 0 : i32
      %dma_wait3A_58 = tpu.memref_slice %arg4[%add3A, %dma_wait3A, %dma_wait3A_57] : memref<32x80x128xi32, #tpu.memory_space<hbm>> -> memref<1x80x128xi32, #tpu.memory_space<hbm>>
      %dma_wait3A_59 = tpu.memref_squeeze %dma_wait3A_58 : memref<1x80x128xi32, #tpu.memory_space<hbm>> -> memref<80x128xi32, #tpu.memory_space<hbm>>
      %dma_wait3A_60 = arith.constant 0 : i32
      %dma_wait3A_61 = arith.constant 0 : i32
      %dma_wait3A_62 = tpu.memref_slice %dma_wait3A_59[%dma_wait3A_60, %dma_wait3A_61] : memref<80x128xi32, #tpu.memory_space<hbm>> -> memref<40x128xi32, #tpu.memory_space<hbm>>
      %dma_wait3A_63 = arith.constant 0 : i32
      %dma_wait3A_64 = arith.constant 0 : i32
      %dma_wait3A_65 = tpu.memref_slice %arg4[%add3A, %dma_wait3A_63, %dma_wait3A_64] : memref<32x80x128xi32, #tpu.memory_space<hbm>> -> memref<1x80x128xi32, #tpu.memory_space<hbm>>
      %dma_wait3A_66 = tpu.memref_squeeze %dma_wait3A_65 : memref<1x80x128xi32, #tpu.memory_space<hbm>> -> memref<80x128xi32, #tpu.memory_space<hbm>>
      %dma_wait3A_67 = arith.constant 0 : i32
      %dma_wait3A_68 = arith.constant 0 : i32
      %dma_wait3A_69 = tpu.memref_slice %dma_wait3A_66[%dma_wait3A_67, %dma_wait3A_68] : memref<80x128xi32, #tpu.memory_space<hbm>> -> memref<40x128xi32, #tpu.memory_space<hbm>>
      tpu.wait_dma2 semaphore(%run_scoped3A : memref<!tpu.dma_semaphore, #tpu.memory_space<semaphore_mem>>) src(%dma_wait3A_69 : memref<40x128xi32, #tpu.memory_space<hbm>>) dst(%arg7 : memref<40x128xi32, #tpu.memory_space<vmem>>)
      tpu.yield
    }) : () -> ()
    %scan3A_18 = arith.constant 0 : i32
    %scan3A_19 = arith.constant 0 : i32
    %scan3A_20 = arith.constant 40 : i32
    %scan3A_21 = arith.addi %scan3A_19, %scan3A_20 : i32
    %scan3A_22 = arith.constant 1 : i32
    %scan3A_23 = scf.for %scan3A_44 = %scan3A_19 to %scan3A_21 step %scan3A_22 iter_args(%scan3A_45 = %scan3A_18) -> (i32)  : i32 {
      "tpu.region"() ({
        %run_scoped3A = tpu.sem_alloc : memref<!tpu.dma_semaphore, #tpu.memory_space<semaphore_mem>>
        %dma_start3A = arith.constant 0 : i32
        %dma_start3A_47 = tpu.memref_slice %arg6[%scan3A_44, %dma_start3A] : memref<40x128xi32, #tpu.memory_space<vmem>> -> memref<1x128xi32, #tpu.memory_space<vmem>>
        %dma_start3A_48 = tpu.memref_squeeze %dma_start3A_47 : memref<1x128xi32, #tpu.memory_space<vmem>> -> memref<128xi32, #tpu.memory_space<vmem>>
        %dma_start3A_49 = arith.constant 0 : i32
        %dma_start3A_50 = tpu.memref_slice %dma_start3A_48[%dma_start3A_49] : memref<128xi32, #tpu.memory_space<vmem>> -> memref<125xi32, #tpu.memory_space<vmem>>
        %dma_start3A_51 = arith.constant 0 : i32
        %dma_start3A_52 = arith.constant 0 : i32
        %dma_start3A_53 = tpu.memref_slice %arg2[%dma_start3A_51, %dma_start3A_52] : memref<10000x128xf32, #tpu.memory_space<hbm>> -> memref<10000x128xf32, #tpu.memory_space<hbm>>
        tpu.enqueue_indirect_dma source(%dma_start3A_53 : memref<10000x128xf32, #tpu.memory_space<hbm>>) target(%arg8 : memref<125x128xf32, #tpu.memory_space<vmem>>) offsets(%dma_start3A_50 : memref<125xi32, #tpu.memory_space<vmem>>) semaphore(%run_scoped3A : memref<!tpu.dma_semaphore, #tpu.memory_space<semaphore_mem>>)
        %dma_wait3A = arith.constant 0 : i32
        %dma_wait3A_54 = tpu.memref_slice %arg6[%scan3A_44, %dma_wait3A] : memref<40x128xi32, #tpu.memory_space<vmem>> -> memref<1x128xi32, #tpu.memory_space<vmem>>
        %dma_wait3A_55 = tpu.memref_squeeze %dma_wait3A_54 : memref<1x128xi32, #tpu.memory_space<vmem>> -> memref<128xi32, #tpu.memory_space<vmem>>
        %dma_wait3A_56 = arith.constant 0 : i32
        %dma_wait3A_57 = tpu.memref_slice %dma_wait3A_55[%dma_wait3A_56] : memref<128xi32, #tpu.memory_space<vmem>> -> memref<125xi32, #tpu.memory_space<vmem>>
        %dma_wait3A_58 = arith.constant 0 : i32
        %dma_wait3A_59 = arith.constant 0 : i32
        %dma_wait3A_60 = tpu.memref_slice %arg2[%dma_wait3A_58, %dma_wait3A_59] : memref<10000x128xf32, #tpu.memory_space<hbm>> -> memref<10000x128xf32, #tpu.memory_space<hbm>>
        tpu.wait_indirect_dma semaphore(%run_scoped3A : memref<!tpu.dma_semaphore, #tpu.memory_space<semaphore_mem>>) src(%dma_wait3A_60 : memref<10000x128xf32, #tpu.memory_space<hbm>>) dst(%arg8 : memref<125x128xf32, #tpu.memory_space<vmem>>)
        tpu.yield
      }) : () -> ()
      "tpu.region"() ({
        %run_scoped3A = tpu.sem_alloc : memref<!tpu.dma_semaphore, #tpu.memory_space<semaphore_mem>>
        %dma_start3A = arith.constant 0 : i32
        %dma_start3A_47 = tpu.memref_slice %arg7[%scan3A_44, %dma_start3A] : memref<40x128xi32, #tpu.memory_space<vmem>> -> memref<1x128xi32, #tpu.memory_space<vmem>>
        %dma_start3A_48 = tpu.memref_squeeze %dma_start3A_47 : memref<1x128xi32, #tpu.memory_space<vmem>> -> memref<128xi32, #tpu.memory_space<vmem>>
        %dma_start3A_49 = arith.constant 0 : i32
        %dma_start3A_50 = tpu.memref_slice %dma_start3A_48[%dma_start3A_49] : memref<128xi32, #tpu.memory_space<vmem>> -> memref<125xi32, #tpu.memory_space<vmem>>
        %dma_start3A_51 = arith.constant 0 : i32
        %dma_start3A_52 = arith.constant 0 : i32
        %dma_start3A_53 = tpu.memref_slice %arg12[%dma_start3A_51, %dma_start3A_52] : memref<10112x128xf32, #tpu.memory_space<vmem_shared>> -> memref<10112x128xf32, #tpu.memory_space<vmem_shared>>
        tpu.enqueue_indirect_dma source(%arg8 : memref<125x128xf32, #tpu.memory_space<vmem>>) target(%dma_start3A_53 : memref<10112x128xf32, #tpu.memory_space<vmem_shared>>) offsets(%dma_start3A_50 : memref<125xi32, #tpu.memory_space<vmem>>) semaphore(%run_scoped3A : memref<!tpu.dma_semaphore, #tpu.memory_space<semaphore_mem>>) {add = true}
        %dma_wait3A = arith.constant 0 : i32
        %dma_wait3A_54 = tpu.memref_slice %arg7[%scan3A_44, %dma_wait3A] : memref<40x128xi32, #tpu.memory_space<vmem>> -> memref<1x128xi32, #tpu.memory_space<vmem>>
        %dma_wait3A_55 = tpu.memref_squeeze %dma_wait3A_54 : memref<1x128xi32, #tpu.memory_space<vmem>> -> memref<128xi32, #tpu.memory_space<vmem>>
        %dma_wait3A_56 = arith.constant 0 : i32
        %dma_wait3A_57 = tpu.memref_slice %dma_wait3A_55[%dma_wait3A_56] : memref<128xi32, #tpu.memory_space<vmem>> -> memref<125xi32, #tpu.memory_space<vmem>>
        %dma_wait3A_58 = arith.constant 0 : i32
        %dma_wait3A_59 = arith.constant 0 : i32
        %dma_wait3A_60 = tpu.memref_slice %arg12[%dma_wait3A_58, %dma_wait3A_59] : memref<10112x128xf32, #tpu.memory_space<vmem_shared>> -> memref<10112x128xf32, #tpu.memory_space<vmem_shared>>
        tpu.wait_indirect_dma semaphore(%run_scoped3A : memref<!tpu.dma_semaphore, #tpu.memory_space<semaphore_mem>>) src(%arg8 : memref<125x128xf32, #tpu.memory_space<vmem>>) dst(%dma_wait3A_60 : memref<10112x128xf32, #tpu.memory_space<vmem_shared>>)
        tpu.yield
      }) : () -> ()
      %scan3A_46 = arith.constant 0 : i32
      scf.yield %scan3A_46 : i32
    }
    %scan3A_24 = arith.constant 40 : i32
    "tpu.region"() ({
      %run_scoped3A = tpu.sem_alloc : memref<!tpu.dma_semaphore, #tpu.memory_space<semaphore_mem>>
      %dma_start3A = arith.constant 0 : i32
      %dma_start3A_44 = arith.constant 0 : i32
      %dma_start3A_45 = tpu.memref_slice %arg3[%add3A, %dma_start3A, %dma_start3A_44] : memref<32x80x128xi32, #tpu.memory_space<hbm>> -> memref<1x80x128xi32, #tpu.memory_space<hbm>>
      %dma_start3A_46 = tpu.memref_squeeze %dma_start3A_45 : memref<1x80x128xi32, #tpu.memory_space<hbm>> -> memref<80x128xi32, #tpu.memory_space<hbm>>
      %dma_start3A_47 = arith.constant 40 : i32
      %dma_start3A_48 = arith.constant 0 : i32
      %dma_start3A_49 = tpu.memref_slice %dma_start3A_46[%dma_start3A_47, %dma_start3A_48] : memref<80x128xi32, #tpu.memory_space<hbm>> -> memref<40x128xi32, #tpu.memory_space<hbm>>
      %dma_start3A_50 = arith.constant 0 : i32
      %dma_start3A_51 = arith.constant 0 : i32
      %dma_start3A_52 = tpu.memref_slice %arg3[%add3A, %dma_start3A_50, %dma_start3A_51] : memref<32x80x128xi32, #tpu.memory_space<hbm>> -> memref<1x80x128xi32, #tpu.memory_space<hbm>>
      %dma_start3A_53 = tpu.memref_squeeze %dma_start3A_52 : memref<1x80x128xi32, #tpu.memory_space<hbm>> -> memref<80x128xi32, #tpu.memory_space<hbm>>
      %dma_start3A_54 = arith.constant 40 : i32
      %dma_start3A_55 = arith.constant 0 : i32
      %dma_start3A_56 = tpu.memref_slice %dma_start3A_53[%dma_start3A_54, %dma_start3A_55] : memref<80x128xi32, #tpu.memory_space<hbm>> -> memref<40x128xi32, #tpu.memory_space<hbm>>
      tpu.enqueue_dma source(%dma_start3A_56 : memref<40x128xi32, #tpu.memory_space<hbm>>) target(%arg6 : memref<40x128xi32, #tpu.memory_space<vmem>>) target_semaphore(%run_scoped3A : memref<!tpu.dma_semaphore, #tpu.memory_space<semaphore_mem>>)
      %dma_wait3A = arith.constant 0 : i32
      %dma_wait3A_57 = arith.constant 0 : i32
      %dma_wait3A_58 = tpu.memref_slice %arg3[%add3A, %dma_wait3A, %dma_wait3A_57] : memref<32x80x128xi32, #tpu.memory_space<hbm>> -> memref<1x80x128xi32, #tpu.memory_space<hbm>>
      %dma_wait3A_59 = tpu.memref_squeeze %dma_wait3A_58 : memref<1x80x128xi32, #tpu.memory_space<hbm>> -> memref<80x128xi32, #tpu.memory_space<hbm>>
      %dma_wait3A_60 = arith.constant 40 : i32
      %dma_wait3A_61 = arith.constant 0 : i32
      %dma_wait3A_62 = tpu.memref_slice %dma_wait3A_59[%dma_wait3A_60, %dma_wait3A_61] : memref<80x128xi32, #tpu.memory_space<hbm>> -> memref<40x128xi32, #tpu.memory_space<hbm>>
      %dma_wait3A_63 = arith.constant 0 : i32
      %dma_wait3A_64 = arith.constant 0 : i32
      %dma_wait3A_65 = tpu.memref_slice %arg3[%add3A, %dma_wait3A_63, %dma_wait3A_64] : memref<32x80x128xi32, #tpu.memory_space<hbm>> -> memref<1x80x128xi32, #tpu.memory_space<hbm>>
      %dma_wait3A_66 = tpu.memref_squeeze %dma_wait3A_65 : memref<1x80x128xi32, #tpu.memory_space<hbm>> -> memref<80x128xi32, #tpu.memory_space<hbm>>
      %dma_wait3A_67 = arith.constant 40 : i32
      %dma_wait3A_68 = arith.constant 0 : i32
      %dma_wait3A_69 = tpu.memref_slice %dma_wait3A_66[%dma_wait3A_67, %dma_wait3A_68] : memref<80x128xi32, #tpu.memory_space<hbm>> -> memref<40x128xi32, #tpu.memory_space<hbm>>
      tpu.wait_dma2 semaphore(%run_scoped3A : memref<!tpu.dma_semaphore, #tpu.memory_space<semaphore_mem>>) src(%dma_wait3A_69 : memref<40x128xi32, #tpu.memory_space<hbm>>) dst(%arg6 : memref<40x128xi32, #tpu.memory_space<vmem>>)
      tpu.yield
    }) : () -> ()
    "tpu.region"() ({
      %run_scoped3A = tpu.sem_alloc : memref<!tpu.dma_semaphore, #tpu.memory_space<semaphore_mem>>
      %dma_start3A = arith.constant 0 : i32
      %dma_start3A_44 = arith.constant 0 : i32
      %dma_start3A_45 = tpu.memref_slice %arg4[%add3A, %dma_start3A, %dma_start3A_44] : memref<32x80x128xi32, #tpu.memory_space<hbm>> -> memref<1x80x128xi32, #tpu.memory_space<hbm>>
      %dma_start3A_46 = tpu.memref_squeeze %dma_start3A_45 : memref<1x80x128xi32, #tpu.memory_space<hbm>> -> memref<80x128xi32, #tpu.memory_space<hbm>>
      %dma_start3A_47 = arith.constant 40 : i32
      %dma_start3A_48 = arith.constant 0 : i32
      %dma_start3A_49 = tpu.memref_slice %dma_start3A_46[%dma_start3A_47, %dma_start3A_48] : memref<80x128xi32, #tpu.memory_space<hbm>> -> memref<40x128xi32, #tpu.memory_space<hbm>>
      %dma_start3A_50 = arith.constant 0 : i32
      %dma_start3A_51 = arith.constant 0 : i32
      %dma_start3A_52 = tpu.memref_slice %arg4[%add3A, %dma_start3A_50, %dma_start3A_51] : memref<32x80x128xi32, #tpu.memory_space<hbm>> -> memref<1x80x128xi32, #tpu.memory_space<hbm>>
      %dma_start3A_53 = tpu.memref_squeeze %dma_start3A_52 : memref<1x80x128xi32, #tpu.memory_space<hbm>> -> memref<80x128xi32, #tpu.memory_space<hbm>>
      %dma_start3A_54 = arith.constant 40 : i32
      %dma_start3A_55 = arith.constant 0 : i32
      %dma_start3A_56 = tpu.memref_slice %dma_start3A_53[%dma_start3A_54, %dma_start3A_55] : memref<80x128xi32, #tpu.memory_space<hbm>> -> memref<40x128xi32, #tpu.memory_space<hbm>>
      tpu.enqueue_dma source(%dma_start3A_56 : memref<40x128xi32, #tpu.memory_space<hbm>>) target(%arg7 : memref<40x128xi32, #tpu.memory_space<vmem>>) target_semaphore(%run_scoped3A : memref<!tpu.dma_semaphore, #tpu.memory_space<semaphore_mem>>)
      %dma_wait3A = arith.constant 0 : i32
      %dma_wait3A_57 = arith.constant 0 : i32
      %dma_wait3A_58 = tpu.memref_slice %arg4[%add3A, %dma_wait3A, %dma_wait3A_57] : memref<32x80x128xi32, #tpu.memory_space<hbm>> -> memref<1x80x128xi32, #tpu.memory_space<hbm>>
      %dma_wait3A_59 = tpu.memref_squeeze %dma_wait3A_58 : memref<1x80x128xi32, #tpu.memory_space<hbm>> -> memref<80x128xi32, #tpu.memory_space<hbm>>
      %dma_wait3A_60 = arith.constant 40 : i32
      %dma_wait3A_61 = arith.constant 0 : i32
      %dma_wait3A_62 = tpu.memref_slice %dma_wait3A_59[%dma_wait3A_60, %dma_wait3A_61] : memref<80x128xi32, #tpu.memory_space<hbm>> -> memref<40x128xi32, #tpu.memory_space<hbm>>
      %dma_wait3A_63 = arith.constant 0 : i32
      %dma_wait3A_64 = arith.constant 0 : i32
      %dma_wait3A_65 = tpu.memref_slice %arg4[%add3A, %dma_wait3A_63, %dma_wait3A_64] : memref<32x80x128xi32, #tpu.memory_space<hbm>> -> memref<1x80x128xi32, #tpu.memory_space<hbm>>
      %dma_wait3A_66 = tpu.memref_squeeze %dma_wait3A_65 : memref<1x80x128xi32, #tpu.memory_space<hbm>> -> memref<80x128xi32, #tpu.memory_space<hbm>>
      %dma_wait3A_67 = arith.constant 40 : i32
      %dma_wait3A_68 = arith.constant 0 : i32
      %dma_wait3A_69 = tpu.memref_slice %dma_wait3A_66[%dma_wait3A_67, %dma_wait3A_68] : memref<80x128xi32, #tpu.memory_space<hbm>> -> memref<40x128xi32, #tpu.memory_space<hbm>>
      tpu.wait_dma2 semaphore(%run_scoped3A : memref<!tpu.dma_semaphore, #tpu.memory_space<semaphore_mem>>) src(%dma_wait3A_69 : memref<40x128xi32, #tpu.memory_space<hbm>>) dst(%arg7 : memref<40x128xi32, #tpu.memory_space<vmem>>)
      tpu.yield
    }) : () -> ()
    %scan3A_25 = arith.constant 0 : i32
    %scan3A_26 = arith.constant 0 : i32
    %scan3A_27 = arith.constant 40 : i32
    %scan3A_28 = arith.addi %scan3A_26, %scan3A_27 : i32
    %scan3A_29 = arith.constant 1 : i32
    %scan3A_30 = scf.for %scan3A_44 = %scan3A_26 to %scan3A_28 step %scan3A_29 iter_args(%scan3A_45 = %scan3A_25) -> (i32)  : i32 {
      "tpu.region"() ({
        %run_scoped3A = tpu.sem_alloc : memref<!tpu.dma_semaphore, #tpu.memory_space<semaphore_mem>>
        %dma_start3A = arith.constant 0 : i32
        %dma_start3A_47 = tpu.memref_slice %arg6[%scan3A_44, %dma_start3A] : memref<40x128xi32, #tpu.memory_space<vmem>> -> memref<1x128xi32, #tpu.memory_space<vmem>>
        %dma_start3A_48 = tpu.memref_squeeze %dma_start3A_47 : memref<1x128xi32, #tpu.memory_space<vmem>> -> memref<128xi32, #tpu.memory_space<vmem>>
        %dma_start3A_49 = arith.constant 0 : i32
        %dma_start3A_50 = tpu.memref_slice %dma_start3A_48[%dma_start3A_49] : memref<128xi32, #tpu.memory_space<vmem>> -> memref<125xi32, #tpu.memory_space<vmem>>
        %dma_start3A_51 = arith.constant 0 : i32
        %dma_start3A_52 = arith.constant 0 : i32
        %dma_start3A_53 = tpu.memref_slice %arg2[%dma_start3A_51, %dma_start3A_52] : memref<10000x128xf32, #tpu.memory_space<hbm>> -> memref<10000x128xf32, #tpu.memory_space<hbm>>
        tpu.enqueue_indirect_dma source(%dma_start3A_53 : memref<10000x128xf32, #tpu.memory_space<hbm>>) target(%arg8 : memref<125x128xf32, #tpu.memory_space<vmem>>) offsets(%dma_start3A_50 : memref<125xi32, #tpu.memory_space<vmem>>) semaphore(%run_scoped3A : memref<!tpu.dma_semaphore, #tpu.memory_space<semaphore_mem>>)
        %dma_wait3A = arith.constant 0 : i32
        %dma_wait3A_54 = tpu.memref_slice %arg6[%scan3A_44, %dma_wait3A] : memref<40x128xi32, #tpu.memory_space<vmem>> -> memref<1x128xi32, #tpu.memory_space<vmem>>
        %dma_wait3A_55 = tpu.memref_squeeze %dma_wait3A_54 : memref<1x128xi32, #tpu.memory_space<vmem>> -> memref<128xi32, #tpu.memory_space<vmem>>
        %dma_wait3A_56 = arith.constant 0 : i32
        %dma_wait3A_57 = tpu.memref_slice %dma_wait3A_55[%dma_wait3A_56] : memref<128xi32, #tpu.memory_space<vmem>> -> memref<125xi32, #tpu.memory_space<vmem>>
        %dma_wait3A_58 = arith.constant 0 : i32
        %dma_wait3A_59 = arith.constant 0 : i32
        %dma_wait3A_60 = tpu.memref_slice %arg2[%dma_wait3A_58, %dma_wait3A_59] : memref<10000x128xf32, #tpu.memory_space<hbm>> -> memref<10000x128xf32, #tpu.memory_space<hbm>>
        tpu.wait_indirect_dma semaphore(%run_scoped3A : memref<!tpu.dma_semaphore, #tpu.memory_space<semaphore_mem>>) src(%dma_wait3A_60 : memref<10000x128xf32, #tpu.memory_space<hbm>>) dst(%arg8 : memref<125x128xf32, #tpu.memory_space<vmem>>)
        tpu.yield
      }) : () -> ()
      "tpu.region"() ({
        %run_scoped3A = tpu.sem_alloc : memref<!tpu.dma_semaphore, #tpu.memory_space<semaphore_mem>>
        %dma_start3A = arith.constant 0 : i32
        %dma_start3A_47 = tpu.memref_slice %arg7[%scan3A_44, %dma_start3A] : memref<40x128xi32, #tpu.memory_space<vmem>> -> memref<1x128xi32, #tpu.memory_space<vmem>>
        %dma_start3A_48 = tpu.memref_squeeze %dma_start3A_47 : memref<1x128xi32, #tpu.memory_space<vmem>> -> memref<128xi32, #tpu.memory_space<vmem>>
        %dma_start3A_49 = arith.constant 0 : i32
        %dma_start3A_50 = tpu.memref_slice %dma_start3A_48[%dma_start3A_49] : memref<128xi32, #tpu.memory_space<vmem>> -> memref<125xi32, #tpu.memory_space<vmem>>
        %dma_start3A_51 = arith.constant 0 : i32
        %dma_start3A_52 = arith.constant 0 : i32
        %dma_start3A_53 = tpu.memref_slice %arg12[%dma_start3A_51, %dma_start3A_52] : memref<10112x128xf32, #tpu.memory_space<vmem_shared>> -> memref<10112x128xf32, #tpu.memory_space<vmem_shared>>
        tpu.enqueue_indirect_dma source(%arg8 : memref<125x128xf32, #tpu.memory_space<vmem>>) target(%dma_start3A_53 : memref<10112x128xf32, #tpu.memory_space<vmem_shared>>) offsets(%dma_start3A_50 : memref<125xi32, #tpu.memory_space<vmem>>) semaphore(%run_scoped3A : memref<!tpu.dma_semaphore, #tpu.memory_space<semaphore_mem>>) {add = true}
        %dma_wait3A = arith.constant 0 : i32
        %dma_wait3A_54 = tpu.memref_slice %arg7[%scan3A_44, %dma_wait3A] : memref<40x128xi32, #tpu.memory_space<vmem>> -> memref<1x128xi32, #tpu.memory_space<vmem>>
        %dma_wait3A_55 = tpu.memref_squeeze %dma_wait3A_54 : memref<1x128xi32, #tpu.memory_space<vmem>> -> memref<128xi32, #tpu.memory_space<vmem>>
        %dma_wait3A_56 = arith.constant 0 : i32
        %dma_wait3A_57 = tpu.memref_slice %dma_wait3A_55[%dma_wait3A_56] : memref<128xi32, #tpu.memory_space<vmem>> -> memref<125xi32, #tpu.memory_space<vmem>>
        %dma_wait3A_58 = arith.constant 0 : i32
        %dma_wait3A_59 = arith.constant 0 : i32
        %dma_wait3A_60 = tpu.memref_slice %arg12[%dma_wait3A_58, %dma_wait3A_59] : memref<10112x128xf32, #tpu.memory_space<vmem_shared>> -> memref<10112x128xf32, #tpu.memory_space<vmem_shared>>
        tpu.wait_indirect_dma semaphore(%run_scoped3A : memref<!tpu.dma_semaphore, #tpu.memory_space<semaphore_mem>>) src(%arg8 : memref<125x128xf32, #tpu.memory_space<vmem>>) dst(%dma_wait3A_60 : memref<10112x128xf32, #tpu.memory_space<vmem_shared>>)
        tpu.yield
      }) : () -> ()
      %scan3A_46 = arith.constant 0 : i32
      scf.yield %scan3A_46 : i32
    }
    %scan3A_31 = arith.constant 40 : i32
    %barrier3A_32 = arith.constant 0 : index
    tpu.barrier barrier_id(%barrier3A_32)
    %scan3A_33 = arith.constant 0 : i32
    %scan3A_34 = arith.constant 0 : i32
    %scan3A_35 = arith.constant 5 : i32
    %scan3A_36 = arith.addi %scan3A_34, %scan3A_35 : i32
    %scan3A_37 = arith.constant 1 : i32
    %scan3A_38 = scf.for %scan3A_44 = %scan3A_34 to %scan3A_36 step %scan3A_37 iter_args(%scan3A_45 = %scan3A_33) -> (i32)  : i32 {
      %mul3A_46 = arith.constant 120 : i32
      %mul3A_47 = arith.muli %scan3A_44, %mul3A_46 : i32
      %add3A_48 = arith.addi %mul3A_8, %mul3A_47 : i32
      "tpu.region"() ({
        %run_scoped3A = tpu.sem_alloc : memref<!tpu.dma_semaphore, #tpu.memory_space<semaphore_mem>>
        %dma_start3A = arith.constant 0 : i32
        %dma_start3A_53 = arith.constant 0 : i32
        %dma_start3A_54 = tpu.memref_slice %arg8[%dma_start3A, %dma_start3A_53] : memref<125x128xf32, #tpu.memory_space<vmem>> -> memref<120x128xf32, #tpu.memory_space<vmem>>
        %dma_start3A_55 = arith.constant 0 : i32
        %dma_start3A_56 = tpu.memref_slice %arg12[%add3A_48, %dma_start3A_55] : memref<10112x128xf32, #tpu.memory_space<vmem_shared>> -> memref<120x128xf32, #tpu.memory_space<vmem_shared>>
        %dma_start3A_57 = arith.constant 0 : i32
        %dma_start3A_58 = arith.constant 0 : i32
        %dma_start3A_59 = tpu.memref_slice %arg8[%dma_start3A_57, %dma_start3A_58] : memref<125x128xf32, #tpu.memory_space<vmem>> -> memref<120x128xf32, #tpu.memory_space<vmem>>
        %dma_start3A_60 = arith.constant 0 : i32
        %dma_start3A_61 = tpu.memref_slice %arg12[%add3A_48, %dma_start3A_60] : memref<10112x128xf32, #tpu.memory_space<vmem_shared>> -> memref<120x128xf32, #tpu.memory_space<vmem_shared>>
        tpu.enqueue_dma source(%dma_start3A_61 : memref<120x128xf32, #tpu.memory_space<vmem_shared>>) target(%dma_start3A_59 : memref<120x128xf32, #tpu.memory_space<vmem>>) target_semaphore(%run_scoped3A : memref<!tpu.dma_semaphore, #tpu.memory_space<semaphore_mem>>)
        %dma_wait3A = arith.constant 0 : i32
        %dma_wait3A_62 = arith.constant 0 : i32
        %dma_wait3A_63 = tpu.memref_slice %arg8[%dma_wait3A, %dma_wait3A_62] : memref<125x128xf32, #tpu.memory_space<vmem>> -> memref<120x128xf32, #tpu.memory_space<vmem>>
        %dma_wait3A_64 = arith.constant 0 : i32
        %dma_wait3A_65 = tpu.memref_slice %arg12[%add3A_48, %dma_wait3A_64] : memref<10112x128xf32, #tpu.memory_space<vmem_shared>> -> memref<120x128xf32, #tpu.memory_space<vmem_shared>>
        %dma_wait3A_66 = arith.constant 0 : i32
        %dma_wait3A_67 = arith.constant 0 : i32
        %dma_wait3A_68 = tpu.memref_slice %arg8[%dma_wait3A_66, %dma_wait3A_67] : memref<125x128xf32, #tpu.memory_space<vmem>> -> memref<120x128xf32, #tpu.memory_space<vmem>>
        %dma_wait3A_69 = arith.constant 0 : i32
        %dma_wait3A_70 = tpu.memref_slice %arg12[%add3A_48, %dma_wait3A_69] : memref<10112x128xf32, #tpu.memory_space<vmem_shared>> -> memref<120x128xf32, #tpu.memory_space<vmem_shared>>
        tpu.wait_dma2 semaphore(%run_scoped3A : memref<!tpu.dma_semaphore, #tpu.memory_space<semaphore_mem>>) src(%dma_wait3A_70 : memref<120x128xf32, #tpu.memory_space<vmem_shared>>) dst(%dma_wait3A_68 : memref<120x128xf32, #tpu.memory_space<vmem>>)
        tpu.yield
      }) : () -> ()
      %mul3A_49 = arith.constant 120 : i32
      %mul3A_50 = arith.muli %scan3A_44, %mul3A_49 : i32
      %add3A_51 = arith.addi %mul3A_8, %mul3A_50 : i32
      "tpu.region"() ({
        %run_scoped3A = tpu.sem_alloc : memref<!tpu.dma_semaphore, #tpu.memory_space<semaphore_mem>>
        %dma_start3A = arith.constant 0 : i32
        %dma_start3A_53 = arith.constant 0 : i32
        %dma_start3A_54 = tpu.memref_slice %arg8[%dma_start3A, %dma_start3A_53] : memref<125x128xf32, #tpu.memory_space<vmem>> -> memref<120x128xf32, #tpu.memory_space<vmem>>
        %dma_start3A_55 = arith.constant 0 : i32
        %dma_start3A_56 = arith.constant 0 : i32
        %dma_start3A_57 = tpu.memref_slice %arg5[%arg0, %dma_start3A_55, %dma_start3A_56] : memref<2x10112x128xf32, #tpu.memory_space<hbm>> -> memref<1x10112x128xf32, #tpu.memory_space<hbm>>
        %dma_start3A_58 = tpu.memref_squeeze %dma_start3A_57 : memref<1x10112x128xf32, #tpu.memory_space<hbm>> -> memref<10112x128xf32, #tpu.memory_space<hbm>>
        %dma_start3A_59 = arith.constant 0 : i32
        %dma_start3A_60 = tpu.memref_slice %dma_start3A_58[%add3A_51, %dma_start3A_59] : memref<10112x128xf32, #tpu.memory_space<hbm>> -> memref<120x128xf32, #tpu.memory_space<hbm>>
        %dma_start3A_61 = arith.constant 0 : i32
        %dma_start3A_62 = arith.constant 0 : i32
        %dma_start3A_63 = tpu.memref_slice %arg5[%arg0, %dma_start3A_61, %dma_start3A_62] : memref<2x10112x128xf32, #tpu.memory_space<hbm>> -> memref<1x10112x128xf32, #tpu.memory_space<hbm>>
        %dma_start3A_64 = tpu.memref_squeeze %dma_start3A_63 : memref<1x10112x128xf32, #tpu.memory_space<hbm>> -> memref<10112x128xf32, #tpu.memory_space<hbm>>
        %dma_start3A_65 = arith.constant 0 : i32
        %dma_start3A_66 = tpu.memref_slice %dma_start3A_64[%add3A_51, %dma_start3A_65] : memref<10112x128xf32, #tpu.memory_space<hbm>> -> memref<120x128xf32, #tpu.memory_space<hbm>>
        %dma_start3A_67 = arith.constant 0 : i32
        %dma_start3A_68 = arith.constant 0 : i32
        %dma_start3A_69 = tpu.memref_slice %arg8[%dma_start3A_67, %dma_start3A_68] : memref<125x128xf32, #tpu.memory_space<vmem>> -> memref<120x128xf32, #tpu.memory_space<vmem>>
        tpu.enqueue_dma source(%dma_start3A_69 : memref<120x128xf32, #tpu.memory_space<vmem>>) target(%dma_start3A_66 : memref<120x128xf32, #tpu.memory_space<hbm>>) target_semaphore(%run_scoped3A : memref<!tpu.dma_semaphore, #tpu.memory_space<semaphore_mem>>)
        %dma_wait3A = arith.constant 0 : i32
        %dma_wait3A_70 = arith.constant 0 : i32
        %dma_wait3A_71 = tpu.memref_slice %arg8[%dma_wait3A, %dma_wait3A_70] : memref<125x128xf32, #tpu.memory_space<vmem>> -> memref<120x128xf32, #tpu.memory_space<vmem>>
        %dma_wait3A_72 = arith.constant 0 : i32
        %dma_wait3A_73 = arith.constant 0 : i32
        %dma_wait3A_74 = tpu.memref_slice %arg5[%arg0, %dma_wait3A_72, %dma_wait3A_73] : memref<2x10112x128xf32, #tpu.memory_space<hbm>> -> memref<1x10112x128xf32, #tpu.memory_space<hbm>>
        %dma_wait3A_75 = tpu.memref_squeeze %dma_wait3A_74 : memref<1x10112x128xf32, #tpu.memory_space<hbm>> -> memref<10112x128xf32, #tpu.memory_space<hbm>>
        %dma_wait3A_76 = arith.constant 0 : i32
        %dma_wait3A_77 = tpu.memref_slice %dma_wait3A_75[%add3A_51, %dma_wait3A_76] : memref<10112x128xf32, #tpu.memory_space<hbm>> -> memref<120x128xf32, #tpu.memory_space<hbm>>
        %dma_wait3A_78 = arith.constant 0 : i32
        %dma_wait3A_79 = arith.constant 0 : i32
        %dma_wait3A_80 = tpu.memref_slice %arg5[%arg0, %dma_wait3A_78, %dma_wait3A_79] : memref<2x10112x128xf32, #tpu.memory_space<hbm>> -> memref<1x10112x128xf32, #tpu.memory_space<hbm>>
        %dma_wait3A_81 = tpu.memref_squeeze %dma_wait3A_80 : memref<1x10112x128xf32, #tpu.memory_space<hbm>> -> memref<10112x128xf32, #tpu.memory_space<hbm>>
        %dma_wait3A_82 = arith.constant 0 : i32
        %dma_wait3A_83 = tpu.memref_slice %dma_wait3A_81[%add3A_51, %dma_wait3A_82] : memref<10112x128xf32, #tpu.memory_space<hbm>> -> memref<120x128xf32, #tpu.memory_space<hbm>>
        %dma_wait3A_84 = arith.constant 0 : i32
        %dma_wait3A_85 = arith.constant 0 : i32
        %dma_wait3A_86 = tpu.memref_slice %arg8[%dma_wait3A_84, %dma_wait3A_85] : memref<125x128xf32, #tpu.memory_space<vmem>> -> memref<120x128xf32, #tpu.memory_space<vmem>>
        tpu.wait_dma2 semaphore(%run_scoped3A : memref<!tpu.dma_semaphore, #tpu.memory_space<semaphore_mem>>) src(%dma_wait3A_86 : memref<120x128xf32, #tpu.memory_space<vmem>>) dst(%dma_wait3A_83 : memref<120x128xf32, #tpu.memory_space<hbm>>)
        tpu.yield
      }) : () -> ()
      %scan3A_52 = arith.constant 0 : i32
      scf.yield %scan3A_52 : i32
    }
    %scan3A_39 = arith.constant 5 : i32
    %add3A_40 = arith.constant 600 : i32
    %add3A_41 = arith.addi %mul3A_8, %add3A_40 : i32
    "tpu.region"() ({
      %run_scoped3A = tpu.sem_alloc : memref<!tpu.dma_semaphore, #tpu.memory_space<semaphore_mem>>
      %dma_start3A = arith.constant 0 : i32
      %dma_start3A_44 = arith.constant 0 : i32
      %dma_start3A_45 = tpu.memref_slice %arg8[%dma_start3A, %dma_start3A_44] : memref<125x128xf32, #tpu.memory_space<vmem>> -> memref<32x128xf32, #tpu.memory_space<vmem>>
      %dma_start3A_46 = arith.constant 0 : i32
      %dma_start3A_47 = tpu.memref_slice %arg12[%add3A_41, %dma_start3A_46] : memref<10112x128xf32, #tpu.memory_space<vmem_shared>> -> memref<32x128xf32, #tpu.memory_space<vmem_shared>>
      %dma_start3A_48 = arith.constant 0 : i32
      %dma_start3A_49 = arith.constant 0 : i32
      %dma_start3A_50 = tpu.memref_slice %arg8[%dma_start3A_48, %dma_start3A_49] : memref<125x128xf32, #tpu.memory_space<vmem>> -> memref<32x128xf32, #tpu.memory_space<vmem>>
      %dma_start3A_51 = arith.constant 0 : i32
      %dma_start3A_52 = tpu.memref_slice %arg12[%add3A_41, %dma_start3A_51] : memref<10112x128xf32, #tpu.memory_space<vmem_shared>> -> memref<32x128xf32, #tpu.memory_space<vmem_shared>>
      tpu.enqueue_dma source(%dma_start3A_52 : memref<32x128xf32, #tpu.memory_space<vmem_shared>>) target(%dma_start3A_50 : memref<32x128xf32, #tpu.memory_space<vmem>>) target_semaphore(%run_scoped3A : memref<!tpu.dma_semaphore, #tpu.memory_space<semaphore_mem>>)
      %dma_wait3A = arith.constant 0 : i32
      %dma_wait3A_53 = arith.constant 0 : i32
      %dma_wait3A_54 = tpu.memref_slice %arg8[%dma_wait3A, %dma_wait3A_53] : memref<125x128xf32, #tpu.memory_space<vmem>> -> memref<32x128xf32, #tpu.memory_space<vmem>>
      %dma_wait3A_55 = arith.constant 0 : i32
      %dma_wait3A_56 = tpu.memref_slice %arg12[%add3A_41, %dma_wait3A_55] : memref<10112x128xf32, #tpu.memory_space<vmem_shared>> -> memref<32x128xf32, #tpu.memory_space<vmem_shared>>
      %dma_wait3A_57 = arith.constant 0 : i32
      %dma_wait3A_58 = arith.constant 0 : i32
      %dma_wait3A_59 = tpu.memref_slice %arg8[%dma_wait3A_57, %dma_wait3A_58] : memref<125x128xf32, #tpu.memory_space<vmem>> -> memref<32x128xf32, #tpu.memory_space<vmem>>
      %dma_wait3A_60 = arith.constant 0 : i32
      %dma_wait3A_61 = tpu.memref_slice %arg12[%add3A_41, %dma_wait3A_60] : memref<10112x128xf32, #tpu.memory_space<vmem_shared>> -> memref<32x128xf32, #tpu.memory_space<vmem_shared>>
      tpu.wait_dma2 semaphore(%run_scoped3A : memref<!tpu.dma_semaphore, #tpu.memory_space<semaphore_mem>>) src(%dma_wait3A_61 : memref<32x128xf32, #tpu.memory_space<vmem_shared>>) dst(%dma_wait3A_59 : memref<32x128xf32, #tpu.memory_space<vmem>>)
      tpu.yield
    }) : () -> ()
    %add3A_42 = arith.constant 600 : i32
    %add3A_43 = arith.addi %mul3A_8, %add3A_42 : i32
    "tpu.region"() ({
      %run_scoped3A = tpu.sem_alloc : memref<!tpu.dma_semaphore, #tpu.memory_space<semaphore_mem>>
      %dma_start3A = arith.constant 0 : i32
      %dma_start3A_44 = arith.constant 0 : i32
      %dma_start3A_45 = tpu.memref_slice %arg8[%dma_start3A, %dma_start3A_44] : memref<125x128xf32, #tpu.memory_space<vmem>> -> memref<32x128xf32, #tpu.memory_space<vmem>>
      %dma_start3A_46 = arith.constant 0 : i32
      %dma_start3A_47 = arith.constant 0 : i32
      %dma_start3A_48 = tpu.memref_slice %arg5[%arg0, %dma_start3A_46, %dma_start3A_47] : memref<2x10112x128xf32, #tpu.memory_space<hbm>> -> memref<1x10112x128xf32, #tpu.memory_space<hbm>>
      %dma_start3A_49 = tpu.memref_squeeze %dma_start3A_48 : memref<1x10112x128xf32, #tpu.memory_space<hbm>> -> memref<10112x128xf32, #tpu.memory_space<hbm>>
      %dma_start3A_50 = arith.constant 0 : i32
      %dma_start3A_51 = tpu.memref_slice %dma_start3A_49[%add3A_43, %dma_start3A_50] : memref<10112x128xf32, #tpu.memory_space<hbm>> -> memref<32x128xf32, #tpu.memory_space<hbm>>
      %dma_start3A_52 = arith.constant 0 : i32
      %dma_start3A_53 = arith.constant 0 : i32
      %dma_start3A_54 = tpu.memref_slice %arg5[%arg0, %dma_start3A_52, %dma_start3A_53] : memref<2x10112x128xf32, #tpu.memory_space<hbm>> -> memref<1x10112x128xf32, #tpu.memory_space<hbm>>
      %dma_start3A_55 = tpu.memref_squeeze %dma_start3A_54 : memref<1x10112x128xf32, #tpu.memory_space<hbm>> -> memref<10112x128xf32, #tpu.memory_space<hbm>>
      %dma_start3A_56 = arith.constant 0 : i32
      %dma_start3A_57 = tpu.memref_slice %dma_start3A_55[%add3A_43, %dma_start3A_56] : memref<10112x128xf32, #tpu.memory_space<hbm>> -> memref<32x128xf32, #tpu.memory_space<hbm>>
      %dma_start3A_58 = arith.constant 0 : i32
      %dma_start3A_59 = arith.constant 0 : i32
      %dma_start3A_60 = tpu.memref_slice %arg8[%dma_start3A_58, %dma_start3A_59] : memref<125x128xf32, #tpu.memory_space<vmem>> -> memref<32x128xf32, #tpu.memory_space<vmem>>
      tpu.enqueue_dma source(%dma_start3A_60 : memref<32x128xf32, #tpu.memory_space<vmem>>) target(%dma_start3A_57 : memref<32x128xf32, #tpu.memory_space<hbm>>) target_semaphore(%run_scoped3A : memref<!tpu.dma_semaphore, #tpu.memory_space<semaphore_mem>>)
      %dma_wait3A = arith.constant 0 : i32
      %dma_wait3A_61 = arith.constant 0 : i32
      %dma_wait3A_62 = tpu.memref_slice %arg8[%dma_wait3A, %dma_wait3A_61] : memref<125x128xf32, #tpu.memory_space<vmem>> -> memref<32x128xf32, #tpu.memory_space<vmem>>
      %dma_wait3A_63 = arith.constant 0 : i32
      %dma_wait3A_64 = arith.constant 0 : i32
      %dma_wait3A_65 = tpu.memref_slice %arg5[%arg0, %dma_wait3A_63, %dma_wait3A_64] : memref<2x10112x128xf32, #tpu.memory_space<hbm>> -> memref<1x10112x128xf32, #tpu.memory_space<hbm>>
      %dma_wait3A_66 = tpu.memref_squeeze %dma_wait3A_65 : memref<1x10112x128xf32, #tpu.memory_space<hbm>> -> memref<10112x128xf32, #tpu.memory_space<hbm>>
      %dma_wait3A_67 = arith.constant 0 : i32
      %dma_wait3A_68 = tpu.memref_slice %dma_wait3A_66[%add3A_43, %dma_wait3A_67] : memref<10112x128xf32, #tpu.memory_space<hbm>> -> memref<32x128xf32, #tpu.memory_space<hbm>>
      %dma_wait3A_69 = arith.constant 0 : i32
      %dma_wait3A_70 = arith.constant 0 : i32
      %dma_wait3A_71 = tpu.memref_slice %arg5[%arg0, %dma_wait3A_69, %dma_wait3A_70] : memref<2x10112x128xf32, #tpu.memory_space<hbm>> -> memref<1x10112x128xf32, #tpu.memory_space<hbm>>
      %dma_wait3A_72 = tpu.memref_squeeze %dma_wait3A_71 : memref<1x10112x128xf32, #tpu.memory_space<hbm>> -> memref<10112x128xf32, #tpu.memory_space<hbm>>
      %dma_wait3A_73 = arith.constant 0 : i32
      %dma_wait3A_74 = tpu.memref_slice %dma_wait3A_72[%add3A_43, %dma_wait3A_73] : memref<10112x128xf32, #tpu.memory_space<hbm>> -> memref<32x128xf32, #tpu.memory_space<hbm>>
      %dma_wait3A_75 = arith.constant 0 : i32
      %dma_wait3A_76 = arith.constant 0 : i32
      %dma_wait3A_77 = tpu.memref_slice %arg8[%dma_wait3A_75, %dma_wait3A_76] : memref<125x128xf32, #tpu.memory_space<vmem>> -> memref<32x128xf32, #tpu.memory_space<vmem>>
      tpu.wait_dma2 semaphore(%run_scoped3A : memref<!tpu.dma_semaphore, #tpu.memory_space<semaphore_mem>>) src(%dma_wait3A_77 : memref<32x128xf32, #tpu.memory_space<vmem>>) dst(%dma_wait3A_74 : memref<32x128xf32, #tpu.memory_space<hbm>>)
      tpu.yield
    }) : () -> ()
    return
  }
}

#map = affine_map<(d0, d1) -> (0, 0)>
#map1 = affine_map<(d0, d1) -> (0, 0, 0)>
module attributes {stable_mosaic.version = 14 : i64} {
  func.func @k(%arg0: i32, %arg1: i32, %arg2: memref<10000x128xf32, #tpu.memory_space<hbm>>, %arg3: memref<32x80x128xi32, #tpu.memory_space<hbm>>, %arg4: memref<32x80x128xi32, #tpu.memory_space<hbm>>, %arg5: memref<2x10112x128xf32, #tpu.memory_space<hbm>>, %arg6: memref<40x128xi32, #tpu.memory_space<vmem>>, %arg7: memref<40x128xi32, #tpu.memory_space<vmem>>, %arg8: memref<125x128xf32, #tpu.memory_space<vmem>>, %arg9: memref<125x128xf32, #tpu.memory_space<vmem>>, %arg10: memref<!tpu.dma_semaphore, #tpu.memory_space<semaphore_mem>>, %arg11: memref<!tpu.dma_semaphore, #tpu.memory_space<semaphore_mem>>, %arg12: memref<10112x128xf32, #tpu.memory_space<vmem_shared>>) attributes {dimension_semantics = [#tpu.dimension_semantics<core_parallel>, #tpu.dimension_semantics<subcore_parallel>], iteration_bounds = array<i64: 2, 16>, scalar_prefetch = 0 : i64, scratch_operands = 7 : i64, tpu.core_type = #tpu.core_type<sc_vector_subcore>, window_params = [{transform_indices = #map}, {transform_indices = #map1}, {transform_indices = #map1}, {transform_indices = #map1}]} {
    %mul3A = arith.constant 16 : i32
    %mul3A_0 = arith.muli %arg0, %mul3A : i32
    %add3A = arith.addi %mul3A_0, %arg1 : i32
    %scan3A = arith.constant 0 : i32
    %scan3A_1 = arith.constant 0 : i32
    %scan3A_2 = arith.constant 1000 : i32
    %scan3A_3 = arith.addi %scan3A_1, %scan3A_2 : i32
    %scan3A_4 = arith.constant 1 : i32
    %scan3A_5 = scf.for %scan3A_44 = %scan3A_1 to %scan3A_3 step %scan3A_4 iter_args(%scan3A_45 = %scan3A) -> (i32)  : i32 {
      %jit3A = arith.constant 8 : i32
      %div3A = arith.divsi %scan3A_44, %jit3A : i32
      %sign3A = arith.constant 0 : i32
      %sign3A_46 = arith.cmpi sgt, %scan3A_44, %sign3A : i32
      %sign3A_47 = arith.extui %sign3A_46 : i1 to i32
      %sign3A_48 = arith.constant 0 : i32
      %sign3A_49 = arith.cmpi slt, %scan3A_44, %sign3A_48 : i32
      %sign3A_50 = arith.extui %sign3A_49 : i1 to i32
      %sign3A_51 = arith.subi %sign3A_47, %sign3A_50 : i32
      %sign3A_52 = arith.constant 0 : i32
      %sign3A_53 = arith.cmpi sgt, %jit3A, %sign3A_52 : i32
      %sign3A_54 = arith.extui %sign3A_53 : i1 to i32
      %sign3A_55 = arith.constant 0 : i32
      %sign3A_56 = arith.cmpi slt, %jit3A, %sign3A_55 : i32
      %sign3A_57 = arith.extui %sign3A_56 : i1 to i32
      %sign3A_58 = arith.subi %sign3A_54, %sign3A_57 : i32
      %ne3A = arith.cmpi ne, %sign3A_51, %sign3A_58 : i32
      %rem3A = arith.remsi %scan3A_44, %jit3A : i32
      %ne3A_59 = arith.constant 0 : i32
      %ne3A_60 = arith.cmpi ne, %rem3A, %ne3A_59 : i32
      %and3A = arith.andi %ne3A, %ne3A_60 : i1
      %sub3A = arith.constant 1 : i32
      %sub3A_61 = arith.subi %div3A, %sub3A : i32
      %select_n3A = arith.select %and3A, %sub3A_61, %div3A : i32
      %jit3A_62 = arith.constant 8 : i32
      %eq3A = arith.constant 0 : i32
      %eq3A_63 = arith.cmpi eq, %jit3A_62, %eq3A : i32
      %jit3A_64 = arith.constant 1 : i32
      %select_n3A_65 = arith.select %eq3A_63, %jit3A_64, %jit3A_62 : i32
      %rem3A_66 = arith.remsi %scan3A_44, %select_n3A_65 : i32
      %ne3A_67 = arith.constant 0 : i32
      %ne3A_68 = arith.cmpi ne, %rem3A_66, %ne3A_67 : i32
      %lt3A = arith.constant 0 : i32
      %lt3A_69 = arith.cmpi slt, %rem3A_66, %lt3A : i32
      %lt3A_70 = arith.constant 0 : i32
      %lt3A_71 = arith.cmpi slt, %select_n3A_65, %lt3A_70 : i32
      %ne3A_72 = arith.xori %lt3A_69, %lt3A_71 : i1
      %and3A_73 = arith.andi %ne3A_72, %ne3A_68 : i1
      %add3A_74 = arith.addi %rem3A_66, %select_n3A_65 : i32
      %select_n3A_75 = arith.select %and3A_73, %add3A_74, %rem3A_66 : i32
      %broadcast_in_dim3A = arith.constant 0.000000e+00 : f32
      %broadcast_in_dim3A_76 = vector.broadcast %broadcast_in_dim3A : f32 to vector<16xf32>
      %mul3A_77 = arith.constant 16 : i32
      %mul3A_78 = arith.muli %select_n3A_75, %mul3A_77 : i32
      %swap3A = arith.index_cast %select_n3A : i32 to index
      %swap3A_79 = arith.index_cast %mul3A_78 : i32 to index
      %swap3A_80 = tpu.vector_load %arg8[%swap3A, %swap3A_79] {strides = array<i32>} : memref<125x128xf32, #tpu.memory_space<vmem>>, vector<1x16xf32>,
      %swap3A_81 = vector.shape_cast %swap3A_80 : vector<1x16xf32> to vector<16xf32>
      %swap3A_82 = vector.shape_cast %broadcast_in_dim3A_76 : vector<16xf32> to vector<1x16xf32>
      tpu.vector_store %arg8[%swap3A, %swap3A_79], %swap3A_82 {strides = array<i32>} : memref<125x128xf32, #tpu.memory_space<vmem>>, vector<1x16xf32>,
      %scan3A_83 = arith.constant 0 : i32
      scf.yield %scan3A_83 : i32
    }
    %scan3A_6 = arith.constant 1000 : i32
    %mul3A_7 = arith.constant 632 : i32
    %mul3A_8 = arith.muli %arg1, %mul3A_7 : i32
    %scan3A_9 = arith.constant 0 : i32
    %scan3A_10 = arith.constant 0 : i32
    %scan3A_11 = arith.constant 5 : i32
    %scan3A_12 = arith.addi %scan3A_10, %scan3A_11 : i32
    %scan3A_13 = arith.constant 1 : i32
    %scan3A_14 = scf.for %scan3A_44 = %scan3A_10 to %scan3A_12 step %scan3A_13 iter_args(%scan3A_45 = %scan3A_9) -> (i32)  : i32 {
      %mul3A_46 = arith.constant 120 : i32
      %mul3A_47 = arith.muli %scan3A_44, %mul3A_46 : i32
      %add3A_48 = arith.addi %mul3A_8, %mul3A_47 : i32
      "tpu.region"() ({
        %run_scoped3A = tpu.sem_alloc : memref<!tpu.dma_semaphore, #tpu.memory_space<semaphore_mem>>
        %dma_start3A = arith.constant 0 : i32
        %dma_start3A_50 = arith.constant 0 : i32
        %dma_start3A_51 = tpu.memref_slice %arg8[%dma_start3A, %dma_start3A_50] : memref<125x128xf32, #tpu.memory_space<vmem>> -> memref<120x128xf32, #tpu.memory_space<vmem>>
        %dma_start3A_52 = arith.constant 0 : i32
        %dma_start3A_53 = tpu.memref_slice %arg12[%add3A_48, %dma_start3A_52] : memref<10112x128xf32, #tpu.memory_space<vmem_shared>> -> memref<120x128xf32, #tpu.memory_space<vmem_shared>>
        %dma_start3A_54 = arith.constant 0 : i32
        %dma_start3A_55 = tpu.memref_slice %arg12[%add3A_48, %dma_start3A_54] : memref<10112x128xf32, #tpu.memory_space<vmem_shared>> -> memref<120x128xf32, #tpu.memory_space<vmem_shared>>
        %dma_start3A_56 = arith.constant 0 : i32
        %dma_start3A_57 = arith.constant 0 : i32
        %dma_start3A_58 = tpu.memref_slice %arg8[%dma_start3A_56, %dma_start3A_57] : memref<125x128xf32, #tpu.memory_space<vmem>> -> memref<120x128xf32, #tpu.memory_space<vmem>>
        tpu.enqueue_dma source(%dma_start3A_58 : memref<120x128xf32, #tpu.memory_space<vmem>>) target(%dma_start3A_55 : memref<120x128xf32, #tpu.memory_space<vmem_shared>>) target_semaphore(%run_scoped3A : memref<!tpu.dma_semaphore, #tpu.memory_space<semaphore_mem>>)
        %dma_wait3A = arith.constant 0 : i32
        %dma_wait3A_59 = arith.constant 0 : i32
        %dma_wait3A_60 = tpu.memref_slice %arg8[%dma_wait3A, %dma_wait3A_59] : memref<125x128xf32, #tpu.memory_space<vmem>> -> memref<120x128xf32, #tpu.memory_space<vmem>>
        %dma_wait3A_61 = arith.constant 0 : i32
        %dma_wait3A_62 = tpu.memref_slice %arg12[%add3A_48, %dma_wait3A_61] : memref<10112x128xf32, #tpu.memory_space<vmem_shared>> -> memref<120x128xf32, #tpu.memory_space<vmem_shared>>
        %dma_wait3A_63 = arith.constant 0 : i32
        %dma_wait3A_64 = tpu.memref_slice %arg12[%add3A_48, %dma_wait3A_63] : memref<10112x128xf32, #tpu.memory_space<vmem_shared>> -> memref<120x128xf32, #tpu.memory_space<vmem_shared>>
        %dma_wait3A_65 = arith.constant 0 : i32
        %dma_wait3A_66 = arith.constant 0 : i32
        %dma_wait3A_67 = tpu.memref_slice %arg8[%dma_wait3A_65, %dma_wait3A_66] : memref<125x128xf32, #tpu.memory_space<vmem>> -> memref<120x128xf32, #tpu.memory_space<vmem>>
        tpu.wait_dma2 semaphore(%run_scoped3A : memref<!tpu.dma_semaphore, #tpu.memory_space<semaphore_mem>>) src(%dma_wait3A_67 : memref<120x128xf32, #tpu.memory_space<vmem>>) dst(%dma_wait3A_64 : memref<120x128xf32, #tpu.memory_space<vmem_shared>>)
        tpu.yield
      }) : () -> ()
      %scan3A_49 = arith.constant 0 : i32
      scf.yield %scan3A_49 : i32
    }
    %scan3A_15 = arith.constant 5 : i32
    %add3A_16 = arith.constant 600 : i32
    %add3A_17 = arith.addi %mul3A_8, %add3A_16 : i32
    "tpu.region"() ({
      %run_scoped3A = tpu.sem_alloc : memref<!tpu.dma_semaphore, #tpu.memory_space<semaphore_mem>>
      %dma_start3A = arith.constant 0 : i32
      %dma_start3A_44 = arith.constant 0 : i32
      %dma_start3A_45 = tpu.memref_slice %arg8[%dma_start3A, %dma_start3A_44] : memref<125x128xf32, #tpu.memory_space<vmem>> -> memref<32x128xf32, #tpu.memory_space<vmem>>
      %dma_start3A_46 = arith.constant 0 : i32
      %dma_start3A_47 = tpu.memref_slice %arg12[%add3A_17, %dma_start3A_46] : memref<10112x128xf32, #tpu.memory_space<vmem_shared>> -> memref<32x128xf32, #tpu.memory_space<vmem_shared>>
      %dma_start3A_48 = arith.constant 0 : i32
      %dma_start3A_49 = tpu.memref_slice %arg12[%add3A_17, %dma_start3A_48] : memref<10112x128xf32, #tpu.memory_space<vmem_shared>> -> memref<32x128xf32, #tpu.memory_space<vmem_shared>>
      %dma_start3A_50 = arith.constant 0 : i32
      %dma_start3A_51 = arith.constant 0 : i32
      %dma_start3A_52 = tpu.memref_slice %arg8[%dma_start3A_50, %dma_start3A_51] : memref<125x128xf32, #tpu.memory_space<vmem>> -> memref<32x128xf32, #tpu.memory_space<vmem>>
      tpu.enqueue_dma source(%dma_start3A_52 : memref<32x128xf32, #tpu.memory_space<vmem>>) target(%dma_start3A_49 : memref<32x128xf32, #tpu.memory_space<vmem_shared>>) target_semaphore(%run_scoped3A : memref<!tpu.dma_semaphore, #tpu.memory_space<semaphore_mem>>)
      %dma_wait3A = arith.constant 0 : i32
      %dma_wait3A_53 = arith.constant 0 : i32
      %dma_wait3A_54 = tpu.memref_slice %arg8[%dma_wait3A, %dma_wait3A_53] : memref<125x128xf32, #tpu.memory_space<vmem>> -> memref<32x128xf32, #tpu.memory_space<vmem>>
      %dma_wait3A_55 = arith.constant 0 : i32
      %dma_wait3A_56 = tpu.memref_slice %arg12[%add3A_17, %dma_wait3A_55] : memref<10112x128xf32, #tpu.memory_space<vmem_shared>> -> memref<32x128xf32, #tpu.memory_space<vmem_shared>>
      %dma_wait3A_57 = arith.constant 0 : i32
      %dma_wait3A_58 = tpu.memref_slice %arg12[%add3A_17, %dma_wait3A_57] : memref<10112x128xf32, #tpu.memory_space<vmem_shared>> -> memref<32x128xf32, #tpu.memory_space<vmem_shared>>
      %dma_wait3A_59 = arith.constant 0 : i32
      %dma_wait3A_60 = arith.constant 0 : i32
      %dma_wait3A_61 = tpu.memref_slice %arg8[%dma_wait3A_59, %dma_wait3A_60] : memref<125x128xf32, #tpu.memory_space<vmem>> -> memref<32x128xf32, #tpu.memory_space<vmem>>
      tpu.wait_dma2 semaphore(%run_scoped3A : memref<!tpu.dma_semaphore, #tpu.memory_space<semaphore_mem>>) src(%dma_wait3A_61 : memref<32x128xf32, #tpu.memory_space<vmem>>) dst(%dma_wait3A_58 : memref<32x128xf32, #tpu.memory_space<vmem_shared>>)
      tpu.yield
    }) : () -> ()
    %barrier3A = arith.constant 0 : index
    tpu.barrier barrier_id(%barrier3A)
    "tpu.region"() ({
      %run_scoped3A = tpu.sem_alloc : memref<!tpu.dma_semaphore, #tpu.memory_space<semaphore_mem>>
      %dma_start3A = arith.constant 0 : i32
      %dma_start3A_44 = arith.constant 0 : i32
      %dma_start3A_45 = tpu.memref_slice %arg3[%add3A, %dma_start3A, %dma_start3A_44] : memref<32x80x128xi32, #tpu.memory_space<hbm>> -> memref<1x80x128xi32, #tpu.memory_space<hbm>>
      %dma_start3A_46 = tpu.memref_squeeze %dma_start3A_45 : memref<1x80x128xi32, #tpu.memory_space<hbm>> -> memref<80x128xi32, #tpu.memory_space<hbm>>
      %dma_start3A_47 = arith.constant 0 : i32
      %dma_start3A_48 = arith.constant 0 : i32
      %dma_start3A_49 = tpu.memref_slice %dma_start3A_46[%dma_start3A_47, %dma_start3A_48] : memref<80x128xi32, #tpu.memory_space<hbm>> -> memref<40x128xi32, #tpu.memory_space<hbm>>
      %dma_start3A_50 = arith.constant 0 : i32
      %dma_start3A_51 = arith.constant 0 : i32
      %dma_start3A_52 = tpu.memref_slice %arg3[%add3A, %dma_start3A_50, %dma_start3A_51] : memref<32x80x128xi32, #tpu.memory_space<hbm>> -> memref<1x80x128xi32, #tpu.memory_space<hbm>>
      %dma_start3A_53 = tpu.memref_squeeze %dma_start3A_52 : memref<1x80x128xi32, #tpu.memory_space<hbm>> -> memref<80x128xi32, #tpu.memory_space<hbm>>
      %dma_start3A_54 = arith.constant 0 : i32
      %dma_start3A_55 = arith.constant 0 : i32
      %dma_start3A_56 = tpu.memref_slice %dma_start3A_53[%dma_start3A_54, %dma_start3A_55] : memref<80x128xi32, #tpu.memory_space<hbm>> -> memref<40x128xi32, #tpu.memory_space<hbm>>
      tpu.enqueue_dma source(%dma_start3A_56 : memref<40x128xi32, #tpu.memory_space<hbm>>) target(%arg6 : memref<40x128xi32, #tpu.memory_space<vmem>>) target_semaphore(%run_scoped3A : memref<!tpu.dma_semaphore, #tpu.memory_space<semaphore_mem>>)
      %dma_wait3A = arith.constant 0 : i32
      %dma_wait3A_57 = arith.constant 0 : i32
      %dma_wait3A_58 = tpu.memref_slice %arg3[%add3A, %dma_wait3A, %dma_wait3A_57] : memref<32x80x128xi32, #tpu.memory_space<hbm>> -> memref<1x80x128xi32, #tpu.memory_space<hbm>>
      %dma_wait3A_59 = tpu.memref_squeeze %dma_wait3A_58 : memref<1x80x128xi32, #tpu.memory_space<hbm>> -> memref<80x128xi32, #tpu.memory_space<hbm>>
      %dma_wait3A_60 = arith.constant 0 : i32
      %dma_wait3A_61 = arith.constant 0 : i32
      %dma_wait3A_62 = tpu.memref_slice %dma_wait3A_59[%dma_wait3A_60, %dma_wait3A_61] : memref<80x128xi32, #tpu.memory_space<hbm>> -> memref<40x128xi32, #tpu.memory_space<hbm>>
      %dma_wait3A_63 = arith.constant 0 : i32
      %dma_wait3A_64 = arith.constant 0 : i32
      %dma_wait3A_65 = tpu.memref_slice %arg3[%add3A, %dma_wait3A_63, %dma_wait3A_64] : memref<32x80x128xi32, #tpu.memory_space<hbm>> -> memref<1x80x128xi32, #tpu.memory_space<hbm>>
      %dma_wait3A_66 = tpu.memref_squeeze %dma_wait3A_65 : memref<1x80x128xi32, #tpu.memory_space<hbm>> -> memref<80x128xi32, #tpu.memory_space<hbm>>
      %dma_wait3A_67 = arith.constant 0 : i32
      %dma_wait3A_68 = arith.constant 0 : i32
      %dma_wait3A_69 = tpu.memref_slice %dma_wait3A_66[%dma_wait3A_67, %dma_wait3A_68] : memref<80x128xi32, #tpu.memory_space<hbm>> -> memref<40x128xi32, #tpu.memory_space<hbm>>
      tpu.wait_dma2 semaphore(%run_scoped3A : memref<!tpu.dma_semaphore, #tpu.memory_space<semaphore_mem>>) src(%dma_wait3A_69 : memref<40x128xi32, #tpu.memory_space<hbm>>) dst(%arg6 : memref<40x128xi32, #tpu.memory_space<vmem>>)
      tpu.yield
    }) : () -> ()
    "tpu.region"() ({
      %run_scoped3A = tpu.sem_alloc : memref<!tpu.dma_semaphore, #tpu.memory_space<semaphore_mem>>
      %dma_start3A = arith.constant 0 : i32
      %dma_start3A_44 = arith.constant 0 : i32
      %dma_start3A_45 = tpu.memref_slice %arg4[%add3A, %dma_start3A, %dma_start3A_44] : memref<32x80x128xi32, #tpu.memory_space<hbm>> -> memref<1x80x128xi32, #tpu.memory_space<hbm>>
      %dma_start3A_46 = tpu.memref_squeeze %dma_start3A_45 : memref<1x80x128xi32, #tpu.memory_space<hbm>> -> memref<80x128xi32, #tpu.memory_space<hbm>>
      %dma_start3A_47 = arith.constant 0 : i32
      %dma_start3A_48 = arith.constant 0 : i32
      %dma_start3A_49 = tpu.memref_slice %dma_start3A_46[%dma_start3A_47, %dma_start3A_48] : memref<80x128xi32, #tpu.memory_space<hbm>> -> memref<40x128xi32, #tpu.memory_space<hbm>>
      %dma_start3A_50 = arith.constant 0 : i32
      %dma_start3A_51 = arith.constant 0 : i32
      %dma_start3A_52 = tpu.memref_slice %arg4[%add3A, %dma_start3A_50, %dma_start3A_51] : memref<32x80x128xi32, #tpu.memory_space<hbm>> -> memref<1x80x128xi32, #tpu.memory_space<hbm>>
      %dma_start3A_53 = tpu.memref_squeeze %dma_start3A_52 : memref<1x80x128xi32, #tpu.memory_space<hbm>> -> memref<80x128xi32, #tpu.memory_space<hbm>>
      %dma_start3A_54 = arith.constant 0 : i32
      %dma_start3A_55 = arith.constant 0 : i32
      %dma_start3A_56 = tpu.memref_slice %dma_start3A_53[%dma_start3A_54, %dma_start3A_55] : memref<80x128xi32, #tpu.memory_space<hbm>> -> memref<40x128xi32, #tpu.memory_space<hbm>>
      tpu.enqueue_dma source(%dma_start3A_56 : memref<40x128xi32, #tpu.memory_space<hbm>>) target(%arg7 : memref<40x128xi32, #tpu.memory_space<vmem>>) target_semaphore(%run_scoped3A : memref<!tpu.dma_semaphore, #tpu.memory_space<semaphore_mem>>)
      %dma_wait3A = arith.constant 0 : i32
      %dma_wait3A_57 = arith.constant 0 : i32
      %dma_wait3A_58 = tpu.memref_slice %arg4[%add3A, %dma_wait3A, %dma_wait3A_57] : memref<32x80x128xi32, #tpu.memory_space<hbm>> -> memref<1x80x128xi32, #tpu.memory_space<hbm>>
      %dma_wait3A_59 = tpu.memref_squeeze %dma_wait3A_58 : memref<1x80x128xi32, #tpu.memory_space<hbm>> -> memref<80x128xi32, #tpu.memory_space<hbm>>
      %dma_wait3A_60 = arith.constant 0 : i32
      %dma_wait3A_61 = arith.constant 0 : i32
      %dma_wait3A_62 = tpu.memref_slice %dma_wait3A_59[%dma_wait3A_60, %dma_wait3A_61] : memref<80x128xi32, #tpu.memory_space<hbm>> -> memref<40x128xi32, #tpu.memory_space<hbm>>
      %dma_wait3A_63 = arith.constant 0 : i32
      %dma_wait3A_64 = arith.constant 0 : i32
      %dma_wait3A_65 = tpu.memref_slice %arg4[%add3A, %dma_wait3A_63, %dma_wait3A_64] : memref<32x80x128xi32, #tpu.memory_space<hbm>> -> memref<1x80x128xi32, #tpu.memory_space<hbm>>
      %dma_wait3A_66 = tpu.memref_squeeze %dma_wait3A_65 : memref<1x80x128xi32, #tpu.memory_space<hbm>> -> memref<80x128xi32, #tpu.memory_space<hbm>>
      %dma_wait3A_67 = arith.constant 0 : i32
      %dma_wait3A_68 = arith.constant 0 : i32
      %dma_wait3A_69 = tpu.memref_slice %dma_wait3A_66[%dma_wait3A_67, %dma_wait3A_68] : memref<80x128xi32, #tpu.memory_space<hbm>> -> memref<40x128xi32, #tpu.memory_space<hbm>>
      tpu.wait_dma2 semaphore(%run_scoped3A : memref<!tpu.dma_semaphore, #tpu.memory_space<semaphore_mem>>) src(%dma_wait3A_69 : memref<40x128xi32, #tpu.memory_space<hbm>>) dst(%arg7 : memref<40x128xi32, #tpu.memory_space<vmem>>)
      tpu.yield
    }) : () -> ()
    %scan3A_18 = arith.constant 0 : i32
    %scan3A_19 = arith.constant 0 : i32
    %scan3A_20 = arith.constant 40 : i32
    %scan3A_21 = arith.addi %scan3A_19, %scan3A_20 : i32
    %scan3A_22 = arith.constant 1 : i32
    %scan3A_23 = scf.for %scan3A_44 = %scan3A_19 to %scan3A_21 step %scan3A_22 iter_args(%scan3A_45 = %scan3A_18) -> (i32)  : i32 {
      "tpu.region"() ({
        %run_scoped3A = tpu.sem_alloc : memref<!tpu.dma_semaphore, #tpu.memory_space<semaphore_mem>>
        %dma_start3A = arith.constant 0 : i32
        %dma_start3A_47 = tpu.memref_slice %arg6[%scan3A_44, %dma_start3A] : memref<40x128xi32, #tpu.memory_space<vmem>> -> memref<1x128xi32, #tpu.memory_space<vmem>>
        %dma_start3A_48 = tpu.memref_squeeze %dma_start3A_47 : memref<1x128xi32, #tpu.memory_space<vmem>> -> memref<128xi32, #tpu.memory_space<vmem>>
        %dma_start3A_49 = arith.constant 0 : i32
        %dma_start3A_50 = tpu.memref_slice %dma_start3A_48[%dma_start3A_49] : memref<128xi32, #tpu.memory_space<vmem>> -> memref<125xi32, #tpu.memory_space<vmem>>
        %dma_start3A_51 = arith.constant 0 : i32
        %dma_start3A_52 = arith.constant 0 : i32
        %dma_start3A_53 = tpu.memref_slice %arg2[%dma_start3A_51, %dma_start3A_52] : memref<10000x128xf32, #tpu.memory_space<hbm>> -> memref<10000x128xf32, #tpu.memory_space<hbm>>
        tpu.enqueue_indirect_dma source(%dma_start3A_53 : memref<10000x128xf32, #tpu.memory_space<hbm>>) target(%arg8 : memref<125x128xf32, #tpu.memory_space<vmem>>) offsets(%dma_start3A_50 : memref<125xi32, #tpu.memory_space<vmem>>) semaphore(%run_scoped3A : memref<!tpu.dma_semaphore, #tpu.memory_space<semaphore_mem>>)
        %dma_wait3A = arith.constant 0 : i32
        %dma_wait3A_54 = tpu.memref_slice %arg6[%scan3A_44, %dma_wait3A] : memref<40x128xi32, #tpu.memory_space<vmem>> -> memref<1x128xi32, #tpu.memory_space<vmem>>
        %dma_wait3A_55 = tpu.memref_squeeze %dma_wait3A_54 : memref<1x128xi32, #tpu.memory_space<vmem>> -> memref<128xi32, #tpu.memory_space<vmem>>
        %dma_wait3A_56 = arith.constant 0 : i32
        %dma_wait3A_57 = tpu.memref_slice %dma_wait3A_55[%dma_wait3A_56] : memref<128xi32, #tpu.memory_space<vmem>> -> memref<125xi32, #tpu.memory_space<vmem>>
        %dma_wait3A_58 = arith.constant 0 : i32
        %dma_wait3A_59 = arith.constant 0 : i32
        %dma_wait3A_60 = tpu.memref_slice %arg2[%dma_wait3A_58, %dma_wait3A_59] : memref<10000x128xf32, #tpu.memory_space<hbm>> -> memref<10000x128xf32, #tpu.memory_space<hbm>>
        tpu.wait_indirect_dma semaphore(%run_scoped3A : memref<!tpu.dma_semaphore, #tpu.memory_space<semaphore_mem>>) src(%dma_wait3A_60 : memref<10000x128xf32, #tpu.memory_space<hbm>>) dst(%arg8 : memref<125x128xf32, #tpu.memory_space<vmem>>)
        tpu.yield
      }) : () -> ()
      "tpu.region"() ({
        %run_scoped3A = tpu.sem_alloc : memref<!tpu.dma_semaphore, #tpu.memory_space<semaphore_mem>>
        %dma_start3A = arith.constant 0 : i32
        %dma_start3A_47 = tpu.memref_slice %arg7[%scan3A_44, %dma_start3A] : memref<40x128xi32, #tpu.memory_space<vmem>> -> memref<1x128xi32, #tpu.memory_space<vmem>>
        %dma_start3A_48 = tpu.memref_squeeze %dma_start3A_47 : memref<1x128xi32, #tpu.memory_space<vmem>> -> memref<128xi32, #tpu.memory_space<vmem>>
        %dma_start3A_49 = arith.constant 0 : i32
        %dma_start3A_50 = tpu.memref_slice %dma_start3A_48[%dma_start3A_49] : memref<128xi32, #tpu.memory_space<vmem>> -> memref<125xi32, #tpu.memory_space<vmem>>
        %dma_start3A_51 = arith.constant 0 : i32
        %dma_start3A_52 = arith.constant 0 : i32
        %dma_start3A_53 = tpu.memref_slice %arg12[%dma_start3A_51, %dma_start3A_52] : memref<10112x128xf32, #tpu.memory_space<vmem_shared>> -> memref<10112x128xf32, #tpu.memory_space<vmem_shared>>
        tpu.enqueue_indirect_dma source(%arg8 : memref<125x128xf32, #tpu.memory_space<vmem>>) target(%dma_start3A_53 : memref<10112x128xf32, #tpu.memory_space<vmem_shared>>) offsets(%dma_start3A_50 : memref<125xi32, #tpu.memory_space<vmem>>) semaphore(%run_scoped3A : memref<!tpu.dma_semaphore, #tpu.memory_space<semaphore_mem>>) {add = true}
        %dma_wait3A = arith.constant 0 : i32
        %dma_wait3A_54 = tpu.memref_slice %arg7[%scan3A_44, %dma_wait3A] : memref<40x128xi32, #tpu.memory_space<vmem>> -> memref<1x128xi32, #tpu.memory_space<vmem>>
        %dma_wait3A_55 = tpu.memref_squeeze %dma_wait3A_54 : memref<1x128xi32, #tpu.memory_space<vmem>> -> memref<128xi32, #tpu.memory_space<vmem>>
        %dma_wait3A_56 = arith.constant 0 : i32
        %dma_wait3A_57 = tpu.memref_slice %dma_wait3A_55[%dma_wait3A_56] : memref<128xi32, #tpu.memory_space<vmem>> -> memref<125xi32, #tpu.memory_space<vmem>>
        %dma_wait3A_58 = arith.constant 0 : i32
        %dma_wait3A_59 = arith.constant 0 : i32
        %dma_wait3A_60 = tpu.memref_slice %arg12[%dma_wait3A_58, %dma_wait3A_59] : memref<10112x128xf32, #tpu.memory_space<vmem_shared>> -> memref<10112x128xf32, #tpu.memory_space<vmem_shared>>
        tpu.wait_indirect_dma semaphore(%run_scoped3A : memref<!tpu.dma_semaphore, #tpu.memory_space<semaphore_mem>>) src(%arg8 : memref<125x128xf32, #tpu.memory_space<vmem>>) dst(%dma_wait3A_60 : memref<10112x128xf32, #tpu.memory_space<vmem_shared>>)
        tpu.yield
      }) : () -> ()
      %scan3A_46 = arith.constant 0 : i32
      scf.yield %scan3A_46 : i32
    }
    %scan3A_24 = arith.constant 40 : i32
    "tpu.region"() ({
      %run_scoped3A = tpu.sem_alloc : memref<!tpu.dma_semaphore, #tpu.memory_space<semaphore_mem>>
      %dma_start3A = arith.constant 0 : i32
      %dma_start3A_44 = arith.constant 0 : i32
      %dma_start3A_45 = tpu.memref_slice %arg3[%add3A, %dma_start3A, %dma_start3A_44] : memref<32x80x128xi32, #tpu.memory_space<hbm>> -> memref<1x80x128xi32, #tpu.memory_space<hbm>>
      %dma_start3A_46 = tpu.memref_squeeze %dma_start3A_45 : memref<1x80x128xi32, #tpu.memory_space<hbm>> -> memref<80x128xi32, #tpu.memory_space<hbm>>
      %dma_start3A_47 = arith.constant 40 : i32
      %dma_start3A_48 = arith.constant 0 : i32
      %dma_start3A_49 = tpu.memref_slice %dma_start3A_46[%dma_start3A_47, %dma_start3A_48] : memref<80x128xi32, #tpu.memory_space<hbm>> -> memref<40x128xi32, #tpu.memory_space<hbm>>
      %dma_start3A_50 = arith.constant 0 : i32
      %dma_start3A_51 = arith.constant 0 : i32
      %dma_start3A_52 = tpu.memref_slice %arg3[%add3A, %dma_start3A_50, %dma_start3A_51] : memref<32x80x128xi32, #tpu.memory_space<hbm>> -> memref<1x80x128xi32, #tpu.memory_space<hbm>>
      %dma_start3A_53 = tpu.memref_squeeze %dma_start3A_52 : memref<1x80x128xi32, #tpu.memory_space<hbm>> -> memref<80x128xi32, #tpu.memory_space<hbm>>
      %dma_start3A_54 = arith.constant 40 : i32
      %dma_start3A_55 = arith.constant 0 : i32
      %dma_start3A_56 = tpu.memref_slice %dma_start3A_53[%dma_start3A_54, %dma_start3A_55] : memref<80x128xi32, #tpu.memory_space<hbm>> -> memref<40x128xi32, #tpu.memory_space<hbm>>
      tpu.enqueue_dma source(%dma_start3A_56 : memref<40x128xi32, #tpu.memory_space<hbm>>) target(%arg6 : memref<40x128xi32, #tpu.memory_space<vmem>>) target_semaphore(%run_scoped3A : memref<!tpu.dma_semaphore, #tpu.memory_space<semaphore_mem>>)
      %dma_wait3A = arith.constant 0 : i32
      %dma_wait3A_57 = arith.constant 0 : i32
      %dma_wait3A_58 = tpu.memref_slice %arg3[%add3A, %dma_wait3A, %dma_wait3A_57] : memref<32x80x128xi32, #tpu.memory_space<hbm>> -> memref<1x80x128xi32, #tpu.memory_space<hbm>>
      %dma_wait3A_59 = tpu.memref_squeeze %dma_wait3A_58 : memref<1x80x128xi32, #tpu.memory_space<hbm>> -> memref<80x128xi32, #tpu.memory_space<hbm>>
      %dma_wait3A_60 = arith.constant 40 : i32
      %dma_wait3A_61 = arith.constant 0 : i32
      %dma_wait3A_62 = tpu.memref_slice %dma_wait3A_59[%dma_wait3A_60, %dma_wait3A_61] : memref<80x128xi32, #tpu.memory_space<hbm>> -> memref<40x128xi32, #tpu.memory_space<hbm>>
      %dma_wait3A_63 = arith.constant 0 : i32
      %dma_wait3A_64 = arith.constant 0 : i32
      %dma_wait3A_65 = tpu.memref_slice %arg3[%add3A, %dma_wait3A_63, %dma_wait3A_64] : memref<32x80x128xi32, #tpu.memory_space<hbm>> -> memref<1x80x128xi32, #tpu.memory_space<hbm>>
      %dma_wait3A_66 = tpu.memref_squeeze %dma_wait3A_65 : memref<1x80x128xi32, #tpu.memory_space<hbm>> -> memref<80x128xi32, #tpu.memory_space<hbm>>
      %dma_wait3A_67 = arith.constant 40 : i32
      %dma_wait3A_68 = arith.constant 0 : i32
      %dma_wait3A_69 = tpu.memref_slice %dma_wait3A_66[%dma_wait3A_67, %dma_wait3A_68] : memref<80x128xi32, #tpu.memory_space<hbm>> -> memref<40x128xi32, #tpu.memory_space<hbm>>
      tpu.wait_dma2 semaphore(%run_scoped3A : memref<!tpu.dma_semaphore, #tpu.memory_space<semaphore_mem>>) src(%dma_wait3A_69 : memref<40x128xi32, #tpu.memory_space<hbm>>) dst(%arg6 : memref<40x128xi32, #tpu.memory_space<vmem>>)
      tpu.yield
    }) : () -> ()
    "tpu.region"() ({
      %run_scoped3A = tpu.sem_alloc : memref<!tpu.dma_semaphore, #tpu.memory_space<semaphore_mem>>
      %dma_start3A = arith.constant 0 : i32
      %dma_start3A_44 = arith.constant 0 : i32
      %dma_start3A_45 = tpu.memref_slice %arg4[%add3A, %dma_start3A, %dma_start3A_44] : memref<32x80x128xi32, #tpu.memory_space<hbm>> -> memref<1x80x128xi32, #tpu.memory_space<hbm>>
      %dma_start3A_46 = tpu.memref_squeeze %dma_start3A_45 : memref<1x80x128xi32, #tpu.memory_space<hbm>> -> memref<80x128xi32, #tpu.memory_space<hbm>>
      %dma_start3A_47 = arith.constant 40 : i32
      %dma_start3A_48 = arith.constant 0 : i32
      %dma_start3A_49 = tpu.memref_slice %dma_start3A_46[%dma_start3A_47, %dma_start3A_48] : memref<80x128xi32, #tpu.memory_space<hbm>> -> memref<40x128xi32, #tpu.memory_space<hbm>>
      %dma_start3A_50 = arith.constant 0 : i32
      %dma_start3A_51 = arith.constant 0 : i32
      %dma_start3A_52 = tpu.memref_slice %arg4[%add3A, %dma_start3A_50, %dma_start3A_51] : memref<32x80x128xi32, #tpu.memory_space<hbm>> -> memref<1x80x128xi32, #tpu.memory_space<hbm>>
      %dma_start3A_53 = tpu.memref_squeeze %dma_start3A_52 : memref<1x80x128xi32, #tpu.memory_space<hbm>> -> memref<80x128xi32, #tpu.memory_space<hbm>>
      %dma_start3A_54 = arith.constant 40 : i32
      %dma_start3A_55 = arith.constant 0 : i32
      %dma_start3A_56 = tpu.memref_slice %dma_start3A_53[%dma_start3A_54, %dma_start3A_55] : memref<80x128xi32, #tpu.memory_space<hbm>> -> memref<40x128xi32, #tpu.memory_space<hbm>>
      tpu.enqueue_dma source(%dma_start3A_56 : memref<40x128xi32, #tpu.memory_space<hbm>>) target(%arg7 : memref<40x128xi32, #tpu.memory_space<vmem>>) target_semaphore(%run_scoped3A : memref<!tpu.dma_semaphore, #tpu.memory_space<semaphore_mem>>)
      %dma_wait3A = arith.constant 0 : i32
      %dma_wait3A_57 = arith.constant 0 : i32
      %dma_wait3A_58 = tpu.memref_slice %arg4[%add3A, %dma_wait3A, %dma_wait3A_57] : memref<32x80x128xi32, #tpu.memory_space<hbm>> -> memref<1x80x128xi32, #tpu.memory_space<hbm>>
      %dma_wait3A_59 = tpu.memref_squeeze %dma_wait3A_58 : memref<1x80x128xi32, #tpu.memory_space<hbm>> -> memref<80x128xi32, #tpu.memory_space<hbm>>
      %dma_wait3A_60 = arith.constant 40 : i32
      %dma_wait3A_61 = arith.constant 0 : i32
      %dma_wait3A_62 = tpu.memref_slice %dma_wait3A_59[%dma_wait3A_60, %dma_wait3A_61] : memref<80x128xi32, #tpu.memory_space<hbm>> -> memref<40x128xi32, #tpu.memory_space<hbm>>
      %dma_wait3A_63 = arith.constant 0 : i32
      %dma_wait3A_64 = arith.constant 0 : i32
      %dma_wait3A_65 = tpu.memref_slice %arg4[%add3A, %dma_wait3A_63, %dma_wait3A_64] : memref<32x80x128xi32, #tpu.memory_space<hbm>> -> memref<1x80x128xi32, #tpu.memory_space<hbm>>
      %dma_wait3A_66 = tpu.memref_squeeze %dma_wait3A_65 : memref<1x80x128xi32, #tpu.memory_space<hbm>> -> memref<80x128xi32, #tpu.memory_space<hbm>>
      %dma_wait3A_67 = arith.constant 40 : i32
      %dma_wait3A_68 = arith.constant 0 : i32
      %dma_wait3A_69 = tpu.memref_slice %dma_wait3A_66[%dma_wait3A_67, %dma_wait3A_68] : memref<80x128xi32, #tpu.memory_space<hbm>> -> memref<40x128xi32, #tpu.memory_space<hbm>>
      tpu.wait_dma2 semaphore(%run_scoped3A : memref<!tpu.dma_semaphore, #tpu.memory_space<semaphore_mem>>) src(%dma_wait3A_69 : memref<40x128xi32, #tpu.memory_space<hbm>>) dst(%arg7 : memref<40x128xi32, #tpu.memory_space<vmem>>)
      tpu.yield
    }) : () -> ()
    %scan3A_25 = arith.constant 0 : i32
    %scan3A_26 = arith.constant 0 : i32
    %scan3A_27 = arith.constant 40 : i32
    %scan3A_28 = arith.addi %scan3A_26, %scan3A_27 : i32
    %scan3A_29 = arith.constant 1 : i32
    %scan3A_30 = scf.for %scan3A_44 = %scan3A_26 to %scan3A_28 step %scan3A_29 iter_args(%scan3A_45 = %scan3A_25) -> (i32)  : i32 {
      "tpu.region"() ({
        %run_scoped3A = tpu.sem_alloc : memref<!tpu.dma_semaphore, #tpu.memory_space<semaphore_mem>>
        %dma_start3A = arith.constant 0 : i32
        %dma_start3A_47 = tpu.memref_slice %arg6[%scan3A_44, %dma_start3A] : memref<40x128xi32, #tpu.memory_space<vmem>> -> memref<1x128xi32, #tpu.memory_space<vmem>>
        %dma_start3A_48 = tpu.memref_squeeze %dma_start3A_47 : memref<1x128xi32, #tpu.memory_space<vmem>> -> memref<128xi32, #tpu.memory_space<vmem>>
        %dma_start3A_49 = arith.constant 0 : i32
        %dma_start3A_50 = tpu.memref_slice %dma_start3A_48[%dma_start3A_49] : memref<128xi32, #tpu.memory_space<vmem>> -> memref<125xi32, #tpu.memory_space<vmem>>
        %dma_start3A_51 = arith.constant 0 : i32
        %dma_start3A_52 = arith.constant 0 : i32
        %dma_start3A_53 = tpu.memref_slice %arg2[%dma_start3A_51, %dma_start3A_52] : memref<10000x128xf32, #tpu.memory_space<hbm>> -> memref<10000x128xf32, #tpu.memory_space<hbm>>
        tpu.enqueue_indirect_dma source(%dma_start3A_53 : memref<10000x128xf32, #tpu.memory_space<hbm>>) target(%arg8 : memref<125x128xf32, #tpu.memory_space<vmem>>) offsets(%dma_start3A_50 : memref<125xi32, #tpu.memory_space<vmem>>) semaphore(%run_scoped3A : memref<!tpu.dma_semaphore, #tpu.memory_space<semaphore_mem>>)
        %dma_wait3A = arith.constant 0 : i32
        %dma_wait3A_54 = tpu.memref_slice %arg6[%scan3A_44, %dma_wait3A] : memref<40x128xi32, #tpu.memory_space<vmem>> -> memref<1x128xi32, #tpu.memory_space<vmem>>
        %dma_wait3A_55 = tpu.memref_squeeze %dma_wait3A_54 : memref<1x128xi32, #tpu.memory_space<vmem>> -> memref<128xi32, #tpu.memory_space<vmem>>
        %dma_wait3A_56 = arith.constant 0 : i32
        %dma_wait3A_57 = tpu.memref_slice %dma_wait3A_55[%dma_wait3A_56] : memref<128xi32, #tpu.memory_space<vmem>> -> memref<125xi32, #tpu.memory_space<vmem>>
        %dma_wait3A_58 = arith.constant 0 : i32
        %dma_wait3A_59 = arith.constant 0 : i32
        %dma_wait3A_60 = tpu.memref_slice %arg2[%dma_wait3A_58, %dma_wait3A_59] : memref<10000x128xf32, #tpu.memory_space<hbm>> -> memref<10000x128xf32, #tpu.memory_space<hbm>>
        tpu.wait_indirect_dma semaphore(%run_scoped3A : memref<!tpu.dma_semaphore, #tpu.memory_space<semaphore_mem>>) src(%dma_wait3A_60 : memref<10000x128xf32, #tpu.memory_space<hbm>>) dst(%arg8 : memref<125x128xf32, #tpu.memory_space<vmem>>)
        tpu.yield
      }) : () -> ()
      "tpu.region"() ({
        %run_scoped3A = tpu.sem_alloc : memref<!tpu.dma_semaphore, #tpu.memory_space<semaphore_mem>>
        %dma_start3A = arith.constant 0 : i32
        %dma_start3A_47 = tpu.memref_slice %arg7[%scan3A_44, %dma_start3A] : memref<40x128xi32, #tpu.memory_space<vmem>> -> memref<1x128xi32, #tpu.memory_space<vmem>>
        %dma_start3A_48 = tpu.memref_squeeze %dma_start3A_47 : memref<1x128xi32, #tpu.memory_space<vmem>> -> memref<128xi32, #tpu.memory_space<vmem>>
        %dma_start3A_49 = arith.constant 0 : i32
        %dma_start3A_50 = tpu.memref_slice %dma_start3A_48[%dma_start3A_49] : memref<128xi32, #tpu.memory_space<vmem>> -> memref<125xi32, #tpu.memory_space<vmem>>
        %dma_start3A_51 = arith.constant 0 : i32
        %dma_start3A_52 = arith.constant 0 : i32
        %dma_start3A_53 = tpu.memref_slice %arg12[%dma_start3A_51, %dma_start3A_52] : memref<10112x128xf32, #tpu.memory_space<vmem_shared>> -> memref<10112x128xf32, #tpu.memory_space<vmem_shared>>
        tpu.enqueue_indirect_dma source(%arg8 : memref<125x128xf32, #tpu.memory_space<vmem>>) target(%dma_start3A_53 : memref<10112x128xf32, #tpu.memory_space<vmem_shared>>) offsets(%dma_start3A_50 : memref<125xi32, #tpu.memory_space<vmem>>) semaphore(%run_scoped3A : memref<!tpu.dma_semaphore, #tpu.memory_space<semaphore_mem>>) {add = true}
        %dma_wait3A = arith.constant 0 : i32
        %dma_wait3A_54 = tpu.memref_slice %arg7[%scan3A_44, %dma_wait3A] : memref<40x128xi32, #tpu.memory_space<vmem>> -> memref<1x128xi32, #tpu.memory_space<vmem>>
        %dma_wait3A_55 = tpu.memref_squeeze %dma_wait3A_54 : memref<1x128xi32, #tpu.memory_space<vmem>> -> memref<128xi32, #tpu.memory_space<vmem>>
        %dma_wait3A_56 = arith.constant 0 : i32
        %dma_wait3A_57 = tpu.memref_slice %dma_wait3A_55[%dma_wait3A_56] : memref<128xi32, #tpu.memory_space<vmem>> -> memref<125xi32, #tpu.memory_space<vmem>>
        %dma_wait3A_58 = arith.constant 0 : i32
        %dma_wait3A_59 = arith.constant 0 : i32
        %dma_wait3A_60 = tpu.memref_slice %arg12[%dma_wait3A_58, %dma_wait3A_59] : memref<10112x128xf32, #tpu.memory_space<vmem_shared>> -> memref<10112x128xf32, #tpu.memory_space<vmem_shared>>
        tpu.wait_indirect_dma semaphore(%run_scoped3A : memref<!tpu.dma_semaphore, #tpu.memory_space<semaphore_mem>>) src(%arg8 : memref<125x128xf32, #tpu.memory_space<vmem>>) dst(%dma_wait3A_60 : memref<10112x128xf32, #tpu.memory_space<vmem_shared>>)
        tpu.yield
      }) : () -> ()
      %scan3A_46 = arith.constant 0 : i32
      scf.yield %scan3A_46 : i32
    }
    %scan3A_31 = arith.constant 40 : i32
    %barrier3A_32 = arith.constant 0 : index
    tpu.barrier barrier_id(%barrier3A_32)
    %scan3A_33 = arith.constant 0 : i32
    %scan3A_34 = arith.constant 0 : i32
    %scan3A_35 = arith.constant 5 : i32
    %scan3A_36 = arith.addi %scan3A_34, %scan3A_35 : i32
    %scan3A_37 = arith.constant 1 : i32
    %scan3A_38 = scf.for %scan3A_44 = %scan3A_34 to %scan3A_36 step %scan3A_37 iter_args(%scan3A_45 = %scan3A_33) -> (i32)  : i32 {
      %mul3A_46 = arith.constant 120 : i32
      %mul3A_47 = arith.muli %scan3A_44, %mul3A_46 : i32
      %add3A_48 = arith.addi %mul3A_8, %mul3A_47 : i32
      "tpu.region"() ({
        %run_scoped3A = tpu.sem_alloc : memref<!tpu.dma_semaphore, #tpu.memory_space<semaphore_mem>>
        %dma_start3A = arith.constant 0 : i32
        %dma_start3A_53 = arith.constant 0 : i32
        %dma_start3A_54 = tpu.memref_slice %arg8[%dma_start3A, %dma_start3A_53] : memref<125x128xf32, #tpu.memory_space<vmem>> -> memref<120x128xf32, #tpu.memory_space<vmem>>
        %dma_start3A_55 = arith.constant 0 : i32
        %dma_start3A_56 = tpu.memref_slice %arg12[%add3A_48, %dma_start3A_55] : memref<10112x128xf32, #tpu.memory_space<vmem_shared>> -> memref<120x128xf32, #tpu.memory_space<vmem_shared>>
        %dma_start3A_57 = arith.constant 0 : i32
        %dma_start3A_58 = arith.constant 0 : i32
        %dma_start3A_59 = tpu.memref_slice %arg8[%dma_start3A_57, %dma_start3A_58] : memref<125x128xf32, #tpu.memory_space<vmem>> -> memref<120x128xf32, #tpu.memory_space<vmem>>
        %dma_start3A_60 = arith.constant 0 : i32
        %dma_start3A_61 = tpu.memref_slice %arg12[%add3A_48, %dma_start3A_60] : memref<10112x128xf32, #tpu.memory_space<vmem_shared>> -> memref<120x128xf32, #tpu.memory_space<vmem_shared>>
        tpu.enqueue_dma source(%dma_start3A_61 : memref<120x128xf32, #tpu.memory_space<vmem_shared>>) target(%dma_start3A_59 : memref<120x128xf32, #tpu.memory_space<vmem>>) target_semaphore(%run_scoped3A : memref<!tpu.dma_semaphore, #tpu.memory_space<semaphore_mem>>)
        %dma_wait3A = arith.constant 0 : i32
        %dma_wait3A_62 = arith.constant 0 : i32
        %dma_wait3A_63 = tpu.memref_slice %arg8[%dma_wait3A, %dma_wait3A_62] : memref<125x128xf32, #tpu.memory_space<vmem>> -> memref<120x128xf32, #tpu.memory_space<vmem>>
        %dma_wait3A_64 = arith.constant 0 : i32
        %dma_wait3A_65 = tpu.memref_slice %arg12[%add3A_48, %dma_wait3A_64] : memref<10112x128xf32, #tpu.memory_space<vmem_shared>> -> memref<120x128xf32, #tpu.memory_space<vmem_shared>>
        %dma_wait3A_66 = arith.constant 0 : i32
        %dma_wait3A_67 = arith.constant 0 : i32
        %dma_wait3A_68 = tpu.memref_slice %arg8[%dma_wait3A_66, %dma_wait3A_67] : memref<125x128xf32, #tpu.memory_space<vmem>> -> memref<120x128xf32, #tpu.memory_space<vmem>>
        %dma_wait3A_69 = arith.constant 0 : i32
        %dma_wait3A_70 = tpu.memref_slice %arg12[%add3A_48, %dma_wait3A_69] : memref<10112x128xf32, #tpu.memory_space<vmem_shared>> -> memref<120x128xf32, #tpu.memory_space<vmem_shared>>
        tpu.wait_dma2 semaphore(%run_scoped3A : memref<!tpu.dma_semaphore, #tpu.memory_space<semaphore_mem>>) src(%dma_wait3A_70 : memref<120x128xf32, #tpu.memory_space<vmem_shared>>) dst(%dma_wait3A_68 : memref<120x128xf32, #tpu.memory_space<vmem>>)
        tpu.yield
      }) : () -> ()
      %mul3A_49 = arith.constant 120 : i32
      %mul3A_50 = arith.muli %scan3A_44, %mul3A_49 : i32
      %add3A_51 = arith.addi %mul3A_8, %mul3A_50 : i32
      "tpu.region"() ({
        %run_scoped3A = tpu.sem_alloc : memref<!tpu.dma_semaphore, #tpu.memory_space<semaphore_mem>>
        %dma_start3A = arith.constant 0 : i32
        %dma_start3A_53 = arith.constant 0 : i32
        %dma_start3A_54 = tpu.memref_slice %arg8[%dma_start3A, %dma_start3A_53] : memref<125x128xf32, #tpu.memory_space<vmem>> -> memref<120x128xf32, #tpu.memory_space<vmem>>
        %dma_start3A_55 = arith.constant 0 : i32
        %dma_start3A_56 = arith.constant 0 : i32
        %dma_start3A_57 = tpu.memref_slice %arg5[%arg0, %dma_start3A_55, %dma_start3A_56] : memref<2x10112x128xf32, #tpu.memory_space<hbm>> -> memref<1x10112x128xf32, #tpu.memory_space<hbm>>
        %dma_start3A_58 = tpu.memref_squeeze %dma_start3A_57 : memref<1x10112x128xf32, #tpu.memory_space<hbm>> -> memref<10112x128xf32, #tpu.memory_space<hbm>>
        %dma_start3A_59 = arith.constant 0 : i32
        %dma_start3A_60 = tpu.memref_slice %dma_start3A_58[%add3A_51, %dma_start3A_59] : memref<10112x128xf32, #tpu.memory_space<hbm>> -> memref<120x128xf32, #tpu.memory_space<hbm>>
        %dma_start3A_61 = arith.constant 0 : i32
        %dma_start3A_62 = arith.constant 0 : i32
        %dma_start3A_63 = tpu.memref_slice %arg5[%arg0, %dma_start3A_61, %dma_start3A_62] : memref<2x10112x128xf32, #tpu.memory_space<hbm>> -> memref<1x10112x128xf32, #tpu.memory_space<hbm>>
        %dma_start3A_64 = tpu.memref_squeeze %dma_start3A_63 : memref<1x10112x128xf32, #tpu.memory_space<hbm>> -> memref<10112x128xf32, #tpu.memory_space<hbm>>
        %dma_start3A_65 = arith.constant 0 : i32
        %dma_start3A_66 = tpu.memref_slice %dma_start3A_64[%add3A_51, %dma_start3A_65] : memref<10112x128xf32, #tpu.memory_space<hbm>> -> memref<120x128xf32, #tpu.memory_space<hbm>>
        %dma_start3A_67 = arith.constant 0 : i32
        %dma_start3A_68 = arith.constant 0 : i32
        %dma_start3A_69 = tpu.memref_slice %arg8[%dma_start3A_67, %dma_start3A_68] : memref<125x128xf32, #tpu.memory_space<vmem>> -> memref<120x128xf32, #tpu.memory_space<vmem>>
        tpu.enqueue_dma source(%dma_start3A_69 : memref<120x128xf32, #tpu.memory_space<vmem>>) target(%dma_start3A_66 : memref<120x128xf32, #tpu.memory_space<hbm>>) target_semaphore(%run_scoped3A : memref<!tpu.dma_semaphore, #tpu.memory_space<semaphore_mem>>)
        %dma_wait3A = arith.constant 0 : i32
        %dma_wait3A_70 = arith.constant 0 : i32
        %dma_wait3A_71 = tpu.memref_slice %arg8[%dma_wait3A, %dma_wait3A_70] : memref<125x128xf32, #tpu.memory_space<vmem>> -> memref<120x128xf32, #tpu.memory_space<vmem>>
        %dma_wait3A_72 = arith.constant 0 : i32
        %dma_wait3A_73 = arith.constant 0 : i32
        %dma_wait3A_74 = tpu.memref_slice %arg5[%arg0, %dma_wait3A_72, %dma_wait3A_73] : memref<2x10112x128xf32, #tpu.memory_space<hbm>> -> memref<1x10112x128xf32, #tpu.memory_space<hbm>>
        %dma_wait3A_75 = tpu.memref_squeeze %dma_wait3A_74 : memref<1x10112x128xf32, #tpu.memory_space<hbm>> -> memref<10112x128xf32, #tpu.memory_space<hbm>>
        %dma_wait3A_76 = arith.constant 0 : i32
        %dma_wait3A_77 = tpu.memref_slice %dma_wait3A_75[%add3A_51, %dma_wait3A_76] : memref<10112x128xf32, #tpu.memory_space<hbm>> -> memref<120x128xf32, #tpu.memory_space<hbm>>
        %dma_wait3A_78 = arith.constant 0 : i32
        %dma_wait3A_79 = arith.constant 0 : i32
        %dma_wait3A_80 = tpu.memref_slice %arg5[%arg0, %dma_wait3A_78, %dma_wait3A_79] : memref<2x10112x128xf32, #tpu.memory_space<hbm>> -> memref<1x10112x128xf32, #tpu.memory_space<hbm>>
        %dma_wait3A_81 = tpu.memref_squeeze %dma_wait3A_80 : memref<1x10112x128xf32, #tpu.memory_space<hbm>> -> memref<10112x128xf32, #tpu.memory_space<hbm>>
        %dma_wait3A_82 = arith.constant 0 : i32
        %dma_wait3A_83 = tpu.memref_slice %dma_wait3A_81[%add3A_51, %dma_wait3A_82] : memref<10112x128xf32, #tpu.memory_space<hbm>> -> memref<120x128xf32, #tpu.memory_space<hbm>>
        %dma_wait3A_84 = arith.constant 0 : i32
        %dma_wait3A_85 = arith.constant 0 : i32
        %dma_wait3A_86 = tpu.memref_slice %arg8[%dma_wait3A_84, %dma_wait3A_85] : memref<125x128xf32, #tpu.memory_space<vmem>> -> memref<120x128xf32, #tpu.memory_space<vmem>>
        tpu.wait_dma2 semaphore(%run_scoped3A : memref<!tpu.dma_semaphore, #tpu.memory_space<semaphore_mem>>) src(%dma_wait3A_86 : memref<120x128xf32, #tpu.memory_space<vmem>>) dst(%dma_wait3A_83 : memref<120x128xf32, #tpu.memory_space<hbm>>)
        tpu.yield
      }) : () -> ()
      %scan3A_52 = arith.constant 0 : i32
      scf.yield %scan3A_52 : i32
    }
    %scan3A_39 = arith.constant 5 : i32
    %add3A_40 = arith.constant 600 : i32
    %add3A_41 = arith.addi %mul3A_8, %add3A_40 : i32
    "tpu.region"() ({
      %run_scoped3A = tpu.sem_alloc : memref<!tpu.dma_semaphore, #tpu.memory_space<semaphore_mem>>
      %dma_start3A = arith.constant 0 : i32
      %dma_start3A_44 = arith.constant 0 : i32
      %dma_start3A_45 = tpu.memref_slice %arg8[%dma_start3A, %dma_start3A_44] : memref<125x128xf32, #tpu.memory_space<vmem>> -> memref<32x128xf32, #tpu.memory_space<vmem>>
      %dma_start3A_46 = arith.constant 0 : i32
      %dma_start3A_47 = tpu.memref_slice %arg12[%add3A_41, %dma_start3A_46] : memref<10112x128xf32, #tpu.memory_space<vmem_shared>> -> memref<32x128xf32, #tpu.memory_space<vmem_shared>>
      %dma_start3A_48 = arith.constant 0 : i32
      %dma_start3A_49 = arith.constant 0 : i32
      %dma_start3A_50 = tpu.memref_slice %arg8[%dma_start3A_48, %dma_start3A_49] : memref<125x128xf32, #tpu.memory_space<vmem>> -> memref<32x128xf32, #tpu.memory_space<vmem>>
      %dma_start3A_51 = arith.constant 0 : i32
      %dma_start3A_52 = tpu.memref_slice %arg12[%add3A_41, %dma_start3A_51] : memref<10112x128xf32, #tpu.memory_space<vmem_shared>> -> memref<32x128xf32, #tpu.memory_space<vmem_shared>>
      tpu.enqueue_dma source(%dma_start3A_52 : memref<32x128xf32, #tpu.memory_space<vmem_shared>>) target(%dma_start3A_50 : memref<32x128xf32, #tpu.memory_space<vmem>>) target_semaphore(%run_scoped3A : memref<!tpu.dma_semaphore, #tpu.memory_space<semaphore_mem>>)
      %dma_wait3A = arith.constant 0 : i32
      %dma_wait3A_53 = arith.constant 0 : i32
      %dma_wait3A_54 = tpu.memref_slice %arg8[%dma_wait3A, %dma_wait3A_53] : memref<125x128xf32, #tpu.memory_space<vmem>> -> memref<32x128xf32, #tpu.memory_space<vmem>>
      %dma_wait3A_55 = arith.constant 0 : i32
      %dma_wait3A_56 = tpu.memref_slice %arg12[%add3A_41, %dma_wait3A_55] : memref<10112x128xf32, #tpu.memory_space<vmem_shared>> -> memref<32x128xf32, #tpu.memory_space<vmem_shared>>
      %dma_wait3A_57 = arith.constant 0 : i32
      %dma_wait3A_58 = arith.constant 0 : i32
      %dma_wait3A_59 = tpu.memref_slice %arg8[%dma_wait3A_57, %dma_wait3A_58] : memref<125x128xf32, #tpu.memory_space<vmem>> -> memref<32x128xf32, #tpu.memory_space<vmem>>
      %dma_wait3A_60 = arith.constant 0 : i32
      %dma_wait3A_61 = tpu.memref_slice %arg12[%add3A_41, %dma_wait3A_60] : memref<10112x128xf32, #tpu.memory_space<vmem_shared>> -> memref<32x128xf32, #tpu.memory_space<vmem_shared>>
      tpu.wait_dma2 semaphore(%run_scoped3A : memref<!tpu.dma_semaphore, #tpu.memory_space<semaphore_mem>>) src(%dma_wait3A_61 : memref<32x128xf32, #tpu.memory_space<vmem_shared>>) dst(%dma_wait3A_59 : memref<32x128xf32, #tpu.memory_space<vmem>>)
      tpu.yield
    }) : () -> ()
    %add3A_42 = arith.constant 600 : i32
    %add3A_43 = arith.addi %mul3A_8, %add3A_42 : i32
    "tpu.region"() ({
      %run_scoped3A = tpu.sem_alloc : memref<!tpu.dma_semaphore, #tpu.memory_space<semaphore_mem>>
      %dma_start3A = arith.constant 0 : i32
      %dma_start3A_44 = arith.constant 0 : i32
      %dma_start3A_45 = tpu.memref_slice %arg8[%dma_start3A, %dma_start3A_44] : memref<125x128xf32, #tpu.memory_space<vmem>> -> memref<32x128xf32, #tpu.memory_space<vmem>>
      %dma_start3A_46 = arith.constant 0 : i32
      %dma_start3A_47 = arith.constant 0 : i32
      %dma_start3A_48 = tpu.memref_slice %arg5[%arg0, %dma_start3A_46, %dma_start3A_47] : memref<2x10112x128xf32, #tpu.memory_space<hbm>> -> memref<1x10112x128xf32, #tpu.memory_space<hbm>>
      %dma_start3A_49 = tpu.memref_squeeze %dma_start3A_48 : memref<1x10112x128xf32, #tpu.memory_space<hbm>> -> memref<10112x128xf32, #tpu.memory_space<hbm>>
      %dma_start3A_50 = arith.constant 0 : i32
      %dma_start3A_51 = tpu.memref_slice %dma_start3A_49[%add3A_43, %dma_start3A_50] : memref<10112x128xf32, #tpu.memory_space<hbm>> -> memref<32x128xf32, #tpu.memory_space<hbm>>
      %dma_start3A_52 = arith.constant 0 : i32
      %dma_start3A_53 = arith.constant 0 : i32
      %dma_start3A_54 = tpu.memref_slice %arg5[%arg0, %dma_start3A_52, %dma_start3A_53] : memref<2x10112x128xf32, #tpu.memory_space<hbm>> -> memref<1x10112x128xf32, #tpu.memory_space<hbm>>
      %dma_start3A_55 = tpu.memref_squeeze %dma_start3A_54 : memref<1x10112x128xf32, #tpu.memory_space<hbm>> -> memref<10112x128xf32, #tpu.memory_space<hbm>>
      %dma_start3A_56 = arith.constant 0 : i32
      %dma_start3A_57 = tpu.memref_slice %dma_start3A_55[%add3A_43, %dma_start3A_56] : memref<10112x128xf32, #tpu.memory_space<hbm>> -> memref<32x128xf32, #tpu.memory_space<hbm>>
      %dma_start3A_58 = arith.constant 0 : i32
      %dma_start3A_59 = arith.constant 0 : i32
      %dma_start3A_60 = tpu.memref_slice %arg8[%dma_start3A_58, %dma_start3A_59] : memref<125x128xf32, #tpu.memory_space<vmem>> -> memref<32x128xf32, #tpu.memory_space<vmem>>
      tpu.enqueue_dma source(%dma_start3A_60 : memref<32x128xf32, #tpu.memory_space<vmem>>) target(%dma_start3A_57 : memref<32x128xf32, #tpu.memory_space<hbm>>) target_semaphore(%run_scoped3A : memref<!tpu.dma_semaphore, #tpu.memory_space<semaphore_mem>>)
      %dma_wait3A = arith.constant 0 : i32
      %dma_wait3A_61 = arith.constant 0 : i32
      %dma_wait3A_62 = tpu.memref_slice %arg8[%dma_wait3A, %dma_wait3A_61] : memref<125x128xf32, #tpu.memory_space<vmem>> -> memref<32x128xf32, #tpu.memory_space<vmem>>
      %dma_wait3A_63 = arith.constant 0 : i32
      %dma_wait3A_64 = arith.constant 0 : i32
      %dma_wait3A_65 = tpu.memref_slice %arg5[%arg0, %dma_wait3A_63, %dma_wait3A_64] : memref<2x10112x128xf32, #tpu.memory_space<hbm>> -> memref<1x10112x128xf32, #tpu.memory_space<hbm>>
      %dma_wait3A_66 = tpu.memref_squeeze %dma_wait3A_65 : memref<1x10112x128xf32, #tpu.memory_space<hbm>> -> memref<10112x128xf32, #tpu.memory_space<hbm>>
      %dma_wait3A_67 = arith.constant 0 : i32
      %dma_wait3A_68 = tpu.memref_slice %dma_wait3A_66[%add3A_43, %dma_wait3A_67] : memref<10112x128xf32, #tpu.memory_space<hbm>> -> memref<32x128xf32, #tpu.memory_space<hbm>>
      %dma_wait3A_69 = arith.constant 0 : i32
      %dma_wait3A_70 = arith.constant 0 : i32
      %dma_wait3A_71 = tpu.memref_slice %arg5[%arg0, %dma_wait3A_69, %dma_wait3A_70] : memref<2x10112x128xf32, #tpu.memory_space<hbm>> -> memref<1x10112x128xf32, #tpu.memory_space<hbm>>
      %dma_wait3A_72 = tpu.memref_squeeze %dma_wait3A_71 : memref<1x10112x128xf32, #tpu.memory_space<hbm>> -> memref<10112x128xf32, #tpu.memory_space<hbm>>
      %dma_wait3A_73 = arith.constant 0 : i32
      %dma_wait3A_74 = tpu.memref_slice %dma_wait3A_72[%add3A_43, %dma_wait3A_73] : memref<10112x128xf32, #tpu.memory_space<hbm>> -> memref<32x128xf32, #tpu.memory_space<hbm>>
      %dma_wait3A_75 = arith.constant 0 : i32
      %dma_wait3A_76 = arith.constant 0 : i32
      %dma_wait3A_77 = tpu.memref_slice %arg8[%dma_wait3A_75, %dma_wait3A_76] : memref<125x128xf32, #tpu.memory_space<vmem>> -> memref<32x128xf32, #tpu.memory_space<vmem>>
      tpu.wait_dma2 semaphore(%run_scoped3A : memref<!tpu.dma_semaphore, #tpu.memory_space<semaphore_mem>>) src(%dma_wait3A_77 : memref<32x128xf32, #tpu.memory_space<vmem>>) dst(%dma_wait3A_74 : memref<32x128xf32, #tpu.memory_space<hbm>>)
      tpu.yield
    }) : () -> ()
    return
  }
}

module attributes {stable_mosaic.version = 14 : i64} {
  func.func @body(%arg0: i32, %arg1: memref<1000x128xf32, #tpu.memory_space<vmem>>, %arg2: memref<128x128xf32, #tpu.memory_space<vmem>>, %arg3: memref<1000x16xf32, #tpu.memory_space<vmem>>, %arg4: memref<1000x16xf32, #tpu.memory_space<vmem>>, %arg5: memref<1000x128xf32, #tpu.memory_space<vmem>>, %arg6: memref<1000x128xf32, #tpu.memory_space<vmem>>) attributes {dimension_semantics = [#tpu.dimension_semantics<arbitrary>], iteration_bounds = array<i64: 10>, scalar_prefetch = 0 : i64, scratch_operands = 0 : i64, tpu.core_type = #tpu.core_type<tc>, window_params = [{transform_indices = @transform_0, window_bounds = array<i64: 1000, 128>}, {pipeline_mode = #tpu.pipeline_mode<synchronous>, transform_indices = @transform_1, window_bounds = array<i64: 128, 128>}, {transform_indices = @transform_2, window_bounds = array<i64: 1000, 16>}, {transform_indices = @transform_3, window_bounds = array<i64: 1000, 16>}, {transform_indices = @transform_4, window_bounds = array<i64: 1000, 128>}, {transform_indices = @transform_5, window_bounds = array<i64: 1000, 128>}]} {
    %get3A = arith.constant 0 : index
    %get3A_0 = arith.constant 0 : index
    %get3A_1 = vector.load %arg3[%get3A, %get3A_0] : memref<1000x16xf32, #tpu.memory_space<vmem>>, vector<1000x1xf32>
    %get3A_2 = arith.constant 0 : index
    %get3A_3 = arith.constant 0 : index
    %get3A_4 = vector.load %arg4[%get3A_2, %get3A_3] : memref<1000x16xf32, #tpu.memory_space<vmem>>, vector<1000x1xf32>
    %add3A = arith.addf %get3A_1, %get3A_4 : vector<1000x1xf32>
    %add3A_5 = arith.constant 1.000000e+00 : f32
    %add3A_6 = vector.broadcast %add3A_5 : f32 to vector<1000x1xf32>
    %add3A_7 = arith.addf %add3A, %add3A_6 : vector<1000x1xf32>
    %rsqrt3A = math.rsqrt %add3A_7 : vector<1000x1xf32>
    %get3A_8 = arith.constant 0 : index
    %get3A_9 = arith.constant 0 : index
    %get3A_10 = vector.load %arg1[%get3A_8, %get3A_9] : memref<1000x128xf32, #tpu.memory_space<vmem>>, vector<1000x128xf32>
    %get3A_11 = arith.constant 0 : index
    %get3A_12 = arith.constant 0 : index
    %get3A_13 = vector.load %arg2[%get3A_11, %get3A_12] : memref<128x128xf32, #tpu.memory_space<vmem>>, vector<128x128xf32>
    %dot_general3A = arith.constant dense<0.000000e+00> : vector<1000x128xf32>
    %dot_general3A_14 = tpu.matmul %get3A_10, %get3A_13, %dot_general3A {dimension_numbers = #tpu.dot_dimension_numbers<[1], [0], [0], [1], [0, 0, 1, 1], [], []>, transpose_lhs_hint = false} : vector<1000x128xf32>, vector<128x128xf32>, vector<1000x128xf32> -> vector<1000x128xf32>
    %swap3A = arith.constant 0 : index
    %swap3A_15 = arith.constant 0 : index
    %swap3A_16 = vector.load %arg5[%swap3A, %swap3A_15] : memref<1000x128xf32, #tpu.memory_space<vmem>>, vector<1000x128xf32>
    tpu.vector_store %arg5[%swap3A, %swap3A_15], %dot_general3A_14 {strides = array<i32>} : memref<1000x128xf32, #tpu.memory_space<vmem>>, vector<1000x128xf32>,
    %mul3A = vector.broadcast %rsqrt3A : vector<1000x1xf32> to vector<1000x128xf32>
    %mul3A_17 = arith.mulf %dot_general3A_14, %mul3A : vector<1000x128xf32>
    %swap3A_18 = arith.constant 0 : index
    %swap3A_19 = arith.constant 0 : index
    %swap3A_20 = vector.load %arg6[%swap3A_18, %swap3A_19] : memref<1000x128xf32, #tpu.memory_space<vmem>>, vector<1000x128xf32>
    tpu.vector_store %arg6[%swap3A_18, %swap3A_19], %mul3A_17 {strides = array<i32>} : memref<1000x128xf32, #tpu.memory_space<vmem>>, vector<1000x128xf32>,
    return
  }
  func.func @transform_0(%arg0: i32) -> (i32, i32) {
    %c0_i32 = arith.constant 0 : i32
    %c0_i32_0 = arith.constant 0 : i32
    return %arg0, %c0_i32 : i32, i32
  }
  func.func @transform_1(%arg0: i32) -> (i32, i32) {
    %c0_i32 = arith.constant 0 : i32
    %c0_i32_0 = arith.constant 0 : i32
    %c0_i32_1 = arith.constant 0 : i32
    return %c0_i32, %c0_i32_0 : i32, i32
  }
  func.func @transform_2(%arg0: i32) -> (i32, i32) {
    %c0_i32 = arith.constant 0 : i32
    %c0_i32_0 = arith.constant 0 : i32
    return %arg0, %c0_i32 : i32, i32
  }
  func.func @transform_3(%arg0: i32) -> (i32, i32) {
    %c0_i32 = arith.constant 0 : i32
    %c0_i32_0 = arith.constant 0 : i32
    return %arg0, %c0_i32 : i32, i32
  }
  func.func @transform_4(%arg0: i32) -> (i32, i32) {
    %c0_i32 = arith.constant 0 : i32
    %c0_i32_0 = arith.constant 0 : i32
    return %arg0, %c0_i32 : i32, i32
  }
  func.func @transform_5(%arg0: i32) -> (i32, i32) {
    %c0_i32 = arith.constant 0 : i32
    %c0_i32_0 = arith.constant 0 : i32
    return %arg0, %c0_i32 : i32, i32
  }
}

module attributes {stable_mosaic.version = 14 : i64} {
  func.func @body(%arg0: i32, %arg1: memref<1000x128xf32, #tpu.memory_space<vmem>>, %arg2: memref<1000x128xf32, #tpu.memory_space<vmem>>, %arg3: memref<1000x128xf32, #tpu.memory_space<vmem>>, %arg4: memref<1000x16xf32, #tpu.memory_space<vmem>>, %arg5: memref<1000x16xf32, #tpu.memory_space<vmem>>, %arg6: memref<1x128xf32, #tpu.memory_space<vmem>>, %arg7: memref<1x128xf32, #tpu.memory_space<vmem>>, %arg8: memref<1x128xf32, #tpu.memory_space<vmem>>, %arg9: memref<1x128xf32, #tpu.memory_space<vmem>>, %arg10: memref<1x128xf32, #tpu.memory_space<vmem>>, %arg11: memref<128x128xf32, #tpu.memory_space<vmem>>, %arg12: memref<1000x128xf32, #tpu.memory_space<vmem>>, %arg13: memref<1000x128xf32, #tpu.memory_space<vmem>>) attributes {dimension_semantics = [#tpu.dimension_semantics<arbitrary>], iteration_bounds = array<i64: 10>, scalar_prefetch = 0 : i64, scratch_operands = 0 : i64, tpu.core_type = #tpu.core_type<tc>, window_params = [{transform_indices = @transform_0, window_bounds = array<i64: 1000, 128>}, {transform_indices = @transform_1, window_bounds = array<i64: 1000, 128>}, {transform_indices = @transform_2, window_bounds = array<i64: 1000, 128>}, {transform_indices = @transform_3, window_bounds = array<i64: 1000, 16>}, {transform_indices = @transform_4, window_bounds = array<i64: 1000, 16>}, {pipeline_mode = #tpu.pipeline_mode<synchronous>, transform_indices = @transform_5, window_bounds = array<i64: 1, 128>}, {pipeline_mode = #tpu.pipeline_mode<synchronous>, transform_indices = @transform_6, window_bounds = array<i64: 1, 128>}, {pipeline_mode = #tpu.pipeline_mode<synchronous>, transform_indices = @transform_7, window_bounds = array<i64: 1, 128>}, {pipeline_mode = #tpu.pipeline_mode<synchronous>, transform_indices = @transform_8, window_bounds = array<i64: 1, 128>}, {pipeline_mode = #tpu.pipeline_mode<synchronous>, transform_indices = @transform_9, window_bounds = array<i64: 1, 128>}, {pipeline_mode = #tpu.pipeline_mode<synchronous>, transform_indices = @transform_10, window_bounds = array<i64: 128, 128>}, {transform_indices = @transform_11, window_bounds = array<i64: 1000, 128>}, {transform_indices = @transform_12, window_bounds = array<i64: 1000, 128>}]} {
    %get3A = arith.constant 0 : index
    %get3A_0 = arith.constant 0 : index
    %get3A_1 = vector.load %arg4[%get3A, %get3A_0] : memref<1000x16xf32, #tpu.memory_space<vmem>>, vector<1000x1xf32>
    %get3A_2 = arith.constant 0 : index
    %get3A_3 = arith.constant 0 : index
    %get3A_4 = vector.load %arg5[%get3A_2, %get3A_3] : memref<1000x16xf32, #tpu.memory_space<vmem>>, vector<1000x1xf32>
    %add3A = arith.addf %get3A_1, %get3A_4 : vector<1000x1xf32>
    %add3A_5 = arith.constant 1.000000e+00 : f32
    %add3A_6 = vector.broadcast %add3A_5 : f32 to vector<1000x1xf32>
    %add3A_7 = arith.addf %add3A, %add3A_6 : vector<1000x1xf32>
    %rsqrt3A = math.rsqrt %add3A_7 : vector<1000x1xf32>
    %get3A_8 = arith.constant 0 : index
    %get3A_9 = arith.constant 0 : index
    %get3A_10 = vector.load %arg1[%get3A_8, %get3A_9] : memref<1000x128xf32, #tpu.memory_space<vmem>>, vector<1000x128xf32>
    %get3A_11 = arith.constant 0 : index
    %get3A_12 = arith.constant 0 : index
    %get3A_13 = vector.load %arg2[%get3A_11, %get3A_12] : memref<1000x128xf32, #tpu.memory_space<vmem>>, vector<1000x128xf32>
    %add3A_14 = arith.addf %get3A_10, %get3A_13 : vector<1000x128xf32>
    %mul3A = vector.broadcast %rsqrt3A : vector<1000x1xf32> to vector<1000x128xf32>
    %mul3A_15 = arith.mulf %mul3A, %add3A_14 : vector<1000x128xf32>
    %mul3A_16 = arith.mulf %rsqrt3A, %rsqrt3A : vector<1000x1xf32>
    %get3A_17 = arith.constant 0 : index
    %get3A_18 = arith.constant 0 : index
    %get3A_19 = vector.load %arg3[%get3A_17, %get3A_18] : memref<1000x128xf32, #tpu.memory_space<vmem>>, vector<1000x128xf32>
    %mul3A_20 = vector.broadcast %mul3A_16 : vector<1000x1xf32> to vector<1000x128xf32>
    %mul3A_21 = arith.mulf %mul3A_20, %get3A_19 : vector<1000x128xf32>
    %add3A_22 = arith.addf %mul3A_15, %mul3A_21 : vector<1000x128xf32>
    %get3A_23 = arith.constant 0 : index
    %get3A_24 = arith.constant 0 : index
    %get3A_25 = vector.load %arg6[%get3A_23, %get3A_24] : memref<1x128xf32, #tpu.memory_space<vmem>>, vector<1x128xf32>
    %add3A_26 = vector.broadcast %get3A_25 : vector<1x128xf32> to vector<1000x128xf32>
    %add3A_27 = arith.addf %add3A_22, %add3A_26 : vector<1000x128xf32>
    %get3A_28 = arith.constant 0 : index
    %get3A_29 = arith.constant 0 : index
    %get3A_30 = vector.load %arg9[%get3A_28, %get3A_29] : memref<1x128xf32, #tpu.memory_space<vmem>>, vector<1x128xf32>
    %sub3A = vector.broadcast %get3A_30 : vector<1x128xf32> to vector<1000x128xf32>
    %sub3A_31 = arith.subf %add3A_27, %sub3A : vector<1000x128xf32>
    %get3A_32 = arith.constant 0 : index
    %get3A_33 = arith.constant 0 : index
    %get3A_34 = vector.load %arg7[%get3A_32, %get3A_33] : memref<1x128xf32, #tpu.memory_space<vmem>>, vector<1x128xf32>
    %get3A_35 = arith.constant 0 : index
    %get3A_36 = arith.constant 0 : index
    %get3A_37 = vector.load %arg10[%get3A_35, %get3A_36] : memref<1x128xf32, #tpu.memory_space<vmem>>, vector<1x128xf32>
    %add3A_38 = arith.constant 9.99999974E-6 : f32
    %add3A_39 = vector.broadcast %add3A_38 : f32 to vector<1x128xf32>
    %add3A_40 = arith.addf %get3A_37, %add3A_39 : vector<1x128xf32>
    %rsqrt3A_41 = math.rsqrt %add3A_40 : vector<1x128xf32>
    %mul3A_42 = arith.mulf %get3A_34, %rsqrt3A_41 : vector<1x128xf32>
    %mul3A_43 = vector.broadcast %mul3A_42 : vector<1x128xf32> to vector<1000x128xf32>
    %mul3A_44 = arith.mulf %sub3A_31, %mul3A_43 : vector<1000x128xf32>
    %get3A_45 = arith.constant 0 : index
    %get3A_46 = arith.constant 0 : index
    %get3A_47 = vector.load %arg8[%get3A_45, %get3A_46] : memref<1x128xf32, #tpu.memory_space<vmem>>, vector<1x128xf32>
    %add3A_48 = vector.broadcast %get3A_47 : vector<1x128xf32> to vector<1000x128xf32>
    %add3A_49 = arith.addf %mul3A_44, %add3A_48 : vector<1000x128xf32>
    %max3A = arith.constant 0.000000e+00 : f32
    %max3A_50 = vector.broadcast %max3A : f32 to vector<1000x128xf32>
    %max3A_51 = arith.maximumf %add3A_49, %max3A_50 : vector<1000x128xf32>
    %get3A_52 = arith.constant 0 : index
    %get3A_53 = arith.constant 0 : index
    %get3A_54 = vector.load %arg11[%get3A_52, %get3A_53] : memref<128x128xf32, #tpu.memory_space<vmem>>, vector<128x128xf32>
    %dot_general3A = arith.constant dense<0.000000e+00> : vector<1000x128xf32>
    %dot_general3A_55 = tpu.matmul %max3A_51, %get3A_54, %dot_general3A {dimension_numbers = #tpu.dot_dimension_numbers<[1], [0], [0], [1], [0, 0, 1, 1], [], []>, transpose_lhs_hint = false} : vector<1000x128xf32>, vector<128x128xf32>, vector<1000x128xf32> -> vector<1000x128xf32>
    %swap3A = arith.constant 0 : index
    %swap3A_56 = arith.constant 0 : index
    %swap3A_57 = vector.load %arg12[%swap3A, %swap3A_56] : memref<1000x128xf32, #tpu.memory_space<vmem>>, vector<1000x128xf32>
    tpu.vector_store %arg12[%swap3A, %swap3A_56], %dot_general3A_55 {strides = array<i32>} : memref<1000x128xf32, #tpu.memory_space<vmem>>, vector<1000x128xf32>,
    %mul3A_58 = vector.broadcast %rsqrt3A : vector<1000x1xf32> to vector<1000x128xf32>
    %mul3A_59 = arith.mulf %dot_general3A_55, %mul3A_58 : vector<1000x128xf32>
    %swap3A_60 = arith.constant 0 : index
    %swap3A_61 = arith.constant 0 : index
    %swap3A_62 = vector.load %arg13[%swap3A_60, %swap3A_61] : memref<1000x128xf32, #tpu.memory_space<vmem>>, vector<1000x128xf32>
    tpu.vector_store %arg13[%swap3A_60, %swap3A_61], %mul3A_59 {strides = array<i32>} : memref<1000x128xf32, #tpu.memory_space<vmem>>, vector<1000x128xf32>,
    return
  }
  func.func @transform_0(%arg0: i32) -> (i32, i32) {
    %c0_i32 = arith.constant 0 : i32
    %c0_i32_0 = arith.constant 0 : i32
    return %arg0, %c0_i32 : i32, i32
  }
  func.func @transform_1(%arg0: i32) -> (i32, i32) {
    %c0_i32 = arith.constant 0 : i32
    %c0_i32_0 = arith.constant 0 : i32
    return %arg0, %c0_i32 : i32, i32
  }
  func.func @transform_2(%arg0: i32) -> (i32, i32) {
    %c0_i32 = arith.constant 0 : i32
    %c0_i32_0 = arith.constant 0 : i32
    return %arg0, %c0_i32 : i32, i32
  }
  func.func @transform_3(%arg0: i32) -> (i32, i32) {
    %c0_i32 = arith.constant 0 : i32
    %c0_i32_0 = arith.constant 0 : i32
    return %arg0, %c0_i32 : i32, i32
  }
  func.func @transform_4(%arg0: i32) -> (i32, i32) {
    %c0_i32 = arith.constant 0 : i32
    %c0_i32_0 = arith.constant 0 : i32
    return %arg0, %c0_i32 : i32, i32
  }
  func.func @transform_5(%arg0: i32) -> (i32, i32) {
    %c0_i32 = arith.constant 0 : i32
    %c0_i32_0 = arith.constant 0 : i32
    %c0_i32_1 = arith.constant 0 : i32
    return %c0_i32, %c0_i32_0 : i32, i32
  }
  func.func @transform_6(%arg0: i32) -> (i32, i32) {
    %c0_i32 = arith.constant 0 : i32
    %c0_i32_0 = arith.constant 0 : i32
    %c0_i32_1 = arith.constant 0 : i32
    return %c0_i32, %c0_i32_0 : i32, i32
  }
  func.func @transform_7(%arg0: i32) -> (i32, i32) {
    %c0_i32 = arith.constant 0 : i32
    %c0_i32_0 = arith.constant 0 : i32
    %c0_i32_1 = arith.constant 0 : i32
    return %c0_i32, %c0_i32_0 : i32, i32
  }
  func.func @transform_8(%arg0: i32) -> (i32, i32) {
    %c0_i32 = arith.constant 0 : i32
    %c0_i32_0 = arith.constant 0 : i32
    %c0_i32_1 = arith.constant 0 : i32
    return %c0_i32, %c0_i32_0 : i32, i32
  }
  func.func @transform_9(%arg0: i32) -> (i32, i32) {
    %c0_i32 = arith.constant 0 : i32
    %c0_i32_0 = arith.constant 0 : i32
    %c0_i32_1 = arith.constant 0 : i32
    return %c0_i32, %c0_i32_0 : i32, i32
  }
  func.func @transform_10(%arg0: i32) -> (i32, i32) {
    %c0_i32 = arith.constant 0 : i32
    %c0_i32_0 = arith.constant 0 : i32
    %c0_i32_1 = arith.constant 0 : i32
    return %c0_i32, %c0_i32_0 : i32, i32
  }
  func.func @transform_11(%arg0: i32) -> (i32, i32) {
    %c0_i32 = arith.constant 0 : i32
    %c0_i32_0 = arith.constant 0 : i32
    return %arg0, %c0_i32 : i32, i32
  }
  func.func @transform_12(%arg0: i32) -> (i32, i32) {
    %c0_i32 = arith.constant 0 : i32
    %c0_i32_0 = arith.constant 0 : i32
    return %arg0, %c0_i32 : i32, i32
  }
}

module attributes {stable_mosaic.version = 14 : i64} {
  func.func @body(%arg0: i32, %arg1: memref<1000x128xf32, #tpu.memory_space<vmem>>, %arg2: memref<1000x128xf32, #tpu.memory_space<vmem>>, %arg3: memref<1000x128xf32, #tpu.memory_space<vmem>>, %arg4: memref<1000x16xf32, #tpu.memory_space<vmem>>, %arg5: memref<1000x16xf32, #tpu.memory_space<vmem>>, %arg6: memref<1x128xf32, #tpu.memory_space<vmem>>, %arg7: memref<1x128xf32, #tpu.memory_space<vmem>>, %arg8: memref<1x128xf32, #tpu.memory_space<vmem>>, %arg9: memref<1x128xf32, #tpu.memory_space<vmem>>, %arg10: memref<1x128xf32, #tpu.memory_space<vmem>>, %arg11: memref<1x1x1000xi32, #tpu.memory_space<vmem>>, %arg12: memref<128x128xf32, #tpu.memory_space<vmem>>, %arg13: memref<1x128xf32, #tpu.memory_space<vmem>>, %arg14: memref<128x128xf32, #tpu.memory_space<vmem>>, %arg15: memref<1x128xf32, #tpu.memory_space<vmem>>, %arg16: memref<64x128xf32, #tpu.memory_space<vmem>>, %arg17: memref<64x128xf32, #tpu.memory_space<vmem>>, %arg18: memref<64x128xf32, #tpu.memory_space<vmem>>) attributes {dimension_semantics = [#tpu.dimension_semantics<arbitrary>], iteration_bounds = array<i64: 10>, scalar_prefetch = 0 : i64, scratch_operands = 2 : i64, tpu.core_type = #tpu.core_type<tc>, window_params = [{transform_indices = @transform_0, window_bounds = array<i64: 1000, 128>}, {transform_indices = @transform_1, window_bounds = array<i64: 1000, 128>}, {transform_indices = @transform_2, window_bounds = array<i64: 1000, 128>}, {transform_indices = @transform_3, window_bounds = array<i64: 1000, 16>}, {transform_indices = @transform_4, window_bounds = array<i64: 1000, 16>}, {pipeline_mode = #tpu.pipeline_mode<synchronous>, transform_indices = @transform_5, window_bounds = array<i64: 1, 128>}, {pipeline_mode = #tpu.pipeline_mode<synchronous>, transform_indices = @transform_6, window_bounds = array<i64: 1, 128>}, {pipeline_mode = #tpu.pipeline_mode<synchronous>, transform_indices = @transform_7, window_bounds = array<i64: 1, 128>}, {pipeline_mode = #tpu.pipeline_mode<synchronous>, transform_indices = @transform_8, window_bounds = array<i64: 1, 128>}, {pipeline_mode = #tpu.pipeline_mode<synchronous>, transform_indices = @transform_9, window_bounds = array<i64: 1, 128>}, {transform_indices = @transform_10, window_bounds = array<i64: 1, 1, 1000>}, {pipeline_mode = #tpu.pipeline_mode<synchronous>, transform_indices = @transform_11, window_bounds = array<i64: 128, 128>}, {pipeline_mode = #tpu.pipeline_mode<synchronous>, transform_indices = @transform_12, window_bounds = array<i64: 1, 128>}, {pipeline_mode = #tpu.pipeline_mode<synchronous>, transform_indices = @transform_13, window_bounds = array<i64: 128, 128>}, {pipeline_mode = #tpu.pipeline_mode<synchronous>, transform_indices = @transform_14, window_bounds = array<i64: 1, 128>}, {pipeline_mode = #tpu.pipeline_mode<synchronous>, transform_indices = @transform_15, window_bounds = array<i64: 64, 128>}]} {
    %get3A = arith.constant 0 : index
    %get3A_0 = arith.constant 0 : index
    %get3A_1 = vector.load %arg4[%get3A, %get3A_0] : memref<1000x16xf32, #tpu.memory_space<vmem>>, vector<1000x1xf32>
    %get3A_2 = arith.constant 0 : index
    %get3A_3 = arith.constant 0 : index
    %get3A_4 = vector.load %arg5[%get3A_2, %get3A_3] : memref<1000x16xf32, #tpu.memory_space<vmem>>, vector<1000x1xf32>
    %add3A = arith.addf %get3A_1, %get3A_4 : vector<1000x1xf32>
    %add3A_5 = arith.constant 1.000000e+00 : f32
    %add3A_6 = vector.broadcast %add3A_5 : f32 to vector<1000x1xf32>
    %add3A_7 = arith.addf %add3A, %add3A_6 : vector<1000x1xf32>
    %rsqrt3A = math.rsqrt %add3A_7 : vector<1000x1xf32>
    %get3A_8 = arith.constant 0 : index
    %get3A_9 = arith.constant 0 : index
    %get3A_10 = vector.load %arg1[%get3A_8, %get3A_9] : memref<1000x128xf32, #tpu.memory_space<vmem>>, vector<1000x128xf32>
    %get3A_11 = arith.constant 0 : index
    %get3A_12 = arith.constant 0 : index
    %get3A_13 = vector.load %arg2[%get3A_11, %get3A_12] : memref<1000x128xf32, #tpu.memory_space<vmem>>, vector<1000x128xf32>
    %add3A_14 = arith.addf %get3A_10, %get3A_13 : vector<1000x128xf32>
    %mul3A = vector.broadcast %rsqrt3A : vector<1000x1xf32> to vector<1000x128xf32>
    %mul3A_15 = arith.mulf %mul3A, %add3A_14 : vector<1000x128xf32>
    %mul3A_16 = arith.mulf %rsqrt3A, %rsqrt3A : vector<1000x1xf32>
    %get3A_17 = arith.constant 0 : index
    %get3A_18 = arith.constant 0 : index
    %get3A_19 = vector.load %arg3[%get3A_17, %get3A_18] : memref<1000x128xf32, #tpu.memory_space<vmem>>, vector<1000x128xf32>
    %mul3A_20 = vector.broadcast %mul3A_16 : vector<1000x1xf32> to vector<1000x128xf32>
    %mul3A_21 = arith.mulf %mul3A_20, %get3A_19 : vector<1000x128xf32>
    %add3A_22 = arith.addf %mul3A_15, %mul3A_21 : vector<1000x128xf32>
    %get3A_23 = arith.constant 0 : index
    %get3A_24 = arith.constant 0 : index
    %get3A_25 = vector.load %arg6[%get3A_23, %get3A_24] : memref<1x128xf32, #tpu.memory_space<vmem>>, vector<1x128xf32>
    %add3A_26 = vector.broadcast %get3A_25 : vector<1x128xf32> to vector<1000x128xf32>
    %add3A_27 = arith.addf %add3A_22, %add3A_26 : vector<1000x128xf32>
    %get3A_28 = arith.constant 0 : index
    %get3A_29 = arith.constant 0 : index
    %get3A_30 = vector.load %arg9[%get3A_28, %get3A_29] : memref<1x128xf32, #tpu.memory_space<vmem>>, vector<1x128xf32>
    %sub3A = vector.broadcast %get3A_30 : vector<1x128xf32> to vector<1000x128xf32>
    %sub3A_31 = arith.subf %add3A_27, %sub3A : vector<1000x128xf32>
    %get3A_32 = arith.constant 0 : index
    %get3A_33 = arith.constant 0 : index
    %get3A_34 = vector.load %arg7[%get3A_32, %get3A_33] : memref<1x128xf32, #tpu.memory_space<vmem>>, vector<1x128xf32>
    %get3A_35 = arith.constant 0 : index
    %get3A_36 = arith.constant 0 : index
    %get3A_37 = vector.load %arg10[%get3A_35, %get3A_36] : memref<1x128xf32, #tpu.memory_space<vmem>>, vector<1x128xf32>
    %add3A_38 = arith.constant 9.99999974E-6 : f32
    %add3A_39 = vector.broadcast %add3A_38 : f32 to vector<1x128xf32>
    %add3A_40 = arith.addf %get3A_37, %add3A_39 : vector<1x128xf32>
    %rsqrt3A_41 = math.rsqrt %add3A_40 : vector<1x128xf32>
    %mul3A_42 = arith.mulf %get3A_34, %rsqrt3A_41 : vector<1x128xf32>
    %mul3A_43 = vector.broadcast %mul3A_42 : vector<1x128xf32> to vector<1000x128xf32>
    %mul3A_44 = arith.mulf %sub3A_31, %mul3A_43 : vector<1000x128xf32>
    %get3A_45 = arith.constant 0 : index
    %get3A_46 = arith.constant 0 : index
    %get3A_47 = vector.load %arg8[%get3A_45, %get3A_46] : memref<1x128xf32, #tpu.memory_space<vmem>>, vector<1x128xf32>
    %add3A_48 = vector.broadcast %get3A_47 : vector<1x128xf32> to vector<1000x128xf32>
    %add3A_49 = arith.addf %mul3A_44, %add3A_48 : vector<1000x128xf32>
    %iota3A = tpu.iota {dimensions = array<i32: 0>} : vector<64x1000xi32>
    %get3A_50 = arith.constant 0 : index
    %get3A_51 = arith.constant 0 : index
    %get3A_52 = arith.constant 0 : index
    %get3A_53 = vector.load %arg11[%get3A_50, %get3A_51, %get3A_52] : memref<1x1x1000xi32, #tpu.memory_space<vmem>>, vector<1x1x1000xi32>
    %get3A_54 = vector.shape_cast %get3A_53 : vector<1x1x1000xi32> to vector<1x1000xi32>
    %eq3A = vector.broadcast %get3A_54 : vector<1x1000xi32> to vector<64x1000xi32>
    %eq3A_55 = arith.cmpi eq, %eq3A, %iota3A : vector<64x1000xi32>
    %convert_element_type3A = arith.extui %eq3A_55 : vector<64x1000xi1> to vector<64x1000xi32>
    %convert_element_type3A_56 = arith.sitofp %convert_element_type3A : vector<64x1000xi32> to vector<64x1000xf32>
    %eq3A_57 = arith.constant 0 : i32
    %eq3A_58 = arith.cmpi eq, %arg0, %eq3A_57 : i32
    %convert_element_type3A_59 = arith.extui %eq3A_58 : i1 to i32
    %cond3A = arith.constant 0 : i32
    %cond3A_60 = arith.cmpi ne, %convert_element_type3A_59, %cond3A : i32
    scf.if %cond3A_60 {
      %broadcast_in_dim3A_83 = arith.constant 0.000000e+00 : f32
      %broadcast_in_dim3A_84 = vector.broadcast %broadcast_in_dim3A_83 : f32 to vector<64x128xf32>
      %swap3A_85 = arith.constant 0 : index
      %swap3A_86 = arith.constant 0 : index
      %swap3A_87 = vector.load %arg17[%swap3A_85, %swap3A_86] : memref<64x128xf32, #tpu.memory_space<vmem>>, vector<64x128xf32>
      tpu.vector_store %arg17[%swap3A_85, %swap3A_86], %broadcast_in_dim3A_84 {strides = array<i32>} : memref<64x128xf32, #tpu.memory_space<vmem>>, vector<64x128xf32>,
      %broadcast_in_dim3A_88 = arith.constant 0.000000e+00 : f32
      %broadcast_in_dim3A_89 = vector.broadcast %broadcast_in_dim3A_88 : f32 to vector<64x128xf32>
      %swap3A_90 = arith.constant 0 : index
      %swap3A_91 = arith.constant 0 : index
      %swap3A_92 = vector.load %arg18[%swap3A_90, %swap3A_91] : memref<64x128xf32, #tpu.memory_space<vmem>>, vector<64x128xf32>
      tpu.vector_store %arg18[%swap3A_90, %swap3A_91], %broadcast_in_dim3A_89 {strides = array<i32>} : memref<64x128xf32, #tpu.memory_space<vmem>>, vector<64x128xf32>,
    } else {
    }
    %get3A_61 = arith.constant 0 : index
    %get3A_62 = arith.constant 0 : index
    %get3A_63 = vector.load %arg17[%get3A_61, %get3A_62] : memref<64x128xf32, #tpu.memory_space<vmem>>, vector<64x128xf32>
    %dot_general3A = arith.constant dense<0.000000e+00> : vector<64x128xf32>
    %dot_general3A_64 = tpu.matmul %convert_element_type3A_56, %add3A_49, %dot_general3A {dimension_numbers = #tpu.dot_dimension_numbers<[1], [0], [0], [1], [0, 0, 1, 1], [], []>, transpose_lhs_hint = false} : vector<64x1000xf32>, vector<1000x128xf32>, vector<64x128xf32> -> vector<64x128xf32>
    %add3A_65 = arith.addf %get3A_63, %dot_general3A_64 : vector<64x128xf32>
    %swap3A = arith.constant 0 : index
    %swap3A_66 = arith.constant 0 : index
    %swap3A_67 = vector.load %arg17[%swap3A, %swap3A_66] : memref<64x128xf32, #tpu.memory_space<vmem>>, vector<64x128xf32>
    tpu.vector_store %arg17[%swap3A, %swap3A_66], %add3A_65 {strides = array<i32>} : memref<64x128xf32, #tpu.memory_space<vmem>>, vector<64x128xf32>,
    %get3A_68 = arith.constant 0 : index
    %get3A_69 = arith.constant 0 : index
    %get3A_70 = vector.load %arg18[%get3A_68, %get3A_69] : memref<64x128xf32, #tpu.memory_space<vmem>>, vector<64x128xf32>
    %reduce_sum3A = arith.constant dense<0.000000e+00> : vector<64xf32>
    %reduce_sum3A_71 = vector.multi_reduction <add>, %convert_element_type3A_56, %reduce_sum3A [1] : vector<64x1000xf32> to vector<64xf32>
    %broadcast_in_dim3A = vector.shape_cast %reduce_sum3A_71 : vector<64xf32> to vector<64x1xf32>
    %broadcast_in_dim3A_72 = vector.shape_cast %broadcast_in_dim3A : vector<64x1xf32> to vector<64x1xf32>
    %broadcast_in_dim3A_73 = vector.broadcast %broadcast_in_dim3A_72 : vector<64x1xf32> to vector<64x128xf32>
    %add3A_74 = arith.addf %get3A_70, %broadcast_in_dim3A_73 : vector<64x128xf32>
    %swap3A_75 = arith.constant 0 : index
    %swap3A_76 = arith.constant 0 : index
    %swap3A_77 = vector.load %arg18[%swap3A_75, %swap3A_76] : memref<64x128xf32, #tpu.memory_space<vmem>>, vector<64x128xf32>
    tpu.vector_store %arg18[%swap3A_75, %swap3A_76], %add3A_74 {strides = array<i32>} : memref<64x128xf32, #tpu.memory_space<vmem>>, vector<64x128xf32>,
    %eq3A_78 = arith.constant 9 : i32
    %eq3A_79 = arith.cmpi eq, %arg0, %eq3A_78 : i32
    %convert_element_type3A_80 = arith.extui %eq3A_79 : i1 to i32
    %cond3A_81 = arith.constant 0 : i32
    %cond3A_82 = arith.cmpi ne, %convert_element_type3A_80, %cond3A_81 : i32
    scf.if %cond3A_82 {
      %get3A_83 = arith.constant 0 : index
      %get3A_84 = arith.constant 0 : index
      %get3A_85 = vector.load %arg17[%get3A_83, %get3A_84] : memref<64x128xf32, #tpu.memory_space<vmem>>, vector<64x128xf32>
      %get3A_86 = arith.constant 0 : index
      %get3A_87 = arith.constant 0 : index
      %get3A_88 = vector.load %arg18[%get3A_86, %get3A_87] : memref<64x128xf32, #tpu.memory_space<vmem>>, vector<64x128xf32>
      %max3A = arith.constant 1.000000e+00 : f32
      %max3A_89 = vector.broadcast %max3A : f32 to vector<64x128xf32>
      %max3A_90 = arith.maximumf %get3A_88, %max3A_89 : vector<64x128xf32>
      %div3A = arith.divf %get3A_85, %max3A_90 : vector<64x128xf32>
      %get3A_91 = arith.constant 0 : index
      %get3A_92 = arith.constant 0 : index
      %get3A_93 = vector.load %arg12[%get3A_91, %get3A_92] : memref<128x128xf32, #tpu.memory_space<vmem>>, vector<128x128xf32>
      %dot_general3A_94 = arith.constant dense<0.000000e+00> : vector<64x128xf32>
      %dot_general3A_95 = tpu.matmul %div3A, %get3A_93, %dot_general3A_94 {dimension_numbers = #tpu.dot_dimension_numbers<[1], [0], [0], [1], [0, 0, 1, 1], [], []>, transpose_lhs_hint = false} : vector<64x128xf32>, vector<128x128xf32>, vector<64x128xf32> -> vector<64x128xf32>
      %get3A_96 = arith.constant 0 : index
      %get3A_97 = arith.constant 0 : index
      %get3A_98 = vector.load %arg13[%get3A_96, %get3A_97] : memref<1x128xf32, #tpu.memory_space<vmem>>, vector<1x128xf32>
      %add3A_99 = vector.broadcast %get3A_98 : vector<1x128xf32> to vector<64x128xf32>
      %add3A_100 = arith.addf %dot_general3A_95, %add3A_99 : vector<64x128xf32>
      %max3A_101 = arith.constant 0.000000e+00 : f32
      %max3A_102 = vector.broadcast %max3A_101 : f32 to vector<64x128xf32>
      %max3A_103 = arith.maximumf %add3A_100, %max3A_102 : vector<64x128xf32>
      %get3A_104 = arith.constant 0 : index
      %get3A_105 = arith.constant 0 : index
      %get3A_106 = vector.load %arg14[%get3A_104, %get3A_105] : memref<128x128xf32, #tpu.memory_space<vmem>>, vector<128x128xf32>
      %dot_general3A_107 = arith.constant dense<0.000000e+00> : vector<64x128xf32>
      %dot_general3A_108 = tpu.matmul %max3A_103, %get3A_106, %dot_general3A_107 {dimension_numbers = #tpu.dot_dimension_numbers<[1], [0], [0], [1], [0, 0, 1, 1], [], []>, transpose_lhs_hint = false} : vector<64x128xf32>, vector<128x128xf32>, vector<64x128xf32> -> vector<64x128xf32>
      %get3A_109 = arith.constant 0 : index
      %get3A_110 = arith.constant 0 : index
      %get3A_111 = vector.load %arg15[%get3A_109, %get3A_110] : memref<1x128xf32, #tpu.memory_space<vmem>>, vector<1x128xf32>
      %add3A_112 = vector.broadcast %get3A_111 : vector<1x128xf32> to vector<64x128xf32>
      %add3A_113 = arith.addf %dot_general3A_108, %add3A_112 : vector<64x128xf32>
      %swap3A_114 = arith.constant 0 : index
      %swap3A_115 = arith.constant 0 : index
      %swap3A_116 = vector.load %arg16[%swap3A_114, %swap3A_115] : memref<64x128xf32, #tpu.memory_space<vmem>>, vector<64x128xf32>
      tpu.vector_store %arg16[%swap3A_114, %swap3A_115], %add3A_113 {strides = array<i32>} : memref<64x128xf32, #tpu.memory_space<vmem>>, vector<64x128xf32>,
    } else {
    }
    return
  }
  func.func @transform_0(%arg0: i32) -> (i32, i32) {
    %c0_i32 = arith.constant 0 : i32
    %c0_i32_0 = arith.constant 0 : i32
    return %arg0, %c0_i32 : i32, i32
  }
  func.func @transform_1(%arg0: i32) -> (i32, i32) {
    %c0_i32 = arith.constant 0 : i32
    %c0_i32_0 = arith.constant 0 : i32
    return %arg0, %c0_i32 : i32, i32
  }
  func.func @transform_2(%arg0: i32) -> (i32, i32) {
    %c0_i32 = arith.constant 0 : i32
    %c0_i32_0 = arith.constant 0 : i32
    return %arg0, %c0_i32 : i32, i32
  }
  func.func @transform_3(%arg0: i32) -> (i32, i32) {
    %c0_i32 = arith.constant 0 : i32
    %c0_i32_0 = arith.constant 0 : i32
    return %arg0, %c0_i32 : i32, i32
  }
  func.func @transform_4(%arg0: i32) -> (i32, i32) {
    %c0_i32 = arith.constant 0 : i32
    %c0_i32_0 = arith.constant 0 : i32
    return %arg0, %c0_i32 : i32, i32
  }
  func.func @transform_5(%arg0: i32) -> (i32, i32) {
    %c0_i32 = arith.constant 0 : i32
    %c0_i32_0 = arith.constant 0 : i32
    %c0_i32_1 = arith.constant 0 : i32
    return %c0_i32, %c0_i32_0 : i32, i32
  }
  func.func @transform_6(%arg0: i32) -> (i32, i32) {
    %c0_i32 = arith.constant 0 : i32
    %c0_i32_0 = arith.constant 0 : i32
    %c0_i32_1 = arith.constant 0 : i32
    return %c0_i32, %c0_i32_0 : i32, i32
  }
  func.func @transform_7(%arg0: i32) -> (i32, i32) {
    %c0_i32 = arith.constant 0 : i32
    %c0_i32_0 = arith.constant 0 : i32
    %c0_i32_1 = arith.constant 0 : i32
    return %c0_i32, %c0_i32_0 : i32, i32
  }
  func.func @transform_8(%arg0: i32) -> (i32, i32) {
    %c0_i32 = arith.constant 0 : i32
    %c0_i32_0 = arith.constant 0 : i32
    %c0_i32_1 = arith.constant 0 : i32
    return %c0_i32, %c0_i32_0 : i32, i32
  }
  func.func @transform_9(%arg0: i32) -> (i32, i32) {
    %c0_i32 = arith.constant 0 : i32
    %c0_i32_0 = arith.constant 0 : i32
    %c0_i32_1 = arith.constant 0 : i32
    return %c0_i32, %c0_i32_0 : i32, i32
  }
  func.func @transform_10(%arg0: i32) -> (i32, i32, i32) {
    %c0_i32 = arith.constant 0 : i32
    %c0_i32_0 = arith.constant 0 : i32
    %c0_i32_1 = arith.constant 0 : i32
    return %arg0, %c0_i32, %c0_i32_0 : i32, i32, i32
  }
  func.func @transform_11(%arg0: i32) -> (i32, i32) {
    %c0_i32 = arith.constant 0 : i32
    %c0_i32_0 = arith.constant 0 : i32
    %c0_i32_1 = arith.constant 0 : i32
    return %c0_i32, %c0_i32_0 : i32, i32
  }
  func.func @transform_12(%arg0: i32) -> (i32, i32) {
    %c0_i32 = arith.constant 0 : i32
    %c0_i32_0 = arith.constant 0 : i32
    %c0_i32_1 = arith.constant 0 : i32
    return %c0_i32, %c0_i32_0 : i32, i32
  }
  func.func @transform_13(%arg0: i32) -> (i32, i32) {
    %c0_i32 = arith.constant 0 : i32
    %c0_i32_0 = arith.constant 0 : i32
    %c0_i32_1 = arith.constant 0 : i32
    return %c0_i32, %c0_i32_0 : i32, i32
  }
  func.func @transform_14(%arg0: i32) -> (i32, i32) {
    %c0_i32 = arith.constant 0 : i32
    %c0_i32_0 = arith.constant 0 : i32
    %c0_i32_1 = arith.constant 0 : i32
    return %c0_i32, %c0_i32_0 : i32, i32
  }
  func.func @transform_15(%arg0: i32) -> (i32, i32) {
    %c0_i32 = arith.constant 0 : i32
    %c0_i32_0 = arith.constant 0 : i32
    %c0_i32_1 = arith.constant 0 : i32
    return %c0_i32, %c0_i32_0 : i32, i32
  }
}

</mosaic_0001>

<sc_bundles>
// kernel: kernel.10.cloned.1.call-start
scs
__scs_entry_jumppad:
0x0: {  	(pc) =	sbr.rel $0x88, $3  }
0x1: {  	(tag) =	ssettag $0x0;
	lr =	simm.s32 $0x1  }
0x2: {  	[smem:$0x3F88] =	sst lr;
	_ =	strace $0xD0000000  }
0x3: {  	_ = 	snop  }
0x4: {  	_ = 	snop  }
0x5: {  	_ = 	snop  }
0x6: {  	_ = 	snop  }
0x7: {  	_ = 	snop  }
__scs_overlays_trampoline_lowered:
0x8: {  	[smem:$0x3F97] =	sst s0  }
0x9: {  	[smem:$0x3F98] =	sst s1  }
0xa: {  	[smem:$0x3F99] =	sst s2  }
0xb: {  	[smem:$0x3F9A] =	sst s3  }
0xc: {  	[smem:$0x3F9B] =	sst s4  }
0xd: {  	[smem:$0x3F9C] =	sst s5  }
0xe: {  	[smem:$0x3F9D] =	sst s6  }
0xf: {  	[smem:$0x3F9E] =	sst s7  }
0x10: {  	[smem:$0x3F9F] =	sst s8  }
0x11: {  	[smem:$0x3FA0] =	sst s9;
	s0 =	simm.s32 @!p0 $0x0  }
0x12: {  	s1 =	sld [smem:$0x3F86];
	s0 =	simm.s32 @p0 $0x1  }
0x13: {  	[smem:$0x3FA1] =	sst s0;
	s0 =	simm.s32 @!p1 $0x0  }
0x14: {  	s2 =	sld [smem:$0x3F85];
	s0 =	simm.s32 @p1 $0x1  }
0x15: {  	[smem:$0x3FA2] =	sst s0;
	s0 =	simm.s32 @!p2 $0x0  }
0x16: {  	s3 =	sld [smem:$0x3FDB];
	s0 =	simm.s32 @p2 $0x1  }
0x17: {  	s4 =	simm.s32 $0x1BF5;
	[smem:$0x3FA4] =	sst s0  }
0x18: {  	s0 =	sld [smem:$0x3F87];
	_ =	swait.ge [sflag:s4], $0x0  }
0x19: {  	s7 =	sld [smem:$0x3F88]  }
0x1a: {  	s8 =	sadd.s32 $0xFFFFE003, lr  }
0x1b: {  	s9 =	sadd.s32 $0xFFFFFEF7, lr;
	s5 =	simm.s32 $0xFFFFFFFF;
	p2 =	slt.u32 s8, $0xFFFFF086  }
0x1c: {  	p1 =	slt.u32 s9, $0xF7A;
	s5 =	simm.s32 @!p2 $0x0  }
0x1d: {  	s5 =	simm.s32 @p1 $0x1;
	p0 =	seq.s32 s7, s2  }
0x1e: {  	s7 =	smul.u32 @!p0 $0xF7A, s2;
	p2 =	seq.s32 @!p0 s5, $0x0  }
0x1f: {  	s9 =	smul.u32 $0xF7A, s1;
	s8 =	simm.s32 @!p0 $0x1BF5;
	p2 =	por !p2, p0  }
0x20: {  	[sflag:s8] =	ssyncset.s32 @!p0 $0xFFFFF086;
	s6 =	sadd.s32 @!p0 s3, s7;
	s7 =	simm.s32 @!p0 $0x108  }
0x21: {  	s3 =	sadd.s32 s3, s9;
	s6 =	sadd.s32 @!p0 $0x88, s6;
	s7 =	simm.s32 @p2 $0x1082  }
0x22: {  	[simem:s7], [sflag:s8] =	dma.local @!p0 [hbm:s6], $0xF7A  }
0x23: {  	s9 =	sor.u32 $0xD0000000, s2;
	s6 =	simm.s32 $0x108;
	_ =	swait.ge @!p0 [sflag:s8], $0x0  }
0x24: {  	s3 =	sadd.s32 $0x88, s3;
	s6 =	simm.s32 @!p1 $0x1082;
	[sflag:s4] =	ssyncset.s32 $0xFFFFF086  }
0x25: {  	[simem:s6], [sflag:s4] =	dma.local [hbm:s3], $0xF7A  }
0x26: {  	[smem:$0x3F88] =	sst s1;
	(tag) =	ssettag s2;
	_ =	strace s9  }
0x27: {  	s1 =	sld [smem:$0x3F98]  }
0x28: {  	s2 =	sld [smem:$0x3F99]  }
0x29: {  	s4 =	sld [smem:$0x3F9B]  }
0x2a: {  	p0 =	seq.s32 s5, $0x0;
	s5 =	sld [smem:$0x3F9C]  }
0x2b: {  	s6 =	sld [smem:$0x3F9D]  }
0x2c: {  	s7 =	sld [smem:$0x3F9E]  }
0x2d: {  	s3 =	simm.s32 $0x108;
	s8 =	sld [smem:$0x3F9F]  }
0x2e: {  	s3 =	simm.s32 @!p0 $0x1082;
	s9 =	sld [smem:$0x3FA0]  }
0x2f: {  	lr =	sadd.s32 s0, s3;
	s0 =	sld [smem:$0x3F97]  }
0x30: {  	s3 =	sld [smem:$0x3F9A]  }
0x31: {  	[smem:$0x3FA3] =	sst s10  }
0x32: {  	s10 =	sld [smem:$0x3FA1];
	_ =	sdelay $0x3  }
0x33: {  	p0 =	seq.s32 s10, $0x1;
	s10 =	sld [smem:$0x3FA3];
	_ =	sdelay $0x3  }
0x34: {  	[smem:$0x3FA3] =	sst s10  }
0x35: {  	s10 =	sld [smem:$0x3FA2];
	_ =	sdelay $0x3  }
0x36: {  	p1 =	seq.s32 s10, $0x1;
	s10 =	sld [smem:$0x3FA3];
	_ =	sdelay $0x3  }
0x37: {  	[smem:$0x3FA3] =	sst s10  }
0x38: {  	s10 =	sld [smem:$0x3FA4]  }
0x39: {  	_ = 	snop;
	(pc) =	sbr.ind lr, $3  }
0x3a: {  	_ = 	snop  }
0x3b: {  	_ = 	snop  }
0x3c: {  	p2 =	seq.s32 s10, $0x1;
	s10 =	sld [smem:$0x3FA3]  }
0x3d: {  	_ =	shalt  }
0x3e: {  	_ =	shalt  }
0x3f: {  	_ =	shalt  }
0x40: {  	_ =	shalt  }
0x41: {  	_ =	shalt  }
0x42: {  	_ =	shalt  }
0x43: {  	_ =	shalt  }
0x44: {  	_ =	shalt  }
0x45: {  	_ =	shalt  }
0x46: {  	_ =	shalt  }
0x47: {  	_ =	shalt  }
0x48: {  	_ =	shalt  }
0x49: {  	_ =	shalt  }
0x4a: {  	_ =	shalt  }
0x4b: {  	_ =	shalt  }
0x4c: {  	_ =	shalt  }
0x4d: {  	_ =	shalt  }
0x4e: {  	_ =	shalt  }
0x4f: {  	_ =	shalt  }
0x50: {  	_ =	shalt  }
0x51: {  	_ =	shalt  }
0x52: {  	_ =	shalt  }
0x53: {  	_ =	shalt  }
0x54: {  	_ =	shalt  }
0x55: {  	_ =	shalt  }
0x56: {  	_ =	shalt  }
0x57: {  	_ =	shalt  }
0x58: {  	_ =	shalt  }
0x59: {  	_ =	shalt  }
0x5a: {  	_ =	shalt  }
0x5b: {  	_ =	shalt  }
0x5c: {  	_ =	shalt  }
0x5d: {  	_ =	shalt  }
0x5e: {  	_ =	shalt  }
0x5f: {  	_ =	shalt  }
0x60: {  	_ =	shalt  }
0x61: {  	_ =	shalt  }
0x62: {  	_ =	shalt  }
0x63: {  	_ =	shalt  }
0x64: {  	_ =	shalt  }
0x65: {  	_ =	shalt  }
0x66: {  	_ =	shalt  }
0x67: {  	_ =	shalt  }
0x68: {  	_ =	shalt  }
0x69: {  	_ =	shalt  }
0x6a: {  	_ =	shalt  }
0x6b: {  	_ =	shalt  }
0x6c: {  	_ =	shalt  }
0x6d: {  	_ =	shalt  }
0x6e: {  	_ =	shalt  }
0x6f: {  	_ =	shalt  }
0x70: {  	_ =	shalt  }
0x71: {  	_ =	shalt  }
0x72: {  	_ =	shalt  }
0x73: {  	_ =	shalt  }
0x74: {  	_ =	shalt  }
0x75: {  	_ =	shalt  }
0x76: {  	_ =	shalt  }
0x77: {  	_ =	shalt  }
0x78: {  	_ =	shalt  }
0x79: {  	_ =	shalt  }
0x7a: {  	_ =	shalt  }
0x7b: {  	_ =	shalt  }
0x7c: {  	_ =	shalt  }
0x7d: {  	_ =	shalt  }
0x7e: {  	_ =	shalt  }
0x7f: {  	_ =	shalt  }
0x80: {  	_ =	shalt  }
0x81: {  	_ =	shalt  }
0x82: {  	_ =	shalt  }
0x83: {  	_ =	shalt  }
0x84: {  	_ =	shalt  }
0x85: {  	_ =	shalt  }
0x86: {  	_ =	shalt  }
0x87: {  	_ =	shalt  }
.Lfunc_end0:
.L_simem_size_0:
called_computation_lowered:
.L_overlay_start_0:
0x88: {  	s2 =	sld [smem:$0x3FD9]  }
0x89: {  	s3 =	sld [smem:$0x3FFE];
	_ =	sdelay $0x1  }
0x8a: {  	s1 =	srdreg.scid  }
0x8b: {  	s0 =	sand.u32 $0x1, s1  }
0x8c: {  	s16 =	sshll.u32 s0, $0xA;
	s2 =	sadd.s32 s3, s2  }
0x8d: {  	s2 =	sadd.s32 s2, s16  }
0x8e: {  	[smem:$0x3FAF] =	sst s2  }
0x8f: {  	_ = 	snop  }
0x90: {  	(tm) =	ssettm $0x1  }
0x91: {  	s17 =	sld [smem:$0x3FFB];
	_ =	sdelay $0x3  }
0x92: {  	_ =	strace s17  }
0x93: {  	s2 =	sld [smem:$0x3FFC];
	_ =	sdelay $0x3  }
0x94: {  	_ =	strace s2  }
0x95: {  	s2 =	sld [smem:$0x3FFD];
	_ =	sdelay $0x3  }
0x96: {  	_ =	strace s2  }
0x97: {  	_ =	strace $0x8FFFFFFF  }
0x98: {  	s18 =	sld [smem:$0x3FDB];
	_ =	sdelay $0x1  }
0x99: {  	s19 =	simm.s32 $_scs_section_size  }
0x9a: {  	s4 =	simm.s32 $_size__tile_overlayer_lowered;
	s5 =	simm.s32 $_tile_overlayer_lowered  }
0x9b: {  	s22 =	simm.s32 $0x1BFF;
	s21 =	sshll.u32 s5, $0x1;
	s2 =	sadd.s32 s19, s18  }
0x9c: {  	s6 =	simm.s32 $0x0;
	s20 =	sshll.u32 s4, $0x1;
	s4 =	sadd.s32 s21, s2  }
0x9d: {  	[timem:s6], [sflag:s22] =	dma.local [hbm:s4], s20  }
0x9e: {  	_ =	swait.ge [sflag:s22], s20  }
0x9f: {  	s3 =	ssub.s32 $0x0, s20;
	[sflag:s22] =	ssyncset.done $0x0  }
0xa0: {  	[sflag:s22] =	ssyncadd.s32 s3;
	_ =	sdelay $0x1  }
0xa1: {  	s23 =	simm.s32 $0x1B8B  }
0xa2: {  	_ =	swait.ge [sflag:s23], $0x1  }
0xa3: {  	[sflag:s23] =	ssyncset.done $0x0  }
0xa4: {  	s25 =	simm.s32 $0x1B8E;
	s24 =	sld [smem:$0x3FFE];
	[sflag:s23] =	ssyncadd.s32 $0xFFFFFFFF  }
0xa5: {  	s26 =	simm.s32 $execute0_lowered;
	[smem:$0x3FD2] =	sst s25  }
0xa6: {  	s4 =	sshll.u32 s26, $0x1;
	_ =	strace $0x80000046;
	[dreg:$0x1] =	wrdreg $0xFFFFFFFF  }
0xa7: {  	s28 =	simm.s32 $_size_execute0_lowered;
	s2 =	sadd.s32 s2, s4;
	[dreg:$0x0] =	wrdreg $0x0  }
0xa8: {  	s4 =	sshll.u32 s28, $0x1;
	[dreg:$0x2] =	wrdreg s2  }
0xa9: {  	[dreg:$0x3] =	wrdreg s4  }
0xaa: {  	[dreg:$0x4] =	wrdreg $0xC0  }
0xab: {  	_ =	task [dreg:s6], $0x5FFFF  }
0xac: {  	[dreg:$0x1] =	wrdreg $0xFFFFFFFF  }
0xad: {  	[dreg:$0x0] =	wrdreg $0x60  }
0xae: {  	[dreg:$0x2] =	wrdreg s24  }
0xaf: {  	[dreg:$0x3] =	wrdreg $0xA8000  }
0xb0: {  	[dreg:$0x4] =	wrdreg $0x9  }
0xb1: {  	_ =	task.clear_ibuf [dreg:s6], $0x5FFFF;
	_ =	strace $0x90000046  }
0xb2: {  	s29 =	simm.s32 $0x9;
	_ =	strace $0x80000048  }
0xb3: {  	_ =	swait.ge [sflag:s29], $0x1  }
0xb4: {  	[sflag:s29] =	ssyncadd.s32 $0xFFFFFFFF  }
0xb5: {  	_ =	strace $0x90000048  }
0xb6: {  	_ =	sfence  }
0xb7: {  	s30 =	sld [smem:$0x0];
	_ =	sdelay $0x2  }
0xb8: {  	s31 =	sshll.u32 s1, $0xD;
	s1 =	sshrl.u32 s1, $0x2  }
0xb9: {  	s3 =	sand.u32 $0x4000, s31;
	s1 =	sadd.s32 s1, s30  }
0xba: {  	s0 =	sor.u32 s3, s0;
	s1 =	sshll.u32 s1, $0x11  }
0xbb: {  	s0 =	sor.u32 s1, s0  }
0xbc: {  	s0 =	sadd.s32 $0x8F2B, s0  }
0xbd: {  	[sflag:s0] =	ssyncadd.remote.s32 $0x1  }
0xbe: {  	_ =	sfence.sel $0xFFFF  }
0xbf: {  	[dreg:$0x0] =	wrdreg $0xFFFFFFFF;
	(pc) =	sbr.abs _section_cstart, $3  }
0xc0: {  	[dreg:$0x1] =	wrdreg $0xFFFFFFFF  }
0xc1: {  	_ =	task.clear_ibuf [dreg:s6], $0x2FFFF;
	_ =	strace $0x9FFFFFFF  }
0xc2: {  	(tm) =	ssettm $0x7FFFFFFF  }
0xc3: {  	_ =	shalt  }
tec
execute0_lowered:
.L_overlay_start_1:
0x0: {  	(tag) =	ssettag $0x1  }
0x1: {  	s0 =	srdreg.scid;
	s5 =	rddreg [dreg:$0x0]  }
0x2: {  	s2 =	rddreg [dreg:$0x1];
	s4 =	sand.u32 $0x1, s0  }
0x3: {  	s3 =	simm.s32 $0x0;
	s0 =	stileid.u32;
	s7 =	smul.u32 $0x27800, s4  }
0x4: {  	[smem:$0x7FF] =	sst s3;
	s9 =	smul.u32 $0x278, s0  }
0x5: {  	s1 =	sshll.u32 s4, $0x4;
	s4 =	ssub.s32 $0x2, s4;
	s11 =	smul.u32 $0x4F000, s0  }
0x6: {  	s16 =	smul.u32 $0x2780, s0;
	s1 =	sor.u32 s0, s1;
	s24 =	sshrl.u32 s4, $0x1  }
0x7: {  	s6 =	smul.u32 $0x500, s1;
	s1 =	rddreg [dreg:$0x2];
	_ =	strace $0x80000047  }
0x8: {  	s7 =	sadd.s32 s7, s5;
	s8 =	sadd.s32 $0x258, s9;
	s12 =	ssub.s32 s4, s24  }
0x9: {  	s25 =	sshrl.u32 s11, $0x2;
	s13 =	sadd.s32 $0x78, s9;
	s28 =	sadd.s32 $0xF0, s9  }
0xa: {  	s14 =	sadd.s32 $0x168, s9;
	s15 =	sadd.s32 $0x1E0, s9;
	s10 =	sshll.u32 s8, $0x7  }
0xb: {  	s21 =	sadd.s32 $0x10200, s7;
	s22 =	sshll.u32 s8, $0x4;
	s26 =	sshll.u32 s13, $0x7  }
0xc: {  	s7 =	smax.u32 s12, $0x1;
	s29 =	sshll.u32 s28, $0x7;
	s30 =	sshll.u32 s14, $0x7  }
0xd: {  	s31 =	sshll.u32 s15, $0x7;
	s17 =	sshll.u32 s13, $0x4;
	s18 =	sshll.u32 s28, $0x4  }
0xe: {  	s19 =	sshll.u32 s14, $0x4;
	s20 =	sshll.u32 s15, $0x4;
	s12 =	simm.s32 $0x6800  }
0xf: {  	s13 =	simm.s32 $0x1;
	s14 =	simm.s32 $0x7D;
	s15 =	simm.s32 $0x2800  }
0x10: {  	s6 =	sadd.s32 s6, s5;
	s4 =	sadd.s32 s10, s2;
	s8 =	sadd.s32 s26, s2  }
0x11: {  	s9 =	sadd.s32 s29, s2;
	s10 =	sadd.s32 s30, s2;
	s11 =	sadd.s32 s31, s2  }
0x12: {  	s16 =	sadd.s32 s16, s21;
	s17 =	sadd.s32 s17, s21;
	s18 =	sadd.s32 s18, s21  }
0x13: {  	s19 =	sadd.s32 s19, s21;
	s20 =	sadd.s32 s20, s21;
	s21 =	sadd.s32 s22, s21  }
0x14: {  	v0 =	vimm.f32 $1.000000000e+00;
	v1 =	vimm.f32 $0.0e+00;
	s22 =	simm.s32 $0x0;
	s5 =	sadd.s32 $0x6200, s6;
	s6 =	sadd.s32 s25, s2  }
.LBB2_1:
0x15: {  	s23 =	simm.s32 $0x0  }
.LBB2_2:
0x16: {  	p0 =	sne.s32 s23, $0xF800  }
.Ltmp0:
0x17: {  	_ = 	snop;
	(pc) =	sbr.rel @p0 .LBB2_2-.Ltmp0, $3  }
0x18: {  	_ =	sdelay $0x1  }
0x19: {  	s24 =	sshra.s32 s23, $0x2  }
0x1a: {  	s23 =	sadd.s32 $0x200, s23;
	[tilespmem:s24+$0x2800] =	vst v0  }
0x1b: {  	s23 =	simm.s32 $0x200;
	s24 =	simm.s32 $0x0  }
.LBB2_4:
0x1c: {  	p0 =	sne.s32 s23, $0xF800;
	[tilespmem:s24+$0x6800] =	vst v1;
	s24 =	smov.u32 s23;
	s23 =	sadd.s32 $0x200, s23  }
.Ltmp1:
0x1d: {  	(pc) =	sbr.rel @p0 .LBB2_4-.Ltmp1, $2  }
0x1e: {  	_ =	sdelay $0x2  }
0x1f: {  	s24 =	sshra.s32 s24, $0x2  }
0x20: {  	[tilespmem:s24+$0x6800] =	vst v1  }
0x21: {  	[spmem:s6] =	stream.linear.scatter [tilespmem:s12], [sflag:$0x1], $0x3C00, $0x38;
	[tilespmem:$0xCF80] =	vst v63  }
0x22: {  	_ =	swait.ge [sflag:s13], $0x3C00  }
0x23: {  	[sflag:s13] =	ssyncset.done $0x0  }
0x24: {  	[sflag:s13] =	ssyncadd.s32 $0xFFFFC400  }
0x25: {  	[spmem:s8] =	stream.linear.scatter [tilespmem:s12], [sflag:$0x1], $0x3C00, $0x38;
	[tilespmem:$0xCF80] =	vst v63  }
0x26: {  	_ =	swait.ge [sflag:s13], $0x3C00  }
0x27: {  	[sflag:s13] =	ssyncset.done $0x0  }
0x28: {  	[sflag:s13] =	ssyncadd.s32 $0xFFFFC400  }
0x29: {  	[spmem:s9] =	stream.linear.scatter [tilespmem:s12], [sflag:$0x1], $0x3C00, $0x38;
	[tilespmem:$0xCF80] =	vst v63  }
0x2a: {  	_ =	swait.ge [sflag:s13], $0x3C00  }
0x2b: {  	[sflag:s13] =	ssyncset.done $0x0  }
0x2c: {  	[sflag:s13] =	ssyncadd.s32 $0xFFFFC400  }
0x2d: {  	[spmem:s10] =	stream.linear.scatter [tilespmem:s12], [sflag:$0x1], $0x3C00, $0x38;
	[tilespmem:$0xCF80] =	vst v63  }
0x2e: {  	_ =	swait.ge [sflag:s13], $0x3C00  }
0x2f: {  	[sflag:s13] =	ssyncset.done $0x0  }
0x30: {  	[sflag:s13] =	ssyncadd.s32 $0xFFFFC400  }
0x31: {  	[spmem:s11] =	stream.linear.scatter [tilespmem:s12], [sflag:$0x1], $0x3C00, $0x38;
	[tilespmem:$0xCF80] =	vst v63  }
0x32: {  	_ =	swait.ge [sflag:s13], $0x3C00  }
0x33: {  	[sflag:s13] =	ssyncset.done $0x0  }
0x34: {  	[sflag:s13] =	ssyncadd.s32 $0xFFFFC400  }
0x35: {  	[spmem:s4] =	stream.linear.scatter [tilespmem:s12], [sflag:$0x1], $0x1000, $0x38;
	[tilespmem:$0xCF80] =	vst v63  }
0x36: {  	_ =	swait.ge [sflag:s13], $0x1000  }
0x37: {  	[sflag:s13] =	ssyncset.done $0x0  }
0x38: {  	[sflag:s13] =	ssyncadd.s32 $0xFFFFF000  }
0x39: {  	s23 =	simm.s32 $0x0;
	[bflag:$0x0] =	sbarrier.arrive $0xFFFF  }
0x3a: {  	[tilespmem:s23], [sflag:$0x1] =	stream.linear.gather [hbm4b:s5+s23], $0x2800, $0x38;
	[tilespmem:$0xCF80] =	vst v63  }
0x3b: {  	_ =	swait.ge [sflag:s13], $0x2800  }
0x3c: {  	[sflag:s13] =	ssyncset.done $0x0  }
0x3d: {  	s31 =	simm.s32 $0x0;
	[sflag:s13] =	ssyncadd.s32 $0xFFFFD800  }
0x3e: {  	[spmem:s2] =	stream.indirect.scatter.add.f32 [tilespmem:s15], [sflag:$0x1], $0x10, s31, s14, $0xb8;
	[tilespmem:$0xCF80] =	vst v63  }
0x3f: {  	_ =	swait.ge [sflag:s13], $0x7D0  }
0x40: {  	s23 =	simm.s32 $0x200;
	[sflag:s13] =	ssyncset.done $0x0  }
.LBB2_6:
0x41: {  	s24 =	sshra.s32 s23, $0x2;
	[sflag:s13] =	ssyncadd.s32 $0xFFFFF830;
	p0 =	sne.s32 s23, $0x9E00  }
0x42: {  	[spmem:s2] =	stream.indirect.scatter.add.f32 [tilespmem:s15], [sflag:$0x1], $0x10, s24, s14, $0xb8;
	[tilespmem:$0xCF80] =	vst v63  }
.Ltmp2:
0x43: {  	_ = 	snop;
	(pc) =	sbr.rel @p0 .LBB2_6-.Ltmp2, $4  }
0x44: {  	_ = 	snop  }
0x45: {  	s23 =	sadd.s32 $0x200, s23  }
0x46: {  	_ =	swait.ge [sflag:s13], $0x7D0  }
0x47: {  	[sflag:s13] =	ssyncset.done $0x0  }
0x48: {  	[sflag:s13] =	ssyncadd.s32 $0xFFFFF830  }
0x49: {  	[bflag:$0x0] =	sbarrier.arrive $0xFFFF  }
0x4a: {  	[tilespmem:s12], [sflag:$0x1] =	stream.linear.gather [spmem:s6], $0x3C00, $0x38;
	[tilespmem:$0xCF80] =	vst v63  }
0x4b: {  	_ =	swait.ge [sflag:s13], $0x3C00  }
0x4c: {  	[sflag:s13] =	ssyncset.done $0x0  }
0x4d: {  	[sflag:s13] =	ssyncadd.s32 $0xFFFFC400  }
0x4e: {  	[hbm4b:s16+s3] =	stream.linear.scatter [tilespmem:s12], [sflag:$0x1], $0x3C00, $0x38;
	[tilespmem:$0xCF80] =	vst v63  }
0x4f: {  	_ =	swait.ge [sflag:s13], $0x3C00  }
0x50: {  	[sflag:s13] =	ssyncset.done $0x0  }
0x51: {  	[sflag:s13] =	ssyncadd.s32 $0xFFFFC400  }
0x52: {  	[tilespmem:s12], [sflag:$0x1] =	stream.linear.gather [spmem:s8], $0x3C00, $0x38;
	[tilespmem:$0xCF80] =	vst v63  }
0x53: {  	_ =	swait.ge [sflag:s13], $0x3C00  }
0x54: {  	[sflag:s13] =	ssyncset.done $0x0  }
0x55: {  	[sflag:s13] =	ssyncadd.s32 $0xFFFFC400  }
0x56: {  	[hbm4b:s17+s3] =	stream.linear.scatter [tilespmem:s12], [sflag:$0x1], $0x3C00, $0x38;
	[tilespmem:$0xCF80] =	vst v63  }
0x57: {  	_ =	swait.ge [sflag:s13], $0x3C00  }
0x58: {  	[sflag:s13] =	ssyncset.done $0x0  }
0x59: {  	[sflag:s13] =	ssyncadd.s32 $0xFFFFC400  }
0x5a: {  	[tilespmem:s12], [sflag:$0x1] =	stream.linear.gather [spmem:s9], $0x3C00, $0x38;
	[tilespmem:$0xCF80] =	vst v63  }
0x5b: {  	_ =	swait.ge [sflag:s13], $0x3C00  }
0x5c: {  	[sflag:s13] =	ssyncset.done $0x0  }
0x5d: {  	[sflag:s13] =	ssyncadd.s32 $0xFFFFC400  }
0x5e: {  	[hbm4b:s18+s3] =	stream.linear.scatter [tilespmem:s12], [sflag:$0x1], $0x3C00, $0x38;
	[tilespmem:$0xCF80] =	vst v63  }
0x5f: {  	_ =	swait.ge [sflag:s13], $0x3C00  }
0x60: {  	[sflag:s13] =	ssyncset.done $0x0  }
0x61: {  	[sflag:s13] =	ssyncadd.s32 $0xFFFFC400  }
0x62: {  	[tilespmem:s12], [sflag:$0x1] =	stream.linear.gather [spmem:s10], $0x3C00, $0x38;
	[tilespmem:$0xCF80] =	vst v63  }
0x63: {  	_ =	swait.ge [sflag:s13], $0x3C00  }
0x64: {  	[sflag:s13] =	ssyncset.done $0x0  }
0x65: {  	[sflag:s13] =	ssyncadd.s32 $0xFFFFC400  }
0x66: {  	[hbm4b:s19+s3] =	stream.linear.scatter [tilespmem:s12], [sflag:$0x1], $0x3C00, $0x38;
	[tilespmem:$0xCF80] =	vst v63  }
0x67: {  	_ =	swait.ge [sflag:s13], $0x3C00  }
0x68: {  	[sflag:s13] =	ssyncset.done $0x0  }
0x69: {  	[sflag:s13] =	ssyncadd.s32 $0xFFFFC400  }
0x6a: {  	[tilespmem:s12], [sflag:$0x1] =	stream.linear.gather [spmem:s11], $0x3C00, $0x38;
	[tilespmem:$0xCF80] =	vst v63  }
0x6b: {  	_ =	swait.ge [sflag:s13], $0x3C00  }
0x6c: {  	[sflag:s13] =	ssyncset.done $0x0  }
0x6d: {  	[sflag:s13] =	ssyncadd.s32 $0xFFFFC400  }
0x6e: {  	[hbm4b:s20+s3] =	stream.linear.scatter [tilespmem:s12], [sflag:$0x1], $0x3C00, $0x38;
	[tilespmem:$0xCF80] =	vst v63  }
0x6f: {  	_ =	swait.ge [sflag:s13], $0x3C00  }
0x70: {  	[sflag:s13] =	ssyncset.done $0x0  }
0x71: {  	[sflag:s13] =	ssyncadd.s32 $0xFFFFC400  }
0x72: {  	[tilespmem:s12], [sflag:$0x1] =	stream.linear.gather [spmem:s4], $0x1000, $0x38;
	[tilespmem:$0xCF80] =	vst v63  }
0x73: {  	s22 =	sadd.s32 $0x1, s22;
	_ =	swait.ge [sflag:s13], $0x1000  }
0x74: {  	p0 =	sne.s32 s22, s7;
	[sflag:s13] =	ssyncset.done $0x0  }
.Ltmp3:
0x75: {  	[sflag:s13] =	ssyncadd.s32 $0xFFFFF000;
	(pc) =	sbr.rel @p0 .LBB2_1-.Ltmp3, $4  }
0x76: {  	[hbm4b:s21+s3] =	stream.linear.scatter [tilespmem:s12], [sflag:$0x1], $0x1000, $0x38;
	[tilespmem:$0xCF80] =	vst v63  }
0x77: {  	_ =	swait.ge [sflag:s13], $0x1000  }
0x78: {  	[sflag:s13] =	ssyncset.done $0x0  }
0x79: {  	[sflag:s13] =	ssyncadd.s32 $0xFFFFF000  }
0x7a: {  	_ =	sfence.sel $0x180000  }
0x7b: {  	[bflag:$0x0] =	sbarrier.arrive $0xFFFF  }
0x7c: {  	p0 =	sne.s32 s0, $0x0;
	_ =	strace $0x90000047  }
0x7d: {  	s0 =	sadd.s32 @!p0 $0x100000, s1;
	[bflag:$0x2] =	sbarrier.arrive $0xFFFF  }
0x7e: {  	[sflag:s0] =	ssyncadd.tile.s32 @!p0 $0x1;
	_ =	shalt  }
.Lfunc_end2:
_tile_overlayer_lowered:
.L_overlay_start_2:
0x7f: {  	(tag) =	ssettag $0x2  }
0x80: {  	s0 =	rddreg [dreg:$0x0];
	s2 =	stileid.u32  }
0x81: {  	s1 =	rddreg [dreg:$0x1];
	p0 =	sne.s32 s2, $0x0  }
0x82: {  	s3 =	rddreg [dreg:$0x2];
	[bflag:$0x3] =	sbarrier.arrive $0xFFFF;
	s2 =	simm.s32 @!p0 $0x1C01  }
0x83: {  	[timem:s3], [sflag:s2] =	dma.local @!p0 [hbm:s0], s1  }
0x84: {  	s0 =	simm.s32 @!p0 $0x1  }
0x85: {  	_ =	swait.ge @!p0 [sflag:s0], s1  }
0x86: {  	s1 =	ssub.s32 @!p0 $0x0, s1;
	[sflag:s0] =	ssyncset.done @!p0 $0x0  }
0x87: {  	[sflag:s0] =	ssyncadd.s32 @!p0 s1  }
0x88: {  	[bflag:$0x3] =	sbarrier.arrive $0xFFFF  }
0x89: {  	_ =	shalt  }

// kernel: kernel.13.cloned.1.call-start
scs
__scs_entry_jumppad:
0x0: {  	(pc) =	sbr.rel $0x88, $3  }
0x1: {  	(tag) =	ssettag $0x0;
	lr =	simm.s32 $0x1  }
0x2: {  	[smem:$0x3F88] =	sst lr;
	_ =	strace $0xD0000000  }
0x3: {  	_ = 	snop  }
0x4: {  	_ = 	snop  }
0x5: {  	_ = 	snop  }
0x6: {  	_ = 	snop  }
0x7: {  	_ = 	snop  }
__scs_overlays_trampoline_lowered:
0x8: {  	[smem:$0x3F97] =	sst s0  }
0x9: {  	[smem:$0x3F98] =	sst s1  }
0xa: {  	[smem:$0x3F99] =	sst s2  }
0xb: {  	[smem:$0x3F9A] =	sst s3  }
0xc: {  	[smem:$0x3F9B] =	sst s4  }
0xd: {  	[smem:$0x3F9C] =	sst s5  }
0xe: {  	[smem:$0x3F9D] =	sst s6  }
0xf: {  	[smem:$0x3F9E] =	sst s7  }
0x10: {  	[smem:$0x3F9F] =	sst s8  }
0x11: {  	[smem:$0x3FA0] =	sst s9;
	s0 =	simm.s32 @!p0 $0x0  }
0x12: {  	s1 =	sld [smem:$0x3F86];
	s0 =	simm.s32 @p0 $0x1  }
0x13: {  	[smem:$0x3FA1] =	sst s0;
	s0 =	simm.s32 @!p1 $0x0  }
0x14: {  	s2 =	sld [smem:$0x3F85];
	s0 =	simm.s32 @p1 $0x1  }
0x15: {  	[smem:$0x3FA2] =	sst s0;
	s0 =	simm.s32 @!p2 $0x0  }
0x16: {  	s3 =	sld [smem:$0x3FDB];
	s0 =	simm.s32 @p2 $0x1  }
0x17: {  	s4 =	simm.s32 $0x1BF5;
	[smem:$0x3FA4] =	sst s0  }
0x18: {  	s0 =	sld [smem:$0x3F87];
	_ =	swait.ge [sflag:s4], $0x0  }
0x19: {  	s7 =	sld [smem:$0x3F88]  }
0x1a: {  	s8 =	sadd.s32 $0xFFFFE003, lr  }
0x1b: {  	s9 =	sadd.s32 $0xFFFFFEF7, lr;
	s5 =	simm.s32 $0xFFFFFFFF;
	p2 =	slt.u32 s8, $0xFFFFF086  }
0x1c: {  	p1 =	slt.u32 s9, $0xF7A;
	s5 =	simm.s32 @!p2 $0x0  }
0x1d: {  	s5 =	simm.s32 @p1 $0x1;
	p0 =	seq.s32 s7, s2  }
0x1e: {  	s7 =	smul.u32 @!p0 $0xF7A, s2;
	p2 =	seq.s32 @!p0 s5, $0x0  }
0x1f: {  	s9 =	smul.u32 $0xF7A, s1;
	s8 =	simm.s32 @!p0 $0x1BF5;
	p2 =	por !p2, p0  }
0x20: {  	[sflag:s8] =	ssyncset.s32 @!p0 $0xFFFFF086;
	s6 =	sadd.s32 @!p0 s3, s7;
	s7 =	simm.s32 @!p0 $0x108  }
0x21: {  	s3 =	sadd.s32 s3, s9;
	s6 =	sadd.s32 @!p0 $0x88, s6;
	s7 =	simm.s32 @p2 $0x1082  }
0x22: {  	[simem:s7], [sflag:s8] =	dma.local @!p0 [hbm:s6], $0xF7A  }
0x23: {  	s9 =	sor.u32 $0xD0000000, s2;
	s6 =	simm.s32 $0x108;
	_ =	swait.ge @!p0 [sflag:s8], $0x0  }
0x24: {  	s3 =	sadd.s32 $0x88, s3;
	s6 =	simm.s32 @!p1 $0x1082;
	[sflag:s4] =	ssyncset.s32 $0xFFFFF086  }
0x25: {  	[simem:s6], [sflag:s4] =	dma.local [hbm:s3], $0xF7A  }
0x26: {  	[smem:$0x3F88] =	sst s1;
	(tag) =	ssettag s2;
	_ =	strace s9  }
0x27: {  	s1 =	sld [smem:$0x3F98]  }
0x28: {  	s2 =	sld [smem:$0x3F99]  }
0x29: {  	s4 =	sld [smem:$0x3F9B]  }
0x2a: {  	p0 =	seq.s32 s5, $0x0;
	s5 =	sld [smem:$0x3F9C]  }
0x2b: {  	s6 =	sld [smem:$0x3F9D]  }
0x2c: {  	s7 =	sld [smem:$0x3F9E]  }
0x2d: {  	s3 =	simm.s32 $0x108;
	s8 =	sld [smem:$0x3F9F]  }
0x2e: {  	s3 =	simm.s32 @!p0 $0x1082;
	s9 =	sld [smem:$0x3FA0]  }
0x2f: {  	lr =	sadd.s32 s0, s3;
	s0 =	sld [smem:$0x3F97]  }
0x30: {  	s3 =	sld [smem:$0x3F9A]  }
0x31: {  	[smem:$0x3FA3] =	sst s10  }
0x32: {  	s10 =	sld [smem:$0x3FA1];
	_ =	sdelay $0x3  }
0x33: {  	p0 =	seq.s32 s10, $0x1;
	s10 =	sld [smem:$0x3FA3];
	_ =	sdelay $0x3  }
0x34: {  	[smem:$0x3FA3] =	sst s10  }
0x35: {  	s10 =	sld [smem:$0x3FA2];
	_ =	sdelay $0x3  }
0x36: {  	p1 =	seq.s32 s10, $0x1;
	s10 =	sld [smem:$0x3FA3];
	_ =	sdelay $0x3  }
0x37: {  	[smem:$0x3FA3] =	sst s10  }
0x38: {  	s10 =	sld [smem:$0x3FA4]  }
0x39: {  	_ = 	snop;
	(pc) =	sbr.ind lr, $3  }
0x3a: {  	_ = 	snop  }
0x3b: {  	_ = 	snop  }
0x3c: {  	p2 =	seq.s32 s10, $0x1;
	s10 =	sld [smem:$0x3FA3]  }
0x3d: {  	_ =	shalt  }
0x3e: {  	_ =	shalt  }
0x3f: {  	_ =	shalt  }
0x40: {  	_ =	shalt  }
0x41: {  	_ =	shalt  }
0x42: {  	_ =	shalt  }
0x43: {  	_ =	shalt  }
0x44: {  	_ =	shalt  }
0x45: {  	_ =	shalt  }
0x46: {  	_ =	shalt  }
0x47: {  	_ =	shalt  }
0x48: {  	_ =	shalt  }
0x49: {  	_ =	shalt  }
0x4a: {  	_ =	shalt  }
0x4b: {  	_ =	shalt  }
0x4c: {  	_ =	shalt  }
0x4d: {  	_ =	shalt  }
0x4e: {  	_ =	shalt  }
0x4f: {  	_ =	shalt  }
0x50: {  	_ =	shalt  }
0x51: {  	_ =	shalt  }
0x52: {  	_ =	shalt  }
0x53: {  	_ =	shalt  }
0x54: {  	_ =	shalt  }
0x55: {  	_ =	shalt  }
0x56: {  	_ =	shalt  }
0x57: {  	_ =	shalt  }
0x58: {  	_ =	shalt  }
0x59: {  	_ =	shalt  }
0x5a: {  	_ =	shalt  }
0x5b: {  	_ =	shalt  }
0x5c: {  	_ =	shalt  }
0x5d: {  	_ =	shalt  }
0x5e: {  	_ =	shalt  }
0x5f: {  	_ =	shalt  }
0x60: {  	_ =	shalt  }
0x61: {  	_ =	shalt  }
0x62: {  	_ =	shalt  }
0x63: {  	_ =	shalt  }
0x64: {  	_ =	shalt  }
0x65: {  	_ =	shalt  }
0x66: {  	_ =	shalt  }
0x67: {  	_ =	shalt  }
0x68: {  	_ =	shalt  }
0x69: {  	_ =	shalt  }
0x6a: {  	_ =	shalt  }
0x6b: {  	_ =	shalt  }
0x6c: {  	_ =	shalt  }
0x6d: {  	_ =	shalt  }
0x6e: {  	_ =	shalt  }
0x6f: {  	_ =	shalt  }
0x70: {  	_ =	shalt  }
0x71: {  	_ =	shalt  }
0x72: {  	_ =	shalt  }
0x73: {  	_ =	shalt  }
0x74: {  	_ =	shalt  }
0x75: {  	_ =	shalt  }
0x76: {  	_ =	shalt  }
0x77: {  	_ =	shalt  }
0x78: {  	_ =	shalt  }
0x79: {  	_ =	shalt  }
0x7a: {  	_ =	shalt  }
0x7b: {  	_ =	shalt  }
0x7c: {  	_ =	shalt  }
0x7d: {  	_ =	shalt  }
0x7e: {  	_ =	shalt  }
0x7f: {  	_ =	shalt  }
0x80: {  	_ =	shalt  }
0x81: {  	_ =	shalt  }
0x82: {  	_ =	shalt  }
0x83: {  	_ =	shalt  }
0x84: {  	_ =	shalt  }
0x85: {  	_ =	shalt  }
0x86: {  	_ =	shalt  }
0x87: {  	_ =	shalt  }
.Lfunc_end0:
.L_simem_size_0:
called_computation.1_lowered:
.L_overlay_start_0:
0x88: {  	s2 =	sld [smem:$0x3FD9]  }
0x89: {  	s3 =	sld [smem:$0x3FFE];
	_ =	sdelay $0x1  }
0x8a: {  	s1 =	srdreg.scid  }
0x8b: {  	s0 =	sand.u32 $0x1, s1  }
0x8c: {  	s16 =	sshll.u32 s0, $0xA;
	s2 =	sadd.s32 s3, s2  }
0x8d: {  	s2 =	sadd.s32 s2, s16  }
0x8e: {  	[smem:$0x3FAF] =	sst s2  }
0x8f: {  	_ = 	snop  }
0x90: {  	(tm) =	ssettm $0x1  }
0x91: {  	s17 =	sld [smem:$0x3FFB];
	_ =	sdelay $0x3  }
0x92: {  	_ =	strace s17  }
0x93: {  	s2 =	sld [smem:$0x3FFC];
	_ =	sdelay $0x3  }
0x94: {  	_ =	strace s2  }
0x95: {  	s2 =	sld [smem:$0x3FFD];
	_ =	sdelay $0x3  }
0x96: {  	_ =	strace s2  }
0x97: {  	_ =	strace $0x8FFFFFFF  }
0x98: {  	s18 =	sld [smem:$0x3FDB];
	_ =	sdelay $0x1  }
0x99: {  	s19 =	simm.s32 $_scs_section_size  }
0x9a: {  	s4 =	simm.s32 $_size__tile_overlayer_lowered;
	s5 =	simm.s32 $_tile_overlayer_lowered  }
0x9b: {  	s22 =	simm.s32 $0x1BFF;
	s21 =	sshll.u32 s5, $0x1;
	s2 =	sadd.s32 s19, s18  }
0x9c: {  	s6 =	simm.s32 $0x0;
	s20 =	sshll.u32 s4, $0x1;
	s4 =	sadd.s32 s21, s2  }
0x9d: {  	[timem:s6], [sflag:s22] =	dma.local [hbm:s4], s20  }
0x9e: {  	_ =	swait.ge [sflag:s22], s20  }
0x9f: {  	s3 =	ssub.s32 $0x0, s20;
	[sflag:s22] =	ssyncset.done $0x0  }
0xa0: {  	[sflag:s22] =	ssyncadd.s32 s3;
	_ =	sdelay $0x1  }
0xa1: {  	s23 =	simm.s32 $0x1B8B  }
0xa2: {  	_ =	swait.ge [sflag:s23], $0x1  }
0xa3: {  	[sflag:s23] =	ssyncset.done $0x0  }
0xa4: {  	s25 =	simm.s32 $0x1B8E;
	s24 =	sld [smem:$0x3FFE];
	[sflag:s23] =	ssyncadd.s32 $0xFFFFFFFF  }
0xa5: {  	s26 =	simm.s32 $execute0_lowered;
	[smem:$0x3FD2] =	sst s25  }
0xa6: {  	s4 =	sshll.u32 s26, $0x1;
	_ =	strace $0x80000049;
	[dreg:$0x1] =	wrdreg $0xFFFFFFFF  }
0xa7: {  	s28 =	simm.s32 $_size_execute0_lowered;
	s2 =	sadd.s32 s2, s4;
	[dreg:$0x0] =	wrdreg $0x0  }
0xa8: {  	s4 =	sshll.u32 s28, $0x1;
	[dreg:$0x2] =	wrdreg s2  }
0xa9: {  	[dreg:$0x3] =	wrdreg s4  }
0xaa: {  	[dreg:$0x4] =	wrdreg $0xC0  }
0xab: {  	_ =	task [dreg:s6], $0x5FFFF  }
0xac: {  	[dreg:$0x1] =	wrdreg $0xFFFFFFFF  }
0xad: {  	[dreg:$0x0] =	wrdreg $0x60  }
0xae: {  	[dreg:$0x2] =	wrdreg s24  }
0xaf: {  	[dreg:$0x3] =	wrdreg $0x68000  }
0xb0: {  	[dreg:$0x4] =	wrdreg $0x9  }
0xb1: {  	_ =	task.clear_ibuf [dreg:s6], $0x5FFFF;
	_ =	strace $0x90000049  }
0xb2: {  	s29 =	simm.s32 $0x9;
	_ =	strace $0x8000004B  }
0xb3: {  	_ =	swait.ge [sflag:s29], $0x1  }
0xb4: {  	[sflag:s29] =	ssyncadd.s32 $0xFFFFFFFF  }
0xb5: {  	_ =	strace $0x9000004B  }
0xb6: {  	_ =	sfence  }
0xb7: {  	s30 =	sld [smem:$0x0];
	_ =	sdelay $0x2  }
0xb8: {  	s31 =	sshll.u32 s1, $0xD;
	s1 =	sshrl.u32 s1, $0x2  }
0xb9: {  	s3 =	sand.u32 $0x4000, s31;
	s1 =	sadd.s32 s1, s30  }
0xba: {  	s0 =	sor.u32 s3, s0;
	s1 =	sshll.u32 s1, $0x11  }
0xbb: {  	s0 =	sor.u32 s1, s0  }
0xbc: {  	s0 =	sadd.s32 $0x8F2B, s0  }
0xbd: {  	[sflag:s0] =	ssyncadd.remote.s32 $0x1  }
0xbe: {  	_ =	sfence.sel $0xFFFF  }
0xbf: {  	[dreg:$0x0] =	wrdreg $0xFFFFFFFF;
	(pc) =	sbr.abs _section_cstart, $3  }
0xc0: {  	[dreg:$0x1] =	wrdreg $0xFFFFFFFF  }
0xc1: {  	_ =	task.clear_ibuf [dreg:s6], $0x2FFFF;
	_ =	strace $0x9FFFFFFF  }
0xc2: {  	(tm) =	ssettm $0x7FFFFFFF  }
0xc3: {  	_ =	shalt  }
tec
execute0_lowered:
.L_overlay_start_1:
0x0: {  	(tag) =	ssettag $0x1  }
0x1: {  	s0 =	srdreg.scid  }
0x2: {  	s6 =	rddreg [dreg:$0x0];
	s5 =	sand.u32 $0x1, s0  }
0x3: {  	s0 =	stileid.u32;
	s8 =	smul.u32 $0x27800, s5  }
0x4: {  	s2 =	rddreg [dreg:$0x1];
	s3 =	simm.s32 $0x0;
	s11 =	smul.u32 $0x278, s0  }
0x5: {  	[smem:$0x7FF] =	sst s3;
	s1 =	sshll.u32 s5, $0x4;
	s12 =	smul.u32 $0x4F000, s0  }
0x6: {  	s5 =	ssub.s32 $0x2, s5;
	s18 =	smul.u32 $0x2780, s0;
	s4 =	sor.u32 s0, s1  }
0x7: {  	s1 =	rddreg [dreg:$0x2];
	_ =	strace $0x8000004A;
	s25 =	sshrl.u32 s5, $0x1  }
0x8: {  	s7 =	smul.u32 $0x500, s4;
	s4 =	sadd.s32 $0x37400, s6;
	s8 =	sadd.s32 s8, s6  }
0x9: {  	s9 =	sadd.s32 $0x258, s11;
	s10 =	ssub.s32 s5, s25;
	s28 =	sshrl.u32 s12, $0x2  }
0xa: {  	s14 =	sadd.s32 $0x78, s11;
	s15 =	sadd.s32 $0xF0, s11;
	s16 =	sadd.s32 $0x168, s11  }
0xb: {  	s17 =	sadd.s32 $0x1E0, s11;
	s26 =	sshll.u32 s9, $0x7;
	s23 =	sadd.s32 $0xB7600, s8  }
0xc: {  	s24 =	sshll.u32 s9, $0x4;
	s8 =	sadd.s32 s28, s2;
	s29 =	sshll.u32 s14, $0x7  }
0xd: {  	s9 =	smax.u32 s10, $0x1;
	s30 =	sshll.u32 s15, $0x7;
	s31 =	sshll.u32 s16, $0x7  }
0xe: {  	s13 =	sshll.u32 s17, $0x7;
	s19 =	sshll.u32 s14, $0x4;
	s20 =	sshll.u32 s15, $0x4  }
0xf: {  	s21 =	sshll.u32 s16, $0x4;
	s22 =	sshll.u32 s17, $0x4;
	s14 =	simm.s32 $0x2800  }
0x10: {  	s15 =	simm.s32 $0x1;
	s16 =	simm.s32 $0x1400;
	s17 =	simm.s32 $0x7D  }
0x11: {  	s7 =	sadd.s32 s7, s6;
	s5 =	sadd.s32 s26, s2;
	s10 =	sadd.s32 s29, s2  }
0x12: {  	s11 =	sadd.s32 s30, s2;
	s12 =	sadd.s32 s31, s2;
	s13 =	sadd.s32 s13, s2  }
0x13: {  	s18 =	sadd.s32 s18, s23;
	s19 =	sadd.s32 s19, s23;
	s20 =	sadd.s32 s20, s23  }
0x14: {  	s21 =	sadd.s32 s21, s23;
	s22 =	sadd.s32 s22, s23;
	s23 =	sadd.s32 s24, s23  }
0x15: {  	v0 =	vimm.f32 $0.0e+00;
	s24 =	simm.s32 $0x0;
	s6 =	sadd.s32 $0x5F200, s7;
	s7 =	sadd.s32 $0x6200, s7  }
.LBB2_1:
0x16: {  	s25 =	sand.u32 $0xFE00, s3  }
0x17: {  	s26 =	sand.u32 $0x70, s3;
	s28 =	sshrl.u32 s25, $0x2  }
0x18: {  	s25 =	simm.s32 $0x40;
	s28 =	sor.u32 s26, s28;
	s26 =	simm.s32 $0x0  }
.LBB2_2:
0x19: {  	p0 =	sne.s32 s25, $0xF9C0  }
0x1a: {  	[tilespmem:s28+$0x2800] =	vst v0;
	s26 =	sadd.s32 $0x10, s26;
	s28 =	smov.u32 s25;
	s25 =	sadd.s32 $0x40, s25  }
.Ltmp0:
0x1b: {  	(pc) =	sbr.rel @p0 .LBB2_2-.Ltmp0, $4  }
0x1c: {  	_ = 	snop  }
0x1d: {  	s28 =	sand.u32 $0xFE00, s28  }
0x1e: {  	s29 =	sand.u32 $0x70, s26;
	s28 =	sshrl.u32 s28, $0x2  }
0x1f: {  	s28 =	sor.u32 s29, s28  }
0x20: {  	[tilespmem:s28+$0x2800] =	vst v0  }
0x21: {  	[spmem:s8] =	stream.linear.scatter [tilespmem:s14], [sflag:$0x1], $0x3C00, $0x38;
	[tilespmem:$0x1A400] =	vst v63  }
0x22: {  	_ =	swait.ge [sflag:s15], $0x3C00  }
0x23: {  	[sflag:s15] =	ssyncset.done $0x0  }
0x24: {  	[sflag:s15] =	ssyncadd.s32 $0xFFFFC400  }
0x25: {  	[spmem:s10] =	stream.linear.scatter [tilespmem:s14], [sflag:$0x1], $0x3C00, $0x38;
	[tilespmem:$0x1A400] =	vst v63  }
0x26: {  	_ =	swait.ge [sflag:s15], $0x3C00  }
0x27: {  	[sflag:s15] =	ssyncset.done $0x0  }
0x28: {  	[sflag:s15] =	ssyncadd.s32 $0xFFFFC400  }
0x29: {  	[spmem:s11] =	stream.linear.scatter [tilespmem:s14], [sflag:$0x1], $0x3C00, $0x38;
	[tilespmem:$0x1A400] =	vst v63  }
0x2a: {  	_ =	swait.ge [sflag:s15], $0x3C00  }
0x2b: {  	[sflag:s15] =	ssyncset.done $0x0  }
0x2c: {  	[sflag:s15] =	ssyncadd.s32 $0xFFFFC400  }
0x2d: {  	[spmem:s12] =	stream.linear.scatter [tilespmem:s14], [sflag:$0x1], $0x3C00, $0x38;
	[tilespmem:$0x1A400] =	vst v63  }
0x2e: {  	_ =	swait.ge [sflag:s15], $0x3C00  }
0x2f: {  	[sflag:s15] =	ssyncset.done $0x0  }
0x30: {  	[sflag:s15] =	ssyncadd.s32 $0xFFFFC400  }
0x31: {  	[spmem:s13] =	stream.linear.scatter [tilespmem:s14], [sflag:$0x1], $0x3C00, $0x38;
	[tilespmem:$0x1A400] =	vst v63  }
0x32: {  	_ =	swait.ge [sflag:s15], $0x3C00  }
0x33: {  	[sflag:s15] =	ssyncset.done $0x0  }
0x34: {  	[sflag:s15] =	ssyncadd.s32 $0xFFFFC400  }
0x35: {  	[spmem:s5] =	stream.linear.scatter [tilespmem:s14], [sflag:$0x1], $0x1000, $0x38;
	[tilespmem:$0x1A400] =	vst v63  }
0x36: {  	_ =	swait.ge [sflag:s15], $0x1000  }
0x37: {  	[sflag:s15] =	ssyncset.done $0x0  }
0x38: {  	[sflag:s15] =	ssyncadd.s32 $0xFFFFF000  }
0x39: {  	s25 =	simm.s32 $0x0;
	[bflag:$0x0] =	sbarrier.arrive $0xFFFF  }
0x3a: {  	[tilespmem:s25], [sflag:$0x1] =	stream.linear.gather [hbm4b:s6+s25], $0x1400, $0x38;
	[tilespmem:$0x1A400] =	vst v63  }
0x3b: {  	_ =	swait.ge [sflag:s15], $0x1400  }
0x3c: {  	[sflag:s15] =	ssyncset.done $0x0  }
0x3d: {  	[sflag:s15] =	ssyncadd.s32 $0xFFFFEC00  }
0x3e: {  	[tilespmem:s16], [sflag:$0x1] =	stream.linear.gather [hbm4b:s7+s25], $0x1400, $0x38;
	[tilespmem:$0x1A400] =	vst v63  }
0x3f: {  	_ =	swait.ge [sflag:s15], $0x1400  }
0x40: {  	[sflag:s15] =	ssyncset.done $0x0  }
0x41: {  	s30 =	simm.s32 $0x0;
	[sflag:s15] =	ssyncadd.s32 $0xFFFFEC00  }
0x42: {  	[tilespmem:s14], [sflag:$0x1] =	stream.indirect.gather [hbm4b:s4+s17], $0x80, s30, s17, $0xb8;
	[tilespmem:$0x1A400] =	vst v63  }
0x43: {  	_ =	swait.ge [sflag:s15], $0x3E80  }
0x44: {  	[sflag:s15] =	ssyncset.done $0x0  }
0x45: {  	s31 =	simm.s32 $0x1400;
	[sflag:s15] =	ssyncadd.s32 $0xFFFFC180  }
0x46: {  	[spmem:s2] =	stream.indirect.scatter.add.f32 [tilespmem:s14], [sflag:$0x1], $0x80, s31, s17, $0xb8;
	[tilespmem:$0x1A400] =	vst v63  }
0x47: {  	_ =	swait.ge [sflag:s15], $0x3E80  }
0x48: {  	s26 =	simm.s32 $0x400;
	s25 =	simm.s32 $0x200;
	[sflag:s15] =	ssyncset.done $0x0  }
.LBB2_4:
0x49: {  	s28 =	sshra.s32 s25, $0x2  }
0x4a: {  	[sflag:s15] =	ssyncadd.s32 $0xFFFFC180;
	s25 =	smov.u32 s26;
	s29 =	sadd.s32 $0x200, s26  }
0x4b: {  	[tilespmem:s14], [sflag:$0x1] =	stream.indirect.gather [hbm4b:s4+s17], $0x80, s28, s17, $0xb8;
	[tilespmem:$0x1A400] =	vst v63  }
0x4c: {  	p0 =	sne.s32 s26, $0x4E00;
	_ =	swait.ge [sflag:s15], $0x3E80  }
.Ltmp1:
0x4d: {  	[sflag:s15] =	ssyncset.done $0x0;
	(pc) =	sbr.rel @p0 .LBB2_4-.Ltmp1, $4  }
0x4e: {  	s26 =	sadd.s32 $0x1400, s28;
	[sflag:s15] =	ssyncadd.s32 $0xFFFFC180  }
0x4f: {  	[spmem:s2] =	stream.indirect.scatter.add.f32 [tilespmem:s14], [sflag:$0x1], $0x80, s26, s17, $0xb8;
	[tilespmem:$0x1A400] =	vst v63  }
0x50: {  	_ =	swait.ge [sflag:s15], $0x3E80  }
0x51: {  	s26 =	smov.u32 s29;
	[sflag:s15] =	ssyncset.done $0x0  }
0x52: {  	s25 =	sshra.s32 s25, $0x2;
	[sflag:s15] =	ssyncadd.s32 $0xFFFFC180  }
0x53: {  	[tilespmem:s14], [sflag:$0x1] =	stream.indirect.gather [hbm4b:s4+s17], $0x80, s25, s17, $0xb8;
	[tilespmem:$0x1A400] =	vst v63  }
0x54: {  	_ =	swait.ge [sflag:s15], $0x3E80  }
0x55: {  	[sflag:s15] =	ssyncset.done $0x0  }
0x56: {  	s25 =	sadd.s32 $0x1400, s25;
	[sflag:s15] =	ssyncadd.s32 $0xFFFFC180  }
0x57: {  	[spmem:s2] =	stream.indirect.scatter.add.f32 [tilespmem:s14], [sflag:$0x1], $0x80, s25, s17, $0xb8;
	[tilespmem:$0x1A400] =	vst v63  }
0x58: {  	_ =	swait.ge [sflag:s15], $0x3E80  }
0x59: {  	[sflag:s15] =	ssyncset.done $0x0  }
0x5a: {  	s28 =	sadd.s32 $0x280, s6;
	s26 =	simm.s32 $0x0;
	[sflag:s15] =	ssyncadd.s32 $0xFFFFC180  }
0x5b: {  	[tilespmem:s26], [sflag:$0x1] =	stream.linear.gather [hbm4b:s28+s26], $0x1400, $0x38;
	[tilespmem:$0x1A400] =	vst v63  }
0x5c: {  	_ =	swait.ge [sflag:s15], $0x1400  }
0x5d: {  	[sflag:s15] =	ssyncset.done $0x0  }
0x5e: {  	s29 =	sadd.s32 $0x280, s7;
	[sflag:s15] =	ssyncadd.s32 $0xFFFFEC00  }
0x5f: {  	[tilespmem:s16], [sflag:$0x1] =	stream.linear.gather [hbm4b:s29+s26], $0x1400, $0x38;
	[tilespmem:$0x1A400] =	vst v63  }
0x60: {  	_ =	swait.ge [sflag:s15], $0x1400  }
0x61: {  	[sflag:s15] =	ssyncset.done $0x0  }
0x62: {  	s30 =	simm.s32 $0x0;
	[sflag:s15] =	ssyncadd.s32 $0xFFFFEC00  }
0x63: {  	[tilespmem:s14], [sflag:$0x1] =	stream.indirect.gather [hbm4b:s4+s17], $0x80, s30, s17, $0xb8;
	[tilespmem:$0x1A400] =	vst v63  }
0x64: {  	_ =	swait.ge [sflag:s15], $0x3E80  }
0x65: {  	[sflag:s15] =	ssyncset.done $0x0  }
0x66: {  	s31 =	simm.s32 $0x1400;
	[sflag:s15] =	ssyncadd.s32 $0xFFFFC180  }
0x67: {  	[spmem:s2] =	stream.indirect.scatter.add.f32 [tilespmem:s14], [sflag:$0x1], $0x80, s31, s17, $0xb8;
	[tilespmem:$0x1A400] =	vst v63  }
0x68: {  	_ =	swait.ge [sflag:s15], $0x3E80  }
0x69: {  	s25 =	simm.s32 $0x200;
	s26 =	simm.s32 $0x400;
	[sflag:s15] =	ssyncset.done $0x0  }
.LBB2_6:
0x6a: {  	s28 =	sshra.s32 s25, $0x2  }
0x6b: {  	[sflag:s15] =	ssyncadd.s32 $0xFFFFC180;
	s25 =	smov.u32 s26;
	s29 =	sadd.s32 $0x200, s26  }
0x6c: {  	[tilespmem:s14], [sflag:$0x1] =	stream.indirect.gather [hbm4b:s4+s17], $0x80, s28, s17, $0xb8;
	[tilespmem:$0x1A400] =	vst v63  }
0x6d: {  	p0 =	sne.s32 s26, $0x4E00;
	_ =	swait.ge [sflag:s15], $0x3E80  }
.Ltmp2:
0x6e: {  	[sflag:s15] =	ssyncset.done $0x0;
	(pc) =	sbr.rel @p0 .LBB2_6-.Ltmp2, $4  }
0x6f: {  	s26 =	sadd.s32 $0x1400, s28;
	[sflag:s15] =	ssyncadd.s32 $0xFFFFC180  }
0x70: {  	[spmem:s2] =	stream.indirect.scatter.add.f32 [tilespmem:s14], [sflag:$0x1], $0x80, s26, s17, $0xb8;
	[tilespmem:$0x1A400] =	vst v63  }
0x71: {  	_ =	swait.ge [sflag:s15], $0x3E80  }
0x72: {  	s26 =	smov.u32 s29;
	[sflag:s15] =	ssyncset.done $0x0  }
0x73: {  	s25 =	sshra.s32 s25, $0x2;
	[sflag:s15] =	ssyncadd.s32 $0xFFFFC180  }
0x74: {  	[tilespmem:s14], [sflag:$0x1] =	stream.indirect.gather [hbm4b:s4+s17], $0x80, s25, s17, $0xb8;
	[tilespmem:$0x1A400] =	vst v63  }
0x75: {  	_ =	swait.ge [sflag:s15], $0x3E80  }
0x76: {  	[sflag:s15] =	ssyncset.done $0x0  }
0x77: {  	s25 =	sadd.s32 $0x1400, s25;
	[sflag:s15] =	ssyncadd.s32 $0xFFFFC180  }
0x78: {  	[spmem:s2] =	stream.indirect.scatter.add.f32 [tilespmem:s14], [sflag:$0x1], $0x80, s25, s17, $0xb8;
	[tilespmem:$0x1A400] =	vst v63  }
0x79: {  	_ =	swait.ge [sflag:s15], $0x3E80  }
0x7a: {  	[sflag:s15] =	ssyncset.done $0x0  }
0x7b: {  	[sflag:s15] =	ssyncadd.s32 $0xFFFFC180  }
0x7c: {  	[bflag:$0x0] =	sbarrier.arrive $0xFFFF  }
0x7d: {  	[tilespmem:s14], [sflag:$0x1] =	stream.linear.gather [spmem:s8], $0x3C00, $0x38;
	[tilespmem:$0x1A400] =	vst v63  }
0x7e: {  	_ =	swait.ge [sflag:s15], $0x3C00  }
0x7f: {  	[sflag:s15] =	ssyncset.done $0x0  }
0x80: {  	[sflag:s15] =	ssyncadd.s32 $0xFFFFC400  }
0x81: {  	[hbm4b:s18+s3] =	stream.linear.scatter [tilespmem:s14], [sflag:$0x1], $0x3C00, $0x38;
	[tilespmem:$0x1A400] =	vst v63  }
0x82: {  	_ =	swait.ge [sflag:s15], $0x3C00  }
0x83: {  	[sflag:s15] =	ssyncset.done $0x0  }
0x84: {  	[sflag:s15] =	ssyncadd.s32 $0xFFFFC400  }
0x85: {  	[tilespmem:s14], [sflag:$0x1] =	stream.linear.gather [spmem:s10], $0x3C00, $0x38;
	[tilespmem:$0x1A400] =	vst v63  }
0x86: {  	_ =	swait.ge [sflag:s15], $0x3C00  }
0x87: {  	[sflag:s15] =	ssyncset.done $0x0  }
0x88: {  	[sflag:s15] =	ssyncadd.s32 $0xFFFFC400  }
0x89: {  	[hbm4b:s19+s3] =	stream.linear.scatter [tilespmem:s14], [sflag:$0x1], $0x3C00, $0x38;
	[tilespmem:$0x1A400] =	vst v63  }
0x8a: {  	_ =	swait.ge [sflag:s15], $0x3C00  }
0x8b: {  	[sflag:s15] =	ssyncset.done $0x0  }
0x8c: {  	[sflag:s15] =	ssyncadd.s32 $0xFFFFC400  }
0x8d: {  	[tilespmem:s14], [sflag:$0x1] =	stream.linear.gather [spmem:s11], $0x3C00, $0x38;
	[tilespmem:$0x1A400] =	vst v63  }
0x8e: {  	_ =	swait.ge [sflag:s15], $0x3C00  }
0x8f: {  	[sflag:s15] =	ssyncset.done $0x0  }
0x90: {  	[sflag:s15] =	ssyncadd.s32 $0xFFFFC400  }
0x91: {  	[hbm4b:s20+s3] =	stream.linear.scatter [tilespmem:s14], [sflag:$0x1], $0x3C00, $0x38;
	[tilespmem:$0x1A400] =	vst v63  }
0x92: {  	_ =	swait.ge [sflag:s15], $0x3C00  }
0x93: {  	[sflag:s15] =	ssyncset.done $0x0  }
0x94: {  	[sflag:s15] =	ssyncadd.s32 $0xFFFFC400  }
0x95: {  	[tilespmem:s14], [sflag:$0x1] =	stream.linear.gather [spmem:s12], $0x3C00, $0x38;
	[tilespmem:$0x1A400] =	vst v63  }
0x96: {  	_ =	swait.ge [sflag:s15], $0x3C00  }
0x97: {  	[sflag:s15] =	ssyncset.done $0x0  }
0x98: {  	[sflag:s15] =	ssyncadd.s32 $0xFFFFC400  }
0x99: {  	[hbm4b:s21+s3] =	stream.linear.scatter [tilespmem:s14], [sflag:$0x1], $0x3C00, $0x38;
	[tilespmem:$0x1A400] =	vst v63  }
0x9a: {  	_ =	swait.ge [sflag:s15], $0x3C00  }
0x9b: {  	[sflag:s15] =	ssyncset.done $0x0  }
0x9c: {  	[sflag:s15] =	ssyncadd.s32 $0xFFFFC400  }
0x9d: {  	[tilespmem:s14], [sflag:$0x1] =	stream.linear.gather [spmem:s13], $0x3C00, $0x38;
	[tilespmem:$0x1A400] =	vst v63  }
0x9e: {  	_ =	swait.ge [sflag:s15], $0x3C00  }
0x9f: {  	[sflag:s15] =	ssyncset.done $0x0  }
0xa0: {  	[sflag:s15] =	ssyncadd.s32 $0xFFFFC400  }
0xa1: {  	[hbm4b:s22+s3] =	stream.linear.scatter [tilespmem:s14], [sflag:$0x1], $0x3C00, $0x38;
	[tilespmem:$0x1A400] =	vst v63  }
0xa2: {  	_ =	swait.ge [sflag:s15], $0x3C00  }
0xa3: {  	[sflag:s15] =	ssyncset.done $0x0  }
0xa4: {  	[sflag:s15] =	ssyncadd.s32 $0xFFFFC400  }
0xa5: {  	[tilespmem:s14], [sflag:$0x1] =	stream.linear.gather [spmem:s5], $0x1000, $0x38;
	[tilespmem:$0x1A400] =	vst v63  }
0xa6: {  	s24 =	sadd.s32 $0x1, s24;
	_ =	swait.ge [sflag:s15], $0x1000  }
0xa7: {  	p0 =	sne.s32 s24, s9;
	[sflag:s15] =	ssyncset.done $0x0  }
.Ltmp3:
0xa8: {  	[sflag:s15] =	ssyncadd.s32 $0xFFFFF000;
	(pc) =	sbr.rel @p0 .LBB2_1-.Ltmp3, $4  }
0xa9: {  	[hbm4b:s23+s3] =	stream.linear.scatter [tilespmem:s14], [sflag:$0x1], $0x1000, $0x38;
	[tilespmem:$0x1A400] =	vst v63  }
0xaa: {  	_ =	swait.ge [sflag:s15], $0x1000  }
0xab: {  	[sflag:s15] =	ssyncset.done $0x0  }
0xac: {  	[sflag:s15] =	ssyncadd.s32 $0xFFFFF000  }
0xad: {  	_ =	sfence.sel $0x180000  }
0xae: {  	[bflag:$0x0] =	sbarrier.arrive $0xFFFF  }
0xaf: {  	p0 =	sne.s32 s0, $0x0;
	_ =	strace $0x9000004A  }
0xb0: {  	s0 =	sadd.s32 @!p0 $0x100000, s1;
	[bflag:$0x2] =	sbarrier.arrive $0xFFFF  }
0xb1: {  	[sflag:s0] =	ssyncadd.tile.s32 @!p0 $0x1;
	_ =	shalt  }
.Lfunc_end2:
_tile_overlayer_lowered:
.L_overlay_start_2:
0xb2: {  	(tag) =	ssettag $0x2  }
0xb3: {  	s0 =	rddreg [dreg:$0x0];
	s2 =	stileid.u32  }
0xb4: {  	s1 =	rddreg [dreg:$0x1];
	p0 =	sne.s32 s2, $0x0  }
0xb5: {  	s3 =	rddreg [dreg:$0x2];
	[bflag:$0x3] =	sbarrier.arrive $0xFFFF;
	s2 =	simm.s32 @!p0 $0x1C01  }
0xb6: {  	[timem:s3], [sflag:s2] =	dma.local @!p0 [hbm:s0], s1  }
0xb7: {  	s0 =	simm.s32 @!p0 $0x1  }
0xb8: {  	_ =	swait.ge @!p0 [sflag:s0], s1  }
0xb9: {  	s1 =	ssub.s32 @!p0 $0x0, s1;
	[sflag:s0] =	ssyncset.done @!p0 $0x0  }
0xba: {  	[sflag:s0] =	ssyncadd.s32 @!p0 s1  }
0xbb: {  	[bflag:$0x3] =	sbarrier.arrive $0xFFFF  }
0xbc: {  	_ =	shalt  }

// kernel: kernel.16.cloned.1.call-start
scs
__scs_entry_jumppad:
0x0: {  	(pc) =	sbr.rel $0x88, $3  }
0x1: {  	(tag) =	ssettag $0x0;
	lr =	simm.s32 $0x1  }
0x2: {  	[smem:$0x3F88] =	sst lr;
	_ =	strace $0xD0000000  }
0x3: {  	_ = 	snop  }
0x4: {  	_ = 	snop  }
0x5: {  	_ = 	snop  }
0x6: {  	_ = 	snop  }
0x7: {  	_ = 	snop  }
__scs_overlays_trampoline_lowered:
0x8: {  	[smem:$0x3F97] =	sst s0  }
0x9: {  	[smem:$0x3F98] =	sst s1  }
0xa: {  	[smem:$0x3F99] =	sst s2  }
0xb: {  	[smem:$0x3F9A] =	sst s3  }
0xc: {  	[smem:$0x3F9B] =	sst s4  }
0xd: {  	[smem:$0x3F9C] =	sst s5  }
0xe: {  	[smem:$0x3F9D] =	sst s6  }
0xf: {  	[smem:$0x3F9E] =	sst s7  }
0x10: {  	[smem:$0x3F9F] =	sst s8  }
0x11: {  	[smem:$0x3FA0] =	sst s9;
	s0 =	simm.s32 @!p0 $0x0  }
0x12: {  	s1 =	sld [smem:$0x3F86];
	s0 =	simm.s32 @p0 $0x1  }
0x13: {  	[smem:$0x3FA1] =	sst s0;
	s0 =	simm.s32 @!p1 $0x0  }
0x14: {  	s2 =	sld [smem:$0x3F85];
	s0 =	simm.s32 @p1 $0x1  }
0x15: {  	[smem:$0x3FA2] =	sst s0;
	s0 =	simm.s32 @!p2 $0x0  }
0x16: {  	s3 =	sld [smem:$0x3FDB];
	s0 =	simm.s32 @p2 $0x1  }
0x17: {  	s4 =	simm.s32 $0x1BF5;
	[smem:$0x3FA4] =	sst s0  }
0x18: {  	s0 =	sld [smem:$0x3F87];
	_ =	swait.ge [sflag:s4], $0x0  }
0x19: {  	s7 =	sld [smem:$0x3F88]  }
0x1a: {  	s8 =	sadd.s32 $0xFFFFE003, lr  }
0x1b: {  	s9 =	sadd.s32 $0xFFFFFEF7, lr;
	s5 =	simm.s32 $0xFFFFFFFF;
	p2 =	slt.u32 s8, $0xFFFFF086  }
0x1c: {  	p1 =	slt.u32 s9, $0xF7A;
	s5 =	simm.s32 @!p2 $0x0  }
0x1d: {  	s5 =	simm.s32 @p1 $0x1;
	p0 =	seq.s32 s7, s2  }
0x1e: {  	s7 =	smul.u32 @!p0 $0xF7A, s2;
	p2 =	seq.s32 @!p0 s5, $0x0  }
0x1f: {  	s9 =	smul.u32 $0xF7A, s1;
	s8 =	simm.s32 @!p0 $0x1BF5;
	p2 =	por !p2, p0  }
0x20: {  	[sflag:s8] =	ssyncset.s32 @!p0 $0xFFFFF086;
	s6 =	sadd.s32 @!p0 s3, s7;
	s7 =	simm.s32 @!p0 $0x108  }
0x21: {  	s3 =	sadd.s32 s3, s9;
	s6 =	sadd.s32 @!p0 $0x88, s6;
	s7 =	simm.s32 @p2 $0x1082  }
0x22: {  	[simem:s7], [sflag:s8] =	dma.local @!p0 [hbm:s6], $0xF7A  }
0x23: {  	s9 =	sor.u32 $0xD0000000, s2;
	s6 =	simm.s32 $0x108;
	_ =	swait.ge @!p0 [sflag:s8], $0x0  }
0x24: {  	s3 =	sadd.s32 $0x88, s3;
	s6 =	simm.s32 @!p1 $0x1082;
	[sflag:s4] =	ssyncset.s32 $0xFFFFF086  }
0x25: {  	[simem:s6], [sflag:s4] =	dma.local [hbm:s3], $0xF7A  }
0x26: {  	[smem:$0x3F88] =	sst s1;
	(tag) =	ssettag s2;
	_ =	strace s9  }
0x27: {  	s1 =	sld [smem:$0x3F98]  }
0x28: {  	s2 =	sld [smem:$0x3F99]  }
0x29: {  	s4 =	sld [smem:$0x3F9B]  }
0x2a: {  	p0 =	seq.s32 s5, $0x0;
	s5 =	sld [smem:$0x3F9C]  }
0x2b: {  	s6 =	sld [smem:$0x3F9D]  }
0x2c: {  	s7 =	sld [smem:$0x3F9E]  }
0x2d: {  	s3 =	simm.s32 $0x108;
	s8 =	sld [smem:$0x3F9F]  }
0x2e: {  	s3 =	simm.s32 @!p0 $0x1082;
	s9 =	sld [smem:$0x3FA0]  }
0x2f: {  	lr =	sadd.s32 s0, s3;
	s0 =	sld [smem:$0x3F97]  }
0x30: {  	s3 =	sld [smem:$0x3F9A]  }
0x31: {  	[smem:$0x3FA3] =	sst s10  }
0x32: {  	s10 =	sld [smem:$0x3FA1];
	_ =	sdelay $0x3  }
0x33: {  	p0 =	seq.s32 s10, $0x1;
	s10 =	sld [smem:$0x3FA3];
	_ =	sdelay $0x3  }
0x34: {  	[smem:$0x3FA3] =	sst s10  }
0x35: {  	s10 =	sld [smem:$0x3FA2];
	_ =	sdelay $0x3  }
0x36: {  	p1 =	seq.s32 s10, $0x1;
	s10 =	sld [smem:$0x3FA3];
	_ =	sdelay $0x3  }
0x37: {  	[smem:$0x3FA3] =	sst s10  }
0x38: {  	s10 =	sld [smem:$0x3FA4]  }
0x39: {  	_ = 	snop;
	(pc) =	sbr.ind lr, $3  }
0x3a: {  	_ = 	snop  }
0x3b: {  	_ = 	snop  }
0x3c: {  	p2 =	seq.s32 s10, $0x1;
	s10 =	sld [smem:$0x3FA3]  }
0x3d: {  	_ =	shalt  }
0x3e: {  	_ =	shalt  }
0x3f: {  	_ =	shalt  }
0x40: {  	_ =	shalt  }
0x41: {  	_ =	shalt  }
0x42: {  	_ =	shalt  }
0x43: {  	_ =	shalt  }
0x44: {  	_ =	shalt  }
0x45: {  	_ =	shalt  }
0x46: {  	_ =	shalt  }
0x47: {  	_ =	shalt  }
0x48: {  	_ =	shalt  }
0x49: {  	_ =	shalt  }
0x4a: {  	_ =	shalt  }
0x4b: {  	_ =	shalt  }
0x4c: {  	_ =	shalt  }
0x4d: {  	_ =	shalt  }
0x4e: {  	_ =	shalt  }
0x4f: {  	_ =	shalt  }
0x50: {  	_ =	shalt  }
0x51: {  	_ =	shalt  }
0x52: {  	_ =	shalt  }
0x53: {  	_ =	shalt  }
0x54: {  	_ =	shalt  }
0x55: {  	_ =	shalt  }
0x56: {  	_ =	shalt  }
0x57: {  	_ =	shalt  }
0x58: {  	_ =	shalt  }
0x59: {  	_ =	shalt  }
0x5a: {  	_ =	shalt  }
0x5b: {  	_ =	shalt  }
0x5c: {  	_ =	shalt  }
0x5d: {  	_ =	shalt  }
0x5e: {  	_ =	shalt  }
0x5f: {  	_ =	shalt  }
0x60: {  	_ =	shalt  }
0x61: {  	_ =	shalt  }
0x62: {  	_ =	shalt  }
0x63: {  	_ =	shalt  }
0x64: {  	_ =	shalt  }
0x65: {  	_ =	shalt  }
0x66: {  	_ =	shalt  }
0x67: {  	_ =	shalt  }
0x68: {  	_ =	shalt  }
0x69: {  	_ =	shalt  }
0x6a: {  	_ =	shalt  }
0x6b: {  	_ =	shalt  }
0x6c: {  	_ =	shalt  }
0x6d: {  	_ =	shalt  }
0x6e: {  	_ =	shalt  }
0x6f: {  	_ =	shalt  }
0x70: {  	_ =	shalt  }
0x71: {  	_ =	shalt  }
0x72: {  	_ =	shalt  }
0x73: {  	_ =	shalt  }
0x74: {  	_ =	shalt  }
0x75: {  	_ =	shalt  }
0x76: {  	_ =	shalt  }
0x77: {  	_ =	shalt  }
0x78: {  	_ =	shalt  }
0x79: {  	_ =	shalt  }
0x7a: {  	_ =	shalt  }
0x7b: {  	_ =	shalt  }
0x7c: {  	_ =	shalt  }
0x7d: {  	_ =	shalt  }
0x7e: {  	_ =	shalt  }
0x7f: {  	_ =	shalt  }
0x80: {  	_ =	shalt  }
0x81: {  	_ =	shalt  }
0x82: {  	_ =	shalt  }
0x83: {  	_ =	shalt  }
0x84: {  	_ =	shalt  }
0x85: {  	_ =	shalt  }
0x86: {  	_ =	shalt  }
0x87: {  	_ =	shalt  }
.Lfunc_end0:
.L_simem_size_0:
called_computation.2_lowered:
.L_overlay_start_0:
0x88: {  	s2 =	sld [smem:$0x3FD9]  }
0x89: {  	s3 =	sld [smem:$0x3FFE];
	_ =	sdelay $0x1  }
0x8a: {  	s1 =	srdreg.scid  }
0x8b: {  	s0 =	sand.u32 $0x1, s1  }
0x8c: {  	s16 =	sshll.u32 s0, $0xA;
	s2 =	sadd.s32 s3, s2  }
0x8d: {  	s2 =	sadd.s32 s2, s16  }
0x8e: {  	[smem:$0x3FAF] =	sst s2  }
0x8f: {  	_ = 	snop  }
0x90: {  	(tm) =	ssettm $0x1  }
0x91: {  	s17 =	sld [smem:$0x3FFB];
	_ =	sdelay $0x3  }
0x92: {  	_ =	strace s17  }
0x93: {  	s2 =	sld [smem:$0x3FFC];
	_ =	sdelay $0x3  }
0x94: {  	_ =	strace s2  }
0x95: {  	s2 =	sld [smem:$0x3FFD];
	_ =	sdelay $0x3  }
0x96: {  	_ =	strace s2  }
0x97: {  	_ =	strace $0x8FFFFFFF  }
0x98: {  	s18 =	sld [smem:$0x3FDB];
	_ =	sdelay $0x1  }
0x99: {  	s19 =	simm.s32 $_scs_section_size  }
0x9a: {  	s4 =	simm.s32 $_size__tile_overlayer_lowered;
	s5 =	simm.s32 $_tile_overlayer_lowered  }
0x9b: {  	s22 =	simm.s32 $0x1BFF;
	s21 =	sshll.u32 s5, $0x1;
	s2 =	sadd.s32 s19, s18  }
0x9c: {  	s6 =	simm.s32 $0x0;
	s20 =	sshll.u32 s4, $0x1;
	s4 =	sadd.s32 s21, s2  }
0x9d: {  	[timem:s6], [sflag:s22] =	dma.local [hbm:s4], s20  }
0x9e: {  	_ =	swait.ge [sflag:s22], s20  }
0x9f: {  	s3 =	ssub.s32 $0x0, s20;
	[sflag:s22] =	ssyncset.done $0x0  }
0xa0: {  	[sflag:s22] =	ssyncadd.s32 s3;
	_ =	sdelay $0x1  }
0xa1: {  	s23 =	simm.s32 $0x1B8B  }
0xa2: {  	_ =	swait.ge [sflag:s23], $0x1  }
0xa3: {  	[sflag:s23] =	ssyncset.done $0x0  }
0xa4: {  	s25 =	simm.s32 $0x1B8E;
	s24 =	sld [smem:$0x3FFE];
	[sflag:s23] =	ssyncadd.s32 $0xFFFFFFFF  }
0xa5: {  	s26 =	simm.s32 $execute0_lowered;
	[smem:$0x3FD2] =	sst s25  }
0xa6: {  	s4 =	sshll.u32 s26, $0x1;
	_ =	strace $0x8000004C;
	[dreg:$0x1] =	wrdreg $0xFFFFFFFF  }
0xa7: {  	s28 =	simm.s32 $_size_execute0_lowered;
	s2 =	sadd.s32 s2, s4;
	[dreg:$0x0] =	wrdreg $0x0  }
0xa8: {  	s4 =	sshll.u32 s28, $0x1;
	[dreg:$0x2] =	wrdreg s2  }
0xa9: {  	[dreg:$0x3] =	wrdreg s4  }
0xaa: {  	[dreg:$0x4] =	wrdreg $0xC0  }
0xab: {  	_ =	task [dreg:s6], $0x5FFFF  }
0xac: {  	[dreg:$0x1] =	wrdreg $0xFFFFFFFF  }
0xad: {  	[dreg:$0x0] =	wrdreg $0x60  }
0xae: {  	[dreg:$0x2] =	wrdreg s24  }
0xaf: {  	[dreg:$0x3] =	wrdreg $0x68000  }
0xb0: {  	[dreg:$0x4] =	wrdreg $0x9  }
0xb1: {  	_ =	task.clear_ibuf [dreg:s6], $0x5FFFF;
	_ =	strace $0x9000004C  }
0xb2: {  	s29 =	simm.s32 $0x9;
	_ =	strace $0x8000004E  }
0xb3: {  	_ =	swait.ge [sflag:s29], $0x1  }
0xb4: {  	[sflag:s29] =	ssyncadd.s32 $0xFFFFFFFF  }
0xb5: {  	_ =	strace $0x9000004E  }
0xb6: {  	_ =	sfence  }
0xb7: {  	s30 =	sld [smem:$0x0];
	_ =	sdelay $0x2  }
0xb8: {  	s31 =	sshll.u32 s1, $0xD;
	s1 =	sshrl.u32 s1, $0x2  }
0xb9: {  	s3 =	sand.u32 $0x4000, s31;
	s1 =	sadd.s32 s1, s30  }
0xba: {  	s0 =	sor.u32 s3, s0;
	s1 =	sshll.u32 s1, $0x11  }
0xbb: {  	s0 =	sor.u32 s1, s0  }
0xbc: {  	s0 =	sadd.s32 $0x8F2B, s0  }
0xbd: {  	[sflag:s0] =	ssyncadd.remote.s32 $0x1  }
0xbe: {  	_ =	sfence.sel $0xFFFF  }
0xbf: {  	[dreg:$0x0] =	wrdreg $0xFFFFFFFF;
	(pc) =	sbr.abs _section_cstart, $3  }
0xc0: {  	[dreg:$0x1] =	wrdreg $0xFFFFFFFF  }
0xc1: {  	_ =	task.clear_ibuf [dreg:s6], $0x2FFFF;
	_ =	strace $0x9FFFFFFF  }
0xc2: {  	(tm) =	ssettm $0x7FFFFFFF  }
0xc3: {  	_ =	shalt  }
tec
execute0_lowered:
.L_overlay_start_1:
0x0: {  	(tag) =	ssettag $0x1  }
0x1: {  	s0 =	srdreg.scid  }
0x2: {  	s6 =	rddreg [dreg:$0x0];
	s5 =	sand.u32 $0x1, s0  }
0x3: {  	s0 =	stileid.u32;
	s8 =	smul.u32 $0x27800, s5  }
0x4: {  	s2 =	rddreg [dreg:$0x1];
	s3 =	simm.s32 $0x0;
	s11 =	smul.u32 $0x278, s0  }
0x5: {  	[smem:$0x7FF] =	sst s3;
	s1 =	sshll.u32 s5, $0x4;
	s12 =	smul.u32 $0x4F000, s0  }
0x6: {  	s5 =	ssub.s32 $0x2, s5;
	s18 =	smul.u32 $0x2780, s0;
	s4 =	sor.u32 s0, s1  }
0x7: {  	s1 =	rddreg [dreg:$0x2];
	_ =	strace $0x8000004D;
	s25 =	sshrl.u32 s5, $0x1  }
0x8: {  	s7 =	smul.u32 $0x500, s4;
	s4 =	sadd.s32 $0x37400, s6;
	s8 =	sadd.s32 s8, s6  }
0x9: {  	s9 =	sadd.s32 $0x258, s11;
	s10 =	ssub.s32 s5, s25;
	s28 =	sshrl.u32 s12, $0x2  }
0xa: {  	s14 =	sadd.s32 $0x78, s11;
	s15 =	sadd.s32 $0xF0, s11;
	s16 =	sadd.s32 $0x168, s11  }
0xb: {  	s17 =	sadd.s32 $0x1E0, s11;
	s26 =	sshll.u32 s9, $0x7;
	s23 =	sadd.s32 $0xB7600, s8  }
0xc: {  	s24 =	sshll.u32 s9, $0x4;
	s8 =	sadd.s32 s28, s2;
	s29 =	sshll.u32 s14, $0x7  }
0xd: {  	s9 =	smax.u32 s10, $0x1;
	s30 =	sshll.u32 s15, $0x7;
	s31 =	sshll.u32 s16, $0x7  }
0xe: {  	s13 =	sshll.u32 s17, $0x7;
	s19 =	sshll.u32 s14, $0x4;
	s20 =	sshll.u32 s15, $0x4  }
0xf: {  	s21 =	sshll.u32 s16, $0x4;
	s22 =	sshll.u32 s17, $0x4;
	s14 =	simm.s32 $0x2800  }
0x10: {  	s15 =	simm.s32 $0x1;
	s16 =	simm.s32 $0x1400;
	s17 =	simm.s32 $0x7D  }
0x11: {  	s7 =	sadd.s32 s7, s6;
	s5 =	sadd.s32 s26, s2;
	s10 =	sadd.s32 s29, s2  }
0x12: {  	s11 =	sadd.s32 s30, s2;
	s12 =	sadd.s32 s31, s2;
	s13 =	sadd.s32 s13, s2  }
0x13: {  	s18 =	sadd.s32 s18, s23;
	s19 =	sadd.s32 s19, s23;
	s20 =	sadd.s32 s20, s23  }
0x14: {  	s21 =	sadd.s32 s21, s23;
	s22 =	sadd.s32 s22, s23;
	s23 =	sadd.s32 s24, s23  }
0x15: {  	v0 =	vimm.f32 $0.0e+00;
	s24 =	simm.s32 $0x0;
	s6 =	sadd.s32 $0x5F200, s7;
	s7 =	sadd.s32 $0x6200, s7  }
.LBB2_1:
0x16: {  	s25 =	sand.u32 $0xFE00, s3  }
0x17: {  	s26 =	sand.u32 $0x70, s3;
	s28 =	sshrl.u32 s25, $0x2  }
0x18: {  	s25 =	simm.s32 $0x40;
	s28 =	sor.u32 s26, s28;
	s26 =	simm.s32 $0x0  }
.LBB2_2:
0x19: {  	p0 =	sne.s32 s25, $0xF9C0  }
0x1a: {  	[tilespmem:s28+$0x2800] =	vst v0;
	s26 =	sadd.s32 $0x10, s26;
	s28 =	smov.u32 s25;
	s25 =	sadd.s32 $0x40, s25  }
.Ltmp0:
0x1b: {  	(pc) =	sbr.rel @p0 .LBB2_2-.Ltmp0, $4  }
0x1c: {  	_ = 	snop  }
0x1d: {  	s28 =	sand.u32 $0xFE00, s28  }
0x1e: {  	s29 =	sand.u32 $0x70, s26;
	s28 =	sshrl.u32 s28, $0x2  }
0x1f: {  	s28 =	sor.u32 s29, s28  }
0x20: {  	[tilespmem:s28+$0x2800] =	vst v0  }
0x21: {  	[spmem:s8] =	stream.linear.scatter [tilespmem:s14], [sflag:$0x1], $0x3C00, $0x38;
	[tilespmem:$0x1A400] =	vst v63  }
0x22: {  	_ =	swait.ge [sflag:s15], $0x3C00  }
0x23: {  	[sflag:s15] =	ssyncset.done $0x0  }
0x24: {  	[sflag:s15] =	ssyncadd.s32 $0xFFFFC400  }
0x25: {  	[spmem:s10] =	stream.linear.scatter [tilespmem:s14], [sflag:$0x1], $0x3C00, $0x38;
	[tilespmem:$0x1A400] =	vst v63  }
0x26: {  	_ =	swait.ge [sflag:s15], $0x3C00  }
0x27: {  	[sflag:s15] =	ssyncset.done $0x0  }
0x28: {  	[sflag:s15] =	ssyncadd.s32 $0xFFFFC400  }
0x29: {  	[spmem:s11] =	stream.linear.scatter [tilespmem:s14], [sflag:$0x1], $0x3C00, $0x38;
	[tilespmem:$0x1A400] =	vst v63  }
0x2a: {  	_ =	swait.ge [sflag:s15], $0x3C00  }
0x2b: {  	[sflag:s15] =	ssyncset.done $0x0  }
0x2c: {  	[sflag:s15] =	ssyncadd.s32 $0xFFFFC400  }
0x2d: {  	[spmem:s12] =	stream.linear.scatter [tilespmem:s14], [sflag:$0x1], $0x3C00, $0x38;
	[tilespmem:$0x1A400] =	vst v63  }
0x2e: {  	_ =	swait.ge [sflag:s15], $0x3C00  }
0x2f: {  	[sflag:s15] =	ssyncset.done $0x0  }
0x30: {  	[sflag:s15] =	ssyncadd.s32 $0xFFFFC400  }
0x31: {  	[spmem:s13] =	stream.linear.scatter [tilespmem:s14], [sflag:$0x1], $0x3C00, $0x38;
	[tilespmem:$0x1A400] =	vst v63  }
0x32: {  	_ =	swait.ge [sflag:s15], $0x3C00  }
0x33: {  	[sflag:s15] =	ssyncset.done $0x0  }
0x34: {  	[sflag:s15] =	ssyncadd.s32 $0xFFFFC400  }
0x35: {  	[spmem:s5] =	stream.linear.scatter [tilespmem:s14], [sflag:$0x1], $0x1000, $0x38;
	[tilespmem:$0x1A400] =	vst v63  }
0x36: {  	_ =	swait.ge [sflag:s15], $0x1000  }
0x37: {  	[sflag:s15] =	ssyncset.done $0x0  }
0x38: {  	[sflag:s15] =	ssyncadd.s32 $0xFFFFF000  }
0x39: {  	s25 =	simm.s32 $0x0;
	[bflag:$0x0] =	sbarrier.arrive $0xFFFF  }
0x3a: {  	[tilespmem:s25], [sflag:$0x1] =	stream.linear.gather [hbm4b:s6+s25], $0x1400, $0x38;
	[tilespmem:$0x1A400] =	vst v63  }
0x3b: {  	_ =	swait.ge [sflag:s15], $0x1400  }
0x3c: {  	[sflag:s15] =	ssyncset.done $0x0  }
0x3d: {  	[sflag:s15] =	ssyncadd.s32 $0xFFFFEC00  }
0x3e: {  	[tilespmem:s16], [sflag:$0x1] =	stream.linear.gather [hbm4b:s7+s25], $0x1400, $0x38;
	[tilespmem:$0x1A400] =	vst v63  }
0x3f: {  	_ =	swait.ge [sflag:s15], $0x1400  }
0x40: {  	[sflag:s15] =	ssyncset.done $0x0  }
0x41: {  	s30 =	simm.s32 $0x0;
	[sflag:s15] =	ssyncadd.s32 $0xFFFFEC00  }
0x42: {  	[tilespmem:s14], [sflag:$0x1] =	stream.indirect.gather [hbm4b:s4+s17], $0x80, s30, s17, $0xb8;
	[tilespmem:$0x1A400] =	vst v63  }
0x43: {  	_ =	swait.ge [sflag:s15], $0x3E80  }
0x44: {  	[sflag:s15] =	ssyncset.done $0x0  }
0x45: {  	s31 =	simm.s32 $0x1400;
	[sflag:s15] =	ssyncadd.s32 $0xFFFFC180  }
0x46: {  	[spmem:s2] =	stream.indirect.scatter.add.f32 [tilespmem:s14], [sflag:$0x1], $0x80, s31, s17, $0xb8;
	[tilespmem:$0x1A400] =	vst v63  }
0x47: {  	_ =	swait.ge [sflag:s15], $0x3E80  }
0x48: {  	s26 =	simm.s32 $0x400;
	s25 =	simm.s32 $0x200;
	[sflag:s15] =	ssyncset.done $0x0  }
.LBB2_4:
0x49: {  	s28 =	sshra.s32 s25, $0x2  }
0x4a: {  	[sflag:s15] =	ssyncadd.s32 $0xFFFFC180;
	s25 =	smov.u32 s26;
	s29 =	sadd.s32 $0x200, s26  }
0x4b: {  	[tilespmem:s14], [sflag:$0x1] =	stream.indirect.gather [hbm4b:s4+s17], $0x80, s28, s17, $0xb8;
	[tilespmem:$0x1A400] =	vst v63  }
0x4c: {  	p0 =	sne.s32 s26, $0x4E00;
	_ =	swait.ge [sflag:s15], $0x3E80  }
.Ltmp1:
0x4d: {  	[sflag:s15] =	ssyncset.done $0x0;
	(pc) =	sbr.rel @p0 .LBB2_4-.Ltmp1, $4  }
0x4e: {  	s26 =	sadd.s32 $0x1400, s28;
	[sflag:s15] =	ssyncadd.s32 $0xFFFFC180  }
0x4f: {  	[spmem:s2] =	stream.indirect.scatter.add.f32 [tilespmem:s14], [sflag:$0x1], $0x80, s26, s17, $0xb8;
	[tilespmem:$0x1A400] =	vst v63  }
0x50: {  	_ =	swait.ge [sflag:s15], $0x3E80  }
0x51: {  	s26 =	smov.u32 s29;
	[sflag:s15] =	ssyncset.done $0x0  }
0x52: {  	s25 =	sshra.s32 s25, $0x2;
	[sflag:s15] =	ssyncadd.s32 $0xFFFFC180  }
0x53: {  	[tilespmem:s14], [sflag:$0x1] =	stream.indirect.gather [hbm4b:s4+s17], $0x80, s25, s17, $0xb8;
	[tilespmem:$0x1A400] =	vst v63  }
0x54: {  	_ =	swait.ge [sflag:s15], $0x3E80  }
0x55: {  	[sflag:s15] =	ssyncset.done $0x0  }
0x56: {  	s25 =	sadd.s32 $0x1400, s25;
	[sflag:s15] =	ssyncadd.s32 $0xFFFFC180  }
0x57: {  	[spmem:s2] =	stream.indirect.scatter.add.f32 [tilespmem:s14], [sflag:$0x1], $0x80, s25, s17, $0xb8;
	[tilespmem:$0x1A400] =	vst v63  }
0x58: {  	_ =	swait.ge [sflag:s15], $0x3E80  }
0x59: {  	[sflag:s15] =	ssyncset.done $0x0  }
0x5a: {  	s28 =	sadd.s32 $0x280, s6;
	s26 =	simm.s32 $0x0;
	[sflag:s15] =	ssyncadd.s32 $0xFFFFC180  }
0x5b: {  	[tilespmem:s26], [sflag:$0x1] =	stream.linear.gather [hbm4b:s28+s26], $0x1400, $0x38;
	[tilespmem:$0x1A400] =	vst v63  }
0x5c: {  	_ =	swait.ge [sflag:s15], $0x1400  }
0x5d: {  	[sflag:s15] =	ssyncset.done $0x0  }
0x5e: {  	s29 =	sadd.s32 $0x280, s7;
	[sflag:s15] =	ssyncadd.s32 $0xFFFFEC00  }
0x5f: {  	[tilespmem:s16], [sflag:$0x1] =	stream.linear.gather [hbm4b:s29+s26], $0x1400, $0x38;
	[tilespmem:$0x1A400] =	vst v63  }
0x60: {  	_ =	swait.ge [sflag:s15], $0x1400  }
0x61: {  	[sflag:s15] =	ssyncset.done $0x0  }
0x62: {  	s30 =	simm.s32 $0x0;
	[sflag:s15] =	ssyncadd.s32 $0xFFFFEC00  }
0x63: {  	[tilespmem:s14], [sflag:$0x1] =	stream.indirect.gather [hbm4b:s4+s17], $0x80, s30, s17, $0xb8;
	[tilespmem:$0x1A400] =	vst v63  }
0x64: {  	_ =	swait.ge [sflag:s15], $0x3E80  }
0x65: {  	[sflag:s15] =	ssyncset.done $0x0  }
0x66: {  	s31 =	simm.s32 $0x1400;
	[sflag:s15] =	ssyncadd.s32 $0xFFFFC180  }
0x67: {  	[spmem:s2] =	stream.indirect.scatter.add.f32 [tilespmem:s14], [sflag:$0x1], $0x80, s31, s17, $0xb8;
	[tilespmem:$0x1A400] =	vst v63  }
0x68: {  	_ =	swait.ge [sflag:s15], $0x3E80  }
0x69: {  	s25 =	simm.s32 $0x200;
	s26 =	simm.s32 $0x400;
	[sflag:s15] =	ssyncset.done $0x0  }
.LBB2_6:
0x6a: {  	s28 =	sshra.s32 s25, $0x2  }
0x6b: {  	[sflag:s15] =	ssyncadd.s32 $0xFFFFC180;
	s25 =	smov.u32 s26;
	s29 =	sadd.s32 $0x200, s26  }
0x6c: {  	[tilespmem:s14], [sflag:$0x1] =	stream.indirect.gather [hbm4b:s4+s17], $0x80, s28, s17, $0xb8;
	[tilespmem:$0x1A400] =	vst v63  }
0x6d: {  	p0 =	sne.s32 s26, $0x4E00;
	_ =	swait.ge [sflag:s15], $0x3E80  }
.Ltmp2:
0x6e: {  	[sflag:s15] =	ssyncset.done $0x0;
	(pc) =	sbr.rel @p0 .LBB2_6-.Ltmp2, $4  }
0x6f: {  	s26 =	sadd.s32 $0x1400, s28;
	[sflag:s15] =	ssyncadd.s32 $0xFFFFC180  }
0x70: {  	[spmem:s2] =	stream.indirect.scatter.add.f32 [tilespmem:s14], [sflag:$0x1], $0x80, s26, s17, $0xb8;
	[tilespmem:$0x1A400] =	vst v63  }
0x71: {  	_ =	swait.ge [sflag:s15], $0x3E80  }
0x72: {  	s26 =	smov.u32 s29;
	[sflag:s15] =	ssyncset.done $0x0  }
0x73: {  	s25 =	sshra.s32 s25, $0x2;
	[sflag:s15] =	ssyncadd.s32 $0xFFFFC180  }
0x74: {  	[tilespmem:s14], [sflag:$0x1] =	stream.indirect.gather [hbm4b:s4+s17], $0x80, s25, s17, $0xb8;
	[tilespmem:$0x1A400] =	vst v63  }
0x75: {  	_ =	swait.ge [sflag:s15], $0x3E80  }
0x76: {  	[sflag:s15] =	ssyncset.done $0x0  }
0x77: {  	s25 =	sadd.s32 $0x1400, s25;
	[sflag:s15] =	ssyncadd.s32 $0xFFFFC180  }
0x78: {  	[spmem:s2] =	stream.indirect.scatter.add.f32 [tilespmem:s14], [sflag:$0x1], $0x80, s25, s17, $0xb8;
	[tilespmem:$0x1A400] =	vst v63  }
0x79: {  	_ =	swait.ge [sflag:s15], $0x3E80  }
0x7a: {  	[sflag:s15] =	ssyncset.done $0x0  }
0x7b: {  	[sflag:s15] =	ssyncadd.s32 $0xFFFFC180  }
0x7c: {  	[bflag:$0x0] =	sbarrier.arrive $0xFFFF  }
0x7d: {  	[tilespmem:s14], [sflag:$0x1] =	stream.linear.gather [spmem:s8], $0x3C00, $0x38;
	[tilespmem:$0x1A400] =	vst v63  }
0x7e: {  	_ =	swait.ge [sflag:s15], $0x3C00  }
0x7f: {  	[sflag:s15] =	ssyncset.done $0x0  }
0x80: {  	[sflag:s15] =	ssyncadd.s32 $0xFFFFC400  }
0x81: {  	[hbm4b:s18+s3] =	stream.linear.scatter [tilespmem:s14], [sflag:$0x1], $0x3C00, $0x38;
	[tilespmem:$0x1A400] =	vst v63  }
0x82: {  	_ =	swait.ge [sflag:s15], $0x3C00  }
0x83: {  	[sflag:s15] =	ssyncset.done $0x0  }
0x84: {  	[sflag:s15] =	ssyncadd.s32 $0xFFFFC400  }
0x85: {  	[tilespmem:s14], [sflag:$0x1] =	stream.linear.gather [spmem:s10], $0x3C00, $0x38;
	[tilespmem:$0x1A400] =	vst v63  }
0x86: {  	_ =	swait.ge [sflag:s15], $0x3C00  }
0x87: {  	[sflag:s15] =	ssyncset.done $0x0  }
0x88: {  	[sflag:s15] =	ssyncadd.s32 $0xFFFFC400  }
0x89: {  	[hbm4b:s19+s3] =	stream.linear.scatter [tilespmem:s14], [sflag:$0x1], $0x3C00, $0x38;
	[tilespmem:$0x1A400] =	vst v63  }
0x8a: {  	_ =	swait.ge [sflag:s15], $0x3C00  }
0x8b: {  	[sflag:s15] =	ssyncset.done $0x0  }
0x8c: {  	[sflag:s15] =	ssyncadd.s32 $0xFFFFC400  }
0x8d: {  	[tilespmem:s14], [sflag:$0x1] =	stream.linear.gather [spmem:s11], $0x3C00, $0x38;
	[tilespmem:$0x1A400] =	vst v63  }
0x8e: {  	_ =	swait.ge [sflag:s15], $0x3C00  }
0x8f: {  	[sflag:s15] =	ssyncset.done $0x0  }
0x90: {  	[sflag:s15] =	ssyncadd.s32 $0xFFFFC400  }
0x91: {  	[hbm4b:s20+s3] =	stream.linear.scatter [tilespmem:s14], [sflag:$0x1], $0x3C00, $0x38;
	[tilespmem:$0x1A400] =	vst v63  }
0x92: {  	_ =	swait.ge [sflag:s15], $0x3C00  }
0x93: {  	[sflag:s15] =	ssyncset.done $0x0  }
0x94: {  	[sflag:s15] =	ssyncadd.s32 $0xFFFFC400  }
0x95: {  	[tilespmem:s14], [sflag:$0x1] =	stream.linear.gather [spmem:s12], $0x3C00, $0x38;
	[tilespmem:$0x1A400] =	vst v63  }
0x96: {  	_ =	swait.ge [sflag:s15], $0x3C00  }
0x97: {  	[sflag:s15] =	ssyncset.done $0x0  }
0x98: {  	[sflag:s15] =	ssyncadd.s32 $0xFFFFC400  }
0x99: {  	[hbm4b:s21+s3] =	stream.linear.scatter [tilespmem:s14], [sflag:$0x1], $0x3C00, $0x38;
	[tilespmem:$0x1A400] =	vst v63  }
0x9a: {  	_ =	swait.ge [sflag:s15], $0x3C00  }
0x9b: {  	[sflag:s15] =	ssyncset.done $0x0  }
0x9c: {  	[sflag:s15] =	ssyncadd.s32 $0xFFFFC400  }
0x9d: {  	[tilespmem:s14], [sflag:$0x1] =	stream.linear.gather [spmem:s13], $0x3C00, $0x38;
	[tilespmem:$0x1A400] =	vst v63  }
0x9e: {  	_ =	swait.ge [sflag:s15], $0x3C00  }
0x9f: {  	[sflag:s15] =	ssyncset.done $0x0  }
0xa0: {  	[sflag:s15] =	ssyncadd.s32 $0xFFFFC400  }
0xa1: {  	[hbm4b:s22+s3] =	stream.linear.scatter [tilespmem:s14], [sflag:$0x1], $0x3C00, $0x38;
	[tilespmem:$0x1A400] =	vst v63  }
0xa2: {  	_ =	swait.ge [sflag:s15], $0x3C00  }
0xa3: {  	[sflag:s15] =	ssyncset.done $0x0  }
0xa4: {  	[sflag:s15] =	ssyncadd.s32 $0xFFFFC400  }
0xa5: {  	[tilespmem:s14], [sflag:$0x1] =	stream.linear.gather [spmem:s5], $0x1000, $0x38;
	[tilespmem:$0x1A400] =	vst v63  }
0xa6: {  	s24 =	sadd.s32 $0x1, s24;
	_ =	swait.ge [sflag:s15], $0x1000  }
0xa7: {  	p0 =	sne.s32 s24, s9;
	[sflag:s15] =	ssyncset.done $0x0  }
.Ltmp3:
0xa8: {  	[sflag:s15] =	ssyncadd.s32 $0xFFFFF000;
	(pc) =	sbr.rel @p0 .LBB2_1-.Ltmp3, $4  }
0xa9: {  	[hbm4b:s23+s3] =	stream.linear.scatter [tilespmem:s14], [sflag:$0x1], $0x1000, $0x38;
	[tilespmem:$0x1A400] =	vst v63  }
0xaa: {  	_ =	swait.ge [sflag:s15], $0x1000  }
0xab: {  	[sflag:s15] =	ssyncset.done $0x0  }
0xac: {  	[sflag:s15] =	ssyncadd.s32 $0xFFFFF000  }
0xad: {  	_ =	sfence.sel $0x180000  }
0xae: {  	[bflag:$0x0] =	sbarrier.arrive $0xFFFF  }
0xaf: {  	p0 =	sne.s32 s0, $0x0;
	_ =	strace $0x9000004D  }
0xb0: {  	s0 =	sadd.s32 @!p0 $0x100000, s1;
	[bflag:$0x2] =	sbarrier.arrive $0xFFFF  }
0xb1: {  	[sflag:s0] =	ssyncadd.tile.s32 @!p0 $0x1;
	_ =	shalt  }
.Lfunc_end2:
_tile_overlayer_lowered:
.L_overlay_start_2:
0xb2: {  	(tag) =	ssettag $0x2  }
0xb3: {  	s0 =	rddreg [dreg:$0x0];
	s2 =	stileid.u32  }
0xb4: {  	s1 =	rddreg [dreg:$0x1];
	p0 =	sne.s32 s2, $0x0  }
0xb5: {  	s3 =	rddreg [dreg:$0x2];
	[bflag:$0x3] =	sbarrier.arrive $0xFFFF;
	s2 =	simm.s32 @!p0 $0x1C01  }
0xb6: {  	[timem:s3], [sflag:s2] =	dma.local @!p0 [hbm:s0], s1  }
0xb7: {  	s0 =	simm.s32 @!p0 $0x1  }
0xb8: {  	_ =	swait.ge @!p0 [sflag:s0], s1  }
0xb9: {  	s1 =	ssub.s32 @!p0 $0x0, s1;
	[sflag:s0] =	ssyncset.done @!p0 $0x0  }
0xba: {  	[sflag:s0] =	ssyncadd.s32 @!p0 s1  }
0xbb: {  	[bflag:$0x3] =	sbarrier.arrive $0xFFFF  }
0xbc: {  	_ =	shalt  }

// kernel: kernel.19.cloned.1.call-start
scs
__scs_entry_jumppad:
0x0: {  	(pc) =	sbr.rel $0x88, $3  }
0x1: {  	(tag) =	ssettag $0x0;
	lr =	simm.s32 $0x1  }
0x2: {  	[smem:$0x3F88] =	sst lr;
	_ =	strace $0xD0000000  }
0x3: {  	_ = 	snop  }
0x4: {  	_ = 	snop  }
0x5: {  	_ = 	snop  }
0x6: {  	_ = 	snop  }
0x7: {  	_ = 	snop  }
__scs_overlays_trampoline_lowered:
0x8: {  	[smem:$0x3F97] =	sst s0  }
0x9: {  	[smem:$0x3F98] =	sst s1  }
0xa: {  	[smem:$0x3F99] =	sst s2  }
0xb: {  	[smem:$0x3F9A] =	sst s3  }
0xc: {  	[smem:$0x3F9B] =	sst s4  }
0xd: {  	[smem:$0x3F9C] =	sst s5  }
0xe: {  	[smem:$0x3F9D] =	sst s6  }
0xf: {  	[smem:$0x3F9E] =	sst s7  }
0x10: {  	[smem:$0x3F9F] =	sst s8  }
0x11: {  	[smem:$0x3FA0] =	sst s9;
	s0 =	simm.s32 @!p0 $0x0  }
0x12: {  	s1 =	sld [smem:$0x3F86];
	s0 =	simm.s32 @p0 $0x1  }
0x13: {  	[smem:$0x3FA1] =	sst s0;
	s0 =	simm.s32 @!p1 $0x0  }
0x14: {  	s2 =	sld [smem:$0x3F85];
	s0 =	simm.s32 @p1 $0x1  }
0x15: {  	[smem:$0x3FA2] =	sst s0;
	s0 =	simm.s32 @!p2 $0x0  }
0x16: {  	s3 =	sld [smem:$0x3FDB];
	s0 =	simm.s32 @p2 $0x1  }
0x17: {  	s4 =	simm.s32 $0x1BF5;
	[smem:$0x3FA4] =	sst s0  }
0x18: {  	s0 =	sld [smem:$0x3F87];
	_ =	swait.ge [sflag:s4], $0x0  }
0x19: {  	s7 =	sld [smem:$0x3F88]  }
0x1a: {  	s8 =	sadd.s32 $0xFFFFE003, lr  }
0x1b: {  	s9 =	sadd.s32 $0xFFFFFEF7, lr;
	s5 =	simm.s32 $0xFFFFFFFF;
	p2 =	slt.u32 s8, $0xFFFFF086  }
0x1c: {  	p1 =	slt.u32 s9, $0xF7A;
	s5 =	simm.s32 @!p2 $0x0  }
0x1d: {  	s5 =	simm.s32 @p1 $0x1;
	p0 =	seq.s32 s7, s2  }
0x1e: {  	s7 =	smul.u32 @!p0 $0xF7A, s2;
	p2 =	seq.s32 @!p0 s5, $0x0  }
0x1f: {  	s9 =	smul.u32 $0xF7A, s1;
	s8 =	simm.s32 @!p0 $0x1BF5;
	p2 =	por !p2, p0  }
0x20: {  	[sflag:s8] =	ssyncset.s32 @!p0 $0xFFFFF086;
	s6 =	sadd.s32 @!p0 s3, s7;
	s7 =	simm.s32 @!p0 $0x108  }
0x21: {  	s3 =	sadd.s32 s3, s9;
	s6 =	sadd.s32 @!p0 $0x88, s6;
	s7 =	simm.s32 @p2 $0x1082  }
0x22: {  	[simem:s7], [sflag:s8] =	dma.local @!p0 [hbm:s6], $0xF7A  }
0x23: {  	s9 =	sor.u32 $0xD0000000, s2;
	s6 =	simm.s32 $0x108;
	_ =	swait.ge @!p0 [sflag:s8], $0x0  }
0x24: {  	s3 =	sadd.s32 $0x88, s3;
	s6 =	simm.s32 @!p1 $0x1082;
	[sflag:s4] =	ssyncset.s32 $0xFFFFF086  }
0x25: {  	[simem:s6], [sflag:s4] =	dma.local [hbm:s3], $0xF7A  }
0x26: {  	[smem:$0x3F88] =	sst s1;
	(tag) =	ssettag s2;
	_ =	strace s9  }
0x27: {  	s1 =	sld [smem:$0x3F98]  }
0x28: {  	s2 =	sld [smem:$0x3F99]  }
0x29: {  	s4 =	sld [smem:$0x3F9B]  }
0x2a: {  	p0 =	seq.s32 s5, $0x0;
	s5 =	sld [smem:$0x3F9C]  }
0x2b: {  	s6 =	sld [smem:$0x3F9D]  }
0x2c: {  	s7 =	sld [smem:$0x3F9E]  }
0x2d: {  	s3 =	simm.s32 $0x108;
	s8 =	sld [smem:$0x3F9F]  }
0x2e: {  	s3 =	simm.s32 @!p0 $0x1082;
	s9 =	sld [smem:$0x3FA0]  }
0x2f: {  	lr =	sadd.s32 s0, s3;
	s0 =	sld [smem:$0x3F97]  }
0x30: {  	s3 =	sld [smem:$0x3F9A]  }
0x31: {  	[smem:$0x3FA3] =	sst s10  }
0x32: {  	s10 =	sld [smem:$0x3FA1];
	_ =	sdelay $0x3  }
0x33: {  	p0 =	seq.s32 s10, $0x1;
	s10 =	sld [smem:$0x3FA3];
	_ =	sdelay $0x3  }
0x34: {  	[smem:$0x3FA3] =	sst s10  }
0x35: {  	s10 =	sld [smem:$0x3FA2];
	_ =	sdelay $0x3  }
0x36: {  	p1 =	seq.s32 s10, $0x1;
	s10 =	sld [smem:$0x3FA3];
	_ =	sdelay $0x3  }
0x37: {  	[smem:$0x3FA3] =	sst s10  }
0x38: {  	s10 =	sld [smem:$0x3FA4]  }
0x39: {  	_ = 	snop;
	(pc) =	sbr.ind lr, $3  }
0x3a: {  	_ = 	snop  }
0x3b: {  	_ = 	snop  }
0x3c: {  	p2 =	seq.s32 s10, $0x1;
	s10 =	sld [smem:$0x3FA3]  }
0x3d: {  	_ =	shalt  }
0x3e: {  	_ =	shalt  }
0x3f: {  	_ =	shalt  }
0x40: {  	_ =	shalt  }
0x41: {  	_ =	shalt  }
0x42: {  	_ =	shalt  }
0x43: {  	_ =	shalt  }
0x44: {  	_ =	shalt  }
0x45: {  	_ =	shalt  }
0x46: {  	_ =	shalt  }
0x47: {  	_ =	shalt  }
0x48: {  	_ =	shalt  }
0x49: {  	_ =	shalt  }
0x4a: {  	_ =	shalt  }
0x4b: {  	_ =	shalt  }
0x4c: {  	_ =	shalt  }
0x4d: {  	_ =	shalt  }
0x4e: {  	_ =	shalt  }
0x4f: {  	_ =	shalt  }
0x50: {  	_ =	shalt  }
0x51: {  	_ =	shalt  }
0x52: {  	_ =	shalt  }
0x53: {  	_ =	shalt  }
0x54: {  	_ =	shalt  }
0x55: {  	_ =	shalt  }
0x56: {  	_ =	shalt  }
0x57: {  	_ =	shalt  }
0x58: {  	_ =	shalt  }
0x59: {  	_ =	shalt  }
0x5a: {  	_ =	shalt  }
0x5b: {  	_ =	shalt  }
0x5c: {  	_ =	shalt  }
0x5d: {  	_ =	shalt  }
0x5e: {  	_ =	shalt  }
0x5f: {  	_ =	shalt  }
0x60: {  	_ =	shalt  }
0x61: {  	_ =	shalt  }
0x62: {  	_ =	shalt  }
0x63: {  	_ =	shalt  }
0x64: {  	_ =	shalt  }
0x65: {  	_ =	shalt  }
0x66: {  	_ =	shalt  }
0x67: {  	_ =	shalt  }
0x68: {  	_ =	shalt  }
0x69: {  	_ =	shalt  }
0x6a: {  	_ =	shalt  }
0x6b: {  	_ =	shalt  }
0x6c: {  	_ =	shalt  }
0x6d: {  	_ =	shalt  }
0x6e: {  	_ =	shalt  }
0x6f: {  	_ =	shalt  }
0x70: {  	_ =	shalt  }
0x71: {  	_ =	shalt  }
0x72: {  	_ =	shalt  }
0x73: {  	_ =	shalt  }
0x74: {  	_ =	shalt  }
0x75: {  	_ =	shalt  }
0x76: {  	_ =	shalt  }
0x77: {  	_ =	shalt  }
0x78: {  	_ =	shalt  }
0x79: {  	_ =	shalt  }
0x7a: {  	_ =	shalt  }
0x7b: {  	_ =	shalt  }
0x7c: {  	_ =	shalt  }
0x7d: {  	_ =	shalt  }
0x7e: {  	_ =	shalt  }
0x7f: {  	_ =	shalt  }
0x80: {  	_ =	shalt  }
0x81: {  	_ =	shalt  }
0x82: {  	_ =	shalt  }
0x83: {  	_ =	shalt  }
0x84: {  	_ =	shalt  }
0x85: {  	_ =	shalt  }
0x86: {  	_ =	shalt  }
0x87: {  	_ =	shalt  }
.Lfunc_end0:
.L_simem_size_0:
called_computation.3_lowered:
.L_overlay_start_0:
0x88: {  	s2 =	sld [smem:$0x3FD9]  }
0x89: {  	s3 =	sld [smem:$0x3FFE];
	_ =	sdelay $0x1  }
0x8a: {  	s1 =	srdreg.scid  }
0x8b: {  	s0 =	sand.u32 $0x1, s1  }
0x8c: {  	s16 =	sshll.u32 s0, $0xA;
	s2 =	sadd.s32 s3, s2  }
0x8d: {  	s2 =	sadd.s32 s2, s16  }
0x8e: {  	[smem:$0x3FAF] =	sst s2  }
0x8f: {  	_ = 	snop  }
0x90: {  	(tm) =	ssettm $0x1  }
0x91: {  	s17 =	sld [smem:$0x3FFB];
	_ =	sdelay $0x3  }
0x92: {  	_ =	strace s17  }
0x93: {  	s2 =	sld [smem:$0x3FFC];
	_ =	sdelay $0x3  }
0x94: {  	_ =	strace s2  }
0x95: {  	s2 =	sld [smem:$0x3FFD];
	_ =	sdelay $0x3  }
0x96: {  	_ =	strace s2  }
0x97: {  	_ =	strace $0x8FFFFFFF  }
0x98: {  	s18 =	sld [smem:$0x3FDB];
	_ =	sdelay $0x1  }
0x99: {  	s19 =	simm.s32 $_scs_section_size  }
0x9a: {  	s4 =	simm.s32 $_size__tile_overlayer_lowered;
	s5 =	simm.s32 $_tile_overlayer_lowered  }
0x9b: {  	s22 =	simm.s32 $0x1BFF;
	s21 =	sshll.u32 s5, $0x1;
	s2 =	sadd.s32 s19, s18  }
0x9c: {  	s6 =	simm.s32 $0x0;
	s20 =	sshll.u32 s4, $0x1;
	s4 =	sadd.s32 s21, s2  }
0x9d: {  	[timem:s6], [sflag:s22] =	dma.local [hbm:s4], s20  }
0x9e: {  	_ =	swait.ge [sflag:s22], s20  }
0x9f: {  	s3 =	ssub.s32 $0x0, s20;
	[sflag:s22] =	ssyncset.done $0x0  }
0xa0: {  	[sflag:s22] =	ssyncadd.s32 s3;
	_ =	sdelay $0x1  }
0xa1: {  	s23 =	simm.s32 $0x1B8B  }
0xa2: {  	_ =	swait.ge [sflag:s23], $0x1  }
0xa3: {  	[sflag:s23] =	ssyncset.done $0x0  }
0xa4: {  	s25 =	simm.s32 $0x1B8E;
	s24 =	sld [smem:$0x3FFE];
	[sflag:s23] =	ssyncadd.s32 $0xFFFFFFFF  }
0xa5: {  	s26 =	simm.s32 $execute0_lowered;
	[smem:$0x3FD2] =	sst s25  }
0xa6: {  	s4 =	sshll.u32 s26, $0x1;
	_ =	strace $0x8000004F;
	[dreg:$0x1] =	wrdreg $0xFFFFFFFF  }
0xa7: {  	s28 =	simm.s32 $_size_execute0_lowered;
	s2 =	sadd.s32 s2, s4;
	[dreg:$0x0] =	wrdreg $0x0  }
0xa8: {  	s4 =	sshll.u32 s28, $0x1;
	[dreg:$0x2] =	wrdreg s2  }
0xa9: {  	[dreg:$0x3] =	wrdreg s4  }
0xaa: {  	[dreg:$0x4] =	wrdreg $0xC0  }
0xab: {  	_ =	task [dreg:s6], $0x5FFFF  }
0xac: {  	[dreg:$0x1] =	wrdreg $0xFFFFFFFF  }
0xad: {  	[dreg:$0x0] =	wrdreg $0x60  }
0xae: {  	[dreg:$0x2] =	wrdreg s24  }
0xaf: {  	[dreg:$0x3] =	wrdreg $0x68000  }
0xb0: {  	[dreg:$0x4] =	wrdreg $0x9  }
0xb1: {  	_ =	task.clear_ibuf [dreg:s6], $0x5FFFF;
	_ =	strace $0x9000004F  }
0xb2: {  	s29 =	simm.s32 $0x9;
	_ =	strace $0x80000051  }
0xb3: {  	_ =	swait.ge [sflag:s29], $0x1  }
0xb4: {  	[sflag:s29] =	ssyncadd.s32 $0xFFFFFFFF  }
0xb5: {  	_ =	strace $0x90000051  }
0xb6: {  	_ =	sfence  }
0xb7: {  	s30 =	sld [smem:$0x0];
	_ =	sdelay $0x2  }
0xb8: {  	s31 =	sshll.u32 s1, $0xD;
	s1 =	sshrl.u32 s1, $0x2  }
0xb9: {  	s3 =	sand.u32 $0x4000, s31;
	s1 =	sadd.s32 s1, s30  }
0xba: {  	s0 =	sor.u32 s3, s0;
	s1 =	sshll.u32 s1, $0x11  }
0xbb: {  	s0 =	sor.u32 s1, s0  }
0xbc: {  	s0 =	sadd.s32 $0x8F2B, s0  }
0xbd: {  	[sflag:s0] =	ssyncadd.remote.s32 $0x1  }
0xbe: {  	_ =	sfence.sel $0xFFFF  }
0xbf: {  	[dreg:$0x0] =	wrdreg $0xFFFFFFFF;
	(pc) =	sbr.abs _section_cstart, $3  }
0xc0: {  	[dreg:$0x1] =	wrdreg $0xFFFFFFFF  }
0xc1: {  	_ =	task.clear_ibuf [dreg:s6], $0x2FFFF;
	_ =	strace $0x9FFFFFFF  }
0xc2: {  	(tm) =	ssettm $0x7FFFFFFF  }
0xc3: {  	_ =	shalt  }
tec
execute0_lowered:
.L_overlay_start_1:
0x0: {  	(tag) =	ssettag $0x1  }
0x1: {  	s0 =	srdreg.scid  }
0x2: {  	s6 =	rddreg [dreg:$0x0];
	s5 =	sand.u32 $0x1, s0  }
0x3: {  	s0 =	stileid.u32;
	s8 =	smul.u32 $0x27800, s5  }
0x4: {  	s2 =	rddreg [dreg:$0x1];
	s3 =	simm.s32 $0x0;
	s11 =	smul.u32 $0x278, s0  }
0x5: {  	[smem:$0x7FF] =	sst s3;
	s1 =	sshll.u32 s5, $0x4;
	s12 =	smul.u32 $0x4F000, s0  }
0x6: {  	s5 =	ssub.s32 $0x2, s5;
	s18 =	smul.u32 $0x2780, s0;
	s4 =	sor.u32 s0, s1  }
0x7: {  	s1 =	rddreg [dreg:$0x2];
	_ =	strace $0x80000050;
	s25 =	sshrl.u32 s5, $0x1  }
0x8: {  	s7 =	smul.u32 $0x500, s4;
	s4 =	sadd.s32 $0x37400, s6;
	s8 =	sadd.s32 s8, s6  }
0x9: {  	s9 =	sadd.s32 $0x258, s11;
	s10 =	ssub.s32 s5, s25;
	s28 =	sshrl.u32 s12, $0x2  }
0xa: {  	s14 =	sadd.s32 $0x78, s11;
	s15 =	sadd.s32 $0xF0, s11;
	s16 =	sadd.s32 $0x168, s11  }
0xb: {  	s17 =	sadd.s32 $0x1E0, s11;
	s26 =	sshll.u32 s9, $0x7;
	s23 =	sadd.s32 $0x90400, s8  }
0xc: {  	s24 =	sshll.u32 s9, $0x4;
	s8 =	sadd.s32 s28, s2;
	s29 =	sshll.u32 s14, $0x7  }
0xd: {  	s9 =	smax.u32 s10, $0x1;
	s30 =	sshll.u32 s15, $0x7;
	s31 =	sshll.u32 s16, $0x7  }
0xe: {  	s13 =	sshll.u32 s17, $0x7;
	s19 =	sshll.u32 s14, $0x4;
	s20 =	sshll.u32 s15, $0x4  }
0xf: {  	s21 =	sshll.u32 s16, $0x4;
	s22 =	sshll.u32 s17, $0x4;
	s14 =	simm.s32 $0x2800  }
0x10: {  	s15 =	simm.s32 $0x1;
	s16 =	simm.s32 $0x1400;
	s17 =	simm.s32 $0x7D  }
0x11: {  	s7 =	sadd.s32 s7, s6;
	s5 =	sadd.s32 s26, s2;
	s10 =	sadd.s32 s29, s2  }
0x12: {  	s11 =	sadd.s32 s30, s2;
	s12 =	sadd.s32 s31, s2;
	s13 =	sadd.s32 s13, s2  }
0x13: {  	s18 =	sadd.s32 s18, s23;
	s19 =	sadd.s32 s19, s23;
	s20 =	sadd.s32 s20, s23  }
0x14: {  	s21 =	sadd.s32 s21, s23;
	s22 =	sadd.s32 s22, s23;
	s23 =	sadd.s32 s24, s23  }
0x15: {  	v0 =	vimm.f32 $0.0e+00;
	s24 =	simm.s32 $0x0;
	s6 =	sadd.s32 $0x5F200, s7;
	s7 =	sadd.s32 $0x6200, s7  }
.LBB2_1:
0x16: {  	s25 =	sand.u32 $0xFE00, s3  }
0x17: {  	s26 =	sand.u32 $0x70, s3;
	s28 =	sshrl.u32 s25, $0x2  }
0x18: {  	s25 =	simm.s32 $0x40;
	s28 =	sor.u32 s26, s28;
	s26 =	simm.s32 $0x0  }
.LBB2_2:
0x19: {  	p0 =	sne.s32 s25, $0xF9C0  }
0x1a: {  	[tilespmem:s28+$0x2800] =	vst v0;
	s26 =	sadd.s32 $0x10, s26;
	s28 =	smov.u32 s25;
	s25 =	sadd.s32 $0x40, s25  }
.Ltmp0:
0x1b: {  	(pc) =	sbr.rel @p0 .LBB2_2-.Ltmp0, $4  }
0x1c: {  	_ = 	snop  }
0x1d: {  	s28 =	sand.u32 $0xFE00, s28  }
0x1e: {  	s29 =	sand.u32 $0x70, s26;
	s28 =	sshrl.u32 s28, $0x2  }
0x1f: {  	s28 =	sor.u32 s29, s28  }
0x20: {  	[tilespmem:s28+$0x2800] =	vst v0  }
0x21: {  	[spmem:s8] =	stream.linear.scatter [tilespmem:s14], [sflag:$0x1], $0x3C00, $0x38;
	[tilespmem:$0x1A400] =	vst v63  }
0x22: {  	_ =	swait.ge [sflag:s15], $0x3C00  }
0x23: {  	[sflag:s15] =	ssyncset.done $0x0  }
0x24: {  	[sflag:s15] =	ssyncadd.s32 $0xFFFFC400  }
0x25: {  	[spmem:s10] =	stream.linear.scatter [tilespmem:s14], [sflag:$0x1], $0x3C00, $0x38;
	[tilespmem:$0x1A400] =	vst v63  }
0x26: {  	_ =	swait.ge [sflag:s15], $0x3C00  }
0x27: {  	[sflag:s15] =	ssyncset.done $0x0  }
0x28: {  	[sflag:s15] =	ssyncadd.s32 $0xFFFFC400  }
0x29: {  	[spmem:s11] =	stream.linear.scatter [tilespmem:s14], [sflag:$0x1], $0x3C00, $0x38;
	[tilespmem:$0x1A400] =	vst v63  }
0x2a: {  	_ =	swait.ge [sflag:s15], $0x3C00  }
0x2b: {  	[sflag:s15] =	ssyncset.done $0x0  }
0x2c: {  	[sflag:s15] =	ssyncadd.s32 $0xFFFFC400  }
0x2d: {  	[spmem:s12] =	stream.linear.scatter [tilespmem:s14], [sflag:$0x1], $0x3C00, $0x38;
	[tilespmem:$0x1A400] =	vst v63  }
0x2e: {  	_ =	swait.ge [sflag:s15], $0x3C00  }
0x2f: {  	[sflag:s15] =	ssyncset.done $0x0  }
0x30: {  	[sflag:s15] =	ssyncadd.s32 $0xFFFFC400  }
0x31: {  	[spmem:s13] =	stream.linear.scatter [tilespmem:s14], [sflag:$0x1], $0x3C00, $0x38;
	[tilespmem:$0x1A400] =	vst v63  }
0x32: {  	_ =	swait.ge [sflag:s15], $0x3C00  }
0x33: {  	[sflag:s15] =	ssyncset.done $0x0  }
0x34: {  	[sflag:s15] =	ssyncadd.s32 $0xFFFFC400  }
0x35: {  	[spmem:s5] =	stream.linear.scatter [tilespmem:s14], [sflag:$0x1], $0x1000, $0x38;
	[tilespmem:$0x1A400] =	vst v63  }
0x36: {  	_ =	swait.ge [sflag:s15], $0x1000  }
0x37: {  	[sflag:s15] =	ssyncset.done $0x0  }
0x38: {  	[sflag:s15] =	ssyncadd.s32 $0xFFFFF000  }
0x39: {  	s25 =	simm.s32 $0x0;
	[bflag:$0x0] =	sbarrier.arrive $0xFFFF  }
0x3a: {  	[tilespmem:s25], [sflag:$0x1] =	stream.linear.gather [hbm4b:s6+s25], $0x1400, $0x38;
	[tilespmem:$0x1A400] =	vst v63  }
0x3b: {  	_ =	swait.ge [sflag:s15], $0x1400  }
0x3c: {  	[sflag:s15] =	ssyncset.done $0x0  }
0x3d: {  	[sflag:s15] =	ssyncadd.s32 $0xFFFFEC00  }
0x3e: {  	[tilespmem:s16], [sflag:$0x1] =	stream.linear.gather [hbm4b:s7+s25], $0x1400, $0x38;
	[tilespmem:$0x1A400] =	vst v63  }
0x3f: {  	_ =	swait.ge [sflag:s15], $0x1400  }
0x40: {  	[sflag:s15] =	ssyncset.done $0x0  }
0x41: {  	s30 =	simm.s32 $0x0;
	[sflag:s15] =	ssyncadd.s32 $0xFFFFEC00  }
0x42: {  	[tilespmem:s14], [sflag:$0x1] =	stream.indirect.gather [hbm4b:s4+s17], $0x80, s30, s17, $0xb8;
	[tilespmem:$0x1A400] =	vst v63  }
0x43: {  	_ =	swait.ge [sflag:s15], $0x3E80  }
0x44: {  	[sflag:s15] =	ssyncset.done $0x0  }
0x45: {  	s31 =	simm.s32 $0x1400;
	[sflag:s15] =	ssyncadd.s32 $0xFFFFC180  }
0x46: {  	[spmem:s2] =	stream.indirect.scatter.add.f32 [tilespmem:s14], [sflag:$0x1], $0x80, s31, s17, $0xb8;
	[tilespmem:$0x1A400] =	vst v63  }
0x47: {  	_ =	swait.ge [sflag:s15], $0x3E80  }
0x48: {  	s26 =	simm.s32 $0x400;
	s25 =	simm.s32 $0x200;
	[sflag:s15] =	ssyncset.done $0x0  }
.LBB2_4:
0x49: {  	s28 =	sshra.s32 s25, $0x2  }
0x4a: {  	[sflag:s15] =	ssyncadd.s32 $0xFFFFC180;
	s25 =	smov.u32 s26;
	s29 =	sadd.s32 $0x200, s26  }
0x4b: {  	[tilespmem:s14], [sflag:$0x1] =	stream.indirect.gather [hbm4b:s4+s17], $0x80, s28, s17, $0xb8;
	[tilespmem:$0x1A400] =	vst v63  }
0x4c: {  	p0 =	sne.s32 s26, $0x4E00;
	_ =	swait.ge [sflag:s15], $0x3E80  }
.Ltmp1:
0x4d: {  	[sflag:s15] =	ssyncset.done $0x0;
	(pc) =	sbr.rel @p0 .LBB2_4-.Ltmp1, $4  }
0x4e: {  	s26 =	sadd.s32 $0x1400, s28;
	[sflag:s15] =	ssyncadd.s32 $0xFFFFC180  }
0x4f: {  	[spmem:s2] =	stream.indirect.scatter.add.f32 [tilespmem:s14], [sflag:$0x1], $0x80, s26, s17, $0xb8;
	[tilespmem:$0x1A400] =	vst v63  }
0x50: {  	_ =	swait.ge [sflag:s15], $0x3E80  }
0x51: {  	s26 =	smov.u32 s29;
	[sflag:s15] =	ssyncset.done $0x0  }
0x52: {  	s25 =	sshra.s32 s25, $0x2;
	[sflag:s15] =	ssyncadd.s32 $0xFFFFC180  }
0x53: {  	[tilespmem:s14], [sflag:$0x1] =	stream.indirect.gather [hbm4b:s4+s17], $0x80, s25, s17, $0xb8;
	[tilespmem:$0x1A400] =	vst v63  }
0x54: {  	_ =	swait.ge [sflag:s15], $0x3E80  }
0x55: {  	[sflag:s15] =	ssyncset.done $0x0  }
0x56: {  	s25 =	sadd.s32 $0x1400, s25;
	[sflag:s15] =	ssyncadd.s32 $0xFFFFC180  }
0x57: {  	[spmem:s2] =	stream.indirect.scatter.add.f32 [tilespmem:s14], [sflag:$0x1], $0x80, s25, s17, $0xb8;
	[tilespmem:$0x1A400] =	vst v63  }
0x58: {  	_ =	swait.ge [sflag:s15], $0x3E80  }
0x59: {  	[sflag:s15] =	ssyncset.done $0x0  }
0x5a: {  	s28 =	sadd.s32 $0x280, s6;
	s26 =	simm.s32 $0x0;
	[sflag:s15] =	ssyncadd.s32 $0xFFFFC180  }
0x5b: {  	[tilespmem:s26], [sflag:$0x1] =	stream.linear.gather [hbm4b:s28+s26], $0x1400, $0x38;
	[tilespmem:$0x1A400] =	vst v63  }
0x5c: {  	_ =	swait.ge [sflag:s15], $0x1400  }
0x5d: {  	[sflag:s15] =	ssyncset.done $0x0  }
0x5e: {  	s29 =	sadd.s32 $0x280, s7;
	[sflag:s15] =	ssyncadd.s32 $0xFFFFEC00  }
0x5f: {  	[tilespmem:s16], [sflag:$0x1] =	stream.linear.gather [hbm4b:s29+s26], $0x1400, $0x38;
	[tilespmem:$0x1A400] =	vst v63  }
0x60: {  	_ =	swait.ge [sflag:s15], $0x1400  }
0x61: {  	[sflag:s15] =	ssyncset.done $0x0  }
0x62: {  	s30 =	simm.s32 $0x0;
	[sflag:s15] =	ssyncadd.s32 $0xFFFFEC00  }
0x63: {  	[tilespmem:s14], [sflag:$0x1] =	stream.indirect.gather [hbm4b:s4+s17], $0x80, s30, s17, $0xb8;
	[tilespmem:$0x1A400] =	vst v63  }
0x64: {  	_ =	swait.ge [sflag:s15], $0x3E80  }
0x65: {  	[sflag:s15] =	ssyncset.done $0x0  }
0x66: {  	s31 =	simm.s32 $0x1400;
	[sflag:s15] =	ssyncadd.s32 $0xFFFFC180  }
0x67: {  	[spmem:s2] =	stream.indirect.scatter.add.f32 [tilespmem:s14], [sflag:$0x1], $0x80, s31, s17, $0xb8;
	[tilespmem:$0x1A400] =	vst v63  }
0x68: {  	_ =	swait.ge [sflag:s15], $0x3E80  }
0x69: {  	s25 =	simm.s32 $0x200;
	s26 =	simm.s32 $0x400;
	[sflag:s15] =	ssyncset.done $0x0  }
.LBB2_6:
0x6a: {  	s28 =	sshra.s32 s25, $0x2  }
0x6b: {  	[sflag:s15] =	ssyncadd.s32 $0xFFFFC180;
	s25 =	smov.u32 s26;
	s29 =	sadd.s32 $0x200, s26  }
0x6c: {  	[tilespmem:s14], [sflag:$0x1] =	stream.indirect.gather [hbm4b:s4+s17], $0x80, s28, s17, $0xb8;
	[tilespmem:$0x1A400] =	vst v63  }
0x6d: {  	p0 =	sne.s32 s26, $0x4E00;
	_ =	swait.ge [sflag:s15], $0x3E80  }
.Ltmp2:
0x6e: {  	[sflag:s15] =	ssyncset.done $0x0;
	(pc) =	sbr.rel @p0 .LBB2_6-.Ltmp2, $4  }
0x6f: {  	s26 =	sadd.s32 $0x1400, s28;
	[sflag:s15] =	ssyncadd.s32 $0xFFFFC180  }
0x70: {  	[spmem:s2] =	stream.indirect.scatter.add.f32 [tilespmem:s14], [sflag:$0x1], $0x80, s26, s17, $0xb8;
	[tilespmem:$0x1A400] =	vst v63  }
0x71: {  	_ =	swait.ge [sflag:s15], $0x3E80  }
0x72: {  	s26 =	smov.u32 s29;
	[sflag:s15] =	ssyncset.done $0x0  }
0x73: {  	s25 =	sshra.s32 s25, $0x2;
	[sflag:s15] =	ssyncadd.s32 $0xFFFFC180  }
0x74: {  	[tilespmem:s14], [sflag:$0x1] =	stream.indirect.gather [hbm4b:s4+s17], $0x80, s25, s17, $0xb8;
	[tilespmem:$0x1A400] =	vst v63  }
0x75: {  	_ =	swait.ge [sflag:s15], $0x3E80  }
0x76: {  	[sflag:s15] =	ssyncset.done $0x0  }
0x77: {  	s25 =	sadd.s32 $0x1400, s25;
	[sflag:s15] =	ssyncadd.s32 $0xFFFFC180  }
0x78: {  	[spmem:s2] =	stream.indirect.scatter.add.f32 [tilespmem:s14], [sflag:$0x1], $0x80, s25, s17, $0xb8;
	[tilespmem:$0x1A400] =	vst v63  }
0x79: {  	_ =	swait.ge [sflag:s15], $0x3E80  }
0x7a: {  	[sflag:s15] =	ssyncset.done $0x0  }
0x7b: {  	[sflag:s15] =	ssyncadd.s32 $0xFFFFC180  }
0x7c: {  	[bflag:$0x0] =	sbarrier.arrive $0xFFFF  }
0x7d: {  	[tilespmem:s14], [sflag:$0x1] =	stream.linear.gather [spmem:s8], $0x3C00, $0x38;
	[tilespmem:$0x1A400] =	vst v63  }
0x7e: {  	_ =	swait.ge [sflag:s15], $0x3C00  }
0x7f: {  	[sflag:s15] =	ssyncset.done $0x0  }
0x80: {  	[sflag:s15] =	ssyncadd.s32 $0xFFFFC400  }
0x81: {  	[hbm4b:s18+s3] =	stream.linear.scatter [tilespmem:s14], [sflag:$0x1], $0x3C00, $0x38;
	[tilespmem:$0x1A400] =	vst v63  }
0x82: {  	_ =	swait.ge [sflag:s15], $0x3C00  }
0x83: {  	[sflag:s15] =	ssyncset.done $0x0  }
0x84: {  	[sflag:s15] =	ssyncadd.s32 $0xFFFFC400  }
0x85: {  	[tilespmem:s14], [sflag:$0x1] =	stream.linear.gather [spmem:s10], $0x3C00, $0x38;
	[tilespmem:$0x1A400] =	vst v63  }
0x86: {  	_ =	swait.ge [sflag:s15], $0x3C00  }
0x87: {  	[sflag:s15] =	ssyncset.done $0x0  }
0x88: {  	[sflag:s15] =	ssyncadd.s32 $0xFFFFC400  }
0x89: {  	[hbm4b:s19+s3] =	stream.linear.scatter [tilespmem:s14], [sflag:$0x1], $0x3C00, $0x38;
	[tilespmem:$0x1A400] =	vst v63  }
0x8a: {  	_ =	swait.ge [sflag:s15], $0x3C00  }
0x8b: {  	[sflag:s15] =	ssyncset.done $0x0  }
0x8c: {  	[sflag:s15] =	ssyncadd.s32 $0xFFFFC400  }
0x8d: {  	[tilespmem:s14], [sflag:$0x1] =	stream.linear.gather [spmem:s11], $0x3C00, $0x38;
	[tilespmem:$0x1A400] =	vst v63  }
0x8e: {  	_ =	swait.ge [sflag:s15], $0x3C00  }
0x8f: {  	[sflag:s15] =	ssyncset.done $0x0  }
0x90: {  	[sflag:s15] =	ssyncadd.s32 $0xFFFFC400  }
0x91: {  	[hbm4b:s20+s3] =	stream.linear.scatter [tilespmem:s14], [sflag:$0x1], $0x3C00, $0x38;
	[tilespmem:$0x1A400] =	vst v63  }
0x92: {  	_ =	swait.ge [sflag:s15], $0x3C00  }
0x93: {  	[sflag:s15] =	ssyncset.done $0x0  }
0x94: {  	[sflag:s15] =	ssyncadd.s32 $0xFFFFC400  }
0x95: {  	[tilespmem:s14], [sflag:$0x1] =	stream.linear.gather [spmem:s12], $0x3C00, $0x38;
	[tilespmem:$0x1A400] =	vst v63  }
0x96: {  	_ =	swait.ge [sflag:s15], $0x3C00  }
0x97: {  	[sflag:s15] =	ssyncset.done $0x0  }
0x98: {  	[sflag:s15] =	ssyncadd.s32 $0xFFFFC400  }
0x99: {  	[hbm4b:s21+s3] =	stream.linear.scatter [tilespmem:s14], [sflag:$0x1], $0x3C00, $0x38;
	[tilespmem:$0x1A400] =	vst v63  }
0x9a: {  	_ =	swait.ge [sflag:s15], $0x3C00  }
0x9b: {  	[sflag:s15] =	ssyncset.done $0x0  }
0x9c: {  	[sflag:s15] =	ssyncadd.s32 $0xFFFFC400  }
0x9d: {  	[tilespmem:s14], [sflag:$0x1] =	stream.linear.gather [spmem:s13], $0x3C00, $0x38;
	[tilespmem:$0x1A400] =	vst v63  }
0x9e: {  	_ =	swait.ge [sflag:s15], $0x3C00  }
0x9f: {  	[sflag:s15] =	ssyncset.done $0x0  }
0xa0: {  	[sflag:s15] =	ssyncadd.s32 $0xFFFFC400  }
0xa1: {  	[hbm4b:s22+s3] =	stream.linear.scatter [tilespmem:s14], [sflag:$0x1], $0x3C00, $0x38;
	[tilespmem:$0x1A400] =	vst v63  }
0xa2: {  	_ =	swait.ge [sflag:s15], $0x3C00  }
0xa3: {  	[sflag:s15] =	ssyncset.done $0x0  }
0xa4: {  	[sflag:s15] =	ssyncadd.s32 $0xFFFFC400  }
0xa5: {  	[tilespmem:s14], [sflag:$0x1] =	stream.linear.gather [spmem:s5], $0x1000, $0x38;
	[tilespmem:$0x1A400] =	vst v63  }
0xa6: {  	s24 =	sadd.s32 $0x1, s24;
	_ =	swait.ge [sflag:s15], $0x1000  }
0xa7: {  	p0 =	sne.s32 s24, s9;
	[sflag:s15] =	ssyncset.done $0x0  }
.Ltmp3:
0xa8: {  	[sflag:s15] =	ssyncadd.s32 $0xFFFFF000;
	(pc) =	sbr.rel @p0 .LBB2_1-.Ltmp3, $4  }
0xa9: {  	[hbm4b:s23+s3] =	stream.linear.scatter [tilespmem:s14], [sflag:$0x1], $0x1000, $0x38;
	[tilespmem:$0x1A400] =	vst v63  }
0xaa: {  	_ =	swait.ge [sflag:s15], $0x1000  }
0xab: {  	[sflag:s15] =	ssyncset.done $0x0  }
0xac: {  	[sflag:s15] =	ssyncadd.s32 $0xFFFFF000  }
0xad: {  	_ =	sfence.sel $0x180000  }
0xae: {  	[bflag:$0x0] =	sbarrier.arrive $0xFFFF  }
0xaf: {  	p0 =	sne.s32 s0, $0x0;
	_ =	strace $0x90000050  }
0xb0: {  	s0 =	sadd.s32 @!p0 $0x100000, s1;
	[bflag:$0x2] =	sbarrier.arrive $0xFFFF  }
0xb1: {  	[sflag:s0] =	ssyncadd.tile.s32 @!p0 $0x1;
	_ =	shalt  }
.Lfunc_end2:
_tile_overlayer_lowered:
.L_overlay_start_2:
0xb2: {  	(tag) =	ssettag $0x2  }
0xb3: {  	s0 =	rddreg [dreg:$0x0];
	s2 =	stileid.u32  }
0xb4: {  	s1 =	rddreg [dreg:$0x1];
	p0 =	sne.s32 s2, $0x0  }
0xb5: {  	s3 =	rddreg [dreg:$0x2];
	[bflag:$0x3] =	sbarrier.arrive $0xFFFF;
	s2 =	simm.s32 @!p0 $0x1C01  }
0xb6: {  	[timem:s3], [sflag:s2] =	dma.local @!p0 [hbm:s0], s1  }
0xb7: {  	s0 =	simm.s32 @!p0 $0x1  }
0xb8: {  	_ =	swait.ge @!p0 [sflag:s0], s1  }
0xb9: {  	s1 =	ssub.s32 @!p0 $0x0, s1;
	[sflag:s0] =	ssyncset.done @!p0 $0x0  }
0xba: {  	[sflag:s0] =	ssyncadd.s32 @!p0 s1  }
0xbb: {  	[bflag:$0x3] =	sbarrier.arrive $0xFFFF  }
0xbc: {  	_ =	shalt  }

</sc_bundles>
